<compile_context>
chip_gen: v7x
topology: tpu7x:2x2x1
jax: 0.10.2.dev20260603
libtpu: 0.0.44.dev20260713+nightly
codegen_flags: <defaults>
</compile_context>

<pallas_src>
import jax
import jax.numpy as jnp
from jax import lax
from jax.experimental import pallas as pl
from jax.experimental.pallas import tpu as pltpu
from jax.experimental.pallas import tpu_sc as plsc

N = 10000
E = 320000
D = 128
OUT = 64

NC = 2
NS = 16
NW = NC * NS
CH = 128
NCHUNK = 80
HCHUNK = 40
E_W = NCHUNK * CH
E_PAD = E_W * NW
NP = 10240
ROWS_T = NP // NS
PAD_DST = N

_f32 = jnp.float32


def _sc_mesh():
    return plsc.VectorSubcoreMesh(
        core_axis_name="c", subcore_axis_name="s", num_cores=NC, num_subcores=NS
    )


def _fill_buf(buf, val):
    v16 = jnp.full((16,), val, _f32)

    def _row(i, _):
        for j in range(D // 16):
            buf[i, pl.ds(j * 16, 16)] = v16
        return 0

    lax.fori_loop(0, CH, _row, 0)


def _zero_my_rows(buf0, acc_sh, s, zsem):
    for k in range(ROWS_T // CH):
        pltpu.async_copy(buf0, acc_sh.at[pl.ds(s * ROWS_T + k * CH, CH)],
                         zsem)
    for k in range(ROWS_T // CH):
        pltpu.make_async_copy(
            buf0, acc_sh.at[pl.ds(s * ROWS_T + k * CH, CH)], zsem).wait()


def _seg_body(h, srcw, dstw, acc_out, src_v, dst_v, buf0, buf1, acc_sh,
              sem0, sem1, deg_out=None):
    c = lax.axis_index("c")
    s = lax.axis_index("s")
    wid = c * NS + s

    _fill_buf(buf0, 0.0)
    _zero_my_rows(buf0, acc_sh, s, sem1)
    plsc.subcore_barrier()

    if deg_out is not None:
        _fill_buf(buf0, 1.0)
        for half in range(NCHUNK // HCHUNK):
            pltpu.sync_copy(dstw.at[wid, pl.ds(half * HCHUNK, HCHUNK)],
                            dst_v)

            def _fire(j, _):
                pltpu.async_copy(buf0, acc_sh.at[dst_v.at[j]], sem1,
                                 add=True)
                return 0

            lax.fori_loop(0, HCHUNK, _fire, 0)

            def _drain(j, _):
                pltpu.make_async_copy(buf0, acc_sh.at[dst_v.at[j]],
                                      sem1).wait()
                return 0

            lax.fori_loop(0, HCHUNK, _drain, 0)
        plsc.subcore_barrier()
        pltpu.sync_copy(acc_sh.at[pl.ds(s * ROWS_T, ROWS_T)],
                        deg_out.at[c, pl.ds(s * ROWS_T, ROWS_T)])
        _fill_buf(buf0, 0.0)
        _zero_my_rows(buf0, acc_sh, s, sem1)
        plsc.subcore_barrier()

    for half in range(NCHUNK // HCHUNK):
        pltpu.sync_copy(srcw.at[wid, pl.ds(half * HCHUNK, HCHUNK)], src_v)
        pltpu.sync_copy(dstw.at[wid, pl.ds(half * HCHUNK, HCHUNK)], dst_v)

        pltpu.async_copy(h.at[src_v.at[0]], buf0, sem0)

        def _pair(i, _):
            j0 = 2 * i
            pltpu.async_copy(h.at[src_v.at[j0 + 1]], buf1, sem1)
            pltpu.make_async_copy(h.at[src_v.at[j0]], buf0, sem0).wait()
            pltpu.sync_copy(buf0, acc_sh.at[dst_v.at[j0]], add=True)

            @pl.when(j0 + 2 < HCHUNK)
            def _():
                pltpu.async_copy(h.at[src_v.at[j0 + 2]], buf0, sem0)

            pltpu.make_async_copy(h.at[src_v.at[j0 + 1]], buf1, sem1).wait()
            pltpu.sync_copy(buf1, acc_sh.at[dst_v.at[j0 + 1]], add=True)
            return 0

        lax.fori_loop(0, HCHUNK // 2, _pair, 0)
    plsc.subcore_barrier()

    pltpu.sync_copy(acc_sh.at[pl.ds(s * ROWS_T, ROWS_T)],
                    acc_out.at[c, pl.ds(s * ROWS_T, ROWS_T)])


def _seg_kernel(h, srcw, dstw):
    f = pl.kernel(
        _seg_body,
        out_type=jax.ShapeDtypeStruct((NC, NP, D), _f32),
        mesh=_sc_mesh(),
        scratch_types=[
            pltpu.VMEM((HCHUNK, CH), jnp.int32),
            pltpu.VMEM((HCHUNK, CH), jnp.int32),
            pltpu.VMEM((CH, D), _f32),
            pltpu.VMEM((CH, D), _f32),
            pltpu.VMEM_SHARED((NP, D), _f32),
            pltpu.SemaphoreType.DMA,
            pltpu.SemaphoreType.DMA,
        ],
    )
    return f(h, srcw, dstw)


def _seg0_deg_kernel(h, srcw, dstw):
    def body(h, srcw, dstw, acc_out, deg_out, src_v, dst_v, buf0, buf1,
             acc_sh, sem0, sem1):
        _seg_body(h, srcw, dstw, acc_out, src_v, dst_v, buf0, buf1, acc_sh,
                  sem0, sem1, deg_out=deg_out)

    f = pl.kernel(
        body,
        out_type=[jax.ShapeDtypeStruct((NC, NP, D), _f32),
                  jax.ShapeDtypeStruct((NC, NP, D), _f32)],
        mesh=_sc_mesh(),
        scratch_types=[
            pltpu.VMEM((HCHUNK, CH), jnp.int32),
            pltpu.VMEM((HCHUNK, CH), jnp.int32),
            pltpu.VMEM((CH, D), _f32),
            pltpu.VMEM((CH, D), _f32),
            pltpu.VMEM_SHARED((NP, D), _f32),
            pltpu.SemaphoreType.DMA,
            pltpu.SemaphoreType.DMA,
        ],
    )
    return f(h, srcw, dstw)



R = 2000
GRID = N // R

def _row_spec(width):
    return pl.BlockSpec((R, width), lambda i: (i, 0))


def _full_spec(shape):
    nd = len(shape)
    return pl.BlockSpec(shape, lambda i: (0,) * nd)


def _dot(a, b):
    return jnp.dot(a, b, preferred_element_type=_f32)


def _agg(a0, a1, d0, d1):
    deg = jnp.maximum(d0[:, :1] + d1[:, :1], 1.0)
    return (a0 + a1) / deg


def _conv_out(x, a_r, dg_r, ws, wn, b):
    agg = _agg(a_r[0], a_r[1], dg_r[0], dg_r[1])
    return jnp.maximum(_dot(x, ws) + _dot(agg, wn) + b, 0.0)


def _acc_spec():
    return pl.BlockSpec((NC, R, D), lambda i: (0, i, 0))


def _deg_spec():
    return pl.BlockSpec((NC, R, D), lambda i: (0, i, 0))


def _tc_call(body, n_out, widths_in, widths_out):
    return pl.pallas_call(
        body,
        grid=(GRID,),
        in_specs=[w if isinstance(w, pl.BlockSpec)
                  else (_row_spec(w) if isinstance(w, int) else _full_spec(w))
                  for w in widths_in],
        out_specs=[_row_spec(w) for w in widths_out] if n_out > 1
        else _row_spec(widths_out[0]),
        out_shape=[jax.ShapeDtypeStruct((N, w), _f32) for w in widths_out]
        if n_out > 1 else jax.ShapeDtypeStruct((N, widths_out[0]), _f32),
    )


def _k1(x, ip, t00):
    def body(x_r, w1, b1, g, be, w2, b2, w0, b0, o_r):
        h = jnp.maximum(_dot(x_r[...], w1[...]) + b1[...], 0.0)
        mu = jnp.mean(h, axis=-1, keepdims=True)
        var = jnp.mean(jnp.square(h - mu), axis=-1, keepdims=True)
        hn = (h - mu) * lax.rsqrt(var + 1e-5) * g[...] + be[...]
        t0 = _dot(hn, w2[...]) + b2[...]
        o_r[...] = jnp.maximum(_dot(t0, w0[...]) + b0[...], 0.0)

    mid = ip["l1"]["W"].shape[1]
    f = _tc_call(body, 1,
                 [D, (D, mid), (1, mid), (1, mid), (1, mid), (mid, D), (1, D),
                  (D, D), (1, D)], [D])
    return f(x, ip["l1"]["W"], ip["l1"]["b"].reshape(1, -1),
             ip["g"].reshape(1, -1), ip["be"].reshape(1, -1),
             ip["l2"]["W"], ip["l2"]["b"].reshape(1, -1),
             t00["W"], t00["b"].reshape(1, -1))


def _k2(x, acc, deg, cv):
    def body(x_r, a_r, dg_r, ws, wn, b, o_r):
        o_r[...] = _conv_out(x_r[...], a_r, dg_r, ws[...], wn[...], b[...])

    f = _tc_call(body, 1, [D, _acc_spec(), _deg_spec(), (D, D), (D, D),
                           (1, D)], [D])
    return f(x, acc, deg, cv["Ws"], cv["Wn"], cv["b"].reshape(1, -1))


def _k3(bot, acc, deg, cv, br0, t01):
    def body(bot_r, a_r, dg_r, ws, wn, b, br_r, wt, bt, o_r):
        cb = _conv_out(bot_r[...], a_r, dg_r, ws[...], wn[...], b[...])
        tb = jnp.maximum(_dot(br_r[...], wt[...]) + bt[...], 0.0)
        o_r[...] = (cb + tb) * 0.5

    f = _tc_call(body, 1, [D, _acc_spec(), _deg_spec(), (D, D), (D, D),
                           (1, D), D, (D, D), (1, D)], [D])
    return f(bot, acc, deg, cv["Ws"], cv["Wn"], cv["b"].reshape(1, -1),
             br0, t01["W"], t01["b"].reshape(1, -1))


def _k4(fin, acc, deg, cv, t02, t12):
    def body(f_r, a_r, dg_r, ws, wn, b, w0, b0, w1, b1,
             bot_r, o0_r, o1_r):
        fv = f_r[...]
        bot_r[...] = _conv_out(fv, a_r, dg_r, ws[...], wn[...], b[...])
        o0_r[...] = jnp.maximum(_dot(fv, w0[...]) + b0[...], 0.0)
        o1_r[...] = jnp.maximum(_dot(fv, w1[...]) + b1[...], 0.0)

    f = _tc_call(body, 3, [D, _acc_spec(), _deg_spec(), (D, D), (D, D),
                           (1, D), (D, D), (1, D), (D, D), (1, D)], [D, D, D])
    return f(fin, acc, deg, cv["Ws"], cv["Wn"], cv["b"].reshape(1, -1),
             t02["W"], t02["b"].reshape(1, -1),
             t12["W"], t12["b"].reshape(1, -1))


def _k5(bot, br0, br1, acc, deg, cv, t03, t13):
    def body(bot_r, br0_r, br1_r, a_r, dg_r, ws, wn, b,
             w0, b0, w1, b1, o_r):
        cb = _conv_out(bot_r[...], a_r, dg_r, ws[...], wn[...], b[...])
        tb0 = jnp.maximum(_dot(br0_r[...], w0[...]) + b0[...], 0.0)
        tb1 = jnp.maximum(_dot(br1_r[...], w1[...]) + b1[...], 0.0)
        o_r[...] = (cb + tb0 + tb1) * (1.0 / 3.0)

    f = _tc_call(body, 1, [D, D, D, _acc_spec(), _deg_spec(), (D, D),
                           (D, D), (1, D), (D, D), (1, D), (D, D), (1, D)],
                 [D])
    return f(bot, br0, br1, acc, deg,
             cv["Ws"], cv["Wn"], cv["b"].reshape(1, -1),
             t03["W"], t03["b"].reshape(1, -1),
             t13["W"], t13["b"].reshape(1, -1))


def _k6(f2, acc, deg, cv, t04, t14, t24, dp):
    def body(f_r, a_r, dg_r, ws, wn, b, w0, b0, w1, b1,
             w2, b2, wd, bd, o_r):
        fv = f_r[...]
        cb = _conv_out(fv, a_r, dg_r, ws[...], wn[...], b[...])
        tb0 = jnp.maximum(_dot(fv, w0[...]) + b0[...], 0.0)
        tb1 = jnp.maximum(_dot(fv, w1[...]) + b1[...], 0.0)
        tb2 = jnp.maximum(_dot(fv, w2[...]) + b2[...], 0.0)
        merged = (cb + tb0 + tb1 + tb2) * 0.25
        o_r[...] = _dot(merged, wd[...]) + bd[...]

    f = _tc_call(body, 1, [D, _acc_spec(), _deg_spec(), (D, D), (D, D),
                           (1, D), (D, D), (1, D), (D, D), (1, D),
                           (D, D), (1, D), (D, OUT), (1, OUT)], [OUT])
    return f(f2, acc, deg, cv["Ws"], cv["Wn"], cv["b"].reshape(1, -1),
             t04["W"], t04["b"].reshape(1, -1),
             t14["W"], t14["b"].reshape(1, -1),
             t24["W"], t24["b"].reshape(1, -1),
             dp["W"], dp["b"].reshape(1, -1))


def _prep_edges(edge_index):
    src = edge_index[0]
    dst = edge_index[1]
    pad = E_PAD - E
    ar = jnp.arange(pad, dtype=jnp.int32)
    srcp = jnp.concatenate([src, ar % N])
    dstp = jnp.concatenate([dst, PAD_DST + ar % (NP - N)])
    return (srcp.reshape(NW, NCHUNK, CH), dstp.reshape(NW, NCHUNK, CH))


def kernel(x, edge_index, params):
    conv = params["conv"]
    t = params["t"]
    srcw, dstw = _prep_edges(edge_index)

    br0 = _k1(x, params["ip"], t["0_0"])
    acc, deg = _seg0_deg_kernel(x, srcw, dstw)
    bot = _k2(x, acc, deg, conv[0])

    acc = _seg_kernel(bot, srcw, dstw)
    f = _k3(bot, acc, deg, conv[1], br0, t["0_1"])

    acc = _seg_kernel(f, srcw, dstw)
    bot, br0, br1 = _k4(f, acc, deg, conv[2], t["0_2"], t["1_2"])

    acc = _seg_kernel(bot, srcw, dstw)
    f2 = _k5(bot, br0, br1, acc, deg, conv[3], t["0_3"], t["1_3"])

    acc = _seg_kernel(f2, srcw, dstw)
    return _k6(f2, acc, deg, conv[4], t["0_4"], t["1_4"], t["2_4"],
               params["dp"])

# --- scband reference (transcript-rebuilt; emitter-appended) ---
"""Pipeline reference for scband-hrnet-gcn-33784212750571 (READ-ONLY COPY).

The authoritative reference and input builder live on the scoring server;
editing this copy changes nothing except your own understanding.
"""

import jax, jax.numpy as jnp
import numpy as np

N = 10000
E = 320000
D = 128
H = 128
OUT = 64
DEPTH = 6
SPLITS = (0, 2, 4)
BOT = 3
T_DEPTHS = {0: (0, 1, 2, 3, 4), 1: (2, 3, 4), 2: (4,)}


def _lin(key, fan_in, fan_out):
    kw, kb = jax.random.split(key)
    W = jax.random.normal(kw, (fan_in, fan_out), jnp.float32) / np.sqrt(fan_in)
    b = jnp.zeros((fan_out,), jnp.float32)
    return {"W": W, "b": b}


def setup_inputs(seed: int = 0):
    key = jax.random.key(seed)
    keys = jax.random.split(key, 40)
    x = jax.random.normal(keys[0], (N, D), jnp.float32)
    edge_index = jax.random.randint(keys[1], (2, E), 0, N, dtype=jnp.int32)
    conv = []
    for i in range(DEPTH - 1):
        kw1, kw2 = jax.random.split(keys[2 + i])
        conv.append({"Ws": jax.random.normal(kw1, (H, H), jnp.float32) / np.sqrt(H),
                     "Wn": jax.random.normal(kw2, (H, H), jnp.float32) / np.sqrt(H),
                     "b": jnp.zeros((H,), jnp.float32)})
    t = {}
    ki = 10
    for br, depths in T_DEPTHS.items():
        for d in depths:
            t["%d_%d" % (br, d)] = _lin(keys[ki], H, H)
            ki += 1
    mid = (D + H) // 2
    ip = {"l1": _lin(keys[30], D, mid),
          "g": jnp.ones((mid,), jnp.float32),
          "be": jnp.zeros((mid,), jnp.float32),
          "l2": _lin(keys[31], mid, H)}
    dp = _lin(keys[32], H, OUT)
    params = {"conv": conv, "t": t, "ip": ip, "dp": dp}
    return {"x": x, "edge_index": edge_index, "params": params}


def _conv(p, x, src, dst):
    agg = jax.ops.segment_sum(x[src], dst, num_segments=N)
    deg = jax.ops.segment_sum(jnp.ones((src.shape[0], 1), x.dtype), dst, num_segments=N)
    agg = agg / jnp.maximum(deg, 1.0)
    return jax.nn.relu(x @ p["Ws"] + agg @ p["Wn"] + p["b"])


def _transform(p, x):
    return jax.nn.relu(x @ p["W"] + p["b"])


def _init_proj(p, x):
    h = jax.nn.relu(x @ p["l1"]["W"] + p["l1"]["b"])
    mu = jnp.mean(h, axis=-1, keepdims=True)
    var = jnp.var(h, axis=-1, keepdims=True)
    h = (h - mu) / jnp.sqrt(var + 1e-5) * p["g"] + p["be"]
    return h @ p["l2"]["W"] + p["l2"]["b"]


def _fuse(tensors):
    stacked = jnp.stack([tensors[k] for k in sorted(tensors)], axis=0)
    fused = jnp.mean(stacked, axis=0)
    return {k: fused for k in tensors}


def _forward(x, params, src, dst):
    tensors = {BOT: x}
    for depth in range(DEPTH - 1):
        if depth in SPLITS[1:]:
            tensors = _fuse(tensors)
        if depth in SPLITS:
            nb = tensors[BOT]
            if depth == 0:
                nb = _init_proj(params["ip"], nb)
            n = len(tensors)
            tensors[n - 1] = nb
        new_t = {}
        for bidx, t in tensors.items():
            if bidx == BOT:
                new_t[bidx] = _conv(params["conv"][depth], t, src, dst)
            else:
                new_t[bidx] = _transform(params["t"]["%d_%d" % (bidx, depth)], t)
        tensors = new_t
    merged = jnp.mean(jnp.stack([tensors[k] for k in sorted(tensors)], axis=0), axis=0)
    out = merged @ params["dp"]["W"] + params["dp"]["b"]
    return out


def reference(x, edge_index, params):
    return _forward(x, params, edge_index[0], edge_index[1])

if __name__ == "__main__":
    import jax
    _d = setup_inputs()
    print(jax.jit(kernel)(*tuple(_d.values())))

</pallas_src>

<mosaic_0001>
#map = affine_map<(d0, d1) -> (0, 0)>
#map1 = affine_map<(d0, d1) -> (0, 0, 0)>
module attributes {stable_mosaic.version = 14 : i64} {
  func.func @_seg_body(%arg0: i32, %arg1: i32, %arg2: memref<10000x128xf32, #tpu.memory_space<hbm>>, %arg3: memref<32x80x128xi32, #tpu.memory_space<hbm>>, %arg4: memref<32x80x128xi32, #tpu.memory_space<hbm>>, %arg5: memref<2x10240x128xf32, #tpu.memory_space<hbm>>, %arg6: memref<40x128xi32, #tpu.memory_space<vmem>>, %arg7: memref<40x128xi32, #tpu.memory_space<vmem>>, %arg8: memref<128x128xf32, #tpu.memory_space<vmem>>, %arg9: memref<128x128xf32, #tpu.memory_space<vmem>>, %arg10: memref<10240x128xf32, #tpu.memory_space<vmem_shared>>, %arg11: memref<!tpu.dma_semaphore, #tpu.memory_space<semaphore_mem>>, %arg12: memref<!tpu.dma_semaphore, #tpu.memory_space<semaphore_mem>>) attributes {dimension_semantics = [#tpu.dimension_semantics<core_parallel>, #tpu.dimension_semantics<subcore_parallel>], iteration_bounds = array<i64: 2, 16>, scalar_prefetch = 0 : i64, scratch_operands = 7 : i64, tpu.core_type = #tpu.core_type<sc_vector_subcore>, window_params = [{transform_indices = #map}, {transform_indices = #map1}, {transform_indices = #map1}, {transform_indices = #map1}]} {
    %mul3A = arith.constant 16 : i32
    %mul3A_0 = arith.muli %arg0, %mul3A : i32
    %add3A = arith.addi %mul3A_0, %arg1 : i32
    %broadcast_in_dim3A = arith.constant 0.000000e+00 : f32
    %broadcast_in_dim3A_1 = vector.broadcast %broadcast_in_dim3A : f32 to vector<16xf32>
    %scan3A = arith.constant 0 : i32
    %scan3A_2 = arith.constant 0 : i32
    %scan3A_3 = arith.constant 128 : i32
    %scan3A_4 = arith.addi %scan3A_2, %scan3A_3 : i32
    %scan3A_5 = arith.constant 1 : i32
    %scan3A_6 = scf.for %scan3A_119 = %scan3A_2 to %scan3A_4 step %scan3A_5 iter_args(%scan3A_120 = %scan3A) -> (i32)  : i32 {
      %swap3A = arith.index_cast %scan3A_119 : i32 to index
      %swap3A_121 = arith.constant 0 : index
      %swap3A_122 = tpu.vector_load %arg8[%swap3A, %swap3A_121] {strides = array<i32>} : memref<128x128xf32, #tpu.memory_space<vmem>>, vector<1x16xf32>,
      %swap3A_123 = vector.shape_cast %swap3A_122 : vector<1x16xf32> to vector<16xf32>
      %swap3A_124 = vector.shape_cast %broadcast_in_dim3A_1 : vector<16xf32> to vector<1x16xf32>
      tpu.vector_store %arg8[%swap3A, %swap3A_121], %swap3A_124 {strides = array<i32>} : memref<128x128xf32, #tpu.memory_space<vmem>>, vector<1x16xf32>,
      %swap3A_125 = arith.index_cast %scan3A_119 : i32 to index
      %swap3A_126 = arith.constant 16 : index
      %swap3A_127 = tpu.vector_load %arg8[%swap3A_125, %swap3A_126] {strides = array<i32>} : memref<128x128xf32, #tpu.memory_space<vmem>>, vector<1x16xf32>,
      %swap3A_128 = vector.shape_cast %swap3A_127 : vector<1x16xf32> to vector<16xf32>
      %swap3A_129 = vector.shape_cast %broadcast_in_dim3A_1 : vector<16xf32> to vector<1x16xf32>
      tpu.vector_store %arg8[%swap3A_125, %swap3A_126], %swap3A_129 {strides = array<i32>} : memref<128x128xf32, #tpu.memory_space<vmem>>, vector<1x16xf32>,
      %swap3A_130 = arith.index_cast %scan3A_119 : i32 to index
      %swap3A_131 = arith.constant 32 : index
      %swap3A_132 = tpu.vector_load %arg8[%swap3A_130, %swap3A_131] {strides = array<i32>} : memref<128x128xf32, #tpu.memory_space<vmem>>, vector<1x16xf32>,
      %swap3A_133 = vector.shape_cast %swap3A_132 : vector<1x16xf32> to vector<16xf32>
      %swap3A_134 = vector.shape_cast %broadcast_in_dim3A_1 : vector<16xf32> to vector<1x16xf32>
      tpu.vector_store %arg8[%swap3A_130, %swap3A_131], %swap3A_134 {strides = array<i32>} : memref<128x128xf32, #tpu.memory_space<vmem>>, vector<1x16xf32>,
      %swap3A_135 = arith.index_cast %scan3A_119 : i32 to index
      %swap3A_136 = arith.constant 48 : index
      %swap3A_137 = tpu.vector_load %arg8[%swap3A_135, %swap3A_136] {strides = array<i32>} : memref<128x128xf32, #tpu.memory_space<vmem>>, vector<1x16xf32>,
      %swap3A_138 = vector.shape_cast %swap3A_137 : vector<1x16xf32> to vector<16xf32>
      %swap3A_139 = vector.shape_cast %broadcast_in_dim3A_1 : vector<16xf32> to vector<1x16xf32>
      tpu.vector_store %arg8[%swap3A_135, %swap3A_136], %swap3A_139 {strides = array<i32>} : memref<128x128xf32, #tpu.memory_space<vmem>>, vector<1x16xf32>,
      %swap3A_140 = arith.index_cast %scan3A_119 : i32 to index
      %swap3A_141 = arith.constant 64 : index
      %swap3A_142 = tpu.vector_load %arg8[%swap3A_140, %swap3A_141] {strides = array<i32>} : memref<128x128xf32, #tpu.memory_space<vmem>>, vector<1x16xf32>,
      %swap3A_143 = vector.shape_cast %swap3A_142 : vector<1x16xf32> to vector<16xf32>
      %swap3A_144 = vector.shape_cast %broadcast_in_dim3A_1 : vector<16xf32> to vector<1x16xf32>
      tpu.vector_store %arg8[%swap3A_140, %swap3A_141], %swap3A_144 {strides = array<i32>} : memref<128x128xf32, #tpu.memory_space<vmem>>, vector<1x16xf32>,
      %swap3A_145 = arith.index_cast %scan3A_119 : i32 to index
      %swap3A_146 = arith.constant 80 : index
      %swap3A_147 = tpu.vector_load %arg8[%swap3A_145, %swap3A_146] {strides = array<i32>} : memref<128x128xf32, #tpu.memory_space<vmem>>, vector<1x16xf32>,
      %swap3A_148 = vector.shape_cast %swap3A_147 : vector<1x16xf32> to vector<16xf32>
      %swap3A_149 = vector.shape_cast %broadcast_in_dim3A_1 : vector<16xf32> to vector<1x16xf32>
      tpu.vector_store %arg8[%swap3A_145, %swap3A_146], %swap3A_149 {strides = array<i32>} : memref<128x128xf32, #tpu.memory_space<vmem>>, vector<1x16xf32>,
      %swap3A_150 = arith.index_cast %scan3A_119 : i32 to index
      %swap3A_151 = arith.constant 96 : index
      %swap3A_152 = tpu.vector_load %arg8[%swap3A_150, %swap3A_151] {strides = array<i32>} : memref<128x128xf32, #tpu.memory_space<vmem>>, vector<1x16xf32>,
      %swap3A_153 = vector.shape_cast %swap3A_152 : vector<1x16xf32> to vector<16xf32>
      %swap3A_154 = vector.shape_cast %broadcast_in_dim3A_1 : vector<16xf32> to vector<1x16xf32>
      tpu.vector_store %arg8[%swap3A_150, %swap3A_151], %swap3A_154 {strides = array<i32>} : memref<128x128xf32, #tpu.memory_space<vmem>>, vector<1x16xf32>,
      %swap3A_155 = arith.index_cast %scan3A_119 : i32 to index
      %swap3A_156 = arith.constant 112 : index
      %swap3A_157 = tpu.vector_load %arg8[%swap3A_155, %swap3A_156] {strides = array<i32>} : memref<128x128xf32, #tpu.memory_space<vmem>>, vector<1x16xf32>,
      %swap3A_158 = vector.shape_cast %swap3A_157 : vector<1x16xf32> to vector<16xf32>
      %swap3A_159 = vector.shape_cast %broadcast_in_dim3A_1 : vector<16xf32> to vector<1x16xf32>
      tpu.vector_store %arg8[%swap3A_155, %swap3A_156], %swap3A_159 {strides = array<i32>} : memref<128x128xf32, #tpu.memory_space<vmem>>, vector<1x16xf32>,
      %scan3A_160 = arith.constant 0 : i32
      scf.yield %scan3A_160 : i32
    }
    %scan3A_7 = arith.constant 128 : i32
    %mul3A_8 = arith.constant 640 : i32
    %mul3A_9 = arith.muli %arg1, %mul3A_8 : i32
    %add3A_10 = arith.constant 0 : i32
    %add3A_11 = arith.addi %mul3A_9, %add3A_10 : i32
    %dma_start3A = arith.constant 0 : i32
    %dma_start3A_12 = tpu.memref_slice %arg10[%add3A_11, %dma_start3A] : memref<10240x128xf32, #tpu.memory_space<vmem_shared>> -> memref<128x128xf32, #tpu.memory_space<vmem_shared>>
    %dma_start3A_13 = arith.constant 0 : i32
    %dma_start3A_14 = tpu.memref_slice %arg10[%add3A_11, %dma_start3A_13] : memref<10240x128xf32, #tpu.memory_space<vmem_shared>> -> memref<128x128xf32, #tpu.memory_space<vmem_shared>>
    tpu.enqueue_dma source(%arg8 : memref<128x128xf32, #tpu.memory_space<vmem>>) target(%dma_start3A_14 : memref<128x128xf32, #tpu.memory_space<vmem_shared>>) target_semaphore(%arg12 : memref<!tpu.dma_semaphore, #tpu.memory_space<semaphore_mem>>)
    %mul3A_15 = arith.constant 640 : i32
    %mul3A_16 = arith.muli %arg1, %mul3A_15 : i32
    %add3A_17 = arith.constant 128 : i32
    %add3A_18 = arith.addi %mul3A_16, %add3A_17 : i32
    %dma_start3A_19 = arith.constant 0 : i32
    %dma_start3A_20 = tpu.memref_slice %arg10[%add3A_18, %dma_start3A_19] : memref<10240x128xf32, #tpu.memory_space<vmem_shared>> -> memref<128x128xf32, #tpu.memory_space<vmem_shared>>
    %dma_start3A_21 = arith.constant 0 : i32
    %dma_start3A_22 = tpu.memref_slice %arg10[%add3A_18, %dma_start3A_21] : memref<10240x128xf32, #tpu.memory_space<vmem_shared>> -> memref<128x128xf32, #tpu.memory_space<vmem_shared>>
    tpu.enqueue_dma source(%arg8 : memref<128x128xf32, #tpu.memory_space<vmem>>) target(%dma_start3A_22 : memref<128x128xf32, #tpu.memory_space<vmem_shared>>) target_semaphore(%arg12 : memref<!tpu.dma_semaphore, #tpu.memory_space<semaphore_mem>>)
    %mul3A_23 = arith.constant 640 : i32
    %mul3A_24 = arith.muli %arg1, %mul3A_23 : i32
    %add3A_25 = arith.constant 256 : i32
    %add3A_26 = arith.addi %mul3A_24, %add3A_25 : i32
    %dma_start3A_27 = arith.constant 0 : i32
    %dma_start3A_28 = tpu.memref_slice %arg10[%add3A_26, %dma_start3A_27] : memref<10240x128xf32, #tpu.memory_space<vmem_shared>> -> memref<128x128xf32, #tpu.memory_space<vmem_shared>>
    %dma_start3A_29 = arith.constant 0 : i32
    %dma_start3A_30 = tpu.memref_slice %arg10[%add3A_26, %dma_start3A_29] : memref<10240x128xf32, #tpu.memory_space<vmem_shared>> -> memref<128x128xf32, #tpu.memory_space<vmem_shared>>
    tpu.enqueue_dma source(%arg8 : memref<128x128xf32, #tpu.memory_space<vmem>>) target(%dma_start3A_30 : memref<128x128xf32, #tpu.memory_space<vmem_shared>>) target_semaphore(%arg12 : memref<!tpu.dma_semaphore, #tpu.memory_space<semaphore_mem>>)
    %mul3A_31 = arith.constant 640 : i32
    %mul3A_32 = arith.muli %arg1, %mul3A_31 : i32
    %add3A_33 = arith.constant 384 : i32
    %add3A_34 = arith.addi %mul3A_32, %add3A_33 : i32
    %dma_start3A_35 = arith.constant 0 : i32
    %dma_start3A_36 = tpu.memref_slice %arg10[%add3A_34, %dma_start3A_35] : memref<10240x128xf32, #tpu.memory_space<vmem_shared>> -> memref<128x128xf32, #tpu.memory_space<vmem_shared>>
    %dma_start3A_37 = arith.constant 0 : i32
    %dma_start3A_38 = tpu.memref_slice %arg10[%add3A_34, %dma_start3A_37] : memref<10240x128xf32, #tpu.memory_space<vmem_shared>> -> memref<128x128xf32, #tpu.memory_space<vmem_shared>>
    tpu.enqueue_dma source(%arg8 : memref<128x128xf32, #tpu.memory_space<vmem>>) target(%dma_start3A_38 : memref<128x128xf32, #tpu.memory_space<vmem_shared>>) target_semaphore(%arg12 : memref<!tpu.dma_semaphore, #tpu.memory_space<semaphore_mem>>)
    %mul3A_39 = arith.constant 640 : i32
    %mul3A_40 = arith.muli %arg1, %mul3A_39 : i32
    %add3A_41 = arith.constant 512 : i32
    %add3A_42 = arith.addi %mul3A_40, %add3A_41 : i32
    %dma_start3A_43 = arith.constant 0 : i32
    %dma_start3A_44 = tpu.memref_slice %arg10[%add3A_42, %dma_start3A_43] : memref<10240x128xf32, #tpu.memory_space<vmem_shared>> -> memref<128x128xf32, #tpu.memory_space<vmem_shared>>
    %dma_start3A_45 = arith.constant 0 : i32
    %dma_start3A_46 = tpu.memref_slice %arg10[%add3A_42, %dma_start3A_45] : memref<10240x128xf32, #tpu.memory_space<vmem_shared>> -> memref<128x128xf32, #tpu.memory_space<vmem_shared>>
    tpu.enqueue_dma source(%arg8 : memref<128x128xf32, #tpu.memory_space<vmem>>) target(%dma_start3A_46 : memref<128x128xf32, #tpu.memory_space<vmem_shared>>) target_semaphore(%arg12 : memref<!tpu.dma_semaphore, #tpu.memory_space<semaphore_mem>>)
    %mul3A_47 = arith.constant 640 : i32
    %mul3A_48 = arith.muli %arg1, %mul3A_47 : i32
    %add3A_49 = arith.constant 0 : i32
    %add3A_50 = arith.addi %mul3A_48, %add3A_49 : i32
    %dma_wait3A = arith.constant 0 : i32
    %dma_wait3A_51 = tpu.memref_slice %arg10[%add3A_50, %dma_wait3A] : memref<10240x128xf32, #tpu.memory_space<vmem_shared>> -> memref<128x128xf32, #tpu.memory_space<vmem_shared>>
    %dma_wait3A_52 = arith.constant 0 : i32
    %dma_wait3A_53 = tpu.memref_slice %arg10[%add3A_50, %dma_wait3A_52] : memref<10240x128xf32, #tpu.memory_space<vmem_shared>> -> memref<128x128xf32, #tpu.memory_space<vmem_shared>>
    tpu.wait_dma2 semaphore(%arg12 : memref<!tpu.dma_semaphore, #tpu.memory_space<semaphore_mem>>) src(%arg8 : memref<128x128xf32, #tpu.memory_space<vmem>>) dst(%dma_wait3A_53 : memref<128x128xf32, #tpu.memory_space<vmem_shared>>)
    %mul3A_54 = arith.constant 640 : i32
    %mul3A_55 = arith.muli %arg1, %mul3A_54 : i32
    %add3A_56 = arith.constant 128 : i32
    %add3A_57 = arith.addi %mul3A_55, %add3A_56 : i32
    %dma_wait3A_58 = arith.constant 0 : i32
    %dma_wait3A_59 = tpu.memref_slice %arg10[%add3A_57, %dma_wait3A_58] : memref<10240x128xf32, #tpu.memory_space<vmem_shared>> -> memref<128x128xf32, #tpu.memory_space<vmem_shared>>
    %dma_wait3A_60 = arith.constant 0 : i32
    %dma_wait3A_61 = tpu.memref_slice %arg10[%add3A_57, %dma_wait3A_60] : memref<10240x128xf32, #tpu.memory_space<vmem_shared>> -> memref<128x128xf32, #tpu.memory_space<vmem_shared>>
    tpu.wait_dma2 semaphore(%arg12 : memref<!tpu.dma_semaphore, #tpu.memory_space<semaphore_mem>>) src(%arg8 : memref<128x128xf32, #tpu.memory_space<vmem>>) dst(%dma_wait3A_61 : memref<128x128xf32, #tpu.memory_space<vmem_shared>>)
    %mul3A_62 = arith.constant 640 : i32
    %mul3A_63 = arith.muli %arg1, %mul3A_62 : i32
    %add3A_64 = arith.constant 256 : i32
    %add3A_65 = arith.addi %mul3A_63, %add3A_64 : i32
    %dma_wait3A_66 = arith.constant 0 : i32
    %dma_wait3A_67 = tpu.memref_slice %arg10[%add3A_65, %dma_wait3A_66] : memref<10240x128xf32, #tpu.memory_space<vmem_shared>> -> memref<128x128xf32, #tpu.memory_space<vmem_shared>>
    %dma_wait3A_68 = arith.constant 0 : i32
    %dma_wait3A_69 = tpu.memref_slice %arg10[%add3A_65, %dma_wait3A_68] : memref<10240x128xf32, #tpu.memory_space<vmem_shared>> -> memref<128x128xf32, #tpu.memory_space<vmem_shared>>
    tpu.wait_dma2 semaphore(%arg12 : memref<!tpu.dma_semaphore, #tpu.memory_space<semaphore_mem>>) src(%arg8 : memref<128x128xf32, #tpu.memory_space<vmem>>) dst(%dma_wait3A_69 : memref<128x128xf32, #tpu.memory_space<vmem_shared>>)
    %mul3A_70 = arith.constant 640 : i32
    %mul3A_71 = arith.muli %arg1, %mul3A_70 : i32
    %add3A_72 = arith.constant 384 : i32
    %add3A_73 = arith.addi %mul3A_71, %add3A_72 : i32
    %dma_wait3A_74 = arith.constant 0 : i32
    %dma_wait3A_75 = tpu.memref_slice %arg10[%add3A_73, %dma_wait3A_74] : memref<10240x128xf32, #tpu.memory_space<vmem_shared>> -> memref<128x128xf32, #tpu.memory_space<vmem_shared>>
    %dma_wait3A_76 = arith.constant 0 : i32
    %dma_wait3A_77 = tpu.memref_slice %arg10[%add3A_73, %dma_wait3A_76] : memref<10240x128xf32, #tpu.memory_space<vmem_shared>> -> memref<128x128xf32, #tpu.memory_space<vmem_shared>>
    tpu.wait_dma2 semaphore(%arg12 : memref<!tpu.dma_semaphore, #tpu.memory_space<semaphore_mem>>) src(%arg8 : memref<128x128xf32, #tpu.memory_space<vmem>>) dst(%dma_wait3A_77 : memref<128x128xf32, #tpu.memory_space<vmem_shared>>)
    %mul3A_78 = arith.constant 640 : i32
    %mul3A_79 = arith.muli %arg1, %mul3A_78 : i32
    %add3A_80 = arith.constant 512 : i32
    %add3A_81 = arith.addi %mul3A_79, %add3A_80 : i32
    %dma_wait3A_82 = arith.constant 0 : i32
    %dma_wait3A_83 = tpu.memref_slice %arg10[%add3A_81, %dma_wait3A_82] : memref<10240x128xf32, #tpu.memory_space<vmem_shared>> -> memref<128x128xf32, #tpu.memory_space<vmem_shared>>
    %dma_wait3A_84 = arith.constant 0 : i32
    %dma_wait3A_85 = tpu.memref_slice %arg10[%add3A_81, %dma_wait3A_84] : memref<10240x128xf32, #tpu.memory_space<vmem_shared>> -> memref<128x128xf32, #tpu.memory_space<vmem_shared>>
    tpu.wait_dma2 semaphore(%arg12 : memref<!tpu.dma_semaphore, #tpu.memory_space<semaphore_mem>>) src(%arg8 : memref<128x128xf32, #tpu.memory_space<vmem>>) dst(%dma_wait3A_85 : memref<128x128xf32, #tpu.memory_space<vmem_shared>>)
    %barrier3A = arith.constant 0 : index
    tpu.barrier barrier_id(%barrier3A)
    "tpu.region"() ({
      %run_scoped3A = tpu.sem_alloc : memref<!tpu.dma_semaphore, #tpu.memory_space<semaphore_mem>>
      %dma_start3A_119 = arith.constant 0 : i32
      %dma_start3A_120 = arith.constant 0 : i32
      %dma_start3A_121 = tpu.memref_slice %arg3[%add3A, %dma_start3A_119, %dma_start3A_120] : memref<32x80x128xi32, #tpu.memory_space<hbm>> -> memref<1x40x128xi32, #tpu.memory_space<hbm>>
      %dma_start3A_122 = tpu.memref_squeeze %dma_start3A_121 : memref<1x40x128xi32, #tpu.memory_space<hbm>> -> memref<40x128xi32, #tpu.memory_space<hbm>>
      %dma_start3A_123 = arith.constant 0 : i32
      %dma_start3A_124 = arith.constant 0 : i32
      %dma_start3A_125 = tpu.memref_slice %arg3[%add3A, %dma_start3A_123, %dma_start3A_124] : memref<32x80x128xi32, #tpu.memory_space<hbm>> -> memref<1x40x128xi32, #tpu.memory_space<hbm>>
      %dma_start3A_126 = tpu.memref_squeeze %dma_start3A_125 : memref<1x40x128xi32, #tpu.memory_space<hbm>> -> memref<40x128xi32, #tpu.memory_space<hbm>>
      tpu.enqueue_dma source(%dma_start3A_126 : memref<40x128xi32, #tpu.memory_space<hbm>>) target(%arg6 : memref<40x128xi32, #tpu.memory_space<vmem>>) target_semaphore(%run_scoped3A : memref<!tpu.dma_semaphore, #tpu.memory_space<semaphore_mem>>)
      %dma_wait3A_127 = arith.constant 0 : i32
      %dma_wait3A_128 = arith.constant 0 : i32
      %dma_wait3A_129 = tpu.memref_slice %arg3[%add3A, %dma_wait3A_127, %dma_wait3A_128] : memref<32x80x128xi32, #tpu.memory_space<hbm>> -> memref<1x40x128xi32, #tpu.memory_space<hbm>>
      %dma_wait3A_130 = tpu.memref_squeeze %dma_wait3A_129 : memref<1x40x128xi32, #tpu.memory_space<hbm>> -> memref<40x128xi32, #tpu.memory_space<hbm>>
      %dma_wait3A_131 = arith.constant 0 : i32
      %dma_wait3A_132 = arith.constant 0 : i32
      %dma_wait3A_133 = tpu.memref_slice %arg3[%add3A, %dma_wait3A_131, %dma_wait3A_132] : memref<32x80x128xi32, #tpu.memory_space<hbm>> -> memref<1x40x128xi32, #tpu.memory_space<hbm>>
      %dma_wait3A_134 = tpu.memref_squeeze %dma_wait3A_133 : memref<1x40x128xi32, #tpu.memory_space<hbm>> -> memref<40x128xi32, #tpu.memory_space<hbm>>
      tpu.wait_dma2 semaphore(%run_scoped3A : memref<!tpu.dma_semaphore, #tpu.memory_space<semaphore_mem>>) src(%dma_wait3A_134 : memref<40x128xi32, #tpu.memory_space<hbm>>) dst(%arg6 : memref<40x128xi32, #tpu.memory_space<vmem>>)
      tpu.yield
    }) : () -> ()
    "tpu.region"() ({
      %run_scoped3A = tpu.sem_alloc : memref<!tpu.dma_semaphore, #tpu.memory_space<semaphore_mem>>
      %dma_start3A_119 = arith.constant 0 : i32
      %dma_start3A_120 = arith.constant 0 : i32
      %dma_start3A_121 = tpu.memref_slice %arg4[%add3A, %dma_start3A_119, %dma_start3A_120] : memref<32x80x128xi32, #tpu.memory_space<hbm>> -> memref<1x40x128xi32, #tpu.memory_space<hbm>>
      %dma_start3A_122 = tpu.memref_squeeze %dma_start3A_121 : memref<1x40x128xi32, #tpu.memory_space<hbm>> -> memref<40x128xi32, #tpu.memory_space<hbm>>
      %dma_start3A_123 = arith.constant 0 : i32
      %dma_start3A_124 = arith.constant 0 : i32
      %dma_start3A_125 = tpu.memref_slice %arg4[%add3A, %dma_start3A_123, %dma_start3A_124] : memref<32x80x128xi32, #tpu.memory_space<hbm>> -> memref<1x40x128xi32, #tpu.memory_space<hbm>>
      %dma_start3A_126 = tpu.memref_squeeze %dma_start3A_125 : memref<1x40x128xi32, #tpu.memory_space<hbm>> -> memref<40x128xi32, #tpu.memory_space<hbm>>
      tpu.enqueue_dma source(%dma_start3A_126 : memref<40x128xi32, #tpu.memory_space<hbm>>) target(%arg7 : memref<40x128xi32, #tpu.memory_space<vmem>>) target_semaphore(%run_scoped3A : memref<!tpu.dma_semaphore, #tpu.memory_space<semaphore_mem>>)
      %dma_wait3A_127 = arith.constant 0 : i32
      %dma_wait3A_128 = arith.constant 0 : i32
      %dma_wait3A_129 = tpu.memref_slice %arg4[%add3A, %dma_wait3A_127, %dma_wait3A_128] : memref<32x80x128xi32, #tpu.memory_space<hbm>> -> memref<1x40x128xi32, #tpu.memory_space<hbm>>
      %dma_wait3A_130 = tpu.memref_squeeze %dma_wait3A_129 : memref<1x40x128xi32, #tpu.memory_space<hbm>> -> memref<40x128xi32, #tpu.memory_space<hbm>>
      %dma_wait3A_131 = arith.constant 0 : i32
      %dma_wait3A_132 = arith.constant 0 : i32
      %dma_wait3A_133 = tpu.memref_slice %arg4[%add3A, %dma_wait3A_131, %dma_wait3A_132] : memref<32x80x128xi32, #tpu.memory_space<hbm>> -> memref<1x40x128xi32, #tpu.memory_space<hbm>>
      %dma_wait3A_134 = tpu.memref_squeeze %dma_wait3A_133 : memref<1x40x128xi32, #tpu.memory_space<hbm>> -> memref<40x128xi32, #tpu.memory_space<hbm>>
      tpu.wait_dma2 semaphore(%run_scoped3A : memref<!tpu.dma_semaphore, #tpu.memory_space<semaphore_mem>>) src(%dma_wait3A_134 : memref<40x128xi32, #tpu.memory_space<hbm>>) dst(%arg7 : memref<40x128xi32, #tpu.memory_space<vmem>>)
      tpu.yield
    }) : () -> ()
    %dma_start3A_86 = arith.constant 0 : i32
    %dma_start3A_87 = arith.constant 0 : i32
    %dma_start3A_88 = tpu.memref_slice %arg6[%dma_start3A_86, %dma_start3A_87] : memref<40x128xi32, #tpu.memory_space<vmem>> -> memref<1x128xi32, #tpu.memory_space<vmem>>
    %dma_start3A_89 = tpu.memref_squeeze %dma_start3A_88 : memref<1x128xi32, #tpu.memory_space<vmem>> -> memref<128xi32, #tpu.memory_space<vmem>>
    %dma_start3A_90 = arith.constant 0 : i32
    %dma_start3A_91 = arith.constant 0 : i32
    %dma_start3A_92 = tpu.memref_slice %arg2[%dma_start3A_90, %dma_start3A_91] : memref<10000x128xf32, #tpu.memory_space<hbm>> -> memref<10000x128xf32, #tpu.memory_space<hbm>>
    tpu.enqueue_indirect_dma source(%dma_start3A_92 : memref<10000x128xf32, #tpu.memory_space<hbm>>) target(%arg8 : memref<128x128xf32, #tpu.memory_space<vmem>>) offsets(%dma_start3A_89 : memref<128xi32, #tpu.memory_space<vmem>>) semaphore(%arg11 : memref<!tpu.dma_semaphore, #tpu.memory_space<semaphore_mem>>)
    %scan3A_93 = arith.constant 0 : i32
    %scan3A_94 = arith.constant 0 : i32
    %scan3A_95 = arith.constant 20 : i32
    %scan3A_96 = arith.addi %scan3A_94, %scan3A_95 : i32
    %scan3A_97 = arith.constant 1 : i32
    %scan3A_98 = scf.for %scan3A_119 = %scan3A_94 to %scan3A_96 step %scan3A_97 iter_args(%scan3A_120 = %scan3A_93) -> (i32)  : i32 {
      %mul3A_121 = arith.constant 2 : i32
      %mul3A_122 = arith.muli %mul3A_121, %scan3A_119 : i32
      %add3A_123 = arith.constant 1 : i32
      %add3A_124 = arith.addi %mul3A_122, %add3A_123 : i32
      %dma_start3A_125 = arith.constant 0 : i32
      %dma_start3A_126 = tpu.memref_slice %arg6[%add3A_124, %dma_start3A_125] : memref<40x128xi32, #tpu.memory_space<vmem>> -> memref<1x128xi32, #tpu.memory_space<vmem>>
      %dma_start3A_127 = tpu.memref_squeeze %dma_start3A_126 : memref<1x128xi32, #tpu.memory_space<vmem>> -> memref<128xi32, #tpu.memory_space<vmem>>
      %dma_start3A_128 = arith.constant 0 : i32
      %dma_start3A_129 = arith.constant 0 : i32
      %dma_start3A_130 = tpu.memref_slice %arg2[%dma_start3A_128, %dma_start3A_129] : memref<10000x128xf32, #tpu.memory_space<hbm>> -> memref<10000x128xf32, #tpu.memory_space<hbm>>
      tpu.enqueue_indirect_dma source(%dma_start3A_130 : memref<10000x128xf32, #tpu.memory_space<hbm>>) target(%arg9 : memref<128x128xf32, #tpu.memory_space<vmem>>) offsets(%dma_start3A_127 : memref<128xi32, #tpu.memory_space<vmem>>) semaphore(%arg12 : memref<!tpu.dma_semaphore, #tpu.memory_space<semaphore_mem>>)
      %dma_wait3A_131 = arith.constant 0 : i32
      %dma_wait3A_132 = tpu.memref_slice %arg6[%mul3A_122, %dma_wait3A_131] : memref<40x128xi32, #tpu.memory_space<vmem>> -> memref<1x128xi32, #tpu.memory_space<vmem>>
      %dma_wait3A_133 = tpu.memref_squeeze %dma_wait3A_132 : memref<1x128xi32, #tpu.memory_space<vmem>> -> memref<128xi32, #tpu.memory_space<vmem>>
      %dma_wait3A_134 = arith.constant 0 : i32
      %dma_wait3A_135 = arith.constant 0 : i32
      %dma_wait3A_136 = tpu.memref_slice %arg2[%dma_wait3A_134, %dma_wait3A_135] : memref<10000x128xf32, #tpu.memory_space<hbm>> -> memref<10000x128xf32, #tpu.memory_space<hbm>>
      tpu.wait_indirect_dma semaphore(%arg11 : memref<!tpu.dma_semaphore, #tpu.memory_space<semaphore_mem>>) src(%dma_wait3A_136 : memref<10000x128xf32, #tpu.memory_space<hbm>>) dst(%arg8 : memref<128x128xf32, #tpu.memory_space<vmem>>)
      "tpu.region"() ({
        %run_scoped3A = tpu.sem_alloc : memref<!tpu.dma_semaphore, #tpu.memory_space<semaphore_mem>>
        %dma_start3A_152 = arith.constant 0 : i32
        %dma_start3A_153 = tpu.memref_slice %arg7[%mul3A_122, %dma_start3A_152] : memref<40x128xi32, #tpu.memory_space<vmem>> -> memref<1x128xi32, #tpu.memory_space<vmem>>
        %dma_start3A_154 = tpu.memref_squeeze %dma_start3A_153 : memref<1x128xi32, #tpu.memory_space<vmem>> -> memref<128xi32, #tpu.memory_space<vmem>>
        %dma_start3A_155 = arith.constant 0 : i32
        %dma_start3A_156 = arith.constant 0 : i32
        %dma_start3A_157 = tpu.memref_slice %arg10[%dma_start3A_155, %dma_start3A_156] : memref<10240x128xf32, #tpu.memory_space<vmem_shared>> -> memref<10240x128xf32, #tpu.memory_space<vmem_shared>>
        tpu.enqueue_indirect_dma source(%arg8 : memref<128x128xf32, #tpu.memory_space<vmem>>) target(%dma_start3A_157 : memref<10240x128xf32, #tpu.memory_space<vmem_shared>>) offsets(%dma_start3A_154 : memref<128xi32, #tpu.memory_space<vmem>>) semaphore(%run_scoped3A : memref<!tpu.dma_semaphore, #tpu.memory_space<semaphore_mem>>) {add = true}
        %dma_wait3A_158 = arith.constant 0 : i32
        %dma_wait3A_159 = tpu.memref_slice %arg7[%mul3A_122, %dma_wait3A_158] : memref<40x128xi32, #tpu.memory_space<vmem>> -> memref<1x128xi32, #tpu.memory_space<vmem>>
        %dma_wait3A_160 = tpu.memref_squeeze %dma_wait3A_159 : memref<1x128xi32, #tpu.memory_space<vmem>> -> memref<128xi32, #tpu.memory_space<vmem>>
        %dma_wait3A_161 = arith.constant 0 : i32
        %dma_wait3A_162 = arith.constant 0 : i32
        %dma_wait3A_163 = tpu.memref_slice %arg10[%dma_wait3A_161, %dma_wait3A_162] : memref<10240x128xf32, #tpu.memory_space<vmem_shared>> -> memref<10240x128xf32, #tpu.memory_space<vmem_shared>>
        tpu.wait_indirect_dma semaphore(%run_scoped3A : memref<!tpu.dma_semaphore, #tpu.memory_space<semaphore_mem>>) src(%arg8 : memref<128x128xf32, #tpu.memory_space<vmem>>) dst(%dma_wait3A_163 : memref<10240x128xf32, #tpu.memory_space<vmem_shared>>)
        tpu.yield
      }) : () -> ()
      %add3A_137 = arith.constant 2 : i32
      %add3A_138 = arith.addi %mul3A_122, %add3A_137 : i32
      %lt3A = arith.constant 40 : i32
      %lt3A_139 = arith.cmpi slt, %add3A_138, %lt3A : i32
      %convert_element_type3A = arith.extui %lt3A_139 : i1 to i32
      %cond3A = arith.constant 0 : i32
      %cond3A_140 = arith.cmpi ne, %convert_element_type3A, %cond3A : i32
      scf.if %cond3A_140 {
        %add3A_152 = arith.constant 2 : i32
        %add3A_153 = arith.addi %mul3A_122, %add3A_152 : i32
        %dma_start3A_154 = arith.constant 0 : i32
        %dma_start3A_155 = tpu.memref_slice %arg6[%add3A_153, %dma_start3A_154] : memref<40x128xi32, #tpu.memory_space<vmem>> -> memref<1x128xi32, #tpu.memory_space<vmem>>
        %dma_start3A_156 = tpu.memref_squeeze %dma_start3A_155 : memref<1x128xi32, #tpu.memory_space<vmem>> -> memref<128xi32, #tpu.memory_space<vmem>>
        %dma_start3A_157 = arith.constant 0 : i32
        %dma_start3A_158 = arith.constant 0 : i32
        %dma_start3A_159 = tpu.memref_slice %arg2[%dma_start3A_157, %dma_start3A_158] : memref<10000x128xf32, #tpu.memory_space<hbm>> -> memref<10000x128xf32, #tpu.memory_space<hbm>>
        tpu.enqueue_indirect_dma source(%dma_start3A_159 : memref<10000x128xf32, #tpu.memory_space<hbm>>) target(%arg8 : memref<128x128xf32, #tpu.memory_space<vmem>>) offsets(%dma_start3A_156 : memref<128xi32, #tpu.memory_space<vmem>>) semaphore(%arg11 : memref<!tpu.dma_semaphore, #tpu.memory_space<semaphore_mem>>)
      } else {
      }
      %add3A_141 = arith.constant 1 : i32
      %add3A_142 = arith.addi %mul3A_122, %add3A_141 : i32
      %dma_wait3A_143 = arith.constant 0 : i32
      %dma_wait3A_144 = tpu.memref_slice %arg6[%add3A_142, %dma_wait3A_143] : memref<40x128xi32, #tpu.memory_space<vmem>> -> memref<1x128xi32, #tpu.memory_space<vmem>>
      %dma_wait3A_145 = tpu.memref_squeeze %dma_wait3A_144 : memref<1x128xi32, #tpu.memory_space<vmem>> -> memref<128xi32, #tpu.memory_space<vmem>>
      %dma_wait3A_146 = arith.constant 0 : i32
      %dma_wait3A_147 = arith.constant 0 : i32
      %dma_wait3A_148 = tpu.memref_slice %arg2[%dma_wait3A_146, %dma_wait3A_147] : memref<10000x128xf32, #tpu.memory_space<hbm>> -> memref<10000x128xf32, #tpu.memory_space<hbm>>
      tpu.wait_indirect_dma semaphore(%arg12 : memref<!tpu.dma_semaphore, #tpu.memory_space<semaphore_mem>>) src(%dma_wait3A_148 : memref<10000x128xf32, #tpu.memory_space<hbm>>) dst(%arg9 : memref<128x128xf32, #tpu.memory_space<vmem>>)
      %add3A_149 = arith.constant 1 : i32
      %add3A_150 = arith.addi %mul3A_122, %add3A_149 : i32
      "tpu.region"() ({
        %run_scoped3A = tpu.sem_alloc : memref<!tpu.dma_semaphore, #tpu.memory_space<semaphore_mem>>
        %dma_start3A_152 = arith.constant 0 : i32
        %dma_start3A_153 = tpu.memref_slice %arg7[%add3A_150, %dma_start3A_152] : memref<40x128xi32, #tpu.memory_space<vmem>> -> memref<1x128xi32, #tpu.memory_space<vmem>>
        %dma_start3A_154 = tpu.memref_squeeze %dma_start3A_153 : memref<1x128xi32, #tpu.memory_space<vmem>> -> memref<128xi32, #tpu.memory_space<vmem>>
        %dma_start3A_155 = arith.constant 0 : i32
        %dma_start3A_156 = arith.constant 0 : i32
        %dma_start3A_157 = tpu.memref_slice %arg10[%dma_start3A_155, %dma_start3A_156] : memref<10240x128xf32, #tpu.memory_space<vmem_shared>> -> memref<10240x128xf32, #tpu.memory_space<vmem_shared>>
        tpu.enqueue_indirect_dma source(%arg9 : memref<128x128xf32, #tpu.memory_space<vmem>>) target(%dma_start3A_157 : memref<10240x128xf32, #tpu.memory_space<vmem_shared>>) offsets(%dma_start3A_154 : memref<128xi32, #tpu.memory_space<vmem>>) semaphore(%run_scoped3A : memref<!tpu.dma_semaphore, #tpu.memory_space<semaphore_mem>>) {add = true}
        %dma_wait3A_158 = arith.constant 0 : i32
        %dma_wait3A_159 = tpu.memref_slice %arg7[%add3A_150, %dma_wait3A_158] : memref<40x128xi32, #tpu.memory_space<vmem>> -> memref<1x128xi32, #tpu.memory_space<vmem>>
        %dma_wait3A_160 = tpu.memref_squeeze %dma_wait3A_159 : memref<1x128xi32, #tpu.memory_space<vmem>> -> memref<128xi32, #tpu.memory_space<vmem>>
        %dma_wait3A_161 = arith.constant 0 : i32
        %dma_wait3A_162 = arith.constant 0 : i32
        %dma_wait3A_163 = tpu.memref_slice %arg10[%dma_wait3A_161, %dma_wait3A_162] : memref<10240x128xf32, #tpu.memory_space<vmem_shared>> -> memref<10240x128xf32, #tpu.memory_space<vmem_shared>>
        tpu.wait_indirect_dma semaphore(%run_scoped3A : memref<!tpu.dma_semaphore, #tpu.memory_space<semaphore_mem>>) src(%arg9 : memref<128x128xf32, #tpu.memory_space<vmem>>) dst(%dma_wait3A_163 : memref<10240x128xf32, #tpu.memory_space<vmem_shared>>)
        tpu.yield
      }) : () -> ()
      %scan3A_151 = arith.constant 0 : i32
      scf.yield %scan3A_151 : i32
    }
    %scan3A_99 = arith.constant 20 : i32
    "tpu.region"() ({
      %run_scoped3A = tpu.sem_alloc : memref<!tpu.dma_semaphore, #tpu.memory_space<semaphore_mem>>
      %dma_start3A_119 = arith.constant 40 : i32
      %dma_start3A_120 = arith.constant 0 : i32
      %dma_start3A_121 = tpu.memref_slice %arg3[%add3A, %dma_start3A_119, %dma_start3A_120] : memref<32x80x128xi32, #tpu.memory_space<hbm>> -> memref<1x40x128xi32, #tpu.memory_space<hbm>>
      %dma_start3A_122 = tpu.memref_squeeze %dma_start3A_121 : memref<1x40x128xi32, #tpu.memory_space<hbm>> -> memref<40x128xi32, #tpu.memory_space<hbm>>
      %dma_start3A_123 = arith.constant 40 : i32
      %dma_start3A_124 = arith.constant 0 : i32
      %dma_start3A_125 = tpu.memref_slice %arg3[%add3A, %dma_start3A_123, %dma_start3A_124] : memref<32x80x128xi32, #tpu.memory_space<hbm>> -> memref<1x40x128xi32, #tpu.memory_space<hbm>>
      %dma_start3A_126 = tpu.memref_squeeze %dma_start3A_125 : memref<1x40x128xi32, #tpu.memory_space<hbm>> -> memref<40x128xi32, #tpu.memory_space<hbm>>
      tpu.enqueue_dma source(%dma_start3A_126 : memref<40x128xi32, #tpu.memory_space<hbm>>) target(%arg6 : memref<40x128xi32, #tpu.memory_space<vmem>>) target_semaphore(%run_scoped3A : memref<!tpu.dma_semaphore, #tpu.memory_space<semaphore_mem>>)
      %dma_wait3A_127 = arith.constant 40 : i32
      %dma_wait3A_128 = arith.constant 0 : i32
      %dma_wait3A_129 = tpu.memref_slice %arg3[%add3A, %dma_wait3A_127, %dma_wait3A_128] : memref<32x80x128xi32, #tpu.memory_space<hbm>> -> memref<1x40x128xi32, #tpu.memory_space<hbm>>
      %dma_wait3A_130 = tpu.memref_squeeze %dma_wait3A_129 : memref<1x40x128xi32, #tpu.memory_space<hbm>> -> memref<40x128xi32, #tpu.memory_space<hbm>>
      %dma_wait3A_131 = arith.constant 40 : i32
      %dma_wait3A_132 = arith.constant 0 : i32
      %dma_wait3A_133 = tpu.memref_slice %arg3[%add3A, %dma_wait3A_131, %dma_wait3A_132] : memref<32x80x128xi32, #tpu.memory_space<hbm>> -> memref<1x40x128xi32, #tpu.memory_space<hbm>>
      %dma_wait3A_134 = tpu.memref_squeeze %dma_wait3A_133 : memref<1x40x128xi32, #tpu.memory_space<hbm>> -> memref<40x128xi32, #tpu.memory_space<hbm>>
      tpu.wait_dma2 semaphore(%run_scoped3A : memref<!tpu.dma_semaphore, #tpu.memory_space<semaphore_mem>>) src(%dma_wait3A_134 : memref<40x128xi32, #tpu.memory_space<hbm>>) dst(%arg6 : memref<40x128xi32, #tpu.memory_space<vmem>>)
      tpu.yield
    }) : () -> ()
    "tpu.region"() ({
      %run_scoped3A = tpu.sem_alloc : memref<!tpu.dma_semaphore, #tpu.memory_space<semaphore_mem>>
      %dma_start3A_119 = arith.constant 40 : i32
      %dma_start3A_120 = arith.constant 0 : i32
      %dma_start3A_121 = tpu.memref_slice %arg4[%add3A, %dma_start3A_119, %dma_start3A_120] : memref<32x80x128xi32, #tpu.memory_space<hbm>> -> memref<1x40x128xi32, #tpu.memory_space<hbm>>
      %dma_start3A_122 = tpu.memref_squeeze %dma_start3A_121 : memref<1x40x128xi32, #tpu.memory_space<hbm>> -> memref<40x128xi32, #tpu.memory_space<hbm>>
      %dma_start3A_123 = arith.constant 40 : i32
      %dma_start3A_124 = arith.constant 0 : i32
      %dma_start3A_125 = tpu.memref_slice %arg4[%add3A, %dma_start3A_123, %dma_start3A_124] : memref<32x80x128xi32, #tpu.memory_space<hbm>> -> memref<1x40x128xi32, #tpu.memory_space<hbm>>
      %dma_start3A_126 = tpu.memref_squeeze %dma_start3A_125 : memref<1x40x128xi32, #tpu.memory_space<hbm>> -> memref<40x128xi32, #tpu.memory_space<hbm>>
      tpu.enqueue_dma source(%dma_start3A_126 : memref<40x128xi32, #tpu.memory_space<hbm>>) target(%arg7 : memref<40x128xi32, #tpu.memory_space<vmem>>) target_semaphore(%run_scoped3A : memref<!tpu.dma_semaphore, #tpu.memory_space<semaphore_mem>>)
      %dma_wait3A_127 = arith.constant 40 : i32
      %dma_wait3A_128 = arith.constant 0 : i32
      %dma_wait3A_129 = tpu.memref_slice %arg4[%add3A, %dma_wait3A_127, %dma_wait3A_128] : memref<32x80x128xi32, #tpu.memory_space<hbm>> -> memref<1x40x128xi32, #tpu.memory_space<hbm>>
      %dma_wait3A_130 = tpu.memref_squeeze %dma_wait3A_129 : memref<1x40x128xi32, #tpu.memory_space<hbm>> -> memref<40x128xi32, #tpu.memory_space<hbm>>
      %dma_wait3A_131 = arith.constant 40 : i32
      %dma_wait3A_132 = arith.constant 0 : i32
      %dma_wait3A_133 = tpu.memref_slice %arg4[%add3A, %dma_wait3A_131, %dma_wait3A_132] : memref<32x80x128xi32, #tpu.memory_space<hbm>> -> memref<1x40x128xi32, #tpu.memory_space<hbm>>
      %dma_wait3A_134 = tpu.memref_squeeze %dma_wait3A_133 : memref<1x40x128xi32, #tpu.memory_space<hbm>> -> memref<40x128xi32, #tpu.memory_space<hbm>>
      tpu.wait_dma2 semaphore(%run_scoped3A : memref<!tpu.dma_semaphore, #tpu.memory_space<semaphore_mem>>) src(%dma_wait3A_134 : memref<40x128xi32, #tpu.memory_space<hbm>>) dst(%arg7 : memref<40x128xi32, #tpu.memory_space<vmem>>)
      tpu.yield
    }) : () -> ()
    %dma_start3A_100 = arith.constant 0 : i32
    %dma_start3A_101 = arith.constant 0 : i32
    %dma_start3A_102 = tpu.memref_slice %arg6[%dma_start3A_100, %dma_start3A_101] : memref<40x128xi32, #tpu.memory_space<vmem>> -> memref<1x128xi32, #tpu.memory_space<vmem>>
    %dma_start3A_103 = tpu.memref_squeeze %dma_start3A_102 : memref<1x128xi32, #tpu.memory_space<vmem>> -> memref<128xi32, #tpu.memory_space<vmem>>
    %dma_start3A_104 = arith.constant 0 : i32
    %dma_start3A_105 = arith.constant 0 : i32
    %dma_start3A_106 = tpu.memref_slice %arg2[%dma_start3A_104, %dma_start3A_105] : memref<10000x128xf32, #tpu.memory_space<hbm>> -> memref<10000x128xf32, #tpu.memory_space<hbm>>
    tpu.enqueue_indirect_dma source(%dma_start3A_106 : memref<10000x128xf32, #tpu.memory_space<hbm>>) target(%arg8 : memref<128x128xf32, #tpu.memory_space<vmem>>) offsets(%dma_start3A_103 : memref<128xi32, #tpu.memory_space<vmem>>) semaphore(%arg11 : memref<!tpu.dma_semaphore, #tpu.memory_space<semaphore_mem>>)
    %scan3A_107 = arith.constant 0 : i32
    %scan3A_108 = arith.constant 0 : i32
    %scan3A_109 = arith.constant 20 : i32
    %scan3A_110 = arith.addi %scan3A_108, %scan3A_109 : i32
    %scan3A_111 = arith.constant 1 : i32
    %scan3A_112 = scf.for %scan3A_119 = %scan3A_108 to %scan3A_110 step %scan3A_111 iter_args(%scan3A_120 = %scan3A_107) -> (i32)  : i32 {
      %mul3A_121 = arith.constant 2 : i32
      %mul3A_122 = arith.muli %mul3A_121, %scan3A_119 : i32
      %add3A_123 = arith.constant 1 : i32
      %add3A_124 = arith.addi %mul3A_122, %add3A_123 : i32
      %dma_start3A_125 = arith.constant 0 : i32
      %dma_start3A_126 = tpu.memref_slice %arg6[%add3A_124, %dma_start3A_125] : memref<40x128xi32, #tpu.memory_space<vmem>> -> memref<1x128xi32, #tpu.memory_space<vmem>>
      %dma_start3A_127 = tpu.memref_squeeze %dma_start3A_126 : memref<1x128xi32, #tpu.memory_space<vmem>> -> memref<128xi32, #tpu.memory_space<vmem>>
      %dma_start3A_128 = arith.constant 0 : i32
      %dma_start3A_129 = arith.constant 0 : i32
      %dma_start3A_130 = tpu.memref_slice %arg2[%dma_start3A_128, %dma_start3A_129] : memref<10000x128xf32, #tpu.memory_space<hbm>> -> memref<10000x128xf32, #tpu.memory_space<hbm>>
      tpu.enqueue_indirect_dma source(%dma_start3A_130 : memref<10000x128xf32, #tpu.memory_space<hbm>>) target(%arg9 : memref<128x128xf32, #tpu.memory_space<vmem>>) offsets(%dma_start3A_127 : memref<128xi32, #tpu.memory_space<vmem>>) semaphore(%arg12 : memref<!tpu.dma_semaphore, #tpu.memory_space<semaphore_mem>>)
      %dma_wait3A_131 = arith.constant 0 : i32
      %dma_wait3A_132 = tpu.memref_slice %arg6[%mul3A_122, %dma_wait3A_131] : memref<40x128xi32, #tpu.memory_space<vmem>> -> memref<1x128xi32, #tpu.memory_space<vmem>>
      %dma_wait3A_133 = tpu.memref_squeeze %dma_wait3A_132 : memref<1x128xi32, #tpu.memory_space<vmem>> -> memref<128xi32, #tpu.memory_space<vmem>>
      %dma_wait3A_134 = arith.constant 0 : i32
      %dma_wait3A_135 = arith.constant 0 : i32
      %dma_wait3A_136 = tpu.memref_slice %arg2[%dma_wait3A_134, %dma_wait3A_135] : memref<10000x128xf32, #tpu.memory_space<hbm>> -> memref<10000x128xf32, #tpu.memory_space<hbm>>
      tpu.wait_indirect_dma semaphore(%arg11 : memref<!tpu.dma_semaphore, #tpu.memory_space<semaphore_mem>>) src(%dma_wait3A_136 : memref<10000x128xf32, #tpu.memory_space<hbm>>) dst(%arg8 : memref<128x128xf32, #tpu.memory_space<vmem>>)
      "tpu.region"() ({
        %run_scoped3A = tpu.sem_alloc : memref<!tpu.dma_semaphore, #tpu.memory_space<semaphore_mem>>
        %dma_start3A_152 = arith.constant 0 : i32
        %dma_start3A_153 = tpu.memref_slice %arg7[%mul3A_122, %dma_start3A_152] : memref<40x128xi32, #tpu.memory_space<vmem>> -> memref<1x128xi32, #tpu.memory_space<vmem>>
        %dma_start3A_154 = tpu.memref_squeeze %dma_start3A_153 : memref<1x128xi32, #tpu.memory_space<vmem>> -> memref<128xi32, #tpu.memory_space<vmem>>
        %dma_start3A_155 = arith.constant 0 : i32
        %dma_start3A_156 = arith.constant 0 : i32
        %dma_start3A_157 = tpu.memref_slice %arg10[%dma_start3A_155, %dma_start3A_156] : memref<10240x128xf32, #tpu.memory_space<vmem_shared>> -> memref<10240x128xf32, #tpu.memory_space<vmem_shared>>
        tpu.enqueue_indirect_dma source(%arg8 : memref<128x128xf32, #tpu.memory_space<vmem>>) target(%dma_start3A_157 : memref<10240x128xf32, #tpu.memory_space<vmem_shared>>) offsets(%dma_start3A_154 : memref<128xi32, #tpu.memory_space<vmem>>) semaphore(%run_scoped3A : memref<!tpu.dma_semaphore, #tpu.memory_space<semaphore_mem>>) {add = true}
        %dma_wait3A_158 = arith.constant 0 : i32
        %dma_wait3A_159 = tpu.memref_slice %arg7[%mul3A_122, %dma_wait3A_158] : memref<40x128xi32, #tpu.memory_space<vmem>> -> memref<1x128xi32, #tpu.memory_space<vmem>>
        %dma_wait3A_160 = tpu.memref_squeeze %dma_wait3A_159 : memref<1x128xi32, #tpu.memory_space<vmem>> -> memref<128xi32, #tpu.memory_space<vmem>>
        %dma_wait3A_161 = arith.constant 0 : i32
        %dma_wait3A_162 = arith.constant 0 : i32
        %dma_wait3A_163 = tpu.memref_slice %arg10[%dma_wait3A_161, %dma_wait3A_162] : memref<10240x128xf32, #tpu.memory_space<vmem_shared>> -> memref<10240x128xf32, #tpu.memory_space<vmem_shared>>
        tpu.wait_indirect_dma semaphore(%run_scoped3A : memref<!tpu.dma_semaphore, #tpu.memory_space<semaphore_mem>>) src(%arg8 : memref<128x128xf32, #tpu.memory_space<vmem>>) dst(%dma_wait3A_163 : memref<10240x128xf32, #tpu.memory_space<vmem_shared>>)
        tpu.yield
      }) : () -> ()
      %add3A_137 = arith.constant 2 : i32
      %add3A_138 = arith.addi %mul3A_122, %add3A_137 : i32
      %lt3A = arith.constant 40 : i32
      %lt3A_139 = arith.cmpi slt, %add3A_138, %lt3A : i32
      %convert_element_type3A = arith.extui %lt3A_139 : i1 to i32
      %cond3A = arith.constant 0 : i32
      %cond3A_140 = arith.cmpi ne, %convert_element_type3A, %cond3A : i32
      scf.if %cond3A_140 {
        %add3A_152 = arith.constant 2 : i32
        %add3A_153 = arith.addi %mul3A_122, %add3A_152 : i32
        %dma_start3A_154 = arith.constant 0 : i32
        %dma_start3A_155 = tpu.memref_slice %arg6[%add3A_153, %dma_start3A_154] : memref<40x128xi32, #tpu.memory_space<vmem>> -> memref<1x128xi32, #tpu.memory_space<vmem>>
        %dma_start3A_156 = tpu.memref_squeeze %dma_start3A_155 : memref<1x128xi32, #tpu.memory_space<vmem>> -> memref<128xi32, #tpu.memory_space<vmem>>
        %dma_start3A_157 = arith.constant 0 : i32
        %dma_start3A_158 = arith.constant 0 : i32
        %dma_start3A_159 = tpu.memref_slice %arg2[%dma_start3A_157, %dma_start3A_158] : memref<10000x128xf32, #tpu.memory_space<hbm>> -> memref<10000x128xf32, #tpu.memory_space<hbm>>
        tpu.enqueue_indirect_dma source(%dma_start3A_159 : memref<10000x128xf32, #tpu.memory_space<hbm>>) target(%arg8 : memref<128x128xf32, #tpu.memory_space<vmem>>) offsets(%dma_start3A_156 : memref<128xi32, #tpu.memory_space<vmem>>) semaphore(%arg11 : memref<!tpu.dma_semaphore, #tpu.memory_space<semaphore_mem>>)
      } else {
      }
      %add3A_141 = arith.constant 1 : i32
      %add3A_142 = arith.addi %mul3A_122, %add3A_141 : i32
      %dma_wait3A_143 = arith.constant 0 : i32
      %dma_wait3A_144 = tpu.memref_slice %arg6[%add3A_142, %dma_wait3A_143] : memref<40x128xi32, #tpu.memory_space<vmem>> -> memref<1x128xi32, #tpu.memory_space<vmem>>
      %dma_wait3A_145 = tpu.memref_squeeze %dma_wait3A_144 : memref<1x128xi32, #tpu.memory_space<vmem>> -> memref<128xi32, #tpu.memory_space<vmem>>
      %dma_wait3A_146 = arith.constant 0 : i32
      %dma_wait3A_147 = arith.constant 0 : i32
      %dma_wait3A_148 = tpu.memref_slice %arg2[%dma_wait3A_146, %dma_wait3A_147] : memref<10000x128xf32, #tpu.memory_space<hbm>> -> memref<10000x128xf32, #tpu.memory_space<hbm>>
      tpu.wait_indirect_dma semaphore(%arg12 : memref<!tpu.dma_semaphore, #tpu.memory_space<semaphore_mem>>) src(%dma_wait3A_148 : memref<10000x128xf32, #tpu.memory_space<hbm>>) dst(%arg9 : memref<128x128xf32, #tpu.memory_space<vmem>>)
      %add3A_149 = arith.constant 1 : i32
      %add3A_150 = arith.addi %mul3A_122, %add3A_149 : i32
      "tpu.region"() ({
        %run_scoped3A = tpu.sem_alloc : memref<!tpu.dma_semaphore, #tpu.memory_space<semaphore_mem>>
        %dma_start3A_152 = arith.constant 0 : i32
        %dma_start3A_153 = tpu.memref_slice %arg7[%add3A_150, %dma_start3A_152] : memref<40x128xi32, #tpu.memory_space<vmem>> -> memref<1x128xi32, #tpu.memory_space<vmem>>
        %dma_start3A_154 = tpu.memref_squeeze %dma_start3A_153 : memref<1x128xi32, #tpu.memory_space<vmem>> -> memref<128xi32, #tpu.memory_space<vmem>>
        %dma_start3A_155 = arith.constant 0 : i32
        %dma_start3A_156 = arith.constant 0 : i32
        %dma_start3A_157 = tpu.memref_slice %arg10[%dma_start3A_155, %dma_start3A_156] : memref<10240x128xf32, #tpu.memory_space<vmem_shared>> -> memref<10240x128xf32, #tpu.memory_space<vmem_shared>>
        tpu.enqueue_indirect_dma source(%arg9 : memref<128x128xf32, #tpu.memory_space<vmem>>) target(%dma_start3A_157 : memref<10240x128xf32, #tpu.memory_space<vmem_shared>>) offsets(%dma_start3A_154 : memref<128xi32, #tpu.memory_space<vmem>>) semaphore(%run_scoped3A : memref<!tpu.dma_semaphore, #tpu.memory_space<semaphore_mem>>) {add = true}
        %dma_wait3A_158 = arith.constant 0 : i32
        %dma_wait3A_159 = tpu.memref_slice %arg7[%add3A_150, %dma_wait3A_158] : memref<40x128xi32, #tpu.memory_space<vmem>> -> memref<1x128xi32, #tpu.memory_space<vmem>>
        %dma_wait3A_160 = tpu.memref_squeeze %dma_wait3A_159 : memref<1x128xi32, #tpu.memory_space<vmem>> -> memref<128xi32, #tpu.memory_space<vmem>>
        %dma_wait3A_161 = arith.constant 0 : i32
        %dma_wait3A_162 = arith.constant 0 : i32
        %dma_wait3A_163 = tpu.memref_slice %arg10[%dma_wait3A_161, %dma_wait3A_162] : memref<10240x128xf32, #tpu.memory_space<vmem_shared>> -> memref<10240x128xf32, #tpu.memory_space<vmem_shared>>
        tpu.wait_indirect_dma semaphore(%run_scoped3A : memref<!tpu.dma_semaphore, #tpu.memory_space<semaphore_mem>>) src(%arg9 : memref<128x128xf32, #tpu.memory_space<vmem>>) dst(%dma_wait3A_163 : memref<10240x128xf32, #tpu.memory_space<vmem_shared>>)
        tpu.yield
      }) : () -> ()
      %scan3A_151 = arith.constant 0 : i32
      scf.yield %scan3A_151 : i32
    }
    %scan3A_113 = arith.constant 20 : i32
    %barrier3A_114 = arith.constant 0 : index
    tpu.barrier barrier_id(%barrier3A_114)
    %mul3A_115 = arith.constant 640 : i32
    %mul3A_116 = arith.muli %arg1, %mul3A_115 : i32
    %mul3A_117 = arith.constant 640 : i32
    %mul3A_118 = arith.muli %arg1, %mul3A_117 : i32
    "tpu.region"() ({
      %run_scoped3A = tpu.sem_alloc : memref<!tpu.dma_semaphore, #tpu.memory_space<semaphore_mem>>
      %dma_start3A_119 = arith.constant 0 : i32
      %dma_start3A_120 = tpu.memref_slice %arg5[%arg0, %mul3A_118, %dma_start3A_119] : memref<2x10240x128xf32, #tpu.memory_space<hbm>> -> memref<1x640x128xf32, #tpu.memory_space<hbm>>
      %dma_start3A_121 = tpu.memref_squeeze %dma_start3A_120 : memref<1x640x128xf32, #tpu.memory_space<hbm>> -> memref<640x128xf32, #tpu.memory_space<hbm>>
      %dma_start3A_122 = arith.constant 0 : i32
      %dma_start3A_123 = tpu.memref_slice %arg10[%mul3A_116, %dma_start3A_122] : memref<10240x128xf32, #tpu.memory_space<vmem_shared>> -> memref<640x128xf32, #tpu.memory_space<vmem_shared>>
      tpu.enqueue_dma source(%dma_start3A_123 : memref<640x128xf32, #tpu.memory_space<vmem_shared>>) target(%dma_start3A_121 : memref<640x128xf32, #tpu.memory_space<hbm>>) target_semaphore(%run_scoped3A : memref<!tpu.dma_semaphore, #tpu.memory_space<semaphore_mem>>)
      %dma_wait3A_124 = arith.constant 0 : i32
      %dma_wait3A_125 = tpu.memref_slice %arg5[%arg0, %mul3A_118, %dma_wait3A_124] : memref<2x10240x128xf32, #tpu.memory_space<hbm>> -> memref<1x640x128xf32, #tpu.memory_space<hbm>>
      %dma_wait3A_126 = tpu.memref_squeeze %dma_wait3A_125 : memref<1x640x128xf32, #tpu.memory_space<hbm>> -> memref<640x128xf32, #tpu.memory_space<hbm>>
      %dma_wait3A_127 = arith.constant 0 : i32
      %dma_wait3A_128 = tpu.memref_slice %arg10[%mul3A_116, %dma_wait3A_127] : memref<10240x128xf32, #tpu.memory_space<vmem_shared>> -> memref<640x128xf32, #tpu.memory_space<vmem_shared>>
      tpu.wait_dma2 semaphore(%run_scoped3A : memref<!tpu.dma_semaphore, #tpu.memory_space<semaphore_mem>>) src(%dma_wait3A_128 : memref<640x128xf32, #tpu.memory_space<vmem_shared>>) dst(%dma_wait3A_126 : memref<640x128xf32, #tpu.memory_space<hbm>>)
      tpu.yield
    }) : () -> ()
    return
  }
}

#map = affine_map<(d0, d1) -> (0, 0)>
#map1 = affine_map<(d0, d1) -> (0, 0, 0)>
module attributes {stable_mosaic.version = 14 : i64} {
  func.func @_seg_body(%arg0: i32, %arg1: i32, %arg2: memref<10000x128xf32, #tpu.memory_space<hbm>>, %arg3: memref<32x80x128xi32, #tpu.memory_space<hbm>>, %arg4: memref<32x80x128xi32, #tpu.memory_space<hbm>>, %arg5: memref<2x10240x128xf32, #tpu.memory_space<hbm>>, %arg6: memref<40x128xi32, #tpu.memory_space<vmem>>, %arg7: memref<40x128xi32, #tpu.memory_space<vmem>>, %arg8: memref<128x128xf32, #tpu.memory_space<vmem>>, %arg9: memref<128x128xf32, #tpu.memory_space<vmem>>, %arg10: memref<10240x128xf32, #tpu.memory_space<vmem_shared>>, %arg11: memref<!tpu.dma_semaphore, #tpu.memory_space<semaphore_mem>>, %arg12: memref<!tpu.dma_semaphore, #tpu.memory_space<semaphore_mem>>) attributes {dimension_semantics = [#tpu.dimension_semantics<core_parallel>, #tpu.dimension_semantics<subcore_parallel>], iteration_bounds = array<i64: 2, 16>, scalar_prefetch = 0 : i64, scratch_operands = 7 : i64, tpu.core_type = #tpu.core_type<sc_vector_subcore>, window_params = [{transform_indices = #map}, {transform_indices = #map1}, {transform_indices = #map1}, {transform_indices = #map1}]} {
    %mul3A = arith.constant 16 : i32
    %mul3A_0 = arith.muli %arg0, %mul3A : i32
    %add3A = arith.addi %mul3A_0, %arg1 : i32
    %broadcast_in_dim3A = arith.constant 0.000000e+00 : f32
    %broadcast_in_dim3A_1 = vector.broadcast %broadcast_in_dim3A : f32 to vector<16xf32>
    %scan3A = arith.constant 0 : i32
    %scan3A_2 = arith.constant 0 : i32
    %scan3A_3 = arith.constant 128 : i32
    %scan3A_4 = arith.addi %scan3A_2, %scan3A_3 : i32
    %scan3A_5 = arith.constant 1 : i32
    %scan3A_6 = scf.for %scan3A_119 = %scan3A_2 to %scan3A_4 step %scan3A_5 iter_args(%scan3A_120 = %scan3A) -> (i32)  : i32 {
      %swap3A = arith.index_cast %scan3A_119 : i32 to index
      %swap3A_121 = arith.constant 0 : index
      %swap3A_122 = tpu.vector_load %arg8[%swap3A, %swap3A_121] {strides = array<i32>} : memref<128x128xf32, #tpu.memory_space<vmem>>, vector<1x16xf32>,
      %swap3A_123 = vector.shape_cast %swap3A_122 : vector<1x16xf32> to vector<16xf32>
      %swap3A_124 = vector.shape_cast %broadcast_in_dim3A_1 : vector<16xf32> to vector<1x16xf32>
      tpu.vector_store %arg8[%swap3A, %swap3A_121], %swap3A_124 {strides = array<i32>} : memref<128x128xf32, #tpu.memory_space<vmem>>, vector<1x16xf32>,
      %swap3A_125 = arith.index_cast %scan3A_119 : i32 to index
      %swap3A_126 = arith.constant 16 : index
      %swap3A_127 = tpu.vector_load %arg8[%swap3A_125, %swap3A_126] {strides = array<i32>} : memref<128x128xf32, #tpu.memory_space<vmem>>, vector<1x16xf32>,
      %swap3A_128 = vector.shape_cast %swap3A_127 : vector<1x16xf32> to vector<16xf32>
      %swap3A_129 = vector.shape_cast %broadcast_in_dim3A_1 : vector<16xf32> to vector<1x16xf32>
      tpu.vector_store %arg8[%swap3A_125, %swap3A_126], %swap3A_129 {strides = array<i32>} : memref<128x128xf32, #tpu.memory_space<vmem>>, vector<1x16xf32>,
      %swap3A_130 = arith.index_cast %scan3A_119 : i32 to index
      %swap3A_131 = arith.constant 32 : index
      %swap3A_132 = tpu.vector_load %arg8[%swap3A_130, %swap3A_131] {strides = array<i32>} : memref<128x128xf32, #tpu.memory_space<vmem>>, vector<1x16xf32>,
      %swap3A_133 = vector.shape_cast %swap3A_132 : vector<1x16xf32> to vector<16xf32>
      %swap3A_134 = vector.shape_cast %broadcast_in_dim3A_1 : vector<16xf32> to vector<1x16xf32>
      tpu.vector_store %arg8[%swap3A_130, %swap3A_131], %swap3A_134 {strides = array<i32>} : memref<128x128xf32, #tpu.memory_space<vmem>>, vector<1x16xf32>,
      %swap3A_135 = arith.index_cast %scan3A_119 : i32 to index
      %swap3A_136 = arith.constant 48 : index
      %swap3A_137 = tpu.vector_load %arg8[%swap3A_135, %swap3A_136] {strides = array<i32>} : memref<128x128xf32, #tpu.memory_space<vmem>>, vector<1x16xf32>,
      %swap3A_138 = vector.shape_cast %swap3A_137 : vector<1x16xf32> to vector<16xf32>
      %swap3A_139 = vector.shape_cast %broadcast_in_dim3A_1 : vector<16xf32> to vector<1x16xf32>
      tpu.vector_store %arg8[%swap3A_135, %swap3A_136], %swap3A_139 {strides = array<i32>} : memref<128x128xf32, #tpu.memory_space<vmem>>, vector<1x16xf32>,
      %swap3A_140 = arith.index_cast %scan3A_119 : i32 to index
      %swap3A_141 = arith.constant 64 : index
      %swap3A_142 = tpu.vector_load %arg8[%swap3A_140, %swap3A_141] {strides = array<i32>} : memref<128x128xf32, #tpu.memory_space<vmem>>, vector<1x16xf32>,
      %swap3A_143 = vector.shape_cast %swap3A_142 : vector<1x16xf32> to vector<16xf32>
      %swap3A_144 = vector.shape_cast %broadcast_in_dim3A_1 : vector<16xf32> to vector<1x16xf32>
      tpu.vector_store %arg8[%swap3A_140, %swap3A_141], %swap3A_144 {strides = array<i32>} : memref<128x128xf32, #tpu.memory_space<vmem>>, vector<1x16xf32>,
      %swap3A_145 = arith.index_cast %scan3A_119 : i32 to index
      %swap3A_146 = arith.constant 80 : index
      %swap3A_147 = tpu.vector_load %arg8[%swap3A_145, %swap3A_146] {strides = array<i32>} : memref<128x128xf32, #tpu.memory_space<vmem>>, vector<1x16xf32>,
      %swap3A_148 = vector.shape_cast %swap3A_147 : vector<1x16xf32> to vector<16xf32>
      %swap3A_149 = vector.shape_cast %broadcast_in_dim3A_1 : vector<16xf32> to vector<1x16xf32>
      tpu.vector_store %arg8[%swap3A_145, %swap3A_146], %swap3A_149 {strides = array<i32>} : memref<128x128xf32, #tpu.memory_space<vmem>>, vector<1x16xf32>,
      %swap3A_150 = arith.index_cast %scan3A_119 : i32 to index
      %swap3A_151 = arith.constant 96 : index
      %swap3A_152 = tpu.vector_load %arg8[%swap3A_150, %swap3A_151] {strides = array<i32>} : memref<128x128xf32, #tpu.memory_space<vmem>>, vector<1x16xf32>,
      %swap3A_153 = vector.shape_cast %swap3A_152 : vector<1x16xf32> to vector<16xf32>
      %swap3A_154 = vector.shape_cast %broadcast_in_dim3A_1 : vector<16xf32> to vector<1x16xf32>
      tpu.vector_store %arg8[%swap3A_150, %swap3A_151], %swap3A_154 {strides = array<i32>} : memref<128x128xf32, #tpu.memory_space<vmem>>, vector<1x16xf32>,
      %swap3A_155 = arith.index_cast %scan3A_119 : i32 to index
      %swap3A_156 = arith.constant 112 : index
      %swap3A_157 = tpu.vector_load %arg8[%swap3A_155, %swap3A_156] {strides = array<i32>} : memref<128x128xf32, #tpu.memory_space<vmem>>, vector<1x16xf32>,
      %swap3A_158 = vector.shape_cast %swap3A_157 : vector<1x16xf32> to vector<16xf32>
      %swap3A_159 = vector.shape_cast %broadcast_in_dim3A_1 : vector<16xf32> to vector<1x16xf32>
      tpu.vector_store %arg8[%swap3A_155, %swap3A_156], %swap3A_159 {strides = array<i32>} : memref<128x128xf32, #tpu.memory_space<vmem>>, vector<1x16xf32>,
      %scan3A_160 = arith.constant 0 : i32
      scf.yield %scan3A_160 : i32
    }
    %scan3A_7 = arith.constant 128 : i32
    %mul3A_8 = arith.constant 640 : i32
    %mul3A_9 = arith.muli %arg1, %mul3A_8 : i32
    %add3A_10 = arith.constant 0 : i32
    %add3A_11 = arith.addi %mul3A_9, %add3A_10 : i32
    %dma_start3A = arith.constant 0 : i32
    %dma_start3A_12 = tpu.memref_slice %arg10[%add3A_11, %dma_start3A] : memref<10240x128xf32, #tpu.memory_space<vmem_shared>> -> memref<128x128xf32, #tpu.memory_space<vmem_shared>>
    %dma_start3A_13 = arith.constant 0 : i32
    %dma_start3A_14 = tpu.memref_slice %arg10[%add3A_11, %dma_start3A_13] : memref<10240x128xf32, #tpu.memory_space<vmem_shared>> -> memref<128x128xf32, #tpu.memory_space<vmem_shared>>
    tpu.enqueue_dma source(%arg8 : memref<128x128xf32, #tpu.memory_space<vmem>>) target(%dma_start3A_14 : memref<128x128xf32, #tpu.memory_space<vmem_shared>>) target_semaphore(%arg12 : memref<!tpu.dma_semaphore, #tpu.memory_space<semaphore_mem>>)
    %mul3A_15 = arith.constant 640 : i32
    %mul3A_16 = arith.muli %arg1, %mul3A_15 : i32
    %add3A_17 = arith.constant 128 : i32
    %add3A_18 = arith.addi %mul3A_16, %add3A_17 : i32
    %dma_start3A_19 = arith.constant 0 : i32
    %dma_start3A_20 = tpu.memref_slice %arg10[%add3A_18, %dma_start3A_19] : memref<10240x128xf32, #tpu.memory_space<vmem_shared>> -> memref<128x128xf32, #tpu.memory_space<vmem_shared>>
    %dma_start3A_21 = arith.constant 0 : i32
    %dma_start3A_22 = tpu.memref_slice %arg10[%add3A_18, %dma_start3A_21] : memref<10240x128xf32, #tpu.memory_space<vmem_shared>> -> memref<128x128xf32, #tpu.memory_space<vmem_shared>>
    tpu.enqueue_dma source(%arg8 : memref<128x128xf32, #tpu.memory_space<vmem>>) target(%dma_start3A_22 : memref<128x128xf32, #tpu.memory_space<vmem_shared>>) target_semaphore(%arg12 : memref<!tpu.dma_semaphore, #tpu.memory_space<semaphore_mem>>)
    %mul3A_23 = arith.constant 640 : i32
    %mul3A_24 = arith.muli %arg1, %mul3A_23 : i32
    %add3A_25 = arith.constant 256 : i32
    %add3A_26 = arith.addi %mul3A_24, %add3A_25 : i32
    %dma_start3A_27 = arith.constant 0 : i32
    %dma_start3A_28 = tpu.memref_slice %arg10[%add3A_26, %dma_start3A_27] : memref<10240x128xf32, #tpu.memory_space<vmem_shared>> -> memref<128x128xf32, #tpu.memory_space<vmem_shared>>
    %dma_start3A_29 = arith.constant 0 : i32
    %dma_start3A_30 = tpu.memref_slice %arg10[%add3A_26, %dma_start3A_29] : memref<10240x128xf32, #tpu.memory_space<vmem_shared>> -> memref<128x128xf32, #tpu.memory_space<vmem_shared>>
    tpu.enqueue_dma source(%arg8 : memref<128x128xf32, #tpu.memory_space<vmem>>) target(%dma_start3A_30 : memref<128x128xf32, #tpu.memory_space<vmem_shared>>) target_semaphore(%arg12 : memref<!tpu.dma_semaphore, #tpu.memory_space<semaphore_mem>>)
    %mul3A_31 = arith.constant 640 : i32
    %mul3A_32 = arith.muli %arg1, %mul3A_31 : i32
    %add3A_33 = arith.constant 384 : i32
    %add3A_34 = arith.addi %mul3A_32, %add3A_33 : i32
    %dma_start3A_35 = arith.constant 0 : i32
    %dma_start3A_36 = tpu.memref_slice %arg10[%add3A_34, %dma_start3A_35] : memref<10240x128xf32, #tpu.memory_space<vmem_shared>> -> memref<128x128xf32, #tpu.memory_space<vmem_shared>>
    %dma_start3A_37 = arith.constant 0 : i32
    %dma_start3A_38 = tpu.memref_slice %arg10[%add3A_34, %dma_start3A_37] : memref<10240x128xf32, #tpu.memory_space<vmem_shared>> -> memref<128x128xf32, #tpu.memory_space<vmem_shared>>
    tpu.enqueue_dma source(%arg8 : memref<128x128xf32, #tpu.memory_space<vmem>>) target(%dma_start3A_38 : memref<128x128xf32, #tpu.memory_space<vmem_shared>>) target_semaphore(%arg12 : memref<!tpu.dma_semaphore, #tpu.memory_space<semaphore_mem>>)
    %mul3A_39 = arith.constant 640 : i32
    %mul3A_40 = arith.muli %arg1, %mul3A_39 : i32
    %add3A_41 = arith.constant 512 : i32
    %add3A_42 = arith.addi %mul3A_40, %add3A_41 : i32
    %dma_start3A_43 = arith.constant 0 : i32
    %dma_start3A_44 = tpu.memref_slice %arg10[%add3A_42, %dma_start3A_43] : memref<10240x128xf32, #tpu.memory_space<vmem_shared>> -> memref<128x128xf32, #tpu.memory_space<vmem_shared>>
    %dma_start3A_45 = arith.constant 0 : i32
    %dma_start3A_46 = tpu.memref_slice %arg10[%add3A_42, %dma_start3A_45] : memref<10240x128xf32, #tpu.memory_space<vmem_shared>> -> memref<128x128xf32, #tpu.memory_space<vmem_shared>>
    tpu.enqueue_dma source(%arg8 : memref<128x128xf32, #tpu.memory_space<vmem>>) target(%dma_start3A_46 : memref<128x128xf32, #tpu.memory_space<vmem_shared>>) target_semaphore(%arg12 : memref<!tpu.dma_semaphore, #tpu.memory_space<semaphore_mem>>)
    %mul3A_47 = arith.constant 640 : i32
    %mul3A_48 = arith.muli %arg1, %mul3A_47 : i32
    %add3A_49 = arith.constant 0 : i32
    %add3A_50 = arith.addi %mul3A_48, %add3A_49 : i32
    %dma_wait3A = arith.constant 0 : i32
    %dma_wait3A_51 = tpu.memref_slice %arg10[%add3A_50, %dma_wait3A] : memref<10240x128xf32, #tpu.memory_space<vmem_shared>> -> memref<128x128xf32, #tpu.memory_space<vmem_shared>>
    %dma_wait3A_52 = arith.constant 0 : i32
    %dma_wait3A_53 = tpu.memref_slice %arg10[%add3A_50, %dma_wait3A_52] : memref<10240x128xf32, #tpu.memory_space<vmem_shared>> -> memref<128x128xf32, #tpu.memory_space<vmem_shared>>
    tpu.wait_dma2 semaphore(%arg12 : memref<!tpu.dma_semaphore, #tpu.memory_space<semaphore_mem>>) src(%arg8 : memref<128x128xf32, #tpu.memory_space<vmem>>) dst(%dma_wait3A_53 : memref<128x128xf32, #tpu.memory_space<vmem_shared>>)
    %mul3A_54 = arith.constant 640 : i32
    %mul3A_55 = arith.muli %arg1, %mul3A_54 : i32
    %add3A_56 = arith.constant 128 : i32
    %add3A_57 = arith.addi %mul3A_55, %add3A_56 : i32
    %dma_wait3A_58 = arith.constant 0 : i32
    %dma_wait3A_59 = tpu.memref_slice %arg10[%add3A_57, %dma_wait3A_58] : memref<10240x128xf32, #tpu.memory_space<vmem_shared>> -> memref<128x128xf32, #tpu.memory_space<vmem_shared>>
    %dma_wait3A_60 = arith.constant 0 : i32
    %dma_wait3A_61 = tpu.memref_slice %arg10[%add3A_57, %dma_wait3A_60] : memref<10240x128xf32, #tpu.memory_space<vmem_shared>> -> memref<128x128xf32, #tpu.memory_space<vmem_shared>>
    tpu.wait_dma2 semaphore(%arg12 : memref<!tpu.dma_semaphore, #tpu.memory_space<semaphore_mem>>) src(%arg8 : memref<128x128xf32, #tpu.memory_space<vmem>>) dst(%dma_wait3A_61 : memref<128x128xf32, #tpu.memory_space<vmem_shared>>)
    %mul3A_62 = arith.constant 640 : i32
    %mul3A_63 = arith.muli %arg1, %mul3A_62 : i32
    %add3A_64 = arith.constant 256 : i32
    %add3A_65 = arith.addi %mul3A_63, %add3A_64 : i32
    %dma_wait3A_66 = arith.constant 0 : i32
    %dma_wait3A_67 = tpu.memref_slice %arg10[%add3A_65, %dma_wait3A_66] : memref<10240x128xf32, #tpu.memory_space<vmem_shared>> -> memref<128x128xf32, #tpu.memory_space<vmem_shared>>
    %dma_wait3A_68 = arith.constant 0 : i32
    %dma_wait3A_69 = tpu.memref_slice %arg10[%add3A_65, %dma_wait3A_68] : memref<10240x128xf32, #tpu.memory_space<vmem_shared>> -> memref<128x128xf32, #tpu.memory_space<vmem_shared>>
    tpu.wait_dma2 semaphore(%arg12 : memref<!tpu.dma_semaphore, #tpu.memory_space<semaphore_mem>>) src(%arg8 : memref<128x128xf32, #tpu.memory_space<vmem>>) dst(%dma_wait3A_69 : memref<128x128xf32, #tpu.memory_space<vmem_shared>>)
    %mul3A_70 = arith.constant 640 : i32
    %mul3A_71 = arith.muli %arg1, %mul3A_70 : i32
    %add3A_72 = arith.constant 384 : i32
    %add3A_73 = arith.addi %mul3A_71, %add3A_72 : i32
    %dma_wait3A_74 = arith.constant 0 : i32
    %dma_wait3A_75 = tpu.memref_slice %arg10[%add3A_73, %dma_wait3A_74] : memref<10240x128xf32, #tpu.memory_space<vmem_shared>> -> memref<128x128xf32, #tpu.memory_space<vmem_shared>>
    %dma_wait3A_76 = arith.constant 0 : i32
    %dma_wait3A_77 = tpu.memref_slice %arg10[%add3A_73, %dma_wait3A_76] : memref<10240x128xf32, #tpu.memory_space<vmem_shared>> -> memref<128x128xf32, #tpu.memory_space<vmem_shared>>
    tpu.wait_dma2 semaphore(%arg12 : memref<!tpu.dma_semaphore, #tpu.memory_space<semaphore_mem>>) src(%arg8 : memref<128x128xf32, #tpu.memory_space<vmem>>) dst(%dma_wait3A_77 : memref<128x128xf32, #tpu.memory_space<vmem_shared>>)
    %mul3A_78 = arith.constant 640 : i32
    %mul3A_79 = arith.muli %arg1, %mul3A_78 : i32
    %add3A_80 = arith.constant 512 : i32
    %add3A_81 = arith.addi %mul3A_79, %add3A_80 : i32
    %dma_wait3A_82 = arith.constant 0 : i32
    %dma_wait3A_83 = tpu.memref_slice %arg10[%add3A_81, %dma_wait3A_82] : memref<10240x128xf32, #tpu.memory_space<vmem_shared>> -> memref<128x128xf32, #tpu.memory_space<vmem_shared>>
    %dma_wait3A_84 = arith.constant 0 : i32
    %dma_wait3A_85 = tpu.memref_slice %arg10[%add3A_81, %dma_wait3A_84] : memref<10240x128xf32, #tpu.memory_space<vmem_shared>> -> memref<128x128xf32, #tpu.memory_space<vmem_shared>>
    tpu.wait_dma2 semaphore(%arg12 : memref<!tpu.dma_semaphore, #tpu.memory_space<semaphore_mem>>) src(%arg8 : memref<128x128xf32, #tpu.memory_space<vmem>>) dst(%dma_wait3A_85 : memref<128x128xf32, #tpu.memory_space<vmem_shared>>)
    %barrier3A = arith.constant 0 : index
    tpu.barrier barrier_id(%barrier3A)
    "tpu.region"() ({
      %run_scoped3A = tpu.sem_alloc : memref<!tpu.dma_semaphore, #tpu.memory_space<semaphore_mem>>
      %dma_start3A_119 = arith.constant 0 : i32
      %dma_start3A_120 = arith.constant 0 : i32
      %dma_start3A_121 = tpu.memref_slice %arg3[%add3A, %dma_start3A_119, %dma_start3A_120] : memref<32x80x128xi32, #tpu.memory_space<hbm>> -> memref<1x40x128xi32, #tpu.memory_space<hbm>>
      %dma_start3A_122 = tpu.memref_squeeze %dma_start3A_121 : memref<1x40x128xi32, #tpu.memory_space<hbm>> -> memref<40x128xi32, #tpu.memory_space<hbm>>
      %dma_start3A_123 = arith.constant 0 : i32
      %dma_start3A_124 = arith.constant 0 : i32
      %dma_start3A_125 = tpu.memref_slice %arg3[%add3A, %dma_start3A_123, %dma_start3A_124] : memref<32x80x128xi32, #tpu.memory_space<hbm>> -> memref<1x40x128xi32, #tpu.memory_space<hbm>>
      %dma_start3A_126 = tpu.memref_squeeze %dma_start3A_125 : memref<1x40x128xi32, #tpu.memory_space<hbm>> -> memref<40x128xi32, #tpu.memory_space<hbm>>
      tpu.enqueue_dma source(%dma_start3A_126 : memref<40x128xi32, #tpu.memory_space<hbm>>) target(%arg6 : memref<40x128xi32, #tpu.memory_space<vmem>>) target_semaphore(%run_scoped3A : memref<!tpu.dma_semaphore, #tpu.memory_space<semaphore_mem>>)
      %dma_wait3A_127 = arith.constant 0 : i32
      %dma_wait3A_128 = arith.constant 0 : i32
      %dma_wait3A_129 = tpu.memref_slice %arg3[%add3A, %dma_wait3A_127, %dma_wait3A_128] : memref<32x80x128xi32, #tpu.memory_space<hbm>> -> memref<1x40x128xi32, #tpu.memory_space<hbm>>
      %dma_wait3A_130 = tpu.memref_squeeze %dma_wait3A_129 : memref<1x40x128xi32, #tpu.memory_space<hbm>> -> memref<40x128xi32, #tpu.memory_space<hbm>>
      %dma_wait3A_131 = arith.constant 0 : i32
      %dma_wait3A_132 = arith.constant 0 : i32
      %dma_wait3A_133 = tpu.memref_slice %arg3[%add3A, %dma_wait3A_131, %dma_wait3A_132] : memref<32x80x128xi32, #tpu.memory_space<hbm>> -> memref<1x40x128xi32, #tpu.memory_space<hbm>>
      %dma_wait3A_134 = tpu.memref_squeeze %dma_wait3A_133 : memref<1x40x128xi32, #tpu.memory_space<hbm>> -> memref<40x128xi32, #tpu.memory_space<hbm>>
      tpu.wait_dma2 semaphore(%run_scoped3A : memref<!tpu.dma_semaphore, #tpu.memory_space<semaphore_mem>>) src(%dma_wait3A_134 : memref<40x128xi32, #tpu.memory_space<hbm>>) dst(%arg6 : memref<40x128xi32, #tpu.memory_space<vmem>>)
      tpu.yield
    }) : () -> ()
    "tpu.region"() ({
      %run_scoped3A = tpu.sem_alloc : memref<!tpu.dma_semaphore, #tpu.memory_space<semaphore_mem>>
      %dma_start3A_119 = arith.constant 0 : i32
      %dma_start3A_120 = arith.constant 0 : i32
      %dma_start3A_121 = tpu.memref_slice %arg4[%add3A, %dma_start3A_119, %dma_start3A_120] : memref<32x80x128xi32, #tpu.memory_space<hbm>> -> memref<1x40x128xi32, #tpu.memory_space<hbm>>
      %dma_start3A_122 = tpu.memref_squeeze %dma_start3A_121 : memref<1x40x128xi32, #tpu.memory_space<hbm>> -> memref<40x128xi32, #tpu.memory_space<hbm>>
      %dma_start3A_123 = arith.constant 0 : i32
      %dma_start3A_124 = arith.constant 0 : i32
      %dma_start3A_125 = tpu.memref_slice %arg4[%add3A, %dma_start3A_123, %dma_start3A_124] : memref<32x80x128xi32, #tpu.memory_space<hbm>> -> memref<1x40x128xi32, #tpu.memory_space<hbm>>
      %dma_start3A_126 = tpu.memref_squeeze %dma_start3A_125 : memref<1x40x128xi32, #tpu.memory_space<hbm>> -> memref<40x128xi32, #tpu.memory_space<hbm>>
      tpu.enqueue_dma source(%dma_start3A_126 : memref<40x128xi32, #tpu.memory_space<hbm>>) target(%arg7 : memref<40x128xi32, #tpu.memory_space<vmem>>) target_semaphore(%run_scoped3A : memref<!tpu.dma_semaphore, #tpu.memory_space<semaphore_mem>>)
      %dma_wait3A_127 = arith.constant 0 : i32
      %dma_wait3A_128 = arith.constant 0 : i32
      %dma_wait3A_129 = tpu.memref_slice %arg4[%add3A, %dma_wait3A_127, %dma_wait3A_128] : memref<32x80x128xi32, #tpu.memory_space<hbm>> -> memref<1x40x128xi32, #tpu.memory_space<hbm>>
      %dma_wait3A_130 = tpu.memref_squeeze %dma_wait3A_129 : memref<1x40x128xi32, #tpu.memory_space<hbm>> -> memref<40x128xi32, #tpu.memory_space<hbm>>
      %dma_wait3A_131 = arith.constant 0 : i32
      %dma_wait3A_132 = arith.constant 0 : i32
      %dma_wait3A_133 = tpu.memref_slice %arg4[%add3A, %dma_wait3A_131, %dma_wait3A_132] : memref<32x80x128xi32, #tpu.memory_space<hbm>> -> memref<1x40x128xi32, #tpu.memory_space<hbm>>
      %dma_wait3A_134 = tpu.memref_squeeze %dma_wait3A_133 : memref<1x40x128xi32, #tpu.memory_space<hbm>> -> memref<40x128xi32, #tpu.memory_space<hbm>>
      tpu.wait_dma2 semaphore(%run_scoped3A : memref<!tpu.dma_semaphore, #tpu.memory_space<semaphore_mem>>) src(%dma_wait3A_134 : memref<40x128xi32, #tpu.memory_space<hbm>>) dst(%arg7 : memref<40x128xi32, #tpu.memory_space<vmem>>)
      tpu.yield
    }) : () -> ()
    %dma_start3A_86 = arith.constant 0 : i32
    %dma_start3A_87 = arith.constant 0 : i32
    %dma_start3A_88 = tpu.memref_slice %arg6[%dma_start3A_86, %dma_start3A_87] : memref<40x128xi32, #tpu.memory_space<vmem>> -> memref<1x128xi32, #tpu.memory_space<vmem>>
    %dma_start3A_89 = tpu.memref_squeeze %dma_start3A_88 : memref<1x128xi32, #tpu.memory_space<vmem>> -> memref<128xi32, #tpu.memory_space<vmem>>
    %dma_start3A_90 = arith.constant 0 : i32
    %dma_start3A_91 = arith.constant 0 : i32
    %dma_start3A_92 = tpu.memref_slice %arg2[%dma_start3A_90, %dma_start3A_91] : memref<10000x128xf32, #tpu.memory_space<hbm>> -> memref<10000x128xf32, #tpu.memory_space<hbm>>
    tpu.enqueue_indirect_dma source(%dma_start3A_92 : memref<10000x128xf32, #tpu.memory_space<hbm>>) target(%arg8 : memref<128x128xf32, #tpu.memory_space<vmem>>) offsets(%dma_start3A_89 : memref<128xi32, #tpu.memory_space<vmem>>) semaphore(%arg11 : memref<!tpu.dma_semaphore, #tpu.memory_space<semaphore_mem>>)
    %scan3A_93 = arith.constant 0 : i32
    %scan3A_94 = arith.constant 0 : i32
    %scan3A_95 = arith.constant 20 : i32
    %scan3A_96 = arith.addi %scan3A_94, %scan3A_95 : i32
    %scan3A_97 = arith.constant 1 : i32
    %scan3A_98 = scf.for %scan3A_119 = %scan3A_94 to %scan3A_96 step %scan3A_97 iter_args(%scan3A_120 = %scan3A_93) -> (i32)  : i32 {
      %mul3A_121 = arith.constant 2 : i32
      %mul3A_122 = arith.muli %mul3A_121, %scan3A_119 : i32
      %add3A_123 = arith.constant 1 : i32
      %add3A_124 = arith.addi %mul3A_122, %add3A_123 : i32
      %dma_start3A_125 = arith.constant 0 : i32
      %dma_start3A_126 = tpu.memref_slice %arg6[%add3A_124, %dma_start3A_125] : memref<40x128xi32, #tpu.memory_space<vmem>> -> memref<1x128xi32, #tpu.memory_space<vmem>>
      %dma_start3A_127 = tpu.memref_squeeze %dma_start3A_126 : memref<1x128xi32, #tpu.memory_space<vmem>> -> memref<128xi32, #tpu.memory_space<vmem>>
      %dma_start3A_128 = arith.constant 0 : i32
      %dma_start3A_129 = arith.constant 0 : i32
      %dma_start3A_130 = tpu.memref_slice %arg2[%dma_start3A_128, %dma_start3A_129] : memref<10000x128xf32, #tpu.memory_space<hbm>> -> memref<10000x128xf32, #tpu.memory_space<hbm>>
      tpu.enqueue_indirect_dma source(%dma_start3A_130 : memref<10000x128xf32, #tpu.memory_space<hbm>>) target(%arg9 : memref<128x128xf32, #tpu.memory_space<vmem>>) offsets(%dma_start3A_127 : memref<128xi32, #tpu.memory_space<vmem>>) semaphore(%arg12 : memref<!tpu.dma_semaphore, #tpu.memory_space<semaphore_mem>>)
      %dma_wait3A_131 = arith.constant 0 : i32
      %dma_wait3A_132 = tpu.memref_slice %arg6[%mul3A_122, %dma_wait3A_131] : memref<40x128xi32, #tpu.memory_space<vmem>> -> memref<1x128xi32, #tpu.memory_space<vmem>>
      %dma_wait3A_133 = tpu.memref_squeeze %dma_wait3A_132 : memref<1x128xi32, #tpu.memory_space<vmem>> -> memref<128xi32, #tpu.memory_space<vmem>>
      %dma_wait3A_134 = arith.constant 0 : i32
      %dma_wait3A_135 = arith.constant 0 : i32
      %dma_wait3A_136 = tpu.memref_slice %arg2[%dma_wait3A_134, %dma_wait3A_135] : memref<10000x128xf32, #tpu.memory_space<hbm>> -> memref<10000x128xf32, #tpu.memory_space<hbm>>
      tpu.wait_indirect_dma semaphore(%arg11 : memref<!tpu.dma_semaphore, #tpu.memory_space<semaphore_mem>>) src(%dma_wait3A_136 : memref<10000x128xf32, #tpu.memory_space<hbm>>) dst(%arg8 : memref<128x128xf32, #tpu.memory_space<vmem>>)
      "tpu.region"() ({
        %run_scoped3A = tpu.sem_alloc : memref<!tpu.dma_semaphore, #tpu.memory_space<semaphore_mem>>
        %dma_start3A_152 = arith.constant 0 : i32
        %dma_start3A_153 = tpu.memref_slice %arg7[%mul3A_122, %dma_start3A_152] : memref<40x128xi32, #tpu.memory_space<vmem>> -> memref<1x128xi32, #tpu.memory_space<vmem>>
        %dma_start3A_154 = tpu.memref_squeeze %dma_start3A_153 : memref<1x128xi32, #tpu.memory_space<vmem>> -> memref<128xi32, #tpu.memory_space<vmem>>
        %dma_start3A_155 = arith.constant 0 : i32
        %dma_start3A_156 = arith.constant 0 : i32
        %dma_start3A_157 = tpu.memref_slice %arg10[%dma_start3A_155, %dma_start3A_156] : memref<10240x128xf32, #tpu.memory_space<vmem_shared>> -> memref<10240x128xf32, #tpu.memory_space<vmem_shared>>
        tpu.enqueue_indirect_dma source(%arg8 : memref<128x128xf32, #tpu.memory_space<vmem>>) target(%dma_start3A_157 : memref<10240x128xf32, #tpu.memory_space<vmem_shared>>) offsets(%dma_start3A_154 : memref<128xi32, #tpu.memory_space<vmem>>) semaphore(%run_scoped3A : memref<!tpu.dma_semaphore, #tpu.memory_space<semaphore_mem>>) {add = true}
        %dma_wait3A_158 = arith.constant 0 : i32
        %dma_wait3A_159 = tpu.memref_slice %arg7[%mul3A_122, %dma_wait3A_158] : memref<40x128xi32, #tpu.memory_space<vmem>> -> memref<1x128xi32, #tpu.memory_space<vmem>>
        %dma_wait3A_160 = tpu.memref_squeeze %dma_wait3A_159 : memref<1x128xi32, #tpu.memory_space<vmem>> -> memref<128xi32, #tpu.memory_space<vmem>>
        %dma_wait3A_161 = arith.constant 0 : i32
        %dma_wait3A_162 = arith.constant 0 : i32
        %dma_wait3A_163 = tpu.memref_slice %arg10[%dma_wait3A_161, %dma_wait3A_162] : memref<10240x128xf32, #tpu.memory_space<vmem_shared>> -> memref<10240x128xf32, #tpu.memory_space<vmem_shared>>
        tpu.wait_indirect_dma semaphore(%run_scoped3A : memref<!tpu.dma_semaphore, #tpu.memory_space<semaphore_mem>>) src(%arg8 : memref<128x128xf32, #tpu.memory_space<vmem>>) dst(%dma_wait3A_163 : memref<10240x128xf32, #tpu.memory_space<vmem_shared>>)
        tpu.yield
      }) : () -> ()
      %add3A_137 = arith.constant 2 : i32
      %add3A_138 = arith.addi %mul3A_122, %add3A_137 : i32
      %lt3A = arith.constant 40 : i32
      %lt3A_139 = arith.cmpi slt, %add3A_138, %lt3A : i32
      %convert_element_type3A = arith.extui %lt3A_139 : i1 to i32
      %cond3A = arith.constant 0 : i32
      %cond3A_140 = arith.cmpi ne, %convert_element_type3A, %cond3A : i32
      scf.if %cond3A_140 {
        %add3A_152 = arith.constant 2 : i32
        %add3A_153 = arith.addi %mul3A_122, %add3A_152 : i32
        %dma_start3A_154 = arith.constant 0 : i32
        %dma_start3A_155 = tpu.memref_slice %arg6[%add3A_153, %dma_start3A_154] : memref<40x128xi32, #tpu.memory_space<vmem>> -> memref<1x128xi32, #tpu.memory_space<vmem>>
        %dma_start3A_156 = tpu.memref_squeeze %dma_start3A_155 : memref<1x128xi32, #tpu.memory_space<vmem>> -> memref<128xi32, #tpu.memory_space<vmem>>
        %dma_start3A_157 = arith.constant 0 : i32
        %dma_start3A_158 = arith.constant 0 : i32
        %dma_start3A_159 = tpu.memref_slice %arg2[%dma_start3A_157, %dma_start3A_158] : memref<10000x128xf32, #tpu.memory_space<hbm>> -> memref<10000x128xf32, #tpu.memory_space<hbm>>
        tpu.enqueue_indirect_dma source(%dma_start3A_159 : memref<10000x128xf32, #tpu.memory_space<hbm>>) target(%arg8 : memref<128x128xf32, #tpu.memory_space<vmem>>) offsets(%dma_start3A_156 : memref<128xi32, #tpu.memory_space<vmem>>) semaphore(%arg11 : memref<!tpu.dma_semaphore, #tpu.memory_space<semaphore_mem>>)
      } else {
      }
      %add3A_141 = arith.constant 1 : i32
      %add3A_142 = arith.addi %mul3A_122, %add3A_141 : i32
      %dma_wait3A_143 = arith.constant 0 : i32
      %dma_wait3A_144 = tpu.memref_slice %arg6[%add3A_142, %dma_wait3A_143] : memref<40x128xi32, #tpu.memory_space<vmem>> -> memref<1x128xi32, #tpu.memory_space<vmem>>
      %dma_wait3A_145 = tpu.memref_squeeze %dma_wait3A_144 : memref<1x128xi32, #tpu.memory_space<vmem>> -> memref<128xi32, #tpu.memory_space<vmem>>
      %dma_wait3A_146 = arith.constant 0 : i32
      %dma_wait3A_147 = arith.constant 0 : i32
      %dma_wait3A_148 = tpu.memref_slice %arg2[%dma_wait3A_146, %dma_wait3A_147] : memref<10000x128xf32, #tpu.memory_space<hbm>> -> memref<10000x128xf32, #tpu.memory_space<hbm>>
      tpu.wait_indirect_dma semaphore(%arg12 : memref<!tpu.dma_semaphore, #tpu.memory_space<semaphore_mem>>) src(%dma_wait3A_148 : memref<10000x128xf32, #tpu.memory_space<hbm>>) dst(%arg9 : memref<128x128xf32, #tpu.memory_space<vmem>>)
      %add3A_149 = arith.constant 1 : i32
      %add3A_150 = arith.addi %mul3A_122, %add3A_149 : i32
      "tpu.region"() ({
        %run_scoped3A = tpu.sem_alloc : memref<!tpu.dma_semaphore, #tpu.memory_space<semaphore_mem>>
        %dma_start3A_152 = arith.constant 0 : i32
        %dma_start3A_153 = tpu.memref_slice %arg7[%add3A_150, %dma_start3A_152] : memref<40x128xi32, #tpu.memory_space<vmem>> -> memref<1x128xi32, #tpu.memory_space<vmem>>
        %dma_start3A_154 = tpu.memref_squeeze %dma_start3A_153 : memref<1x128xi32, #tpu.memory_space<vmem>> -> memref<128xi32, #tpu.memory_space<vmem>>
        %dma_start3A_155 = arith.constant 0 : i32
        %dma_start3A_156 = arith.constant 0 : i32
        %dma_start3A_157 = tpu.memref_slice %arg10[%dma_start3A_155, %dma_start3A_156] : memref<10240x128xf32, #tpu.memory_space<vmem_shared>> -> memref<10240x128xf32, #tpu.memory_space<vmem_shared>>
        tpu.enqueue_indirect_dma source(%arg9 : memref<128x128xf32, #tpu.memory_space<vmem>>) target(%dma_start3A_157 : memref<10240x128xf32, #tpu.memory_space<vmem_shared>>) offsets(%dma_start3A_154 : memref<128xi32, #tpu.memory_space<vmem>>) semaphore(%run_scoped3A : memref<!tpu.dma_semaphore, #tpu.memory_space<semaphore_mem>>) {add = true}
        %dma_wait3A_158 = arith.constant 0 : i32
        %dma_wait3A_159 = tpu.memref_slice %arg7[%add3A_150, %dma_wait3A_158] : memref<40x128xi32, #tpu.memory_space<vmem>> -> memref<1x128xi32, #tpu.memory_space<vmem>>
        %dma_wait3A_160 = tpu.memref_squeeze %dma_wait3A_159 : memref<1x128xi32, #tpu.memory_space<vmem>> -> memref<128xi32, #tpu.memory_space<vmem>>
        %dma_wait3A_161 = arith.constant 0 : i32
        %dma_wait3A_162 = arith.constant 0 : i32
        %dma_wait3A_163 = tpu.memref_slice %arg10[%dma_wait3A_161, %dma_wait3A_162] : memref<10240x128xf32, #tpu.memory_space<vmem_shared>> -> memref<10240x128xf32, #tpu.memory_space<vmem_shared>>
        tpu.wait_indirect_dma semaphore(%run_scoped3A : memref<!tpu.dma_semaphore, #tpu.memory_space<semaphore_mem>>) src(%arg9 : memref<128x128xf32, #tpu.memory_space<vmem>>) dst(%dma_wait3A_163 : memref<10240x128xf32, #tpu.memory_space<vmem_shared>>)
        tpu.yield
      }) : () -> ()
      %scan3A_151 = arith.constant 0 : i32
      scf.yield %scan3A_151 : i32
    }
    %scan3A_99 = arith.constant 20 : i32
    "tpu.region"() ({
      %run_scoped3A = tpu.sem_alloc : memref<!tpu.dma_semaphore, #tpu.memory_space<semaphore_mem>>
      %dma_start3A_119 = arith.constant 40 : i32
      %dma_start3A_120 = arith.constant 0 : i32
      %dma_start3A_121 = tpu.memref_slice %arg3[%add3A, %dma_start3A_119, %dma_start3A_120] : memref<32x80x128xi32, #tpu.memory_space<hbm>> -> memref<1x40x128xi32, #tpu.memory_space<hbm>>
      %dma_start3A_122 = tpu.memref_squeeze %dma_start3A_121 : memref<1x40x128xi32, #tpu.memory_space<hbm>> -> memref<40x128xi32, #tpu.memory_space<hbm>>
      %dma_start3A_123 = arith.constant 40 : i32
      %dma_start3A_124 = arith.constant 0 : i32
      %dma_start3A_125 = tpu.memref_slice %arg3[%add3A, %dma_start3A_123, %dma_start3A_124] : memref<32x80x128xi32, #tpu.memory_space<hbm>> -> memref<1x40x128xi32, #tpu.memory_space<hbm>>
      %dma_start3A_126 = tpu.memref_squeeze %dma_start3A_125 : memref<1x40x128xi32, #tpu.memory_space<hbm>> -> memref<40x128xi32, #tpu.memory_space<hbm>>
      tpu.enqueue_dma source(%dma_start3A_126 : memref<40x128xi32, #tpu.memory_space<hbm>>) target(%arg6 : memref<40x128xi32, #tpu.memory_space<vmem>>) target_semaphore(%run_scoped3A : memref<!tpu.dma_semaphore, #tpu.memory_space<semaphore_mem>>)
      %dma_wait3A_127 = arith.constant 40 : i32
      %dma_wait3A_128 = arith.constant 0 : i32
      %dma_wait3A_129 = tpu.memref_slice %arg3[%add3A, %dma_wait3A_127, %dma_wait3A_128] : memref<32x80x128xi32, #tpu.memory_space<hbm>> -> memref<1x40x128xi32, #tpu.memory_space<hbm>>
      %dma_wait3A_130 = tpu.memref_squeeze %dma_wait3A_129 : memref<1x40x128xi32, #tpu.memory_space<hbm>> -> memref<40x128xi32, #tpu.memory_space<hbm>>
      %dma_wait3A_131 = arith.constant 40 : i32
      %dma_wait3A_132 = arith.constant 0 : i32
      %dma_wait3A_133 = tpu.memref_slice %arg3[%add3A, %dma_wait3A_131, %dma_wait3A_132] : memref<32x80x128xi32, #tpu.memory_space<hbm>> -> memref<1x40x128xi32, #tpu.memory_space<hbm>>
      %dma_wait3A_134 = tpu.memref_squeeze %dma_wait3A_133 : memref<1x40x128xi32, #tpu.memory_space<hbm>> -> memref<40x128xi32, #tpu.memory_space<hbm>>
      tpu.wait_dma2 semaphore(%run_scoped3A : memref<!tpu.dma_semaphore, #tpu.memory_space<semaphore_mem>>) src(%dma_wait3A_134 : memref<40x128xi32, #tpu.memory_space<hbm>>) dst(%arg6 : memref<40x128xi32, #tpu.memory_space<vmem>>)
      tpu.yield
    }) : () -> ()
    "tpu.region"() ({
      %run_scoped3A = tpu.sem_alloc : memref<!tpu.dma_semaphore, #tpu.memory_space<semaphore_mem>>
      %dma_start3A_119 = arith.constant 40 : i32
      %dma_start3A_120 = arith.constant 0 : i32
      %dma_start3A_121 = tpu.memref_slice %arg4[%add3A, %dma_start3A_119, %dma_start3A_120] : memref<32x80x128xi32, #tpu.memory_space<hbm>> -> memref<1x40x128xi32, #tpu.memory_space<hbm>>
      %dma_start3A_122 = tpu.memref_squeeze %dma_start3A_121 : memref<1x40x128xi32, #tpu.memory_space<hbm>> -> memref<40x128xi32, #tpu.memory_space<hbm>>
      %dma_start3A_123 = arith.constant 40 : i32
      %dma_start3A_124 = arith.constant 0 : i32
      %dma_start3A_125 = tpu.memref_slice %arg4[%add3A, %dma_start3A_123, %dma_start3A_124] : memref<32x80x128xi32, #tpu.memory_space<hbm>> -> memref<1x40x128xi32, #tpu.memory_space<hbm>>
      %dma_start3A_126 = tpu.memref_squeeze %dma_start3A_125 : memref<1x40x128xi32, #tpu.memory_space<hbm>> -> memref<40x128xi32, #tpu.memory_space<hbm>>
      tpu.enqueue_dma source(%dma_start3A_126 : memref<40x128xi32, #tpu.memory_space<hbm>>) target(%arg7 : memref<40x128xi32, #tpu.memory_space<vmem>>) target_semaphore(%run_scoped3A : memref<!tpu.dma_semaphore, #tpu.memory_space<semaphore_mem>>)
      %dma_wait3A_127 = arith.constant 40 : i32
      %dma_wait3A_128 = arith.constant 0 : i32
      %dma_wait3A_129 = tpu.memref_slice %arg4[%add3A, %dma_wait3A_127, %dma_wait3A_128] : memref<32x80x128xi32, #tpu.memory_space<hbm>> -> memref<1x40x128xi32, #tpu.memory_space<hbm>>
      %dma_wait3A_130 = tpu.memref_squeeze %dma_wait3A_129 : memref<1x40x128xi32, #tpu.memory_space<hbm>> -> memref<40x128xi32, #tpu.memory_space<hbm>>
      %dma_wait3A_131 = arith.constant 40 : i32
      %dma_wait3A_132 = arith.constant 0 : i32
      %dma_wait3A_133 = tpu.memref_slice %arg4[%add3A, %dma_wait3A_131, %dma_wait3A_132] : memref<32x80x128xi32, #tpu.memory_space<hbm>> -> memref<1x40x128xi32, #tpu.memory_space<hbm>>
      %dma_wait3A_134 = tpu.memref_squeeze %dma_wait3A_133 : memref<1x40x128xi32, #tpu.memory_space<hbm>> -> memref<40x128xi32, #tpu.memory_space<hbm>>
      tpu.wait_dma2 semaphore(%run_scoped3A : memref<!tpu.dma_semaphore, #tpu.memory_space<semaphore_mem>>) src(%dma_wait3A_134 : memref<40x128xi32, #tpu.memory_space<hbm>>) dst(%arg7 : memref<40x128xi32, #tpu.memory_space<vmem>>)
      tpu.yield
    }) : () -> ()
    %dma_start3A_100 = arith.constant 0 : i32
    %dma_start3A_101 = arith.constant 0 : i32
    %dma_start3A_102 = tpu.memref_slice %arg6[%dma_start3A_100, %dma_start3A_101] : memref<40x128xi32, #tpu.memory_space<vmem>> -> memref<1x128xi32, #tpu.memory_space<vmem>>
    %dma_start3A_103 = tpu.memref_squeeze %dma_start3A_102 : memref<1x128xi32, #tpu.memory_space<vmem>> -> memref<128xi32, #tpu.memory_space<vmem>>
    %dma_start3A_104 = arith.constant 0 : i32
    %dma_start3A_105 = arith.constant 0 : i32
    %dma_start3A_106 = tpu.memref_slice %arg2[%dma_start3A_104, %dma_start3A_105] : memref<10000x128xf32, #tpu.memory_space<hbm>> -> memref<10000x128xf32, #tpu.memory_space<hbm>>
    tpu.enqueue_indirect_dma source(%dma_start3A_106 : memref<10000x128xf32, #tpu.memory_space<hbm>>) target(%arg8 : memref<128x128xf32, #tpu.memory_space<vmem>>) offsets(%dma_start3A_103 : memref<128xi32, #tpu.memory_space<vmem>>) semaphore(%arg11 : memref<!tpu.dma_semaphore, #tpu.memory_space<semaphore_mem>>)
    %scan3A_107 = arith.constant 0 : i32
    %scan3A_108 = arith.constant 0 : i32
    %scan3A_109 = arith.constant 20 : i32
    %scan3A_110 = arith.addi %scan3A_108, %scan3A_109 : i32
    %scan3A_111 = arith.constant 1 : i32
    %scan3A_112 = scf.for %scan3A_119 = %scan3A_108 to %scan3A_110 step %scan3A_111 iter_args(%scan3A_120 = %scan3A_107) -> (i32)  : i32 {
      %mul3A_121 = arith.constant 2 : i32
      %mul3A_122 = arith.muli %mul3A_121, %scan3A_119 : i32
      %add3A_123 = arith.constant 1 : i32
      %add3A_124 = arith.addi %mul3A_122, %add3A_123 : i32
      %dma_start3A_125 = arith.constant 0 : i32
      %dma_start3A_126 = tpu.memref_slice %arg6[%add3A_124, %dma_start3A_125] : memref<40x128xi32, #tpu.memory_space<vmem>> -> memref<1x128xi32, #tpu.memory_space<vmem>>
      %dma_start3A_127 = tpu.memref_squeeze %dma_start3A_126 : memref<1x128xi32, #tpu.memory_space<vmem>> -> memref<128xi32, #tpu.memory_space<vmem>>
      %dma_start3A_128 = arith.constant 0 : i32
      %dma_start3A_129 = arith.constant 0 : i32
      %dma_start3A_130 = tpu.memref_slice %arg2[%dma_start3A_128, %dma_start3A_129] : memref<10000x128xf32, #tpu.memory_space<hbm>> -> memref<10000x128xf32, #tpu.memory_space<hbm>>
      tpu.enqueue_indirect_dma source(%dma_start3A_130 : memref<10000x128xf32, #tpu.memory_space<hbm>>) target(%arg9 : memref<128x128xf32, #tpu.memory_space<vmem>>) offsets(%dma_start3A_127 : memref<128xi32, #tpu.memory_space<vmem>>) semaphore(%arg12 : memref<!tpu.dma_semaphore, #tpu.memory_space<semaphore_mem>>)
      %dma_wait3A_131 = arith.constant 0 : i32
      %dma_wait3A_132 = tpu.memref_slice %arg6[%mul3A_122, %dma_wait3A_131] : memref<40x128xi32, #tpu.memory_space<vmem>> -> memref<1x128xi32, #tpu.memory_space<vmem>>
      %dma_wait3A_133 = tpu.memref_squeeze %dma_wait3A_132 : memref<1x128xi32, #tpu.memory_space<vmem>> -> memref<128xi32, #tpu.memory_space<vmem>>
      %dma_wait3A_134 = arith.constant 0 : i32
      %dma_wait3A_135 = arith.constant 0 : i32
      %dma_wait3A_136 = tpu.memref_slice %arg2[%dma_wait3A_134, %dma_wait3A_135] : memref<10000x128xf32, #tpu.memory_space<hbm>> -> memref<10000x128xf32, #tpu.memory_space<hbm>>
      tpu.wait_indirect_dma semaphore(%arg11 : memref<!tpu.dma_semaphore, #tpu.memory_space<semaphore_mem>>) src(%dma_wait3A_136 : memref<10000x128xf32, #tpu.memory_space<hbm>>) dst(%arg8 : memref<128x128xf32, #tpu.memory_space<vmem>>)
      "tpu.region"() ({
        %run_scoped3A = tpu.sem_alloc : memref<!tpu.dma_semaphore, #tpu.memory_space<semaphore_mem>>
        %dma_start3A_152 = arith.constant 0 : i32
        %dma_start3A_153 = tpu.memref_slice %arg7[%mul3A_122, %dma_start3A_152] : memref<40x128xi32, #tpu.memory_space<vmem>> -> memref<1x128xi32, #tpu.memory_space<vmem>>
        %dma_start3A_154 = tpu.memref_squeeze %dma_start3A_153 : memref<1x128xi32, #tpu.memory_space<vmem>> -> memref<128xi32, #tpu.memory_space<vmem>>
        %dma_start3A_155 = arith.constant 0 : i32
        %dma_start3A_156 = arith.constant 0 : i32
        %dma_start3A_157 = tpu.memref_slice %arg10[%dma_start3A_155, %dma_start3A_156] : memref<10240x128xf32, #tpu.memory_space<vmem_shared>> -> memref<10240x128xf32, #tpu.memory_space<vmem_shared>>
        tpu.enqueue_indirect_dma source(%arg8 : memref<128x128xf32, #tpu.memory_space<vmem>>) target(%dma_start3A_157 : memref<10240x128xf32, #tpu.memory_space<vmem_shared>>) offsets(%dma_start3A_154 : memref<128xi32, #tpu.memory_space<vmem>>) semaphore(%run_scoped3A : memref<!tpu.dma_semaphore, #tpu.memory_space<semaphore_mem>>) {add = true}
        %dma_wait3A_158 = arith.constant 0 : i32
        %dma_wait3A_159 = tpu.memref_slice %arg7[%mul3A_122, %dma_wait3A_158] : memref<40x128xi32, #tpu.memory_space<vmem>> -> memref<1x128xi32, #tpu.memory_space<vmem>>
        %dma_wait3A_160 = tpu.memref_squeeze %dma_wait3A_159 : memref<1x128xi32, #tpu.memory_space<vmem>> -> memref<128xi32, #tpu.memory_space<vmem>>
        %dma_wait3A_161 = arith.constant 0 : i32
        %dma_wait3A_162 = arith.constant 0 : i32
        %dma_wait3A_163 = tpu.memref_slice %arg10[%dma_wait3A_161, %dma_wait3A_162] : memref<10240x128xf32, #tpu.memory_space<vmem_shared>> -> memref<10240x128xf32, #tpu.memory_space<vmem_shared>>
        tpu.wait_indirect_dma semaphore(%run_scoped3A : memref<!tpu.dma_semaphore, #tpu.memory_space<semaphore_mem>>) src(%arg8 : memref<128x128xf32, #tpu.memory_space<vmem>>) dst(%dma_wait3A_163 : memref<10240x128xf32, #tpu.memory_space<vmem_shared>>)
        tpu.yield
      }) : () -> ()
      %add3A_137 = arith.constant 2 : i32
      %add3A_138 = arith.addi %mul3A_122, %add3A_137 : i32
      %lt3A = arith.constant 40 : i32
      %lt3A_139 = arith.cmpi slt, %add3A_138, %lt3A : i32
      %convert_element_type3A = arith.extui %lt3A_139 : i1 to i32
      %cond3A = arith.constant 0 : i32
      %cond3A_140 = arith.cmpi ne, %convert_element_type3A, %cond3A : i32
      scf.if %cond3A_140 {
        %add3A_152 = arith.constant 2 : i32
        %add3A_153 = arith.addi %mul3A_122, %add3A_152 : i32
        %dma_start3A_154 = arith.constant 0 : i32
        %dma_start3A_155 = tpu.memref_slice %arg6[%add3A_153, %dma_start3A_154] : memref<40x128xi32, #tpu.memory_space<vmem>> -> memref<1x128xi32, #tpu.memory_space<vmem>>
        %dma_start3A_156 = tpu.memref_squeeze %dma_start3A_155 : memref<1x128xi32, #tpu.memory_space<vmem>> -> memref<128xi32, #tpu.memory_space<vmem>>
        %dma_start3A_157 = arith.constant 0 : i32
        %dma_start3A_158 = arith.constant 0 : i32
        %dma_start3A_159 = tpu.memref_slice %arg2[%dma_start3A_157, %dma_start3A_158] : memref<10000x128xf32, #tpu.memory_space<hbm>> -> memref<10000x128xf32, #tpu.memory_space<hbm>>
        tpu.enqueue_indirect_dma source(%dma_start3A_159 : memref<10000x128xf32, #tpu.memory_space<hbm>>) target(%arg8 : memref<128x128xf32, #tpu.memory_space<vmem>>) offsets(%dma_start3A_156 : memref<128xi32, #tpu.memory_space<vmem>>) semaphore(%arg11 : memref<!tpu.dma_semaphore, #tpu.memory_space<semaphore_mem>>)
      } else {
      }
      %add3A_141 = arith.constant 1 : i32
      %add3A_142 = arith.addi %mul3A_122, %add3A_141 : i32
      %dma_wait3A_143 = arith.constant 0 : i32
      %dma_wait3A_144 = tpu.memref_slice %arg6[%add3A_142, %dma_wait3A_143] : memref<40x128xi32, #tpu.memory_space<vmem>> -> memref<1x128xi32, #tpu.memory_space<vmem>>
      %dma_wait3A_145 = tpu.memref_squeeze %dma_wait3A_144 : memref<1x128xi32, #tpu.memory_space<vmem>> -> memref<128xi32, #tpu.memory_space<vmem>>
      %dma_wait3A_146 = arith.constant 0 : i32
      %dma_wait3A_147 = arith.constant 0 : i32
      %dma_wait3A_148 = tpu.memref_slice %arg2[%dma_wait3A_146, %dma_wait3A_147] : memref<10000x128xf32, #tpu.memory_space<hbm>> -> memref<10000x128xf32, #tpu.memory_space<hbm>>
      tpu.wait_indirect_dma semaphore(%arg12 : memref<!tpu.dma_semaphore, #tpu.memory_space<semaphore_mem>>) src(%dma_wait3A_148 : memref<10000x128xf32, #tpu.memory_space<hbm>>) dst(%arg9 : memref<128x128xf32, #tpu.memory_space<vmem>>)
      %add3A_149 = arith.constant 1 : i32
      %add3A_150 = arith.addi %mul3A_122, %add3A_149 : i32
      "tpu.region"() ({
        %run_scoped3A = tpu.sem_alloc : memref<!tpu.dma_semaphore, #tpu.memory_space<semaphore_mem>>
        %dma_start3A_152 = arith.constant 0 : i32
        %dma_start3A_153 = tpu.memref_slice %arg7[%add3A_150, %dma_start3A_152] : memref<40x128xi32, #tpu.memory_space<vmem>> -> memref<1x128xi32, #tpu.memory_space<vmem>>
        %dma_start3A_154 = tpu.memref_squeeze %dma_start3A_153 : memref<1x128xi32, #tpu.memory_space<vmem>> -> memref<128xi32, #tpu.memory_space<vmem>>
        %dma_start3A_155 = arith.constant 0 : i32
        %dma_start3A_156 = arith.constant 0 : i32
        %dma_start3A_157 = tpu.memref_slice %arg10[%dma_start3A_155, %dma_start3A_156] : memref<10240x128xf32, #tpu.memory_space<vmem_shared>> -> memref<10240x128xf32, #tpu.memory_space<vmem_shared>>
        tpu.enqueue_indirect_dma source(%arg9 : memref<128x128xf32, #tpu.memory_space<vmem>>) target(%dma_start3A_157 : memref<10240x128xf32, #tpu.memory_space<vmem_shared>>) offsets(%dma_start3A_154 : memref<128xi32, #tpu.memory_space<vmem>>) semaphore(%run_scoped3A : memref<!tpu.dma_semaphore, #tpu.memory_space<semaphore_mem>>) {add = true}
        %dma_wait3A_158 = arith.constant 0 : i32
        %dma_wait3A_159 = tpu.memref_slice %arg7[%add3A_150, %dma_wait3A_158] : memref<40x128xi32, #tpu.memory_space<vmem>> -> memref<1x128xi32, #tpu.memory_space<vmem>>
        %dma_wait3A_160 = tpu.memref_squeeze %dma_wait3A_159 : memref<1x128xi32, #tpu.memory_space<vmem>> -> memref<128xi32, #tpu.memory_space<vmem>>
        %dma_wait3A_161 = arith.constant 0 : i32
        %dma_wait3A_162 = arith.constant 0 : i32
        %dma_wait3A_163 = tpu.memref_slice %arg10[%dma_wait3A_161, %dma_wait3A_162] : memref<10240x128xf32, #tpu.memory_space<vmem_shared>> -> memref<10240x128xf32, #tpu.memory_space<vmem_shared>>
        tpu.wait_indirect_dma semaphore(%run_scoped3A : memref<!tpu.dma_semaphore, #tpu.memory_space<semaphore_mem>>) src(%arg9 : memref<128x128xf32, #tpu.memory_space<vmem>>) dst(%dma_wait3A_163 : memref<10240x128xf32, #tpu.memory_space<vmem_shared>>)
        tpu.yield
      }) : () -> ()
      %scan3A_151 = arith.constant 0 : i32
      scf.yield %scan3A_151 : i32
    }
    %scan3A_113 = arith.constant 20 : i32
    %barrier3A_114 = arith.constant 0 : index
    tpu.barrier barrier_id(%barrier3A_114)
    %mul3A_115 = arith.constant 640 : i32
    %mul3A_116 = arith.muli %arg1, %mul3A_115 : i32
    %mul3A_117 = arith.constant 640 : i32
    %mul3A_118 = arith.muli %arg1, %mul3A_117 : i32
    "tpu.region"() ({
      %run_scoped3A = tpu.sem_alloc : memref<!tpu.dma_semaphore, #tpu.memory_space<semaphore_mem>>
      %dma_start3A_119 = arith.constant 0 : i32
      %dma_start3A_120 = tpu.memref_slice %arg5[%arg0, %mul3A_118, %dma_start3A_119] : memref<2x10240x128xf32, #tpu.memory_space<hbm>> -> memref<1x640x128xf32, #tpu.memory_space<hbm>>
      %dma_start3A_121 = tpu.memref_squeeze %dma_start3A_120 : memref<1x640x128xf32, #tpu.memory_space<hbm>> -> memref<640x128xf32, #tpu.memory_space<hbm>>
      %dma_start3A_122 = arith.constant 0 : i32
      %dma_start3A_123 = tpu.memref_slice %arg10[%mul3A_116, %dma_start3A_122] : memref<10240x128xf32, #tpu.memory_space<vmem_shared>> -> memref<640x128xf32, #tpu.memory_space<vmem_shared>>
      tpu.enqueue_dma source(%dma_start3A_123 : memref<640x128xf32, #tpu.memory_space<vmem_shared>>) target(%dma_start3A_121 : memref<640x128xf32, #tpu.memory_space<hbm>>) target_semaphore(%run_scoped3A : memref<!tpu.dma_semaphore, #tpu.memory_space<semaphore_mem>>)
      %dma_wait3A_124 = arith.constant 0 : i32
      %dma_wait3A_125 = tpu.memref_slice %arg5[%arg0, %mul3A_118, %dma_wait3A_124] : memref<2x10240x128xf32, #tpu.memory_space<hbm>> -> memref<1x640x128xf32, #tpu.memory_space<hbm>>
      %dma_wait3A_126 = tpu.memref_squeeze %dma_wait3A_125 : memref<1x640x128xf32, #tpu.memory_space<hbm>> -> memref<640x128xf32, #tpu.memory_space<hbm>>
      %dma_wait3A_127 = arith.constant 0 : i32
      %dma_wait3A_128 = tpu.memref_slice %arg10[%mul3A_116, %dma_wait3A_127] : memref<10240x128xf32, #tpu.memory_space<vmem_shared>> -> memref<640x128xf32, #tpu.memory_space<vmem_shared>>
      tpu.wait_dma2 semaphore(%run_scoped3A : memref<!tpu.dma_semaphore, #tpu.memory_space<semaphore_mem>>) src(%dma_wait3A_128 : memref<640x128xf32, #tpu.memory_space<vmem_shared>>) dst(%dma_wait3A_126 : memref<640x128xf32, #tpu.memory_space<hbm>>)
      tpu.yield
    }) : () -> ()
    return
  }
}

#map = affine_map<(d0, d1) -> (0, 0)>
#map1 = affine_map<(d0, d1) -> (0, 0, 0)>
module attributes {stable_mosaic.version = 14 : i64} {
  func.func @body(%arg0: i32, %arg1: i32, %arg2: memref<10000x128xf32, #tpu.memory_space<hbm>>, %arg3: memref<32x80x128xi32, #tpu.memory_space<hbm>>, %arg4: memref<32x80x128xi32, #tpu.memory_space<hbm>>, %arg5: memref<2x10240x128xf32, #tpu.memory_space<hbm>>, %arg6: memref<2x10240x128xf32, #tpu.memory_space<hbm>>, %arg7: memref<40x128xi32, #tpu.memory_space<vmem>>, %arg8: memref<40x128xi32, #tpu.memory_space<vmem>>, %arg9: memref<128x128xf32, #tpu.memory_space<vmem>>, %arg10: memref<128x128xf32, #tpu.memory_space<vmem>>, %arg11: memref<10240x128xf32, #tpu.memory_space<vmem_shared>>, %arg12: memref<!tpu.dma_semaphore, #tpu.memory_space<semaphore_mem>>, %arg13: memref<!tpu.dma_semaphore, #tpu.memory_space<semaphore_mem>>) attributes {dimension_semantics = [#tpu.dimension_semantics<core_parallel>, #tpu.dimension_semantics<subcore_parallel>], iteration_bounds = array<i64: 2, 16>, scalar_prefetch = 0 : i64, scratch_operands = 7 : i64, tpu.core_type = #tpu.core_type<sc_vector_subcore>, window_params = [{transform_indices = #map}, {transform_indices = #map1}, {transform_indices = #map1}, {transform_indices = #map1}, {transform_indices = #map1}]} {
    %mul3A = arith.constant 16 : i32
    %mul3A_0 = arith.muli %arg0, %mul3A : i32
    %add3A = arith.addi %mul3A_0, %arg1 : i32
    %broadcast_in_dim3A = arith.constant 0.000000e+00 : f32
    %broadcast_in_dim3A_1 = vector.broadcast %broadcast_in_dim3A : f32 to vector<16xf32>
    %scan3A = arith.constant 0 : i32
    %scan3A_2 = arith.constant 0 : i32
    %scan3A_3 = arith.constant 128 : i32
    %scan3A_4 = arith.addi %scan3A_2, %scan3A_3 : i32
    %scan3A_5 = arith.constant 1 : i32
    %scan3A_6 = scf.for %scan3A_251 = %scan3A_2 to %scan3A_4 step %scan3A_5 iter_args(%scan3A_252 = %scan3A) -> (i32)  : i32 {
      %swap3A = arith.index_cast %scan3A_251 : i32 to index
      %swap3A_253 = arith.constant 0 : index
      %swap3A_254 = tpu.vector_load %arg9[%swap3A, %swap3A_253] {strides = array<i32>} : memref<128x128xf32, #tpu.memory_space<vmem>>, vector<1x16xf32>,
      %swap3A_255 = vector.shape_cast %swap3A_254 : vector<1x16xf32> to vector<16xf32>
      %swap3A_256 = vector.shape_cast %broadcast_in_dim3A_1 : vector<16xf32> to vector<1x16xf32>
      tpu.vector_store %arg9[%swap3A, %swap3A_253], %swap3A_256 {strides = array<i32>} : memref<128x128xf32, #tpu.memory_space<vmem>>, vector<1x16xf32>,
      %swap3A_257 = arith.index_cast %scan3A_251 : i32 to index
      %swap3A_258 = arith.constant 16 : index
      %swap3A_259 = tpu.vector_load %arg9[%swap3A_257, %swap3A_258] {strides = array<i32>} : memref<128x128xf32, #tpu.memory_space<vmem>>, vector<1x16xf32>,
      %swap3A_260 = vector.shape_cast %swap3A_259 : vector<1x16xf32> to vector<16xf32>
      %swap3A_261 = vector.shape_cast %broadcast_in_dim3A_1 : vector<16xf32> to vector<1x16xf32>
      tpu.vector_store %arg9[%swap3A_257, %swap3A_258], %swap3A_261 {strides = array<i32>} : memref<128x128xf32, #tpu.memory_space<vmem>>, vector<1x16xf32>,
      %swap3A_262 = arith.index_cast %scan3A_251 : i32 to index
      %swap3A_263 = arith.constant 32 : index
      %swap3A_264 = tpu.vector_load %arg9[%swap3A_262, %swap3A_263] {strides = array<i32>} : memref<128x128xf32, #tpu.memory_space<vmem>>, vector<1x16xf32>,
      %swap3A_265 = vector.shape_cast %swap3A_264 : vector<1x16xf32> to vector<16xf32>
      %swap3A_266 = vector.shape_cast %broadcast_in_dim3A_1 : vector<16xf32> to vector<1x16xf32>
      tpu.vector_store %arg9[%swap3A_262, %swap3A_263], %swap3A_266 {strides = array<i32>} : memref<128x128xf32, #tpu.memory_space<vmem>>, vector<1x16xf32>,
      %swap3A_267 = arith.index_cast %scan3A_251 : i32 to index
      %swap3A_268 = arith.constant 48 : index
      %swap3A_269 = tpu.vector_load %arg9[%swap3A_267, %swap3A_268] {strides = array<i32>} : memref<128x128xf32, #tpu.memory_space<vmem>>, vector<1x16xf32>,
      %swap3A_270 = vector.shape_cast %swap3A_269 : vector<1x16xf32> to vector<16xf32>
      %swap3A_271 = vector.shape_cast %broadcast_in_dim3A_1 : vector<16xf32> to vector<1x16xf32>
      tpu.vector_store %arg9[%swap3A_267, %swap3A_268], %swap3A_271 {strides = array<i32>} : memref<128x128xf32, #tpu.memory_space<vmem>>, vector<1x16xf32>,
      %swap3A_272 = arith.index_cast %scan3A_251 : i32 to index
      %swap3A_273 = arith.constant 64 : index
      %swap3A_274 = tpu.vector_load %arg9[%swap3A_272, %swap3A_273] {strides = array<i32>} : memref<128x128xf32, #tpu.memory_space<vmem>>, vector<1x16xf32>,
      %swap3A_275 = vector.shape_cast %swap3A_274 : vector<1x16xf32> to vector<16xf32>
      %swap3A_276 = vector.shape_cast %broadcast_in_dim3A_1 : vector<16xf32> to vector<1x16xf32>
      tpu.vector_store %arg9[%swap3A_272, %swap3A_273], %swap3A_276 {strides = array<i32>} : memref<128x128xf32, #tpu.memory_space<vmem>>, vector<1x16xf32>,
      %swap3A_277 = arith.index_cast %scan3A_251 : i32 to index
      %swap3A_278 = arith.constant 80 : index
      %swap3A_279 = tpu.vector_load %arg9[%swap3A_277, %swap3A_278] {strides = array<i32>} : memref<128x128xf32, #tpu.memory_space<vmem>>, vector<1x16xf32>,
      %swap3A_280 = vector.shape_cast %swap3A_279 : vector<1x16xf32> to vector<16xf32>
      %swap3A_281 = vector.shape_cast %broadcast_in_dim3A_1 : vector<16xf32> to vector<1x16xf32>
      tpu.vector_store %arg9[%swap3A_277, %swap3A_278], %swap3A_281 {strides = array<i32>} : memref<128x128xf32, #tpu.memory_space<vmem>>, vector<1x16xf32>,
      %swap3A_282 = arith.index_cast %scan3A_251 : i32 to index
      %swap3A_283 = arith.constant 96 : index
      %swap3A_284 = tpu.vector_load %arg9[%swap3A_282, %swap3A_283] {strides = array<i32>} : memref<128x128xf32, #tpu.memory_space<vmem>>, vector<1x16xf32>,
      %swap3A_285 = vector.shape_cast %swap3A_284 : vector<1x16xf32> to vector<16xf32>
      %swap3A_286 = vector.shape_cast %broadcast_in_dim3A_1 : vector<16xf32> to vector<1x16xf32>
      tpu.vector_store %arg9[%swap3A_282, %swap3A_283], %swap3A_286 {strides = array<i32>} : memref<128x128xf32, #tpu.memory_space<vmem>>, vector<1x16xf32>,
      %swap3A_287 = arith.index_cast %scan3A_251 : i32 to index
      %swap3A_288 = arith.constant 112 : index
      %swap3A_289 = tpu.vector_load %arg9[%swap3A_287, %swap3A_288] {strides = array<i32>} : memref<128x128xf32, #tpu.memory_space<vmem>>, vector<1x16xf32>,
      %swap3A_290 = vector.shape_cast %swap3A_289 : vector<1x16xf32> to vector<16xf32>
      %swap3A_291 = vector.shape_cast %broadcast_in_dim3A_1 : vector<16xf32> to vector<1x16xf32>
      tpu.vector_store %arg9[%swap3A_287, %swap3A_288], %swap3A_291 {strides = array<i32>} : memref<128x128xf32, #tpu.memory_space<vmem>>, vector<1x16xf32>,
      %scan3A_292 = arith.constant 0 : i32
      scf.yield %scan3A_292 : i32
    }
    %scan3A_7 = arith.constant 128 : i32
    %mul3A_8 = arith.constant 640 : i32
    %mul3A_9 = arith.muli %arg1, %mul3A_8 : i32
    %add3A_10 = arith.constant 0 : i32
    %add3A_11 = arith.addi %mul3A_9, %add3A_10 : i32
    %dma_start3A = arith.constant 0 : i32
    %dma_start3A_12 = tpu.memref_slice %arg11[%add3A_11, %dma_start3A] : memref<10240x128xf32, #tpu.memory_space<vmem_shared>> -> memref<128x128xf32, #tpu.memory_space<vmem_shared>>
    %dma_start3A_13 = arith.constant 0 : i32
    %dma_start3A_14 = tpu.memref_slice %arg11[%add3A_11, %dma_start3A_13] : memref<10240x128xf32, #tpu.memory_space<vmem_shared>> -> memref<128x128xf32, #tpu.memory_space<vmem_shared>>
    tpu.enqueue_dma source(%arg9 : memref<128x128xf32, #tpu.memory_space<vmem>>) target(%dma_start3A_14 : memref<128x128xf32, #tpu.memory_space<vmem_shared>>) target_semaphore(%arg13 : memref<!tpu.dma_semaphore, #tpu.memory_space<semaphore_mem>>)
    %mul3A_15 = arith.constant 640 : i32
    %mul3A_16 = arith.muli %arg1, %mul3A_15 : i32
    %add3A_17 = arith.constant 128 : i32
    %add3A_18 = arith.addi %mul3A_16, %add3A_17 : i32
    %dma_start3A_19 = arith.constant 0 : i32
    %dma_start3A_20 = tpu.memref_slice %arg11[%add3A_18, %dma_start3A_19] : memref<10240x128xf32, #tpu.memory_space<vmem_shared>> -> memref<128x128xf32, #tpu.memory_space<vmem_shared>>
    %dma_start3A_21 = arith.constant 0 : i32
    %dma_start3A_22 = tpu.memref_slice %arg11[%add3A_18, %dma_start3A_21] : memref<10240x128xf32, #tpu.memory_space<vmem_shared>> -> memref<128x128xf32, #tpu.memory_space<vmem_shared>>
    tpu.enqueue_dma source(%arg9 : memref<128x128xf32, #tpu.memory_space<vmem>>) target(%dma_start3A_22 : memref<128x128xf32, #tpu.memory_space<vmem_shared>>) target_semaphore(%arg13 : memref<!tpu.dma_semaphore, #tpu.memory_space<semaphore_mem>>)
    %mul3A_23 = arith.constant 640 : i32
    %mul3A_24 = arith.muli %arg1, %mul3A_23 : i32
    %add3A_25 = arith.constant 256 : i32
    %add3A_26 = arith.addi %mul3A_24, %add3A_25 : i32
    %dma_start3A_27 = arith.constant 0 : i32
    %dma_start3A_28 = tpu.memref_slice %arg11[%add3A_26, %dma_start3A_27] : memref<10240x128xf32, #tpu.memory_space<vmem_shared>> -> memref<128x128xf32, #tpu.memory_space<vmem_shared>>
    %dma_start3A_29 = arith.constant 0 : i32
    %dma_start3A_30 = tpu.memref_slice %arg11[%add3A_26, %dma_start3A_29] : memref<10240x128xf32, #tpu.memory_space<vmem_shared>> -> memref<128x128xf32, #tpu.memory_space<vmem_shared>>
    tpu.enqueue_dma source(%arg9 : memref<128x128xf32, #tpu.memory_space<vmem>>) target(%dma_start3A_30 : memref<128x128xf32, #tpu.memory_space<vmem_shared>>) target_semaphore(%arg13 : memref<!tpu.dma_semaphore, #tpu.memory_space<semaphore_mem>>)
    %mul3A_31 = arith.constant 640 : i32
    %mul3A_32 = arith.muli %arg1, %mul3A_31 : i32
    %add3A_33 = arith.constant 384 : i32
    %add3A_34 = arith.addi %mul3A_32, %add3A_33 : i32
    %dma_start3A_35 = arith.constant 0 : i32
    %dma_start3A_36 = tpu.memref_slice %arg11[%add3A_34, %dma_start3A_35] : memref<10240x128xf32, #tpu.memory_space<vmem_shared>> -> memref<128x128xf32, #tpu.memory_space<vmem_shared>>
    %dma_start3A_37 = arith.constant 0 : i32
    %dma_start3A_38 = tpu.memref_slice %arg11[%add3A_34, %dma_start3A_37] : memref<10240x128xf32, #tpu.memory_space<vmem_shared>> -> memref<128x128xf32, #tpu.memory_space<vmem_shared>>
    tpu.enqueue_dma source(%arg9 : memref<128x128xf32, #tpu.memory_space<vmem>>) target(%dma_start3A_38 : memref<128x128xf32, #tpu.memory_space<vmem_shared>>) target_semaphore(%arg13 : memref<!tpu.dma_semaphore, #tpu.memory_space<semaphore_mem>>)
    %mul3A_39 = arith.constant 640 : i32
    %mul3A_40 = arith.muli %arg1, %mul3A_39 : i32
    %add3A_41 = arith.constant 512 : i32
    %add3A_42 = arith.addi %mul3A_40, %add3A_41 : i32
    %dma_start3A_43 = arith.constant 0 : i32
    %dma_start3A_44 = tpu.memref_slice %arg11[%add3A_42, %dma_start3A_43] : memref<10240x128xf32, #tpu.memory_space<vmem_shared>> -> memref<128x128xf32, #tpu.memory_space<vmem_shared>>
    %dma_start3A_45 = arith.constant 0 : i32
    %dma_start3A_46 = tpu.memref_slice %arg11[%add3A_42, %dma_start3A_45] : memref<10240x128xf32, #tpu.memory_space<vmem_shared>> -> memref<128x128xf32, #tpu.memory_space<vmem_shared>>
    tpu.enqueue_dma source(%arg9 : memref<128x128xf32, #tpu.memory_space<vmem>>) target(%dma_start3A_46 : memref<128x128xf32, #tpu.memory_space<vmem_shared>>) target_semaphore(%arg13 : memref<!tpu.dma_semaphore, #tpu.memory_space<semaphore_mem>>)
    %mul3A_47 = arith.constant 640 : i32
    %mul3A_48 = arith.muli %arg1, %mul3A_47 : i32
    %add3A_49 = arith.constant 0 : i32
    %add3A_50 = arith.addi %mul3A_48, %add3A_49 : i32
    %dma_wait3A = arith.constant 0 : i32
    %dma_wait3A_51 = tpu.memref_slice %arg11[%add3A_50, %dma_wait3A] : memref<10240x128xf32, #tpu.memory_space<vmem_shared>> -> memref<128x128xf32, #tpu.memory_space<vmem_shared>>
    %dma_wait3A_52 = arith.constant 0 : i32
    %dma_wait3A_53 = tpu.memref_slice %arg11[%add3A_50, %dma_wait3A_52] : memref<10240x128xf32, #tpu.memory_space<vmem_shared>> -> memref<128x128xf32, #tpu.memory_space<vmem_shared>>
    tpu.wait_dma2 semaphore(%arg13 : memref<!tpu.dma_semaphore, #tpu.memory_space<semaphore_mem>>) src(%arg9 : memref<128x128xf32, #tpu.memory_space<vmem>>) dst(%dma_wait3A_53 : memref<128x128xf32, #tpu.memory_space<vmem_shared>>)
    %mul3A_54 = arith.constant 640 : i32
    %mul3A_55 = arith.muli %arg1, %mul3A_54 : i32
    %add3A_56 = arith.constant 128 : i32
    %add3A_57 = arith.addi %mul3A_55, %add3A_56 : i32
    %dma_wait3A_58 = arith.constant 0 : i32
    %dma_wait3A_59 = tpu.memref_slice %arg11[%add3A_57, %dma_wait3A_58] : memref<10240x128xf32, #tpu.memory_space<vmem_shared>> -> memref<128x128xf32, #tpu.memory_space<vmem_shared>>
    %dma_wait3A_60 = arith.constant 0 : i32
    %dma_wait3A_61 = tpu.memref_slice %arg11[%add3A_57, %dma_wait3A_60] : memref<10240x128xf32, #tpu.memory_space<vmem_shared>> -> memref<128x128xf32, #tpu.memory_space<vmem_shared>>
    tpu.wait_dma2 semaphore(%arg13 : memref<!tpu.dma_semaphore, #tpu.memory_space<semaphore_mem>>) src(%arg9 : memref<128x128xf32, #tpu.memory_space<vmem>>) dst(%dma_wait3A_61 : memref<128x128xf32, #tpu.memory_space<vmem_shared>>)
    %mul3A_62 = arith.constant 640 : i32
    %mul3A_63 = arith.muli %arg1, %mul3A_62 : i32
    %add3A_64 = arith.constant 256 : i32
    %add3A_65 = arith.addi %mul3A_63, %add3A_64 : i32
    %dma_wait3A_66 = arith.constant 0 : i32
    %dma_wait3A_67 = tpu.memref_slice %arg11[%add3A_65, %dma_wait3A_66] : memref<10240x128xf32, #tpu.memory_space<vmem_shared>> -> memref<128x128xf32, #tpu.memory_space<vmem_shared>>
    %dma_wait3A_68 = arith.constant 0 : i32
    %dma_wait3A_69 = tpu.memref_slice %arg11[%add3A_65, %dma_wait3A_68] : memref<10240x128xf32, #tpu.memory_space<vmem_shared>> -> memref<128x128xf32, #tpu.memory_space<vmem_shared>>
    tpu.wait_dma2 semaphore(%arg13 : memref<!tpu.dma_semaphore, #tpu.memory_space<semaphore_mem>>) src(%arg9 : memref<128x128xf32, #tpu.memory_space<vmem>>) dst(%dma_wait3A_69 : memref<128x128xf32, #tpu.memory_space<vmem_shared>>)
    %mul3A_70 = arith.constant 640 : i32
    %mul3A_71 = arith.muli %arg1, %mul3A_70 : i32
    %add3A_72 = arith.constant 384 : i32
    %add3A_73 = arith.addi %mul3A_71, %add3A_72 : i32
    %dma_wait3A_74 = arith.constant 0 : i32
    %dma_wait3A_75 = tpu.memref_slice %arg11[%add3A_73, %dma_wait3A_74] : memref<10240x128xf32, #tpu.memory_space<vmem_shared>> -> memref<128x128xf32, #tpu.memory_space<vmem_shared>>
    %dma_wait3A_76 = arith.constant 0 : i32
    %dma_wait3A_77 = tpu.memref_slice %arg11[%add3A_73, %dma_wait3A_76] : memref<10240x128xf32, #tpu.memory_space<vmem_shared>> -> memref<128x128xf32, #tpu.memory_space<vmem_shared>>
    tpu.wait_dma2 semaphore(%arg13 : memref<!tpu.dma_semaphore, #tpu.memory_space<semaphore_mem>>) src(%arg9 : memref<128x128xf32, #tpu.memory_space<vmem>>) dst(%dma_wait3A_77 : memref<128x128xf32, #tpu.memory_space<vmem_shared>>)
    %mul3A_78 = arith.constant 640 : i32
    %mul3A_79 = arith.muli %arg1, %mul3A_78 : i32
    %add3A_80 = arith.constant 512 : i32
    %add3A_81 = arith.addi %mul3A_79, %add3A_80 : i32
    %dma_wait3A_82 = arith.constant 0 : i32
    %dma_wait3A_83 = tpu.memref_slice %arg11[%add3A_81, %dma_wait3A_82] : memref<10240x128xf32, #tpu.memory_space<vmem_shared>> -> memref<128x128xf32, #tpu.memory_space<vmem_shared>>
    %dma_wait3A_84 = arith.constant 0 : i32
    %dma_wait3A_85 = tpu.memref_slice %arg11[%add3A_81, %dma_wait3A_84] : memref<10240x128xf32, #tpu.memory_space<vmem_shared>> -> memref<128x128xf32, #tpu.memory_space<vmem_shared>>
    tpu.wait_dma2 semaphore(%arg13 : memref<!tpu.dma_semaphore, #tpu.memory_space<semaphore_mem>>) src(%arg9 : memref<128x128xf32, #tpu.memory_space<vmem>>) dst(%dma_wait3A_85 : memref<128x128xf32, #tpu.memory_space<vmem_shared>>)
    %barrier3A = arith.constant 0 : index
    tpu.barrier barrier_id(%barrier3A)
    %broadcast_in_dim3A_86 = arith.constant 1.000000e+00 : f32
    %broadcast_in_dim3A_87 = vector.broadcast %broadcast_in_dim3A_86 : f32 to vector<16xf32>
    %scan3A_88 = arith.constant 0 : i32
    %scan3A_89 = arith.constant 0 : i32
    %scan3A_90 = arith.constant 128 : i32
    %scan3A_91 = arith.addi %scan3A_89, %scan3A_90 : i32
    %scan3A_92 = arith.constant 1 : i32
    %scan3A_93 = scf.for %scan3A_251 = %scan3A_89 to %scan3A_91 step %scan3A_92 iter_args(%scan3A_252 = %scan3A_88) -> (i32)  : i32 {
      %swap3A = arith.index_cast %scan3A_251 : i32 to index
      %swap3A_253 = arith.constant 0 : index
      %swap3A_254 = tpu.vector_load %arg9[%swap3A, %swap3A_253] {strides = array<i32>} : memref<128x128xf32, #tpu.memory_space<vmem>>, vector<1x16xf32>,
      %swap3A_255 = vector.shape_cast %swap3A_254 : vector<1x16xf32> to vector<16xf32>
      %swap3A_256 = vector.shape_cast %broadcast_in_dim3A_87 : vector<16xf32> to vector<1x16xf32>
      tpu.vector_store %arg9[%swap3A, %swap3A_253], %swap3A_256 {strides = array<i32>} : memref<128x128xf32, #tpu.memory_space<vmem>>, vector<1x16xf32>,
      %swap3A_257 = arith.index_cast %scan3A_251 : i32 to index
      %swap3A_258 = arith.constant 16 : index
      %swap3A_259 = tpu.vector_load %arg9[%swap3A_257, %swap3A_258] {strides = array<i32>} : memref<128x128xf32, #tpu.memory_space<vmem>>, vector<1x16xf32>,
      %swap3A_260 = vector.shape_cast %swap3A_259 : vector<1x16xf32> to vector<16xf32>
      %swap3A_261 = vector.shape_cast %broadcast_in_dim3A_87 : vector<16xf32> to vector<1x16xf32>
      tpu.vector_store %arg9[%swap3A_257, %swap3A_258], %swap3A_261 {strides = array<i32>} : memref<128x128xf32, #tpu.memory_space<vmem>>, vector<1x16xf32>,
      %swap3A_262 = arith.index_cast %scan3A_251 : i32 to index
      %swap3A_263 = arith.constant 32 : index
      %swap3A_264 = tpu.vector_load %arg9[%swap3A_262, %swap3A_263] {strides = array<i32>} : memref<128x128xf32, #tpu.memory_space<vmem>>, vector<1x16xf32>,
      %swap3A_265 = vector.shape_cast %swap3A_264 : vector<1x16xf32> to vector<16xf32>
      %swap3A_266 = vector.shape_cast %broadcast_in_dim3A_87 : vector<16xf32> to vector<1x16xf32>
      tpu.vector_store %arg9[%swap3A_262, %swap3A_263], %swap3A_266 {strides = array<i32>} : memref<128x128xf32, #tpu.memory_space<vmem>>, vector<1x16xf32>,
      %swap3A_267 = arith.index_cast %scan3A_251 : i32 to index
      %swap3A_268 = arith.constant 48 : index
      %swap3A_269 = tpu.vector_load %arg9[%swap3A_267, %swap3A_268] {strides = array<i32>} : memref<128x128xf32, #tpu.memory_space<vmem>>, vector<1x16xf32>,
      %swap3A_270 = vector.shape_cast %swap3A_269 : vector<1x16xf32> to vector<16xf32>
      %swap3A_271 = vector.shape_cast %broadcast_in_dim3A_87 : vector<16xf32> to vector<1x16xf32>
      tpu.vector_store %arg9[%swap3A_267, %swap3A_268], %swap3A_271 {strides = array<i32>} : memref<128x128xf32, #tpu.memory_space<vmem>>, vector<1x16xf32>,
      %swap3A_272 = arith.index_cast %scan3A_251 : i32 to index
      %swap3A_273 = arith.constant 64 : index
      %swap3A_274 = tpu.vector_load %arg9[%swap3A_272, %swap3A_273] {strides = array<i32>} : memref<128x128xf32, #tpu.memory_space<vmem>>, vector<1x16xf32>,
      %swap3A_275 = vector.shape_cast %swap3A_274 : vector<1x16xf32> to vector<16xf32>
      %swap3A_276 = vector.shape_cast %broadcast_in_dim3A_87 : vector<16xf32> to vector<1x16xf32>
      tpu.vector_store %arg9[%swap3A_272, %swap3A_273], %swap3A_276 {strides = array<i32>} : memref<128x128xf32, #tpu.memory_space<vmem>>, vector<1x16xf32>,
      %swap3A_277 = arith.index_cast %scan3A_251 : i32 to index
      %swap3A_278 = arith.constant 80 : index
      %swap3A_279 = tpu.vector_load %arg9[%swap3A_277, %swap3A_278] {strides = array<i32>} : memref<128x128xf32, #tpu.memory_space<vmem>>, vector<1x16xf32>,
      %swap3A_280 = vector.shape_cast %swap3A_279 : vector<1x16xf32> to vector<16xf32>
      %swap3A_281 = vector.shape_cast %broadcast_in_dim3A_87 : vector<16xf32> to vector<1x16xf32>
      tpu.vector_store %arg9[%swap3A_277, %swap3A_278], %swap3A_281 {strides = array<i32>} : memref<128x128xf32, #tpu.memory_space<vmem>>, vector<1x16xf32>,
      %swap3A_282 = arith.index_cast %scan3A_251 : i32 to index
      %swap3A_283 = arith.constant 96 : index
      %swap3A_284 = tpu.vector_load %arg9[%swap3A_282, %swap3A_283] {strides = array<i32>} : memref<128x128xf32, #tpu.memory_space<vmem>>, vector<1x16xf32>,
      %swap3A_285 = vector.shape_cast %swap3A_284 : vector<1x16xf32> to vector<16xf32>
      %swap3A_286 = vector.shape_cast %broadcast_in_dim3A_87 : vector<16xf32> to vector<1x16xf32>
      tpu.vector_store %arg9[%swap3A_282, %swap3A_283], %swap3A_286 {strides = array<i32>} : memref<128x128xf32, #tpu.memory_space<vmem>>, vector<1x16xf32>,
      %swap3A_287 = arith.index_cast %scan3A_251 : i32 to index
      %swap3A_288 = arith.constant 112 : index
      %swap3A_289 = tpu.vector_load %arg9[%swap3A_287, %swap3A_288] {strides = array<i32>} : memref<128x128xf32, #tpu.memory_space<vmem>>, vector<1x16xf32>,
      %swap3A_290 = vector.shape_cast %swap3A_289 : vector<1x16xf32> to vector<16xf32>
      %swap3A_291 = vector.shape_cast %broadcast_in_dim3A_87 : vector<16xf32> to vector<1x16xf32>
      tpu.vector_store %arg9[%swap3A_287, %swap3A_288], %swap3A_291 {strides = array<i32>} : memref<128x128xf32, #tpu.memory_space<vmem>>, vector<1x16xf32>,
      %scan3A_292 = arith.constant 0 : i32
      scf.yield %scan3A_292 : i32
    }
    %scan3A_94 = arith.constant 128 : i32
    "tpu.region"() ({
      %run_scoped3A = tpu.sem_alloc : memref<!tpu.dma_semaphore, #tpu.memory_space<semaphore_mem>>
      %dma_start3A_251 = arith.constant 0 : i32
      %dma_start3A_252 = arith.constant 0 : i32
      %dma_start3A_253 = tpu.memref_slice %arg4[%add3A, %dma_start3A_251, %dma_start3A_252] : memref<32x80x128xi32, #tpu.memory_space<hbm>> -> memref<1x40x128xi32, #tpu.memory_space<hbm>>
      %dma_start3A_254 = tpu.memref_squeeze %dma_start3A_253 : memref<1x40x128xi32, #tpu.memory_space<hbm>> -> memref<40x128xi32, #tpu.memory_space<hbm>>
      %dma_start3A_255 = arith.constant 0 : i32
      %dma_start3A_256 = arith.constant 0 : i32
      %dma_start3A_257 = tpu.memref_slice %arg4[%add3A, %dma_start3A_255, %dma_start3A_256] : memref<32x80x128xi32, #tpu.memory_space<hbm>> -> memref<1x40x128xi32, #tpu.memory_space<hbm>>
      %dma_start3A_258 = tpu.memref_squeeze %dma_start3A_257 : memref<1x40x128xi32, #tpu.memory_space<hbm>> -> memref<40x128xi32, #tpu.memory_space<hbm>>
      tpu.enqueue_dma source(%dma_start3A_258 : memref<40x128xi32, #tpu.memory_space<hbm>>) target(%arg8 : memref<40x128xi32, #tpu.memory_space<vmem>>) target_semaphore(%run_scoped3A : memref<!tpu.dma_semaphore, #tpu.memory_space<semaphore_mem>>)
      %dma_wait3A_259 = arith.constant 0 : i32
      %dma_wait3A_260 = arith.constant 0 : i32
      %dma_wait3A_261 = tpu.memref_slice %arg4[%add3A, %dma_wait3A_259, %dma_wait3A_260] : memref<32x80x128xi32, #tpu.memory_space<hbm>> -> memref<1x40x128xi32, #tpu.memory_space<hbm>>
      %dma_wait3A_262 = tpu.memref_squeeze %dma_wait3A_261 : memref<1x40x128xi32, #tpu.memory_space<hbm>> -> memref<40x128xi32, #tpu.memory_space<hbm>>
      %dma_wait3A_263 = arith.constant 0 : i32
      %dma_wait3A_264 = arith.constant 0 : i32
      %dma_wait3A_265 = tpu.memref_slice %arg4[%add3A, %dma_wait3A_263, %dma_wait3A_264] : memref<32x80x128xi32, #tpu.memory_space<hbm>> -> memref<1x40x128xi32, #tpu.memory_space<hbm>>
      %dma_wait3A_266 = tpu.memref_squeeze %dma_wait3A_265 : memref<1x40x128xi32, #tpu.memory_space<hbm>> -> memref<40x128xi32, #tpu.memory_space<hbm>>
      tpu.wait_dma2 semaphore(%run_scoped3A : memref<!tpu.dma_semaphore, #tpu.memory_space<semaphore_mem>>) src(%dma_wait3A_266 : memref<40x128xi32, #tpu.memory_space<hbm>>) dst(%arg8 : memref<40x128xi32, #tpu.memory_space<vmem>>)
      tpu.yield
    }) : () -> ()
    %scan3A_95 = arith.constant 0 : i32
    %scan3A_96 = arith.constant 0 : i32
    %scan3A_97 = arith.constant 40 : i32
    %scan3A_98 = arith.addi %scan3A_96, %scan3A_97 : i32
    %scan3A_99 = arith.constant 1 : i32
    %scan3A_100 = scf.for %scan3A_251 = %scan3A_96 to %scan3A_98 step %scan3A_99 iter_args(%scan3A_252 = %scan3A_95) -> (i32)  : i32 {
      %dma_start3A_253 = arith.constant 0 : i32
      %dma_start3A_254 = tpu.memref_slice %arg8[%scan3A_251, %dma_start3A_253] : memref<40x128xi32, #tpu.memory_space<vmem>> -> memref<1x128xi32, #tpu.memory_space<vmem>>
      %dma_start3A_255 = tpu.memref_squeeze %dma_start3A_254 : memref<1x128xi32, #tpu.memory_space<vmem>> -> memref<128xi32, #tpu.memory_space<vmem>>
      %dma_start3A_256 = arith.constant 0 : i32
      %dma_start3A_257 = arith.constant 0 : i32
      %dma_start3A_258 = tpu.memref_slice %arg11[%dma_start3A_256, %dma_start3A_257] : memref<10240x128xf32, #tpu.memory_space<vmem_shared>> -> memref<10240x128xf32, #tpu.memory_space<vmem_shared>>
      tpu.enqueue_indirect_dma source(%arg9 : memref<128x128xf32, #tpu.memory_space<vmem>>) target(%dma_start3A_258 : memref<10240x128xf32, #tpu.memory_space<vmem_shared>>) offsets(%dma_start3A_255 : memref<128xi32, #tpu.memory_space<vmem>>) semaphore(%arg13 : memref<!tpu.dma_semaphore, #tpu.memory_space<semaphore_mem>>) {add = true}
      %scan3A_259 = arith.constant 0 : i32
      scf.yield %scan3A_259 : i32
    }
    %scan3A_101 = arith.constant 40 : i32
    %scan3A_102 = arith.constant 0 : i32
    %scan3A_103 = arith.constant 0 : i32
    %scan3A_104 = arith.constant 40 : i32
    %scan3A_105 = arith.addi %scan3A_103, %scan3A_104 : i32
    %scan3A_106 = arith.constant 1 : i32
    %scan3A_107 = scf.for %scan3A_251 = %scan3A_103 to %scan3A_105 step %scan3A_106 iter_args(%scan3A_252 = %scan3A_102) -> (i32)  : i32 {
      %dma_wait3A_253 = arith.constant 0 : i32
      %dma_wait3A_254 = tpu.memref_slice %arg8[%scan3A_251, %dma_wait3A_253] : memref<40x128xi32, #tpu.memory_space<vmem>> -> memref<1x128xi32, #tpu.memory_space<vmem>>
      %dma_wait3A_255 = tpu.memref_squeeze %dma_wait3A_254 : memref<1x128xi32, #tpu.memory_space<vmem>> -> memref<128xi32, #tpu.memory_space<vmem>>
      %dma_wait3A_256 = arith.constant 0 : i32
      %dma_wait3A_257 = arith.constant 0 : i32
      %dma_wait3A_258 = tpu.memref_slice %arg11[%dma_wait3A_256, %dma_wait3A_257] : memref<10240x128xf32, #tpu.memory_space<vmem_shared>> -> memref<10240x128xf32, #tpu.memory_space<vmem_shared>>
      tpu.wait_indirect_dma semaphore(%arg13 : memref<!tpu.dma_semaphore, #tpu.memory_space<semaphore_mem>>) src(%arg9 : memref<128x128xf32, #tpu.memory_space<vmem>>) dst(%dma_wait3A_258 : memref<10240x128xf32, #tpu.memory_space<vmem_shared>>)
      %scan3A_259 = arith.constant 0 : i32
      scf.yield %scan3A_259 : i32
    }
    %scan3A_108 = arith.constant 40 : i32
    "tpu.region"() ({
      %run_scoped3A = tpu.sem_alloc : memref<!tpu.dma_semaphore, #tpu.memory_space<semaphore_mem>>
      %dma_start3A_251 = arith.constant 40 : i32
      %dma_start3A_252 = arith.constant 0 : i32
      %dma_start3A_253 = tpu.memref_slice %arg4[%add3A, %dma_start3A_251, %dma_start3A_252] : memref<32x80x128xi32, #tpu.memory_space<hbm>> -> memref<1x40x128xi32, #tpu.memory_space<hbm>>
      %dma_start3A_254 = tpu.memref_squeeze %dma_start3A_253 : memref<1x40x128xi32, #tpu.memory_space<hbm>> -> memref<40x128xi32, #tpu.memory_space<hbm>>
      %dma_start3A_255 = arith.constant 40 : i32
      %dma_start3A_256 = arith.constant 0 : i32
      %dma_start3A_257 = tpu.memref_slice %arg4[%add3A, %dma_start3A_255, %dma_start3A_256] : memref<32x80x128xi32, #tpu.memory_space<hbm>> -> memref<1x40x128xi32, #tpu.memory_space<hbm>>
      %dma_start3A_258 = tpu.memref_squeeze %dma_start3A_257 : memref<1x40x128xi32, #tpu.memory_space<hbm>> -> memref<40x128xi32, #tpu.memory_space<hbm>>
      tpu.enqueue_dma source(%dma_start3A_258 : memref<40x128xi32, #tpu.memory_space<hbm>>) target(%arg8 : memref<40x128xi32, #tpu.memory_space<vmem>>) target_semaphore(%run_scoped3A : memref<!tpu.dma_semaphore, #tpu.memory_space<semaphore_mem>>)
      %dma_wait3A_259 = arith.constant 40 : i32
      %dma_wait3A_260 = arith.constant 0 : i32
      %dma_wait3A_261 = tpu.memref_slice %arg4[%add3A, %dma_wait3A_259, %dma_wait3A_260] : memref<32x80x128xi32, #tpu.memory_space<hbm>> -> memref<1x40x128xi32, #tpu.memory_space<hbm>>
      %dma_wait3A_262 = tpu.memref_squeeze %dma_wait3A_261 : memref<1x40x128xi32, #tpu.memory_space<hbm>> -> memref<40x128xi32, #tpu.memory_space<hbm>>
      %dma_wait3A_263 = arith.constant 40 : i32
      %dma_wait3A_264 = arith.constant 0 : i32
      %dma_wait3A_265 = tpu.memref_slice %arg4[%add3A, %dma_wait3A_263, %dma_wait3A_264] : memref<32x80x128xi32, #tpu.memory_space<hbm>> -> memref<1x40x128xi32, #tpu.memory_space<hbm>>
      %dma_wait3A_266 = tpu.memref_squeeze %dma_wait3A_265 : memref<1x40x128xi32, #tpu.memory_space<hbm>> -> memref<40x128xi32, #tpu.memory_space<hbm>>
      tpu.wait_dma2 semaphore(%run_scoped3A : memref<!tpu.dma_semaphore, #tpu.memory_space<semaphore_mem>>) src(%dma_wait3A_266 : memref<40x128xi32, #tpu.memory_space<hbm>>) dst(%arg8 : memref<40x128xi32, #tpu.memory_space<vmem>>)
      tpu.yield
    }) : () -> ()
    %scan3A_109 = arith.constant 0 : i32
    %scan3A_110 = arith.constant 0 : i32
    %scan3A_111 = arith.constant 40 : i32
    %scan3A_112 = arith.addi %scan3A_110, %scan3A_111 : i32
    %scan3A_113 = arith.constant 1 : i32
    %scan3A_114 = scf.for %scan3A_251 = %scan3A_110 to %scan3A_112 step %scan3A_113 iter_args(%scan3A_252 = %scan3A_109) -> (i32)  : i32 {
      %dma_start3A_253 = arith.constant 0 : i32
      %dma_start3A_254 = tpu.memref_slice %arg8[%scan3A_251, %dma_start3A_253] : memref<40x128xi32, #tpu.memory_space<vmem>> -> memref<1x128xi32, #tpu.memory_space<vmem>>
      %dma_start3A_255 = tpu.memref_squeeze %dma_start3A_254 : memref<1x128xi32, #tpu.memory_space<vmem>> -> memref<128xi32, #tpu.memory_space<vmem>>
      %dma_start3A_256 = arith.constant 0 : i32
      %dma_start3A_257 = arith.constant 0 : i32
      %dma_start3A_258 = tpu.memref_slice %arg11[%dma_start3A_256, %dma_start3A_257] : memref<10240x128xf32, #tpu.memory_space<vmem_shared>> -> memref<10240x128xf32, #tpu.memory_space<vmem_shared>>
      tpu.enqueue_indirect_dma source(%arg9 : memref<128x128xf32, #tpu.memory_space<vmem>>) target(%dma_start3A_258 : memref<10240x128xf32, #tpu.memory_space<vmem_shared>>) offsets(%dma_start3A_255 : memref<128xi32, #tpu.memory_space<vmem>>) semaphore(%arg13 : memref<!tpu.dma_semaphore, #tpu.memory_space<semaphore_mem>>) {add = true}
      %scan3A_259 = arith.constant 0 : i32
      scf.yield %scan3A_259 : i32
    }
    %scan3A_115 = arith.constant 40 : i32
    %scan3A_116 = arith.constant 0 : i32
    %scan3A_117 = arith.constant 0 : i32
    %scan3A_118 = arith.constant 40 : i32
    %scan3A_119 = arith.addi %scan3A_117, %scan3A_118 : i32
    %scan3A_120 = arith.constant 1 : i32
    %scan3A_121 = scf.for %scan3A_251 = %scan3A_117 to %scan3A_119 step %scan3A_120 iter_args(%scan3A_252 = %scan3A_116) -> (i32)  : i32 {
      %dma_wait3A_253 = arith.constant 0 : i32
      %dma_wait3A_254 = tpu.memref_slice %arg8[%scan3A_251, %dma_wait3A_253] : memref<40x128xi32, #tpu.memory_space<vmem>> -> memref<1x128xi32, #tpu.memory_space<vmem>>
      %dma_wait3A_255 = tpu.memref_squeeze %dma_wait3A_254 : memref<1x128xi32, #tpu.memory_space<vmem>> -> memref<128xi32, #tpu.memory_space<vmem>>
      %dma_wait3A_256 = arith.constant 0 : i32
      %dma_wait3A_257 = arith.constant 0 : i32
      %dma_wait3A_258 = tpu.memref_slice %arg11[%dma_wait3A_256, %dma_wait3A_257] : memref<10240x128xf32, #tpu.memory_space<vmem_shared>> -> memref<10240x128xf32, #tpu.memory_space<vmem_shared>>
      tpu.wait_indirect_dma semaphore(%arg13 : memref<!tpu.dma_semaphore, #tpu.memory_space<semaphore_mem>>) src(%arg9 : memref<128x128xf32, #tpu.memory_space<vmem>>) dst(%dma_wait3A_258 : memref<10240x128xf32, #tpu.memory_space<vmem_shared>>)
      %scan3A_259 = arith.constant 0 : i32
      scf.yield %scan3A_259 : i32
    }
    %scan3A_122 = arith.constant 40 : i32
    %barrier3A_123 = arith.constant 0 : index
    tpu.barrier barrier_id(%barrier3A_123)
    %mul3A_124 = arith.constant 640 : i32
    %mul3A_125 = arith.muli %arg1, %mul3A_124 : i32
    %mul3A_126 = arith.constant 640 : i32
    %mul3A_127 = arith.muli %arg1, %mul3A_126 : i32
    "tpu.region"() ({
      %run_scoped3A = tpu.sem_alloc : memref<!tpu.dma_semaphore, #tpu.memory_space<semaphore_mem>>
      %dma_start3A_251 = arith.constant 0 : i32
      %dma_start3A_252 = tpu.memref_slice %arg6[%arg0, %mul3A_127, %dma_start3A_251] : memref<2x10240x128xf32, #tpu.memory_space<hbm>> -> memref<1x640x128xf32, #tpu.memory_space<hbm>>
      %dma_start3A_253 = tpu.memref_squeeze %dma_start3A_252 : memref<1x640x128xf32, #tpu.memory_space<hbm>> -> memref<640x128xf32, #tpu.memory_space<hbm>>
      %dma_start3A_254 = arith.constant 0 : i32
      %dma_start3A_255 = tpu.memref_slice %arg11[%mul3A_125, %dma_start3A_254] : memref<10240x128xf32, #tpu.memory_space<vmem_shared>> -> memref<640x128xf32, #tpu.memory_space<vmem_shared>>
      tpu.enqueue_dma source(%dma_start3A_255 : memref<640x128xf32, #tpu.memory_space<vmem_shared>>) target(%dma_start3A_253 : memref<640x128xf32, #tpu.memory_space<hbm>>) target_semaphore(%run_scoped3A : memref<!tpu.dma_semaphore, #tpu.memory_space<semaphore_mem>>)
      %dma_wait3A_256 = arith.constant 0 : i32
      %dma_wait3A_257 = tpu.memref_slice %arg6[%arg0, %mul3A_127, %dma_wait3A_256] : memref<2x10240x128xf32, #tpu.memory_space<hbm>> -> memref<1x640x128xf32, #tpu.memory_space<hbm>>
      %dma_wait3A_258 = tpu.memref_squeeze %dma_wait3A_257 : memref<1x640x128xf32, #tpu.memory_space<hbm>> -> memref<640x128xf32, #tpu.memory_space<hbm>>
      %dma_wait3A_259 = arith.constant 0 : i32
      %dma_wait3A_260 = tpu.memref_slice %arg11[%mul3A_125, %dma_wait3A_259] : memref<10240x128xf32, #tpu.memory_space<vmem_shared>> -> memref<640x128xf32, #tpu.memory_space<vmem_shared>>
      tpu.wait_dma2 semaphore(%run_scoped3A : memref<!tpu.dma_semaphore, #tpu.memory_space<semaphore_mem>>) src(%dma_wait3A_260 : memref<640x128xf32, #tpu.memory_space<vmem_shared>>) dst(%dma_wait3A_258 : memref<640x128xf32, #tpu.memory_space<hbm>>)
      tpu.yield
    }) : () -> ()
    %broadcast_in_dim3A_128 = arith.constant 0.000000e+00 : f32
    %broadcast_in_dim3A_129 = vector.broadcast %broadcast_in_dim3A_128 : f32 to vector<16xf32>
    %scan3A_130 = arith.constant 0 : i32
    %scan3A_131 = arith.constant 0 : i32
    %scan3A_132 = arith.constant 128 : i32
    %scan3A_133 = arith.addi %scan3A_131, %scan3A_132 : i32
    %scan3A_134 = arith.constant 1 : i32
    %scan3A_135 = scf.for %scan3A_251 = %scan3A_131 to %scan3A_133 step %scan3A_134 iter_args(%scan3A_252 = %scan3A_130) -> (i32)  : i32 {
      %swap3A = arith.index_cast %scan3A_251 : i32 to index
      %swap3A_253 = arith.constant 0 : index
      %swap3A_254 = tpu.vector_load %arg9[%swap3A, %swap3A_253] {strides = array<i32>} : memref<128x128xf32, #tpu.memory_space<vmem>>, vector<1x16xf32>,
      %swap3A_255 = vector.shape_cast %swap3A_254 : vector<1x16xf32> to vector<16xf32>
      %swap3A_256 = vector.shape_cast %broadcast_in_dim3A_129 : vector<16xf32> to vector<1x16xf32>
      tpu.vector_store %arg9[%swap3A, %swap3A_253], %swap3A_256 {strides = array<i32>} : memref<128x128xf32, #tpu.memory_space<vmem>>, vector<1x16xf32>,
      %swap3A_257 = arith.index_cast %scan3A_251 : i32 to index
      %swap3A_258 = arith.constant 16 : index
      %swap3A_259 = tpu.vector_load %arg9[%swap3A_257, %swap3A_258] {strides = array<i32>} : memref<128x128xf32, #tpu.memory_space<vmem>>, vector<1x16xf32>,
      %swap3A_260 = vector.shape_cast %swap3A_259 : vector<1x16xf32> to vector<16xf32>
      %swap3A_261 = vector.shape_cast %broadcast_in_dim3A_129 : vector<16xf32> to vector<1x16xf32>
      tpu.vector_store %arg9[%swap3A_257, %swap3A_258], %swap3A_261 {strides = array<i32>} : memref<128x128xf32, #tpu.memory_space<vmem>>, vector<1x16xf32>,
      %swap3A_262 = arith.index_cast %scan3A_251 : i32 to index
      %swap3A_263 = arith.constant 32 : index
      %swap3A_264 = tpu.vector_load %arg9[%swap3A_262, %swap3A_263] {strides = array<i32>} : memref<128x128xf32, #tpu.memory_space<vmem>>, vector<1x16xf32>,
      %swap3A_265 = vector.shape_cast %swap3A_264 : vector<1x16xf32> to vector<16xf32>
      %swap3A_266 = vector.shape_cast %broadcast_in_dim3A_129 : vector<16xf32> to vector<1x16xf32>
      tpu.vector_store %arg9[%swap3A_262, %swap3A_263], %swap3A_266 {strides = array<i32>} : memref<128x128xf32, #tpu.memory_space<vmem>>, vector<1x16xf32>,
      %swap3A_267 = arith.index_cast %scan3A_251 : i32 to index
      %swap3A_268 = arith.constant 48 : index
      %swap3A_269 = tpu.vector_load %arg9[%swap3A_267, %swap3A_268] {strides = array<i32>} : memref<128x128xf32, #tpu.memory_space<vmem>>, vector<1x16xf32>,
      %swap3A_270 = vector.shape_cast %swap3A_269 : vector<1x16xf32> to vector<16xf32>
      %swap3A_271 = vector.shape_cast %broadcast_in_dim3A_129 : vector<16xf32> to vector<1x16xf32>
      tpu.vector_store %arg9[%swap3A_267, %swap3A_268], %swap3A_271 {strides = array<i32>} : memref<128x128xf32, #tpu.memory_space<vmem>>, vector<1x16xf32>,
      %swap3A_272 = arith.index_cast %scan3A_251 : i32 to index
      %swap3A_273 = arith.constant 64 : index
      %swap3A_274 = tpu.vector_load %arg9[%swap3A_272, %swap3A_273] {strides = array<i32>} : memref<128x128xf32, #tpu.memory_space<vmem>>, vector<1x16xf32>,
      %swap3A_275 = vector.shape_cast %swap3A_274 : vector<1x16xf32> to vector<16xf32>
      %swap3A_276 = vector.shape_cast %broadcast_in_dim3A_129 : vector<16xf32> to vector<1x16xf32>
      tpu.vector_store %arg9[%swap3A_272, %swap3A_273], %swap3A_276 {strides = array<i32>} : memref<128x128xf32, #tpu.memory_space<vmem>>, vector<1x16xf32>,
      %swap3A_277 = arith.index_cast %scan3A_251 : i32 to index
      %swap3A_278 = arith.constant 80 : index
      %swap3A_279 = tpu.vector_load %arg9[%swap3A_277, %swap3A_278] {strides = array<i32>} : memref<128x128xf32, #tpu.memory_space<vmem>>, vector<1x16xf32>,
      %swap3A_280 = vector.shape_cast %swap3A_279 : vector<1x16xf32> to vector<16xf32>
      %swap3A_281 = vector.shape_cast %broadcast_in_dim3A_129 : vector<16xf32> to vector<1x16xf32>
      tpu.vector_store %arg9[%swap3A_277, %swap3A_278], %swap3A_281 {strides = array<i32>} : memref<128x128xf32, #tpu.memory_space<vmem>>, vector<1x16xf32>,
      %swap3A_282 = arith.index_cast %scan3A_251 : i32 to index
      %swap3A_283 = arith.constant 96 : index
      %swap3A_284 = tpu.vector_load %arg9[%swap3A_282, %swap3A_283] {strides = array<i32>} : memref<128x128xf32, #tpu.memory_space<vmem>>, vector<1x16xf32>,
      %swap3A_285 = vector.shape_cast %swap3A_284 : vector<1x16xf32> to vector<16xf32>
      %swap3A_286 = vector.shape_cast %broadcast_in_dim3A_129 : vector<16xf32> to vector<1x16xf32>
      tpu.vector_store %arg9[%swap3A_282, %swap3A_283], %swap3A_286 {strides = array<i32>} : memref<128x128xf32, #tpu.memory_space<vmem>>, vector<1x16xf32>,
      %swap3A_287 = arith.index_cast %scan3A_251 : i32 to index
      %swap3A_288 = arith.constant 112 : index
      %swap3A_289 = tpu.vector_load %arg9[%swap3A_287, %swap3A_288] {strides = array<i32>} : memref<128x128xf32, #tpu.memory_space<vmem>>, vector<1x16xf32>,
      %swap3A_290 = vector.shape_cast %swap3A_289 : vector<1x16xf32> to vector<16xf32>
      %swap3A_291 = vector.shape_cast %broadcast_in_dim3A_129 : vector<16xf32> to vector<1x16xf32>
      tpu.vector_store %arg9[%swap3A_287, %swap3A_288], %swap3A_291 {strides = array<i32>} : memref<128x128xf32, #tpu.memory_space<vmem>>, vector<1x16xf32>,
      %scan3A_292 = arith.constant 0 : i32
      scf.yield %scan3A_292 : i32
    }
    %scan3A_136 = arith.constant 128 : i32
    %mul3A_137 = arith.constant 640 : i32
    %mul3A_138 = arith.muli %arg1, %mul3A_137 : i32
    %add3A_139 = arith.constant 0 : i32
    %add3A_140 = arith.addi %mul3A_138, %add3A_139 : i32
    %dma_start3A_141 = arith.constant 0 : i32
    %dma_start3A_142 = tpu.memref_slice %arg11[%add3A_140, %dma_start3A_141] : memref<10240x128xf32, #tpu.memory_space<vmem_shared>> -> memref<128x128xf32, #tpu.memory_space<vmem_shared>>
    %dma_start3A_143 = arith.constant 0 : i32
    %dma_start3A_144 = tpu.memref_slice %arg11[%add3A_140, %dma_start3A_143] : memref<10240x128xf32, #tpu.memory_space<vmem_shared>> -> memref<128x128xf32, #tpu.memory_space<vmem_shared>>
    tpu.enqueue_dma source(%arg9 : memref<128x128xf32, #tpu.memory_space<vmem>>) target(%dma_start3A_144 : memref<128x128xf32, #tpu.memory_space<vmem_shared>>) target_semaphore(%arg13 : memref<!tpu.dma_semaphore, #tpu.memory_space<semaphore_mem>>)
    %mul3A_145 = arith.constant 640 : i32
    %mul3A_146 = arith.muli %arg1, %mul3A_145 : i32
    %add3A_147 = arith.constant 128 : i32
    %add3A_148 = arith.addi %mul3A_146, %add3A_147 : i32
    %dma_start3A_149 = arith.constant 0 : i32
    %dma_start3A_150 = tpu.memref_slice %arg11[%add3A_148, %dma_start3A_149] : memref<10240x128xf32, #tpu.memory_space<vmem_shared>> -> memref<128x128xf32, #tpu.memory_space<vmem_shared>>
    %dma_start3A_151 = arith.constant 0 : i32
    %dma_start3A_152 = tpu.memref_slice %arg11[%add3A_148, %dma_start3A_151] : memref<10240x128xf32, #tpu.memory_space<vmem_shared>> -> memref<128x128xf32, #tpu.memory_space<vmem_shared>>
    tpu.enqueue_dma source(%arg9 : memref<128x128xf32, #tpu.memory_space<vmem>>) target(%dma_start3A_152 : memref<128x128xf32, #tpu.memory_space<vmem_shared>>) target_semaphore(%arg13 : memref<!tpu.dma_semaphore, #tpu.memory_space<semaphore_mem>>)
    %mul3A_153 = arith.constant 640 : i32
    %mul3A_154 = arith.muli %arg1, %mul3A_153 : i32
    %add3A_155 = arith.constant 256 : i32
    %add3A_156 = arith.addi %mul3A_154, %add3A_155 : i32
    %dma_start3A_157 = arith.constant 0 : i32
    %dma_start3A_158 = tpu.memref_slice %arg11[%add3A_156, %dma_start3A_157] : memref<10240x128xf32, #tpu.memory_space<vmem_shared>> -> memref<128x128xf32, #tpu.memory_space<vmem_shared>>
    %dma_start3A_159 = arith.constant 0 : i32
    %dma_start3A_160 = tpu.memref_slice %arg11[%add3A_156, %dma_start3A_159] : memref<10240x128xf32, #tpu.memory_space<vmem_shared>> -> memref<128x128xf32, #tpu.memory_space<vmem_shared>>
    tpu.enqueue_dma source(%arg9 : memref<128x128xf32, #tpu.memory_space<vmem>>) target(%dma_start3A_160 : memref<128x128xf32, #tpu.memory_space<vmem_shared>>) target_semaphore(%arg13 : memref<!tpu.dma_semaphore, #tpu.memory_space<semaphore_mem>>)
    %mul3A_161 = arith.constant 640 : i32
    %mul3A_162 = arith.muli %arg1, %mul3A_161 : i32
    %add3A_163 = arith.constant 384 : i32
    %add3A_164 = arith.addi %mul3A_162, %add3A_163 : i32
    %dma_start3A_165 = arith.constant 0 : i32
    %dma_start3A_166 = tpu.memref_slice %arg11[%add3A_164, %dma_start3A_165] : memref<10240x128xf32, #tpu.memory_space<vmem_shared>> -> memref<128x128xf32, #tpu.memory_space<vmem_shared>>
    %dma_start3A_167 = arith.constant 0 : i32
    %dma_start3A_168 = tpu.memref_slice %arg11[%add3A_164, %dma_start3A_167] : memref<10240x128xf32, #tpu.memory_space<vmem_shared>> -> memref<128x128xf32, #tpu.memory_space<vmem_shared>>
    tpu.enqueue_dma source(%arg9 : memref<128x128xf32, #tpu.memory_space<vmem>>) target(%dma_start3A_168 : memref<128x128xf32, #tpu.memory_space<vmem_shared>>) target_semaphore(%arg13 : memref<!tpu.dma_semaphore, #tpu.memory_space<semaphore_mem>>)
    %mul3A_169 = arith.constant 640 : i32
    %mul3A_170 = arith.muli %arg1, %mul3A_169 : i32
    %add3A_171 = arith.constant 512 : i32
    %add3A_172 = arith.addi %mul3A_170, %add3A_171 : i32
    %dma_start3A_173 = arith.constant 0 : i32
    %dma_start3A_174 = tpu.memref_slice %arg11[%add3A_172, %dma_start3A_173] : memref<10240x128xf32, #tpu.memory_space<vmem_shared>> -> memref<128x128xf32, #tpu.memory_space<vmem_shared>>
    %dma_start3A_175 = arith.constant 0 : i32
    %dma_start3A_176 = tpu.memref_slice %arg11[%add3A_172, %dma_start3A_175] : memref<10240x128xf32, #tpu.memory_space<vmem_shared>> -> memref<128x128xf32, #tpu.memory_space<vmem_shared>>
    tpu.enqueue_dma source(%arg9 : memref<128x128xf32, #tpu.memory_space<vmem>>) target(%dma_start3A_176 : memref<128x128xf32, #tpu.memory_space<vmem_shared>>) target_semaphore(%arg13 : memref<!tpu.dma_semaphore, #tpu.memory_space<semaphore_mem>>)
    %mul3A_177 = arith.constant 640 : i32
    %mul3A_178 = arith.muli %arg1, %mul3A_177 : i32
    %add3A_179 = arith.constant 0 : i32
    %add3A_180 = arith.addi %mul3A_178, %add3A_179 : i32
    %dma_wait3A_181 = arith.constant 0 : i32
    %dma_wait3A_182 = tpu.memref_slice %arg11[%add3A_180, %dma_wait3A_181] : memref<10240x128xf32, #tpu.memory_space<vmem_shared>> -> memref<128x128xf32, #tpu.memory_space<vmem_shared>>
    %dma_wait3A_183 = arith.constant 0 : i32
    %dma_wait3A_184 = tpu.memref_slice %arg11[%add3A_180, %dma_wait3A_183] : memref<10240x128xf32, #tpu.memory_space<vmem_shared>> -> memref<128x128xf32, #tpu.memory_space<vmem_shared>>
    tpu.wait_dma2 semaphore(%arg13 : memref<!tpu.dma_semaphore, #tpu.memory_space<semaphore_mem>>) src(%arg9 : memref<128x128xf32, #tpu.memory_space<vmem>>) dst(%dma_wait3A_184 : memref<128x128xf32, #tpu.memory_space<vmem_shared>>)
    %mul3A_185 = arith.constant 640 : i32
    %mul3A_186 = arith.muli %arg1, %mul3A_185 : i32
    %add3A_187 = arith.constant 128 : i32
    %add3A_188 = arith.addi %mul3A_186, %add3A_187 : i32
    %dma_wait3A_189 = arith.constant 0 : i32
    %dma_wait3A_190 = tpu.memref_slice %arg11[%add3A_188, %dma_wait3A_189] : memref<10240x128xf32, #tpu.memory_space<vmem_shared>> -> memref<128x128xf32, #tpu.memory_space<vmem_shared>>
    %dma_wait3A_191 = arith.constant 0 : i32
    %dma_wait3A_192 = tpu.memref_slice %arg11[%add3A_188, %dma_wait3A_191] : memref<10240x128xf32, #tpu.memory_space<vmem_shared>> -> memref<128x128xf32, #tpu.memory_space<vmem_shared>>
    tpu.wait_dma2 semaphore(%arg13 : memref<!tpu.dma_semaphore, #tpu.memory_space<semaphore_mem>>) src(%arg9 : memref<128x128xf32, #tpu.memory_space<vmem>>) dst(%dma_wait3A_192 : memref<128x128xf32, #tpu.memory_space<vmem_shared>>)
    %mul3A_193 = arith.constant 640 : i32
    %mul3A_194 = arith.muli %arg1, %mul3A_193 : i32
    %add3A_195 = arith.constant 256 : i32
    %add3A_196 = arith.addi %mul3A_194, %add3A_195 : i32
    %dma_wait3A_197 = arith.constant 0 : i32
    %dma_wait3A_198 = tpu.memref_slice %arg11[%add3A_196, %dma_wait3A_197] : memref<10240x128xf32, #tpu.memory_space<vmem_shared>> -> memref<128x128xf32, #tpu.memory_space<vmem_shared>>
    %dma_wait3A_199 = arith.constant 0 : i32
    %dma_wait3A_200 = tpu.memref_slice %arg11[%add3A_196, %dma_wait3A_199] : memref<10240x128xf32, #tpu.memory_space<vmem_shared>> -> memref<128x128xf32, #tpu.memory_space<vmem_shared>>
    tpu.wait_dma2 semaphore(%arg13 : memref<!tpu.dma_semaphore, #tpu.memory_space<semaphore_mem>>) src(%arg9 : memref<128x128xf32, #tpu.memory_space<vmem>>) dst(%dma_wait3A_200 : memref<128x128xf32, #tpu.memory_space<vmem_shared>>)
    %mul3A_201 = arith.constant 640 : i32
    %mul3A_202 = arith.muli %arg1, %mul3A_201 : i32
    %add3A_203 = arith.constant 384 : i32
    %add3A_204 = arith.addi %mul3A_202, %add3A_203 : i32
    %dma_wait3A_205 = arith.constant 0 : i32
    %dma_wait3A_206 = tpu.memref_slice %arg11[%add3A_204, %dma_wait3A_205] : memref<10240x128xf32, #tpu.memory_space<vmem_shared>> -> memref<128x128xf32, #tpu.memory_space<vmem_shared>>
    %dma_wait3A_207 = arith.constant 0 : i32
    %dma_wait3A_208 = tpu.memref_slice %arg11[%add3A_204, %dma_wait3A_207] : memref<10240x128xf32, #tpu.memory_space<vmem_shared>> -> memref<128x128xf32, #tpu.memory_space<vmem_shared>>
    tpu.wait_dma2 semaphore(%arg13 : memref<!tpu.dma_semaphore, #tpu.memory_space<semaphore_mem>>) src(%arg9 : memref<128x128xf32, #tpu.memory_space<vmem>>) dst(%dma_wait3A_208 : memref<128x128xf32, #tpu.memory_space<vmem_shared>>)
    %mul3A_209 = arith.constant 640 : i32
    %mul3A_210 = arith.muli %arg1, %mul3A_209 : i32
    %add3A_211 = arith.constant 512 : i32
    %add3A_212 = arith.addi %mul3A_210, %add3A_211 : i32
    %dma_wait3A_213 = arith.constant 0 : i32
    %dma_wait3A_214 = tpu.memref_slice %arg11[%add3A_212, %dma_wait3A_213] : memref<10240x128xf32, #tpu.memory_space<vmem_shared>> -> memref<128x128xf32, #tpu.memory_space<vmem_shared>>
    %dma_wait3A_215 = arith.constant 0 : i32
    %dma_wait3A_216 = tpu.memref_slice %arg11[%add3A_212, %dma_wait3A_215] : memref<10240x128xf32, #tpu.memory_space<vmem_shared>> -> memref<128x128xf32, #tpu.memory_space<vmem_shared>>
    tpu.wait_dma2 semaphore(%arg13 : memref<!tpu.dma_semaphore, #tpu.memory_space<semaphore_mem>>) src(%arg9 : memref<128x128xf32, #tpu.memory_space<vmem>>) dst(%dma_wait3A_216 : memref<128x128xf32, #tpu.memory_space<vmem_shared>>)
    %barrier3A_217 = arith.constant 0 : index
    tpu.barrier barrier_id(%barrier3A_217)
    "tpu.region"() ({
      %run_scoped3A = tpu.sem_alloc : memref<!tpu.dma_semaphore, #tpu.memory_space<semaphore_mem>>
      %dma_start3A_251 = arith.constant 0 : i32
      %dma_start3A_252 = arith.constant 0 : i32
      %dma_start3A_253 = tpu.memref_slice %arg3[%add3A, %dma_start3A_251, %dma_start3A_252] : memref<32x80x128xi32, #tpu.memory_space<hbm>> -> memref<1x40x128xi32, #tpu.memory_space<hbm>>
      %dma_start3A_254 = tpu.memref_squeeze %dma_start3A_253 : memref<1x40x128xi32, #tpu.memory_space<hbm>> -> memref<40x128xi32, #tpu.memory_space<hbm>>
      %dma_start3A_255 = arith.constant 0 : i32
      %dma_start3A_256 = arith.constant 0 : i32
      %dma_start3A_257 = tpu.memref_slice %arg3[%add3A, %dma_start3A_255, %dma_start3A_256] : memref<32x80x128xi32, #tpu.memory_space<hbm>> -> memref<1x40x128xi32, #tpu.memory_space<hbm>>
      %dma_start3A_258 = tpu.memref_squeeze %dma_start3A_257 : memref<1x40x128xi32, #tpu.memory_space<hbm>> -> memref<40x128xi32, #tpu.memory_space<hbm>>
      tpu.enqueue_dma source(%dma_start3A_258 : memref<40x128xi32, #tpu.memory_space<hbm>>) target(%arg7 : memref<40x128xi32, #tpu.memory_space<vmem>>) target_semaphore(%run_scoped3A : memref<!tpu.dma_semaphore, #tpu.memory_space<semaphore_mem>>)
      %dma_wait3A_259 = arith.constant 0 : i32
      %dma_wait3A_260 = arith.constant 0 : i32
      %dma_wait3A_261 = tpu.memref_slice %arg3[%add3A, %dma_wait3A_259, %dma_wait3A_260] : memref<32x80x128xi32, #tpu.memory_space<hbm>> -> memref<1x40x128xi32, #tpu.memory_space<hbm>>
      %dma_wait3A_262 = tpu.memref_squeeze %dma_wait3A_261 : memref<1x40x128xi32, #tpu.memory_space<hbm>> -> memref<40x128xi32, #tpu.memory_space<hbm>>
      %dma_wait3A_263 = arith.constant 0 : i32
      %dma_wait3A_264 = arith.constant 0 : i32
      %dma_wait3A_265 = tpu.memref_slice %arg3[%add3A, %dma_wait3A_263, %dma_wait3A_264] : memref<32x80x128xi32, #tpu.memory_space<hbm>> -> memref<1x40x128xi32, #tpu.memory_space<hbm>>
      %dma_wait3A_266 = tpu.memref_squeeze %dma_wait3A_265 : memref<1x40x128xi32, #tpu.memory_space<hbm>> -> memref<40x128xi32, #tpu.memory_space<hbm>>
      tpu.wait_dma2 semaphore(%run_scoped3A : memref<!tpu.dma_semaphore, #tpu.memory_space<semaphore_mem>>) src(%dma_wait3A_266 : memref<40x128xi32, #tpu.memory_space<hbm>>) dst(%arg7 : memref<40x128xi32, #tpu.memory_space<vmem>>)
      tpu.yield
    }) : () -> ()
    "tpu.region"() ({
      %run_scoped3A = tpu.sem_alloc : memref<!tpu.dma_semaphore, #tpu.memory_space<semaphore_mem>>
      %dma_start3A_251 = arith.constant 0 : i32
      %dma_start3A_252 = arith.constant 0 : i32
      %dma_start3A_253 = tpu.memref_slice %arg4[%add3A, %dma_start3A_251, %dma_start3A_252] : memref<32x80x128xi32, #tpu.memory_space<hbm>> -> memref<1x40x128xi32, #tpu.memory_space<hbm>>
      %dma_start3A_254 = tpu.memref_squeeze %dma_start3A_253 : memref<1x40x128xi32, #tpu.memory_space<hbm>> -> memref<40x128xi32, #tpu.memory_space<hbm>>
      %dma_start3A_255 = arith.constant 0 : i32
      %dma_start3A_256 = arith.constant 0 : i32
      %dma_start3A_257 = tpu.memref_slice %arg4[%add3A, %dma_start3A_255, %dma_start3A_256] : memref<32x80x128xi32, #tpu.memory_space<hbm>> -> memref<1x40x128xi32, #tpu.memory_space<hbm>>
      %dma_start3A_258 = tpu.memref_squeeze %dma_start3A_257 : memref<1x40x128xi32, #tpu.memory_space<hbm>> -> memref<40x128xi32, #tpu.memory_space<hbm>>
      tpu.enqueue_dma source(%dma_start3A_258 : memref<40x128xi32, #tpu.memory_space<hbm>>) target(%arg8 : memref<40x128xi32, #tpu.memory_space<vmem>>) target_semaphore(%run_scoped3A : memref<!tpu.dma_semaphore, #tpu.memory_space<semaphore_mem>>)
      %dma_wait3A_259 = arith.constant 0 : i32
      %dma_wait3A_260 = arith.constant 0 : i32
      %dma_wait3A_261 = tpu.memref_slice %arg4[%add3A, %dma_wait3A_259, %dma_wait3A_260] : memref<32x80x128xi32, #tpu.memory_space<hbm>> -> memref<1x40x128xi32, #tpu.memory_space<hbm>>
      %dma_wait3A_262 = tpu.memref_squeeze %dma_wait3A_261 : memref<1x40x128xi32, #tpu.memory_space<hbm>> -> memref<40x128xi32, #tpu.memory_space<hbm>>
      %dma_wait3A_263 = arith.constant 0 : i32
      %dma_wait3A_264 = arith.constant 0 : i32
      %dma_wait3A_265 = tpu.memref_slice %arg4[%add3A, %dma_wait3A_263, %dma_wait3A_264] : memref<32x80x128xi32, #tpu.memory_space<hbm>> -> memref<1x40x128xi32, #tpu.memory_space<hbm>>
      %dma_wait3A_266 = tpu.memref_squeeze %dma_wait3A_265 : memref<1x40x128xi32, #tpu.memory_space<hbm>> -> memref<40x128xi32, #tpu.memory_space<hbm>>
      tpu.wait_dma2 semaphore(%run_scoped3A : memref<!tpu.dma_semaphore, #tpu.memory_space<semaphore_mem>>) src(%dma_wait3A_266 : memref<40x128xi32, #tpu.memory_space<hbm>>) dst(%arg8 : memref<40x128xi32, #tpu.memory_space<vmem>>)
      tpu.yield
    }) : () -> ()
    %dma_start3A_218 = arith.constant 0 : i32
    %dma_start3A_219 = arith.constant 0 : i32
    %dma_start3A_220 = tpu.memref_slice %arg7[%dma_start3A_218, %dma_start3A_219] : memref<40x128xi32, #tpu.memory_space<vmem>> -> memref<1x128xi32, #tpu.memory_space<vmem>>
    %dma_start3A_221 = tpu.memref_squeeze %dma_start3A_220 : memref<1x128xi32, #tpu.memory_space<vmem>> -> memref<128xi32, #tpu.memory_space<vmem>>
    %dma_start3A_222 = arith.constant 0 : i32
    %dma_start3A_223 = arith.constant 0 : i32
    %dma_start3A_224 = tpu.memref_slice %arg2[%dma_start3A_222, %dma_start3A_223] : memref<10000x128xf32, #tpu.memory_space<hbm>> -> memref<10000x128xf32, #tpu.memory_space<hbm>>
    tpu.enqueue_indirect_dma source(%dma_start3A_224 : memref<10000x128xf32, #tpu.memory_space<hbm>>) target(%arg9 : memref<128x128xf32, #tpu.memory_space<vmem>>) offsets(%dma_start3A_221 : memref<128xi32, #tpu.memory_space<vmem>>) semaphore(%arg12 : memref<!tpu.dma_semaphore, #tpu.memory_space<semaphore_mem>>)
    %scan3A_225 = arith.constant 0 : i32
    %scan3A_226 = arith.constant 0 : i32
    %scan3A_227 = arith.constant 20 : i32
    %scan3A_228 = arith.addi %scan3A_226, %scan3A_227 : i32
    %scan3A_229 = arith.constant 1 : i32
    %scan3A_230 = scf.for %scan3A_251 = %scan3A_226 to %scan3A_228 step %scan3A_229 iter_args(%scan3A_252 = %scan3A_225) -> (i32)  : i32 {
      %mul3A_253 = arith.constant 2 : i32
      %mul3A_254 = arith.muli %mul3A_253, %scan3A_251 : i32
      %add3A_255 = arith.constant 1 : i32
      %add3A_256 = arith.addi %mul3A_254, %add3A_255 : i32
      %dma_start3A_257 = arith.constant 0 : i32
      %dma_start3A_258 = tpu.memref_slice %arg7[%add3A_256, %dma_start3A_257] : memref<40x128xi32, #tpu.memory_space<vmem>> -> memref<1x128xi32, #tpu.memory_space<vmem>>
      %dma_start3A_259 = tpu.memref_squeeze %dma_start3A_258 : memref<1x128xi32, #tpu.memory_space<vmem>> -> memref<128xi32, #tpu.memory_space<vmem>>
      %dma_start3A_260 = arith.constant 0 : i32
      %dma_start3A_261 = arith.constant 0 : i32
      %dma_start3A_262 = tpu.memref_slice %arg2[%dma_start3A_260, %dma_start3A_261] : memref<10000x128xf32, #tpu.memory_space<hbm>> -> memref<10000x128xf32, #tpu.memory_space<hbm>>
      tpu.enqueue_indirect_dma source(%dma_start3A_262 : memref<10000x128xf32, #tpu.memory_space<hbm>>) target(%arg10 : memref<128x128xf32, #tpu.memory_space<vmem>>) offsets(%dma_start3A_259 : memref<128xi32, #tpu.memory_space<vmem>>) semaphore(%arg13 : memref<!tpu.dma_semaphore, #tpu.memory_space<semaphore_mem>>)
      %dma_wait3A_263 = arith.constant 0 : i32
      %dma_wait3A_264 = tpu.memref_slice %arg7[%mul3A_254, %dma_wait3A_263] : memref<40x128xi32, #tpu.memory_space<vmem>> -> memref<1x128xi32, #tpu.memory_space<vmem>>
      %dma_wait3A_265 = tpu.memref_squeeze %dma_wait3A_264 : memref<1x128xi32, #tpu.memory_space<vmem>> -> memref<128xi32, #tpu.memory_space<vmem>>
      %dma_wait3A_266 = arith.constant 0 : i32
      %dma_wait3A_267 = arith.constant 0 : i32
      %dma_wait3A_268 = tpu.memref_slice %arg2[%dma_wait3A_266, %dma_wait3A_267] : memref<10000x128xf32, #tpu.memory_space<hbm>> -> memref<10000x128xf32, #tpu.memory_space<hbm>>
      tpu.wait_indirect_dma semaphore(%arg12 : memref<!tpu.dma_semaphore, #tpu.memory_space<semaphore_mem>>) src(%dma_wait3A_268 : memref<10000x128xf32, #tpu.memory_space<hbm>>) dst(%arg9 : memref<128x128xf32, #tpu.memory_space<vmem>>)
      "tpu.region"() ({
        %run_scoped3A = tpu.sem_alloc : memref<!tpu.dma_semaphore, #tpu.memory_space<semaphore_mem>>
        %dma_start3A_284 = arith.constant 0 : i32
        %dma_start3A_285 = tpu.memref_slice %arg8[%mul3A_254, %dma_start3A_284] : memref<40x128xi32, #tpu.memory_space<vmem>> -> memref<1x128xi32, #tpu.memory_space<vmem>>
        %dma_start3A_286 = tpu.memref_squeeze %dma_start3A_285 : memref<1x128xi32, #tpu.memory_space<vmem>> -> memref<128xi32, #tpu.memory_space<vmem>>
        %dma_start3A_287 = arith.constant 0 : i32
        %dma_start3A_288 = arith.constant 0 : i32
        %dma_start3A_289 = tpu.memref_slice %arg11[%dma_start3A_287, %dma_start3A_288] : memref<10240x128xf32, #tpu.memory_space<vmem_shared>> -> memref<10240x128xf32, #tpu.memory_space<vmem_shared>>
        tpu.enqueue_indirect_dma source(%arg9 : memref<128x128xf32, #tpu.memory_space<vmem>>) target(%dma_start3A_289 : memref<10240x128xf32, #tpu.memory_space<vmem_shared>>) offsets(%dma_start3A_286 : memref<128xi32, #tpu.memory_space<vmem>>) semaphore(%run_scoped3A : memref<!tpu.dma_semaphore, #tpu.memory_space<semaphore_mem>>) {add = true}
        %dma_wait3A_290 = arith.constant 0 : i32
        %dma_wait3A_291 = tpu.memref_slice %arg8[%mul3A_254, %dma_wait3A_290] : memref<40x128xi32, #tpu.memory_space<vmem>> -> memref<1x128xi32, #tpu.memory_space<vmem>>
        %dma_wait3A_292 = tpu.memref_squeeze %dma_wait3A_291 : memref<1x128xi32, #tpu.memory_space<vmem>> -> memref<128xi32, #tpu.memory_space<vmem>>
        %dma_wait3A_293 = arith.constant 0 : i32
        %dma_wait3A_294 = arith.constant 0 : i32
        %dma_wait3A_295 = tpu.memref_slice %arg11[%dma_wait3A_293, %dma_wait3A_294] : memref<10240x128xf32, #tpu.memory_space<vmem_shared>> -> memref<10240x128xf32, #tpu.memory_space<vmem_shared>>
        tpu.wait_indirect_dma semaphore(%run_scoped3A : memref<!tpu.dma_semaphore, #tpu.memory_space<semaphore_mem>>) src(%arg9 : memref<128x128xf32, #tpu.memory_space<vmem>>) dst(%dma_wait3A_295 : memref<10240x128xf32, #tpu.memory_space<vmem_shared>>)
        tpu.yield
      }) : () -> ()
      %add3A_269 = arith.constant 2 : i32
      %add3A_270 = arith.addi %mul3A_254, %add3A_269 : i32
      %lt3A = arith.constant 40 : i32
      %lt3A_271 = arith.cmpi slt, %add3A_270, %lt3A : i32
      %convert_element_type3A = arith.extui %lt3A_271 : i1 to i32
      %cond3A = arith.constant 0 : i32
      %cond3A_272 = arith.cmpi ne, %convert_element_type3A, %cond3A : i32
      scf.if %cond3A_272 {
        %add3A_284 = arith.constant 2 : i32
        %add3A_285 = arith.addi %mul3A_254, %add3A_284 : i32
        %dma_start3A_286 = arith.constant 0 : i32
        %dma_start3A_287 = tpu.memref_slice %arg7[%add3A_285, %dma_start3A_286] : memref<40x128xi32, #tpu.memory_space<vmem>> -> memref<1x128xi32, #tpu.memory_space<vmem>>
        %dma_start3A_288 = tpu.memref_squeeze %dma_start3A_287 : memref<1x128xi32, #tpu.memory_space<vmem>> -> memref<128xi32, #tpu.memory_space<vmem>>
        %dma_start3A_289 = arith.constant 0 : i32
        %dma_start3A_290 = arith.constant 0 : i32
        %dma_start3A_291 = tpu.memref_slice %arg2[%dma_start3A_289, %dma_start3A_290] : memref<10000x128xf32, #tpu.memory_space<hbm>> -> memref<10000x128xf32, #tpu.memory_space<hbm>>
        tpu.enqueue_indirect_dma source(%dma_start3A_291 : memref<10000x128xf32, #tpu.memory_space<hbm>>) target(%arg9 : memref<128x128xf32, #tpu.memory_space<vmem>>) offsets(%dma_start3A_288 : memref<128xi32, #tpu.memory_space<vmem>>) semaphore(%arg12 : memref<!tpu.dma_semaphore, #tpu.memory_space<semaphore_mem>>)
      } else {
      }
      %add3A_273 = arith.constant 1 : i32
      %add3A_274 = arith.addi %mul3A_254, %add3A_273 : i32
      %dma_wait3A_275 = arith.constant 0 : i32
      %dma_wait3A_276 = tpu.memref_slice %arg7[%add3A_274, %dma_wait3A_275] : memref<40x128xi32, #tpu.memory_space<vmem>> -> memref<1x128xi32, #tpu.memory_space<vmem>>
      %dma_wait3A_277 = tpu.memref_squeeze %dma_wait3A_276 : memref<1x128xi32, #tpu.memory_space<vmem>> -> memref<128xi32, #tpu.memory_space<vmem>>
      %dma_wait3A_278 = arith.constant 0 : i32
      %dma_wait3A_279 = arith.constant 0 : i32
      %dma_wait3A_280 = tpu.memref_slice %arg2[%dma_wait3A_278, %dma_wait3A_279] : memref<10000x128xf32, #tpu.memory_space<hbm>> -> memref<10000x128xf32, #tpu.memory_space<hbm>>
      tpu.wait_indirect_dma semaphore(%arg13 : memref<!tpu.dma_semaphore, #tpu.memory_space<semaphore_mem>>) src(%dma_wait3A_280 : memref<10000x128xf32, #tpu.memory_space<hbm>>) dst(%arg10 : memref<128x128xf32, #tpu.memory_space<vmem>>)
      %add3A_281 = arith.constant 1 : i32
      %add3A_282 = arith.addi %mul3A_254, %add3A_281 : i32
      "tpu.region"() ({
        %run_scoped3A = tpu.sem_alloc : memref<!tpu.dma_semaphore, #tpu.memory_space<semaphore_mem>>
        %dma_start3A_284 = arith.constant 0 : i32
        %dma_start3A_285 = tpu.memref_slice %arg8[%add3A_282, %dma_start3A_284] : memref<40x128xi32, #tpu.memory_space<vmem>> -> memref<1x128xi32, #tpu.memory_space<vmem>>
        %dma_start3A_286 = tpu.memref_squeeze %dma_start3A_285 : memref<1x128xi32, #tpu.memory_space<vmem>> -> memref<128xi32, #tpu.memory_space<vmem>>
        %dma_start3A_287 = arith.constant 0 : i32
        %dma_start3A_288 = arith.constant 0 : i32
        %dma_start3A_289 = tpu.memref_slice %arg11[%dma_start3A_287, %dma_start3A_288] : memref<10240x128xf32, #tpu.memory_space<vmem_shared>> -> memref<10240x128xf32, #tpu.memory_space<vmem_shared>>
        tpu.enqueue_indirect_dma source(%arg10 : memref<128x128xf32, #tpu.memory_space<vmem>>) target(%dma_start3A_289 : memref<10240x128xf32, #tpu.memory_space<vmem_shared>>) offsets(%dma_start3A_286 : memref<128xi32, #tpu.memory_space<vmem>>) semaphore(%run_scoped3A : memref<!tpu.dma_semaphore, #tpu.memory_space<semaphore_mem>>) {add = true}
        %dma_wait3A_290 = arith.constant 0 : i32
        %dma_wait3A_291 = tpu.memref_slice %arg8[%add3A_282, %dma_wait3A_290] : memref<40x128xi32, #tpu.memory_space<vmem>> -> memref<1x128xi32, #tpu.memory_space<vmem>>
        %dma_wait3A_292 = tpu.memref_squeeze %dma_wait3A_291 : memref<1x128xi32, #tpu.memory_space<vmem>> -> memref<128xi32, #tpu.memory_space<vmem>>
        %dma_wait3A_293 = arith.constant 0 : i32
        %dma_wait3A_294 = arith.constant 0 : i32
        %dma_wait3A_295 = tpu.memref_slice %arg11[%dma_wait3A_293, %dma_wait3A_294] : memref<10240x128xf32, #tpu.memory_space<vmem_shared>> -> memref<10240x128xf32, #tpu.memory_space<vmem_shared>>
        tpu.wait_indirect_dma semaphore(%run_scoped3A : memref<!tpu.dma_semaphore, #tpu.memory_space<semaphore_mem>>) src(%arg10 : memref<128x128xf32, #tpu.memory_space<vmem>>) dst(%dma_wait3A_295 : memref<10240x128xf32, #tpu.memory_space<vmem_shared>>)
        tpu.yield
      }) : () -> ()
      %scan3A_283 = arith.constant 0 : i32
      scf.yield %scan3A_283 : i32
    }
    %scan3A_231 = arith.constant 20 : i32
    "tpu.region"() ({
      %run_scoped3A = tpu.sem_alloc : memref<!tpu.dma_semaphore, #tpu.memory_space<semaphore_mem>>
      %dma_start3A_251 = arith.constant 40 : i32
      %dma_start3A_252 = arith.constant 0 : i32
      %dma_start3A_253 = tpu.memref_slice %arg3[%add3A, %dma_start3A_251, %dma_start3A_252] : memref<32x80x128xi32, #tpu.memory_space<hbm>> -> memref<1x40x128xi32, #tpu.memory_space<hbm>>
      %dma_start3A_254 = tpu.memref_squeeze %dma_start3A_253 : memref<1x40x128xi32, #tpu.memory_space<hbm>> -> memref<40x128xi32, #tpu.memory_space<hbm>>
      %dma_start3A_255 = arith.constant 40 : i32
      %dma_start3A_256 = arith.constant 0 : i32
      %dma_start3A_257 = tpu.memref_slice %arg3[%add3A, %dma_start3A_255, %dma_start3A_256] : memref<32x80x128xi32, #tpu.memory_space<hbm>> -> memref<1x40x128xi32, #tpu.memory_space<hbm>>
      %dma_start3A_258 = tpu.memref_squeeze %dma_start3A_257 : memref<1x40x128xi32, #tpu.memory_space<hbm>> -> memref<40x128xi32, #tpu.memory_space<hbm>>
      tpu.enqueue_dma source(%dma_start3A_258 : memref<40x128xi32, #tpu.memory_space<hbm>>) target(%arg7 : memref<40x128xi32, #tpu.memory_space<vmem>>) target_semaphore(%run_scoped3A : memref<!tpu.dma_semaphore, #tpu.memory_space<semaphore_mem>>)
      %dma_wait3A_259 = arith.constant 40 : i32
      %dma_wait3A_260 = arith.constant 0 : i32
      %dma_wait3A_261 = tpu.memref_slice %arg3[%add3A, %dma_wait3A_259, %dma_wait3A_260] : memref<32x80x128xi32, #tpu.memory_space<hbm>> -> memref<1x40x128xi32, #tpu.memory_space<hbm>>
      %dma_wait3A_262 = tpu.memref_squeeze %dma_wait3A_261 : memref<1x40x128xi32, #tpu.memory_space<hbm>> -> memref<40x128xi32, #tpu.memory_space<hbm>>
      %dma_wait3A_263 = arith.constant 40 : i32
      %dma_wait3A_264 = arith.constant 0 : i32
      %dma_wait3A_265 = tpu.memref_slice %arg3[%add3A, %dma_wait3A_263, %dma_wait3A_264] : memref<32x80x128xi32, #tpu.memory_space<hbm>> -> memref<1x40x128xi32, #tpu.memory_space<hbm>>
      %dma_wait3A_266 = tpu.memref_squeeze %dma_wait3A_265 : memref<1x40x128xi32, #tpu.memory_space<hbm>> -> memref<40x128xi32, #tpu.memory_space<hbm>>
      tpu.wait_dma2 semaphore(%run_scoped3A : memref<!tpu.dma_semaphore, #tpu.memory_space<semaphore_mem>>) src(%dma_wait3A_266 : memref<40x128xi32, #tpu.memory_space<hbm>>) dst(%arg7 : memref<40x128xi32, #tpu.memory_space<vmem>>)
      tpu.yield
    }) : () -> ()
    "tpu.region"() ({
      %run_scoped3A = tpu.sem_alloc : memref<!tpu.dma_semaphore, #tpu.memory_space<semaphore_mem>>
      %dma_start3A_251 = arith.constant 40 : i32
      %dma_start3A_252 = arith.constant 0 : i32
      %dma_start3A_253 = tpu.memref_slice %arg4[%add3A, %dma_start3A_251, %dma_start3A_252] : memref<32x80x128xi32, #tpu.memory_space<hbm>> -> memref<1x40x128xi32, #tpu.memory_space<hbm>>
      %dma_start3A_254 = tpu.memref_squeeze %dma_start3A_253 : memref<1x40x128xi32, #tpu.memory_space<hbm>> -> memref<40x128xi32, #tpu.memory_space<hbm>>
      %dma_start3A_255 = arith.constant 40 : i32
      %dma_start3A_256 = arith.constant 0 : i32
      %dma_start3A_257 = tpu.memref_slice %arg4[%add3A, %dma_start3A_255, %dma_start3A_256] : memref<32x80x128xi32, #tpu.memory_space<hbm>> -> memref<1x40x128xi32, #tpu.memory_space<hbm>>
      %dma_start3A_258 = tpu.memref_squeeze %dma_start3A_257 : memref<1x40x128xi32, #tpu.memory_space<hbm>> -> memref<40x128xi32, #tpu.memory_space<hbm>>
      tpu.enqueue_dma source(%dma_start3A_258 : memref<40x128xi32, #tpu.memory_space<hbm>>) target(%arg8 : memref<40x128xi32, #tpu.memory_space<vmem>>) target_semaphore(%run_scoped3A : memref<!tpu.dma_semaphore, #tpu.memory_space<semaphore_mem>>)
      %dma_wait3A_259 = arith.constant 40 : i32
      %dma_wait3A_260 = arith.constant 0 : i32
      %dma_wait3A_261 = tpu.memref_slice %arg4[%add3A, %dma_wait3A_259, %dma_wait3A_260] : memref<32x80x128xi32, #tpu.memory_space<hbm>> -> memref<1x40x128xi32, #tpu.memory_space<hbm>>
      %dma_wait3A_262 = tpu.memref_squeeze %dma_wait3A_261 : memref<1x40x128xi32, #tpu.memory_space<hbm>> -> memref<40x128xi32, #tpu.memory_space<hbm>>
      %dma_wait3A_263 = arith.constant 40 : i32
      %dma_wait3A_264 = arith.constant 0 : i32
      %dma_wait3A_265 = tpu.memref_slice %arg4[%add3A, %dma_wait3A_263, %dma_wait3A_264] : memref<32x80x128xi32, #tpu.memory_space<hbm>> -> memref<1x40x128xi32, #tpu.memory_space<hbm>>
      %dma_wait3A_266 = tpu.memref_squeeze %dma_wait3A_265 : memref<1x40x128xi32, #tpu.memory_space<hbm>> -> memref<40x128xi32, #tpu.memory_space<hbm>>
      tpu.wait_dma2 semaphore(%run_scoped3A : memref<!tpu.dma_semaphore, #tpu.memory_space<semaphore_mem>>) src(%dma_wait3A_266 : memref<40x128xi32, #tpu.memory_space<hbm>>) dst(%arg8 : memref<40x128xi32, #tpu.memory_space<vmem>>)
      tpu.yield
    }) : () -> ()
    %dma_start3A_232 = arith.constant 0 : i32
    %dma_start3A_233 = arith.constant 0 : i32
    %dma_start3A_234 = tpu.memref_slice %arg7[%dma_start3A_232, %dma_start3A_233] : memref<40x128xi32, #tpu.memory_space<vmem>> -> memref<1x128xi32, #tpu.memory_space<vmem>>
    %dma_start3A_235 = tpu.memref_squeeze %dma_start3A_234 : memref<1x128xi32, #tpu.memory_space<vmem>> -> memref<128xi32, #tpu.memory_space<vmem>>
    %dma_start3A_236 = arith.constant 0 : i32
    %dma_start3A_237 = arith.constant 0 : i32
    %dma_start3A_238 = tpu.memref_slice %arg2[%dma_start3A_236, %dma_start3A_237] : memref<10000x128xf32, #tpu.memory_space<hbm>> -> memref<10000x128xf32, #tpu.memory_space<hbm>>
    tpu.enqueue_indirect_dma source(%dma_start3A_238 : memref<10000x128xf32, #tpu.memory_space<hbm>>) target(%arg9 : memref<128x128xf32, #tpu.memory_space<vmem>>) offsets(%dma_start3A_235 : memref<128xi32, #tpu.memory_space<vmem>>) semaphore(%arg12 : memref<!tpu.dma_semaphore, #tpu.memory_space<semaphore_mem>>)
    %scan3A_239 = arith.constant 0 : i32
    %scan3A_240 = arith.constant 0 : i32
    %scan3A_241 = arith.constant 20 : i32
    %scan3A_242 = arith.addi %scan3A_240, %scan3A_241 : i32
    %scan3A_243 = arith.constant 1 : i32
    %scan3A_244 = scf.for %scan3A_251 = %scan3A_240 to %scan3A_242 step %scan3A_243 iter_args(%scan3A_252 = %scan3A_239) -> (i32)  : i32 {
      %mul3A_253 = arith.constant 2 : i32
      %mul3A_254 = arith.muli %mul3A_253, %scan3A_251 : i32
      %add3A_255 = arith.constant 1 : i32
      %add3A_256 = arith.addi %mul3A_254, %add3A_255 : i32
      %dma_start3A_257 = arith.constant 0 : i32
      %dma_start3A_258 = tpu.memref_slice %arg7[%add3A_256, %dma_start3A_257] : memref<40x128xi32, #tpu.memory_space<vmem>> -> memref<1x128xi32, #tpu.memory_space<vmem>>
      %dma_start3A_259 = tpu.memref_squeeze %dma_start3A_258 : memref<1x128xi32, #tpu.memory_space<vmem>> -> memref<128xi32, #tpu.memory_space<vmem>>
      %dma_start3A_260 = arith.constant 0 : i32
      %dma_start3A_261 = arith.constant 0 : i32
      %dma_start3A_262 = tpu.memref_slice %arg2[%dma_start3A_260, %dma_start3A_261] : memref<10000x128xf32, #tpu.memory_space<hbm>> -> memref<10000x128xf32, #tpu.memory_space<hbm>>
      tpu.enqueue_indirect_dma source(%dma_start3A_262 : memref<10000x128xf32, #tpu.memory_space<hbm>>) target(%arg10 : memref<128x128xf32, #tpu.memory_space<vmem>>) offsets(%dma_start3A_259 : memref<128xi32, #tpu.memory_space<vmem>>) semaphore(%arg13 : memref<!tpu.dma_semaphore, #tpu.memory_space<semaphore_mem>>)
      %dma_wait3A_263 = arith.constant 0 : i32
      %dma_wait3A_264 = tpu.memref_slice %arg7[%mul3A_254, %dma_wait3A_263] : memref<40x128xi32, #tpu.memory_space<vmem>> -> memref<1x128xi32, #tpu.memory_space<vmem>>
      %dma_wait3A_265 = tpu.memref_squeeze %dma_wait3A_264 : memref<1x128xi32, #tpu.memory_space<vmem>> -> memref<128xi32, #tpu.memory_space<vmem>>
      %dma_wait3A_266 = arith.constant 0 : i32
      %dma_wait3A_267 = arith.constant 0 : i32
      %dma_wait3A_268 = tpu.memref_slice %arg2[%dma_wait3A_266, %dma_wait3A_267] : memref<10000x128xf32, #tpu.memory_space<hbm>> -> memref<10000x128xf32, #tpu.memory_space<hbm>>
      tpu.wait_indirect_dma semaphore(%arg12 : memref<!tpu.dma_semaphore, #tpu.memory_space<semaphore_mem>>) src(%dma_wait3A_268 : memref<10000x128xf32, #tpu.memory_space<hbm>>) dst(%arg9 : memref<128x128xf32, #tpu.memory_space<vmem>>)
      "tpu.region"() ({
        %run_scoped3A = tpu.sem_alloc : memref<!tpu.dma_semaphore, #tpu.memory_space<semaphore_mem>>
        %dma_start3A_284 = arith.constant 0 : i32
        %dma_start3A_285 = tpu.memref_slice %arg8[%mul3A_254, %dma_start3A_284] : memref<40x128xi32, #tpu.memory_space<vmem>> -> memref<1x128xi32, #tpu.memory_space<vmem>>
        %dma_start3A_286 = tpu.memref_squeeze %dma_start3A_285 : memref<1x128xi32, #tpu.memory_space<vmem>> -> memref<128xi32, #tpu.memory_space<vmem>>
        %dma_start3A_287 = arith.constant 0 : i32
        %dma_start3A_288 = arith.constant 0 : i32
        %dma_start3A_289 = tpu.memref_slice %arg11[%dma_start3A_287, %dma_start3A_288] : memref<10240x128xf32, #tpu.memory_space<vmem_shared>> -> memref<10240x128xf32, #tpu.memory_space<vmem_shared>>
        tpu.enqueue_indirect_dma source(%arg9 : memref<128x128xf32, #tpu.memory_space<vmem>>) target(%dma_start3A_289 : memref<10240x128xf32, #tpu.memory_space<vmem_shared>>) offsets(%dma_start3A_286 : memref<128xi32, #tpu.memory_space<vmem>>) semaphore(%run_scoped3A : memref<!tpu.dma_semaphore, #tpu.memory_space<semaphore_mem>>) {add = true}
        %dma_wait3A_290 = arith.constant 0 : i32
        %dma_wait3A_291 = tpu.memref_slice %arg8[%mul3A_254, %dma_wait3A_290] : memref<40x128xi32, #tpu.memory_space<vmem>> -> memref<1x128xi32, #tpu.memory_space<vmem>>
        %dma_wait3A_292 = tpu.memref_squeeze %dma_wait3A_291 : memref<1x128xi32, #tpu.memory_space<vmem>> -> memref<128xi32, #tpu.memory_space<vmem>>
        %dma_wait3A_293 = arith.constant 0 : i32
        %dma_wait3A_294 = arith.constant 0 : i32
        %dma_wait3A_295 = tpu.memref_slice %arg11[%dma_wait3A_293, %dma_wait3A_294] : memref<10240x128xf32, #tpu.memory_space<vmem_shared>> -> memref<10240x128xf32, #tpu.memory_space<vmem_shared>>
        tpu.wait_indirect_dma semaphore(%run_scoped3A : memref<!tpu.dma_semaphore, #tpu.memory_space<semaphore_mem>>) src(%arg9 : memref<128x128xf32, #tpu.memory_space<vmem>>) dst(%dma_wait3A_295 : memref<10240x128xf32, #tpu.memory_space<vmem_shared>>)
        tpu.yield
      }) : () -> ()
      %add3A_269 = arith.constant 2 : i32
      %add3A_270 = arith.addi %mul3A_254, %add3A_269 : i32
      %lt3A = arith.constant 40 : i32
      %lt3A_271 = arith.cmpi slt, %add3A_270, %lt3A : i32
      %convert_element_type3A = arith.extui %lt3A_271 : i1 to i32
      %cond3A = arith.constant 0 : i32
      %cond3A_272 = arith.cmpi ne, %convert_element_type3A, %cond3A : i32
      scf.if %cond3A_272 {
        %add3A_284 = arith.constant 2 : i32
        %add3A_285 = arith.addi %mul3A_254, %add3A_284 : i32
        %dma_start3A_286 = arith.constant 0 : i32
        %dma_start3A_287 = tpu.memref_slice %arg7[%add3A_285, %dma_start3A_286] : memref<40x128xi32, #tpu.memory_space<vmem>> -> memref<1x128xi32, #tpu.memory_space<vmem>>
        %dma_start3A_288 = tpu.memref_squeeze %dma_start3A_287 : memref<1x128xi32, #tpu.memory_space<vmem>> -> memref<128xi32, #tpu.memory_space<vmem>>
        %dma_start3A_289 = arith.constant 0 : i32
        %dma_start3A_290 = arith.constant 0 : i32
        %dma_start3A_291 = tpu.memref_slice %arg2[%dma_start3A_289, %dma_start3A_290] : memref<10000x128xf32, #tpu.memory_space<hbm>> -> memref<10000x128xf32, #tpu.memory_space<hbm>>
        tpu.enqueue_indirect_dma source(%dma_start3A_291 : memref<10000x128xf32, #tpu.memory_space<hbm>>) target(%arg9 : memref<128x128xf32, #tpu.memory_space<vmem>>) offsets(%dma_start3A_288 : memref<128xi32, #tpu.memory_space<vmem>>) semaphore(%arg12 : memref<!tpu.dma_semaphore, #tpu.memory_space<semaphore_mem>>)
      } else {
      }
      %add3A_273 = arith.constant 1 : i32
      %add3A_274 = arith.addi %mul3A_254, %add3A_273 : i32
      %dma_wait3A_275 = arith.constant 0 : i32
      %dma_wait3A_276 = tpu.memref_slice %arg7[%add3A_274, %dma_wait3A_275] : memref<40x128xi32, #tpu.memory_space<vmem>> -> memref<1x128xi32, #tpu.memory_space<vmem>>
      %dma_wait3A_277 = tpu.memref_squeeze %dma_wait3A_276 : memref<1x128xi32, #tpu.memory_space<vmem>> -> memref<128xi32, #tpu.memory_space<vmem>>
      %dma_wait3A_278 = arith.constant 0 : i32
      %dma_wait3A_279 = arith.constant 0 : i32
      %dma_wait3A_280 = tpu.memref_slice %arg2[%dma_wait3A_278, %dma_wait3A_279] : memref<10000x128xf32, #tpu.memory_space<hbm>> -> memref<10000x128xf32, #tpu.memory_space<hbm>>
      tpu.wait_indirect_dma semaphore(%arg13 : memref<!tpu.dma_semaphore, #tpu.memory_space<semaphore_mem>>) src(%dma_wait3A_280 : memref<10000x128xf32, #tpu.memory_space<hbm>>) dst(%arg10 : memref<128x128xf32, #tpu.memory_space<vmem>>)
      %add3A_281 = arith.constant 1 : i32
      %add3A_282 = arith.addi %mul3A_254, %add3A_281 : i32
      "tpu.region"() ({
        %run_scoped3A = tpu.sem_alloc : memref<!tpu.dma_semaphore, #tpu.memory_space<semaphore_mem>>
        %dma_start3A_284 = arith.constant 0 : i32
        %dma_start3A_285 = tpu.memref_slice %arg8[%add3A_282, %dma_start3A_284] : memref<40x128xi32, #tpu.memory_space<vmem>> -> memref<1x128xi32, #tpu.memory_space<vmem>>
        %dma_start3A_286 = tpu.memref_squeeze %dma_start3A_285 : memref<1x128xi32, #tpu.memory_space<vmem>> -> memref<128xi32, #tpu.memory_space<vmem>>
        %dma_start3A_287 = arith.constant 0 : i32
        %dma_start3A_288 = arith.constant 0 : i32
        %dma_start3A_289 = tpu.memref_slice %arg11[%dma_start3A_287, %dma_start3A_288] : memref<10240x128xf32, #tpu.memory_space<vmem_shared>> -> memref<10240x128xf32, #tpu.memory_space<vmem_shared>>
        tpu.enqueue_indirect_dma source(%arg10 : memref<128x128xf32, #tpu.memory_space<vmem>>) target(%dma_start3A_289 : memref<10240x128xf32, #tpu.memory_space<vmem_shared>>) offsets(%dma_start3A_286 : memref<128xi32, #tpu.memory_space<vmem>>) semaphore(%run_scoped3A : memref<!tpu.dma_semaphore, #tpu.memory_space<semaphore_mem>>) {add = true}
        %dma_wait3A_290 = arith.constant 0 : i32
        %dma_wait3A_291 = tpu.memref_slice %arg8[%add3A_282, %dma_wait3A_290] : memref<40x128xi32, #tpu.memory_space<vmem>> -> memref<1x128xi32, #tpu.memory_space<vmem>>
        %dma_wait3A_292 = tpu.memref_squeeze %dma_wait3A_291 : memref<1x128xi32, #tpu.memory_space<vmem>> -> memref<128xi32, #tpu.memory_space<vmem>>
        %dma_wait3A_293 = arith.constant 0 : i32
        %dma_wait3A_294 = arith.constant 0 : i32
        %dma_wait3A_295 = tpu.memref_slice %arg11[%dma_wait3A_293, %dma_wait3A_294] : memref<10240x128xf32, #tpu.memory_space<vmem_shared>> -> memref<10240x128xf32, #tpu.memory_space<vmem_shared>>
        tpu.wait_indirect_dma semaphore(%run_scoped3A : memref<!tpu.dma_semaphore, #tpu.memory_space<semaphore_mem>>) src(%arg10 : memref<128x128xf32, #tpu.memory_space<vmem>>) dst(%dma_wait3A_295 : memref<10240x128xf32, #tpu.memory_space<vmem_shared>>)
        tpu.yield
      }) : () -> ()
      %scan3A_283 = arith.constant 0 : i32
      scf.yield %scan3A_283 : i32
    }
    %scan3A_245 = arith.constant 20 : i32
    %barrier3A_246 = arith.constant 0 : index
    tpu.barrier barrier_id(%barrier3A_246)
    %mul3A_247 = arith.constant 640 : i32
    %mul3A_248 = arith.muli %arg1, %mul3A_247 : i32
    %mul3A_249 = arith.constant 640 : i32
    %mul3A_250 = arith.muli %arg1, %mul3A_249 : i32
    "tpu.region"() ({
      %run_scoped3A = tpu.sem_alloc : memref<!tpu.dma_semaphore, #tpu.memory_space<semaphore_mem>>
      %dma_start3A_251 = arith.constant 0 : i32
      %dma_start3A_252 = tpu.memref_slice %arg5[%arg0, %mul3A_250, %dma_start3A_251] : memref<2x10240x128xf32, #tpu.memory_space<hbm>> -> memref<1x640x128xf32, #tpu.memory_space<hbm>>
      %dma_start3A_253 = tpu.memref_squeeze %dma_start3A_252 : memref<1x640x128xf32, #tpu.memory_space<hbm>> -> memref<640x128xf32, #tpu.memory_space<hbm>>
      %dma_start3A_254 = arith.constant 0 : i32
      %dma_start3A_255 = tpu.memref_slice %arg11[%mul3A_248, %dma_start3A_254] : memref<10240x128xf32, #tpu.memory_space<vmem_shared>> -> memref<640x128xf32, #tpu.memory_space<vmem_shared>>
      tpu.enqueue_dma source(%dma_start3A_255 : memref<640x128xf32, #tpu.memory_space<vmem_shared>>) target(%dma_start3A_253 : memref<640x128xf32, #tpu.memory_space<hbm>>) target_semaphore(%run_scoped3A : memref<!tpu.dma_semaphore, #tpu.memory_space<semaphore_mem>>)
      %dma_wait3A_256 = arith.constant 0 : i32
      %dma_wait3A_257 = tpu.memref_slice %arg5[%arg0, %mul3A_250, %dma_wait3A_256] : memref<2x10240x128xf32, #tpu.memory_space<hbm>> -> memref<1x640x128xf32, #tpu.memory_space<hbm>>
      %dma_wait3A_258 = tpu.memref_squeeze %dma_wait3A_257 : memref<1x640x128xf32, #tpu.memory_space<hbm>> -> memref<640x128xf32, #tpu.memory_space<hbm>>
      %dma_wait3A_259 = arith.constant 0 : i32
      %dma_wait3A_260 = tpu.memref_slice %arg11[%mul3A_248, %dma_wait3A_259] : memref<10240x128xf32, #tpu.memory_space<vmem_shared>> -> memref<640x128xf32, #tpu.memory_space<vmem_shared>>
      tpu.wait_dma2 semaphore(%run_scoped3A : memref<!tpu.dma_semaphore, #tpu.memory_space<semaphore_mem>>) src(%dma_wait3A_260 : memref<640x128xf32, #tpu.memory_space<vmem_shared>>) dst(%dma_wait3A_258 : memref<640x128xf32, #tpu.memory_space<hbm>>)
      tpu.yield
    }) : () -> ()
    return
  }
}

#map = affine_map<(d0, d1) -> (0, 0)>
#map1 = affine_map<(d0, d1) -> (0, 0, 0)>
module attributes {stable_mosaic.version = 14 : i64} {
  func.func @_seg_body(%arg0: i32, %arg1: i32, %arg2: memref<10000x128xf32, #tpu.memory_space<hbm>>, %arg3: memref<32x80x128xi32, #tpu.memory_space<hbm>>, %arg4: memref<32x80x128xi32, #tpu.memory_space<hbm>>, %arg5: memref<2x10240x128xf32, #tpu.memory_space<hbm>>, %arg6: memref<40x128xi32, #tpu.memory_space<vmem>>, %arg7: memref<40x128xi32, #tpu.memory_space<vmem>>, %arg8: memref<128x128xf32, #tpu.memory_space<vmem>>, %arg9: memref<128x128xf32, #tpu.memory_space<vmem>>, %arg10: memref<10240x128xf32, #tpu.memory_space<vmem_shared>>, %arg11: memref<!tpu.dma_semaphore, #tpu.memory_space<semaphore_mem>>, %arg12: memref<!tpu.dma_semaphore, #tpu.memory_space<semaphore_mem>>) attributes {dimension_semantics = [#tpu.dimension_semantics<core_parallel>, #tpu.dimension_semantics<subcore_parallel>], iteration_bounds = array<i64: 2, 16>, scalar_prefetch = 0 : i64, scratch_operands = 7 : i64, tpu.core_type = #tpu.core_type<sc_vector_subcore>, window_params = [{transform_indices = #map}, {transform_indices = #map1}, {transform_indices = #map1}, {transform_indices = #map1}]} {
    %mul3A = arith.constant 16 : i32
    %mul3A_0 = arith.muli %arg0, %mul3A : i32
    %add3A = arith.addi %mul3A_0, %arg1 : i32
    %broadcast_in_dim3A = arith.constant 0.000000e+00 : f32
    %broadcast_in_dim3A_1 = vector.broadcast %broadcast_in_dim3A : f32 to vector<16xf32>
    %scan3A = arith.constant 0 : i32
    %scan3A_2 = arith.constant 0 : i32
    %scan3A_3 = arith.constant 128 : i32
    %scan3A_4 = arith.addi %scan3A_2, %scan3A_3 : i32
    %scan3A_5 = arith.constant 1 : i32
    %scan3A_6 = scf.for %scan3A_119 = %scan3A_2 to %scan3A_4 step %scan3A_5 iter_args(%scan3A_120 = %scan3A) -> (i32)  : i32 {
      %swap3A = arith.index_cast %scan3A_119 : i32 to index
      %swap3A_121 = arith.constant 0 : index
      %swap3A_122 = tpu.vector_load %arg8[%swap3A, %swap3A_121] {strides = array<i32>} : memref<128x128xf32, #tpu.memory_space<vmem>>, vector<1x16xf32>,
      %swap3A_123 = vector.shape_cast %swap3A_122 : vector<1x16xf32> to vector<16xf32>
      %swap3A_124 = vector.shape_cast %broadcast_in_dim3A_1 : vector<16xf32> to vector<1x16xf32>
      tpu.vector_store %arg8[%swap3A, %swap3A_121], %swap3A_124 {strides = array<i32>} : memref<128x128xf32, #tpu.memory_space<vmem>>, vector<1x16xf32>,
      %swap3A_125 = arith.index_cast %scan3A_119 : i32 to index
      %swap3A_126 = arith.constant 16 : index
      %swap3A_127 = tpu.vector_load %arg8[%swap3A_125, %swap3A_126] {strides = array<i32>} : memref<128x128xf32, #tpu.memory_space<vmem>>, vector<1x16xf32>,
      %swap3A_128 = vector.shape_cast %swap3A_127 : vector<1x16xf32> to vector<16xf32>
      %swap3A_129 = vector.shape_cast %broadcast_in_dim3A_1 : vector<16xf32> to vector<1x16xf32>
      tpu.vector_store %arg8[%swap3A_125, %swap3A_126], %swap3A_129 {strides = array<i32>} : memref<128x128xf32, #tpu.memory_space<vmem>>, vector<1x16xf32>,
      %swap3A_130 = arith.index_cast %scan3A_119 : i32 to index
      %swap3A_131 = arith.constant 32 : index
      %swap3A_132 = tpu.vector_load %arg8[%swap3A_130, %swap3A_131] {strides = array<i32>} : memref<128x128xf32, #tpu.memory_space<vmem>>, vector<1x16xf32>,
      %swap3A_133 = vector.shape_cast %swap3A_132 : vector<1x16xf32> to vector<16xf32>
      %swap3A_134 = vector.shape_cast %broadcast_in_dim3A_1 : vector<16xf32> to vector<1x16xf32>
      tpu.vector_store %arg8[%swap3A_130, %swap3A_131], %swap3A_134 {strides = array<i32>} : memref<128x128xf32, #tpu.memory_space<vmem>>, vector<1x16xf32>,
      %swap3A_135 = arith.index_cast %scan3A_119 : i32 to index
      %swap3A_136 = arith.constant 48 : index
      %swap3A_137 = tpu.vector_load %arg8[%swap3A_135, %swap3A_136] {strides = array<i32>} : memref<128x128xf32, #tpu.memory_space<vmem>>, vector<1x16xf32>,
      %swap3A_138 = vector.shape_cast %swap3A_137 : vector<1x16xf32> to vector<16xf32>
      %swap3A_139 = vector.shape_cast %broadcast_in_dim3A_1 : vector<16xf32> to vector<1x16xf32>
      tpu.vector_store %arg8[%swap3A_135, %swap3A_136], %swap3A_139 {strides = array<i32>} : memref<128x128xf32, #tpu.memory_space<vmem>>, vector<1x16xf32>,
      %swap3A_140 = arith.index_cast %scan3A_119 : i32 to index
      %swap3A_141 = arith.constant 64 : index
      %swap3A_142 = tpu.vector_load %arg8[%swap3A_140, %swap3A_141] {strides = array<i32>} : memref<128x128xf32, #tpu.memory_space<vmem>>, vector<1x16xf32>,
      %swap3A_143 = vector.shape_cast %swap3A_142 : vector<1x16xf32> to vector<16xf32>
      %swap3A_144 = vector.shape_cast %broadcast_in_dim3A_1 : vector<16xf32> to vector<1x16xf32>
      tpu.vector_store %arg8[%swap3A_140, %swap3A_141], %swap3A_144 {strides = array<i32>} : memref<128x128xf32, #tpu.memory_space<vmem>>, vector<1x16xf32>,
      %swap3A_145 = arith.index_cast %scan3A_119 : i32 to index
      %swap3A_146 = arith.constant 80 : index
      %swap3A_147 = tpu.vector_load %arg8[%swap3A_145, %swap3A_146] {strides = array<i32>} : memref<128x128xf32, #tpu.memory_space<vmem>>, vector<1x16xf32>,
      %swap3A_148 = vector.shape_cast %swap3A_147 : vector<1x16xf32> to vector<16xf32>
      %swap3A_149 = vector.shape_cast %broadcast_in_dim3A_1 : vector<16xf32> to vector<1x16xf32>
      tpu.vector_store %arg8[%swap3A_145, %swap3A_146], %swap3A_149 {strides = array<i32>} : memref<128x128xf32, #tpu.memory_space<vmem>>, vector<1x16xf32>,
      %swap3A_150 = arith.index_cast %scan3A_119 : i32 to index
      %swap3A_151 = arith.constant 96 : index
      %swap3A_152 = tpu.vector_load %arg8[%swap3A_150, %swap3A_151] {strides = array<i32>} : memref<128x128xf32, #tpu.memory_space<vmem>>, vector<1x16xf32>,
      %swap3A_153 = vector.shape_cast %swap3A_152 : vector<1x16xf32> to vector<16xf32>
      %swap3A_154 = vector.shape_cast %broadcast_in_dim3A_1 : vector<16xf32> to vector<1x16xf32>
      tpu.vector_store %arg8[%swap3A_150, %swap3A_151], %swap3A_154 {strides = array<i32>} : memref<128x128xf32, #tpu.memory_space<vmem>>, vector<1x16xf32>,
      %swap3A_155 = arith.index_cast %scan3A_119 : i32 to index
      %swap3A_156 = arith.constant 112 : index
      %swap3A_157 = tpu.vector_load %arg8[%swap3A_155, %swap3A_156] {strides = array<i32>} : memref<128x128xf32, #tpu.memory_space<vmem>>, vector<1x16xf32>,
      %swap3A_158 = vector.shape_cast %swap3A_157 : vector<1x16xf32> to vector<16xf32>
      %swap3A_159 = vector.shape_cast %broadcast_in_dim3A_1 : vector<16xf32> to vector<1x16xf32>
      tpu.vector_store %arg8[%swap3A_155, %swap3A_156], %swap3A_159 {strides = array<i32>} : memref<128x128xf32, #tpu.memory_space<vmem>>, vector<1x16xf32>,
      %scan3A_160 = arith.constant 0 : i32
      scf.yield %scan3A_160 : i32
    }
    %scan3A_7 = arith.constant 128 : i32
    %mul3A_8 = arith.constant 640 : i32
    %mul3A_9 = arith.muli %arg1, %mul3A_8 : i32
    %add3A_10 = arith.constant 0 : i32
    %add3A_11 = arith.addi %mul3A_9, %add3A_10 : i32
    %dma_start3A = arith.constant 0 : i32
    %dma_start3A_12 = tpu.memref_slice %arg10[%add3A_11, %dma_start3A] : memref<10240x128xf32, #tpu.memory_space<vmem_shared>> -> memref<128x128xf32, #tpu.memory_space<vmem_shared>>
    %dma_start3A_13 = arith.constant 0 : i32
    %dma_start3A_14 = tpu.memref_slice %arg10[%add3A_11, %dma_start3A_13] : memref<10240x128xf32, #tpu.memory_space<vmem_shared>> -> memref<128x128xf32, #tpu.memory_space<vmem_shared>>
    tpu.enqueue_dma source(%arg8 : memref<128x128xf32, #tpu.memory_space<vmem>>) target(%dma_start3A_14 : memref<128x128xf32, #tpu.memory_space<vmem_shared>>) target_semaphore(%arg12 : memref<!tpu.dma_semaphore, #tpu.memory_space<semaphore_mem>>)
    %mul3A_15 = arith.constant 640 : i32
    %mul3A_16 = arith.muli %arg1, %mul3A_15 : i32
    %add3A_17 = arith.constant 128 : i32
    %add3A_18 = arith.addi %mul3A_16, %add3A_17 : i32
    %dma_start3A_19 = arith.constant 0 : i32
    %dma_start3A_20 = tpu.memref_slice %arg10[%add3A_18, %dma_start3A_19] : memref<10240x128xf32, #tpu.memory_space<vmem_shared>> -> memref<128x128xf32, #tpu.memory_space<vmem_shared>>
    %dma_start3A_21 = arith.constant 0 : i32
    %dma_start3A_22 = tpu.memref_slice %arg10[%add3A_18, %dma_start3A_21] : memref<10240x128xf32, #tpu.memory_space<vmem_shared>> -> memref<128x128xf32, #tpu.memory_space<vmem_shared>>
    tpu.enqueue_dma source(%arg8 : memref<128x128xf32, #tpu.memory_space<vmem>>) target(%dma_start3A_22 : memref<128x128xf32, #tpu.memory_space<vmem_shared>>) target_semaphore(%arg12 : memref<!tpu.dma_semaphore, #tpu.memory_space<semaphore_mem>>)
    %mul3A_23 = arith.constant 640 : i32
    %mul3A_24 = arith.muli %arg1, %mul3A_23 : i32
    %add3A_25 = arith.constant 256 : i32
    %add3A_26 = arith.addi %mul3A_24, %add3A_25 : i32
    %dma_start3A_27 = arith.constant 0 : i32
    %dma_start3A_28 = tpu.memref_slice %arg10[%add3A_26, %dma_start3A_27] : memref<10240x128xf32, #tpu.memory_space<vmem_shared>> -> memref<128x128xf32, #tpu.memory_space<vmem_shared>>
    %dma_start3A_29 = arith.constant 0 : i32
    %dma_start3A_30 = tpu.memref_slice %arg10[%add3A_26, %dma_start3A_29] : memref<10240x128xf32, #tpu.memory_space<vmem_shared>> -> memref<128x128xf32, #tpu.memory_space<vmem_shared>>
    tpu.enqueue_dma source(%arg8 : memref<128x128xf32, #tpu.memory_space<vmem>>) target(%dma_start3A_30 : memref<128x128xf32, #tpu.memory_space<vmem_shared>>) target_semaphore(%arg12 : memref<!tpu.dma_semaphore, #tpu.memory_space<semaphore_mem>>)
    %mul3A_31 = arith.constant 640 : i32
    %mul3A_32 = arith.muli %arg1, %mul3A_31 : i32
    %add3A_33 = arith.constant 384 : i32
    %add3A_34 = arith.addi %mul3A_32, %add3A_33 : i32
    %dma_start3A_35 = arith.constant 0 : i32
    %dma_start3A_36 = tpu.memref_slice %arg10[%add3A_34, %dma_start3A_35] : memref<10240x128xf32, #tpu.memory_space<vmem_shared>> -> memref<128x128xf32, #tpu.memory_space<vmem_shared>>
    %dma_start3A_37 = arith.constant 0 : i32
    %dma_start3A_38 = tpu.memref_slice %arg10[%add3A_34, %dma_start3A_37] : memref<10240x128xf32, #tpu.memory_space<vmem_shared>> -> memref<128x128xf32, #tpu.memory_space<vmem_shared>>
    tpu.enqueue_dma source(%arg8 : memref<128x128xf32, #tpu.memory_space<vmem>>) target(%dma_start3A_38 : memref<128x128xf32, #tpu.memory_space<vmem_shared>>) target_semaphore(%arg12 : memref<!tpu.dma_semaphore, #tpu.memory_space<semaphore_mem>>)
    %mul3A_39 = arith.constant 640 : i32
    %mul3A_40 = arith.muli %arg1, %mul3A_39 : i32
    %add3A_41 = arith.constant 512 : i32
    %add3A_42 = arith.addi %mul3A_40, %add3A_41 : i32
    %dma_start3A_43 = arith.constant 0 : i32
    %dma_start3A_44 = tpu.memref_slice %arg10[%add3A_42, %dma_start3A_43] : memref<10240x128xf32, #tpu.memory_space<vmem_shared>> -> memref<128x128xf32, #tpu.memory_space<vmem_shared>>
    %dma_start3A_45 = arith.constant 0 : i32
    %dma_start3A_46 = tpu.memref_slice %arg10[%add3A_42, %dma_start3A_45] : memref<10240x128xf32, #tpu.memory_space<vmem_shared>> -> memref<128x128xf32, #tpu.memory_space<vmem_shared>>
    tpu.enqueue_dma source(%arg8 : memref<128x128xf32, #tpu.memory_space<vmem>>) target(%dma_start3A_46 : memref<128x128xf32, #tpu.memory_space<vmem_shared>>) target_semaphore(%arg12 : memref<!tpu.dma_semaphore, #tpu.memory_space<semaphore_mem>>)
    %mul3A_47 = arith.constant 640 : i32
    %mul3A_48 = arith.muli %arg1, %mul3A_47 : i32
    %add3A_49 = arith.constant 0 : i32
    %add3A_50 = arith.addi %mul3A_48, %add3A_49 : i32
    %dma_wait3A = arith.constant 0 : i32
    %dma_wait3A_51 = tpu.memref_slice %arg10[%add3A_50, %dma_wait3A] : memref<10240x128xf32, #tpu.memory_space<vmem_shared>> -> memref<128x128xf32, #tpu.memory_space<vmem_shared>>
    %dma_wait3A_52 = arith.constant 0 : i32
    %dma_wait3A_53 = tpu.memref_slice %arg10[%add3A_50, %dma_wait3A_52] : memref<10240x128xf32, #tpu.memory_space<vmem_shared>> -> memref<128x128xf32, #tpu.memory_space<vmem_shared>>
    tpu.wait_dma2 semaphore(%arg12 : memref<!tpu.dma_semaphore, #tpu.memory_space<semaphore_mem>>) src(%arg8 : memref<128x128xf32, #tpu.memory_space<vmem>>) dst(%dma_wait3A_53 : memref<128x128xf32, #tpu.memory_space<vmem_shared>>)
    %mul3A_54 = arith.constant 640 : i32
    %mul3A_55 = arith.muli %arg1, %mul3A_54 : i32
    %add3A_56 = arith.constant 128 : i32
    %add3A_57 = arith.addi %mul3A_55, %add3A_56 : i32
    %dma_wait3A_58 = arith.constant 0 : i32
    %dma_wait3A_59 = tpu.memref_slice %arg10[%add3A_57, %dma_wait3A_58] : memref<10240x128xf32, #tpu.memory_space<vmem_shared>> -> memref<128x128xf32, #tpu.memory_space<vmem_shared>>
    %dma_wait3A_60 = arith.constant 0 : i32
    %dma_wait3A_61 = tpu.memref_slice %arg10[%add3A_57, %dma_wait3A_60] : memref<10240x128xf32, #tpu.memory_space<vmem_shared>> -> memref<128x128xf32, #tpu.memory_space<vmem_shared>>
    tpu.wait_dma2 semaphore(%arg12 : memref<!tpu.dma_semaphore, #tpu.memory_space<semaphore_mem>>) src(%arg8 : memref<128x128xf32, #tpu.memory_space<vmem>>) dst(%dma_wait3A_61 : memref<128x128xf32, #tpu.memory_space<vmem_shared>>)
    %mul3A_62 = arith.constant 640 : i32
    %mul3A_63 = arith.muli %arg1, %mul3A_62 : i32
    %add3A_64 = arith.constant 256 : i32
    %add3A_65 = arith.addi %mul3A_63, %add3A_64 : i32
    %dma_wait3A_66 = arith.constant 0 : i32
    %dma_wait3A_67 = tpu.memref_slice %arg10[%add3A_65, %dma_wait3A_66] : memref<10240x128xf32, #tpu.memory_space<vmem_shared>> -> memref<128x128xf32, #tpu.memory_space<vmem_shared>>
    %dma_wait3A_68 = arith.constant 0 : i32
    %dma_wait3A_69 = tpu.memref_slice %arg10[%add3A_65, %dma_wait3A_68] : memref<10240x128xf32, #tpu.memory_space<vmem_shared>> -> memref<128x128xf32, #tpu.memory_space<vmem_shared>>
    tpu.wait_dma2 semaphore(%arg12 : memref<!tpu.dma_semaphore, #tpu.memory_space<semaphore_mem>>) src(%arg8 : memref<128x128xf32, #tpu.memory_space<vmem>>) dst(%dma_wait3A_69 : memref<128x128xf32, #tpu.memory_space<vmem_shared>>)
    %mul3A_70 = arith.constant 640 : i32
    %mul3A_71 = arith.muli %arg1, %mul3A_70 : i32
    %add3A_72 = arith.constant 384 : i32
    %add3A_73 = arith.addi %mul3A_71, %add3A_72 : i32
    %dma_wait3A_74 = arith.constant 0 : i32
    %dma_wait3A_75 = tpu.memref_slice %arg10[%add3A_73, %dma_wait3A_74] : memref<10240x128xf32, #tpu.memory_space<vmem_shared>> -> memref<128x128xf32, #tpu.memory_space<vmem_shared>>
    %dma_wait3A_76 = arith.constant 0 : i32
    %dma_wait3A_77 = tpu.memref_slice %arg10[%add3A_73, %dma_wait3A_76] : memref<10240x128xf32, #tpu.memory_space<vmem_shared>> -> memref<128x128xf32, #tpu.memory_space<vmem_shared>>
    tpu.wait_dma2 semaphore(%arg12 : memref<!tpu.dma_semaphore, #tpu.memory_space<semaphore_mem>>) src(%arg8 : memref<128x128xf32, #tpu.memory_space<vmem>>) dst(%dma_wait3A_77 : memref<128x128xf32, #tpu.memory_space<vmem_shared>>)
    %mul3A_78 = arith.constant 640 : i32
    %mul3A_79 = arith.muli %arg1, %mul3A_78 : i32
    %add3A_80 = arith.constant 512 : i32
    %add3A_81 = arith.addi %mul3A_79, %add3A_80 : i32
    %dma_wait3A_82 = arith.constant 0 : i32
    %dma_wait3A_83 = tpu.memref_slice %arg10[%add3A_81, %dma_wait3A_82] : memref<10240x128xf32, #tpu.memory_space<vmem_shared>> -> memref<128x128xf32, #tpu.memory_space<vmem_shared>>
    %dma_wait3A_84 = arith.constant 0 : i32
    %dma_wait3A_85 = tpu.memref_slice %arg10[%add3A_81, %dma_wait3A_84] : memref<10240x128xf32, #tpu.memory_space<vmem_shared>> -> memref<128x128xf32, #tpu.memory_space<vmem_shared>>
    tpu.wait_dma2 semaphore(%arg12 : memref<!tpu.dma_semaphore, #tpu.memory_space<semaphore_mem>>) src(%arg8 : memref<128x128xf32, #tpu.memory_space<vmem>>) dst(%dma_wait3A_85 : memref<128x128xf32, #tpu.memory_space<vmem_shared>>)
    %barrier3A = arith.constant 0 : index
    tpu.barrier barrier_id(%barrier3A)
    "tpu.region"() ({
      %run_scoped3A = tpu.sem_alloc : memref<!tpu.dma_semaphore, #tpu.memory_space<semaphore_mem>>
      %dma_start3A_119 = arith.constant 0 : i32
      %dma_start3A_120 = arith.constant 0 : i32
      %dma_start3A_121 = tpu.memref_slice %arg3[%add3A, %dma_start3A_119, %dma_start3A_120] : memref<32x80x128xi32, #tpu.memory_space<hbm>> -> memref<1x40x128xi32, #tpu.memory_space<hbm>>
      %dma_start3A_122 = tpu.memref_squeeze %dma_start3A_121 : memref<1x40x128xi32, #tpu.memory_space<hbm>> -> memref<40x128xi32, #tpu.memory_space<hbm>>
      %dma_start3A_123 = arith.constant 0 : i32
      %dma_start3A_124 = arith.constant 0 : i32
      %dma_start3A_125 = tpu.memref_slice %arg3[%add3A, %dma_start3A_123, %dma_start3A_124] : memref<32x80x128xi32, #tpu.memory_space<hbm>> -> memref<1x40x128xi32, #tpu.memory_space<hbm>>
      %dma_start3A_126 = tpu.memref_squeeze %dma_start3A_125 : memref<1x40x128xi32, #tpu.memory_space<hbm>> -> memref<40x128xi32, #tpu.memory_space<hbm>>
      tpu.enqueue_dma source(%dma_start3A_126 : memref<40x128xi32, #tpu.memory_space<hbm>>) target(%arg6 : memref<40x128xi32, #tpu.memory_space<vmem>>) target_semaphore(%run_scoped3A : memref<!tpu.dma_semaphore, #tpu.memory_space<semaphore_mem>>)
      %dma_wait3A_127 = arith.constant 0 : i32
      %dma_wait3A_128 = arith.constant 0 : i32
      %dma_wait3A_129 = tpu.memref_slice %arg3[%add3A, %dma_wait3A_127, %dma_wait3A_128] : memref<32x80x128xi32, #tpu.memory_space<hbm>> -> memref<1x40x128xi32, #tpu.memory_space<hbm>>
      %dma_wait3A_130 = tpu.memref_squeeze %dma_wait3A_129 : memref<1x40x128xi32, #tpu.memory_space<hbm>> -> memref<40x128xi32, #tpu.memory_space<hbm>>
      %dma_wait3A_131 = arith.constant 0 : i32
      %dma_wait3A_132 = arith.constant 0 : i32
      %dma_wait3A_133 = tpu.memref_slice %arg3[%add3A, %dma_wait3A_131, %dma_wait3A_132] : memref<32x80x128xi32, #tpu.memory_space<hbm>> -> memref<1x40x128xi32, #tpu.memory_space<hbm>>
      %dma_wait3A_134 = tpu.memref_squeeze %dma_wait3A_133 : memref<1x40x128xi32, #tpu.memory_space<hbm>> -> memref<40x128xi32, #tpu.memory_space<hbm>>
      tpu.wait_dma2 semaphore(%run_scoped3A : memref<!tpu.dma_semaphore, #tpu.memory_space<semaphore_mem>>) src(%dma_wait3A_134 : memref<40x128xi32, #tpu.memory_space<hbm>>) dst(%arg6 : memref<40x128xi32, #tpu.memory_space<vmem>>)
      tpu.yield
    }) : () -> ()
    "tpu.region"() ({
      %run_scoped3A = tpu.sem_alloc : memref<!tpu.dma_semaphore, #tpu.memory_space<semaphore_mem>>
      %dma_start3A_119 = arith.constant 0 : i32
      %dma_start3A_120 = arith.constant 0 : i32
      %dma_start3A_121 = tpu.memref_slice %arg4[%add3A, %dma_start3A_119, %dma_start3A_120] : memref<32x80x128xi32, #tpu.memory_space<hbm>> -> memref<1x40x128xi32, #tpu.memory_space<hbm>>
      %dma_start3A_122 = tpu.memref_squeeze %dma_start3A_121 : memref<1x40x128xi32, #tpu.memory_space<hbm>> -> memref<40x128xi32, #tpu.memory_space<hbm>>
      %dma_start3A_123 = arith.constant 0 : i32
      %dma_start3A_124 = arith.constant 0 : i32
      %dma_start3A_125 = tpu.memref_slice %arg4[%add3A, %dma_start3A_123, %dma_start3A_124] : memref<32x80x128xi32, #tpu.memory_space<hbm>> -> memref<1x40x128xi32, #tpu.memory_space<hbm>>
      %dma_start3A_126 = tpu.memref_squeeze %dma_start3A_125 : memref<1x40x128xi32, #tpu.memory_space<hbm>> -> memref<40x128xi32, #tpu.memory_space<hbm>>
      tpu.enqueue_dma source(%dma_start3A_126 : memref<40x128xi32, #tpu.memory_space<hbm>>) target(%arg7 : memref<40x128xi32, #tpu.memory_space<vmem>>) target_semaphore(%run_scoped3A : memref<!tpu.dma_semaphore, #tpu.memory_space<semaphore_mem>>)
      %dma_wait3A_127 = arith.constant 0 : i32
      %dma_wait3A_128 = arith.constant 0 : i32
      %dma_wait3A_129 = tpu.memref_slice %arg4[%add3A, %dma_wait3A_127, %dma_wait3A_128] : memref<32x80x128xi32, #tpu.memory_space<hbm>> -> memref<1x40x128xi32, #tpu.memory_space<hbm>>
      %dma_wait3A_130 = tpu.memref_squeeze %dma_wait3A_129 : memref<1x40x128xi32, #tpu.memory_space<hbm>> -> memref<40x128xi32, #tpu.memory_space<hbm>>
      %dma_wait3A_131 = arith.constant 0 : i32
      %dma_wait3A_132 = arith.constant 0 : i32
      %dma_wait3A_133 = tpu.memref_slice %arg4[%add3A, %dma_wait3A_131, %dma_wait3A_132] : memref<32x80x128xi32, #tpu.memory_space<hbm>> -> memref<1x40x128xi32, #tpu.memory_space<hbm>>
      %dma_wait3A_134 = tpu.memref_squeeze %dma_wait3A_133 : memref<1x40x128xi32, #tpu.memory_space<hbm>> -> memref<40x128xi32, #tpu.memory_space<hbm>>
      tpu.wait_dma2 semaphore(%run_scoped3A : memref<!tpu.dma_semaphore, #tpu.memory_space<semaphore_mem>>) src(%dma_wait3A_134 : memref<40x128xi32, #tpu.memory_space<hbm>>) dst(%arg7 : memref<40x128xi32, #tpu.memory_space<vmem>>)
      tpu.yield
    }) : () -> ()
    %dma_start3A_86 = arith.constant 0 : i32
    %dma_start3A_87 = arith.constant 0 : i32
    %dma_start3A_88 = tpu.memref_slice %arg6[%dma_start3A_86, %dma_start3A_87] : memref<40x128xi32, #tpu.memory_space<vmem>> -> memref<1x128xi32, #tpu.memory_space<vmem>>
    %dma_start3A_89 = tpu.memref_squeeze %dma_start3A_88 : memref<1x128xi32, #tpu.memory_space<vmem>> -> memref<128xi32, #tpu.memory_space<vmem>>
    %dma_start3A_90 = arith.constant 0 : i32
    %dma_start3A_91 = arith.constant 0 : i32
    %dma_start3A_92 = tpu.memref_slice %arg2[%dma_start3A_90, %dma_start3A_91] : memref<10000x128xf32, #tpu.memory_space<hbm>> -> memref<10000x128xf32, #tpu.memory_space<hbm>>
    tpu.enqueue_indirect_dma source(%dma_start3A_92 : memref<10000x128xf32, #tpu.memory_space<hbm>>) target(%arg8 : memref<128x128xf32, #tpu.memory_space<vmem>>) offsets(%dma_start3A_89 : memref<128xi32, #tpu.memory_space<vmem>>) semaphore(%arg11 : memref<!tpu.dma_semaphore, #tpu.memory_space<semaphore_mem>>)
    %scan3A_93 = arith.constant 0 : i32
    %scan3A_94 = arith.constant 0 : i32
    %scan3A_95 = arith.constant 20 : i32
    %scan3A_96 = arith.addi %scan3A_94, %scan3A_95 : i32
    %scan3A_97 = arith.constant 1 : i32
    %scan3A_98 = scf.for %scan3A_119 = %scan3A_94 to %scan3A_96 step %scan3A_97 iter_args(%scan3A_120 = %scan3A_93) -> (i32)  : i32 {
      %mul3A_121 = arith.constant 2 : i32
      %mul3A_122 = arith.muli %mul3A_121, %scan3A_119 : i32
      %add3A_123 = arith.constant 1 : i32
      %add3A_124 = arith.addi %mul3A_122, %add3A_123 : i32
      %dma_start3A_125 = arith.constant 0 : i32
      %dma_start3A_126 = tpu.memref_slice %arg6[%add3A_124, %dma_start3A_125] : memref<40x128xi32, #tpu.memory_space<vmem>> -> memref<1x128xi32, #tpu.memory_space<vmem>>
      %dma_start3A_127 = tpu.memref_squeeze %dma_start3A_126 : memref<1x128xi32, #tpu.memory_space<vmem>> -> memref<128xi32, #tpu.memory_space<vmem>>
      %dma_start3A_128 = arith.constant 0 : i32
      %dma_start3A_129 = arith.constant 0 : i32
      %dma_start3A_130 = tpu.memref_slice %arg2[%dma_start3A_128, %dma_start3A_129] : memref<10000x128xf32, #tpu.memory_space<hbm>> -> memref<10000x128xf32, #tpu.memory_space<hbm>>
      tpu.enqueue_indirect_dma source(%dma_start3A_130 : memref<10000x128xf32, #tpu.memory_space<hbm>>) target(%arg9 : memref<128x128xf32, #tpu.memory_space<vmem>>) offsets(%dma_start3A_127 : memref<128xi32, #tpu.memory_space<vmem>>) semaphore(%arg12 : memref<!tpu.dma_semaphore, #tpu.memory_space<semaphore_mem>>)
      %dma_wait3A_131 = arith.constant 0 : i32
      %dma_wait3A_132 = tpu.memref_slice %arg6[%mul3A_122, %dma_wait3A_131] : memref<40x128xi32, #tpu.memory_space<vmem>> -> memref<1x128xi32, #tpu.memory_space<vmem>>
      %dma_wait3A_133 = tpu.memref_squeeze %dma_wait3A_132 : memref<1x128xi32, #tpu.memory_space<vmem>> -> memref<128xi32, #tpu.memory_space<vmem>>
      %dma_wait3A_134 = arith.constant 0 : i32
      %dma_wait3A_135 = arith.constant 0 : i32
      %dma_wait3A_136 = tpu.memref_slice %arg2[%dma_wait3A_134, %dma_wait3A_135] : memref<10000x128xf32, #tpu.memory_space<hbm>> -> memref<10000x128xf32, #tpu.memory_space<hbm>>
      tpu.wait_indirect_dma semaphore(%arg11 : memref<!tpu.dma_semaphore, #tpu.memory_space<semaphore_mem>>) src(%dma_wait3A_136 : memref<10000x128xf32, #tpu.memory_space<hbm>>) dst(%arg8 : memref<128x128xf32, #tpu.memory_space<vmem>>)
      "tpu.region"() ({
        %run_scoped3A = tpu.sem_alloc : memref<!tpu.dma_semaphore, #tpu.memory_space<semaphore_mem>>
        %dma_start3A_152 = arith.constant 0 : i32
        %dma_start3A_153 = tpu.memref_slice %arg7[%mul3A_122, %dma_start3A_152] : memref<40x128xi32, #tpu.memory_space<vmem>> -> memref<1x128xi32, #tpu.memory_space<vmem>>
        %dma_start3A_154 = tpu.memref_squeeze %dma_start3A_153 : memref<1x128xi32, #tpu.memory_space<vmem>> -> memref<128xi32, #tpu.memory_space<vmem>>
        %dma_start3A_155 = arith.constant 0 : i32
        %dma_start3A_156 = arith.constant 0 : i32
        %dma_start3A_157 = tpu.memref_slice %arg10[%dma_start3A_155, %dma_start3A_156] : memref<10240x128xf32, #tpu.memory_space<vmem_shared>> -> memref<10240x128xf32, #tpu.memory_space<vmem_shared>>
        tpu.enqueue_indirect_dma source(%arg8 : memref<128x128xf32, #tpu.memory_space<vmem>>) target(%dma_start3A_157 : memref<10240x128xf32, #tpu.memory_space<vmem_shared>>) offsets(%dma_start3A_154 : memref<128xi32, #tpu.memory_space<vmem>>) semaphore(%run_scoped3A : memref<!tpu.dma_semaphore, #tpu.memory_space<semaphore_mem>>) {add = true}
        %dma_wait3A_158 = arith.constant 0 : i32
        %dma_wait3A_159 = tpu.memref_slice %arg7[%mul3A_122, %dma_wait3A_158] : memref<40x128xi32, #tpu.memory_space<vmem>> -> memref<1x128xi32, #tpu.memory_space<vmem>>
        %dma_wait3A_160 = tpu.memref_squeeze %dma_wait3A_159 : memref<1x128xi32, #tpu.memory_space<vmem>> -> memref<128xi32, #tpu.memory_space<vmem>>
        %dma_wait3A_161 = arith.constant 0 : i32
        %dma_wait3A_162 = arith.constant 0 : i32
        %dma_wait3A_163 = tpu.memref_slice %arg10[%dma_wait3A_161, %dma_wait3A_162] : memref<10240x128xf32, #tpu.memory_space<vmem_shared>> -> memref<10240x128xf32, #tpu.memory_space<vmem_shared>>
        tpu.wait_indirect_dma semaphore(%run_scoped3A : memref<!tpu.dma_semaphore, #tpu.memory_space<semaphore_mem>>) src(%arg8 : memref<128x128xf32, #tpu.memory_space<vmem>>) dst(%dma_wait3A_163 : memref<10240x128xf32, #tpu.memory_space<vmem_shared>>)
        tpu.yield
      }) : () -> ()
      %add3A_137 = arith.constant 2 : i32
      %add3A_138 = arith.addi %mul3A_122, %add3A_137 : i32
      %lt3A = arith.constant 40 : i32
      %lt3A_139 = arith.cmpi slt, %add3A_138, %lt3A : i32
      %convert_element_type3A = arith.extui %lt3A_139 : i1 to i32
      %cond3A = arith.constant 0 : i32
      %cond3A_140 = arith.cmpi ne, %convert_element_type3A, %cond3A : i32
      scf.if %cond3A_140 {
        %add3A_152 = arith.constant 2 : i32
        %add3A_153 = arith.addi %mul3A_122, %add3A_152 : i32
        %dma_start3A_154 = arith.constant 0 : i32
        %dma_start3A_155 = tpu.memref_slice %arg6[%add3A_153, %dma_start3A_154] : memref<40x128xi32, #tpu.memory_space<vmem>> -> memref<1x128xi32, #tpu.memory_space<vmem>>
        %dma_start3A_156 = tpu.memref_squeeze %dma_start3A_155 : memref<1x128xi32, #tpu.memory_space<vmem>> -> memref<128xi32, #tpu.memory_space<vmem>>
        %dma_start3A_157 = arith.constant 0 : i32
        %dma_start3A_158 = arith.constant 0 : i32
        %dma_start3A_159 = tpu.memref_slice %arg2[%dma_start3A_157, %dma_start3A_158] : memref<10000x128xf32, #tpu.memory_space<hbm>> -> memref<10000x128xf32, #tpu.memory_space<hbm>>
        tpu.enqueue_indirect_dma source(%dma_start3A_159 : memref<10000x128xf32, #tpu.memory_space<hbm>>) target(%arg8 : memref<128x128xf32, #tpu.memory_space<vmem>>) offsets(%dma_start3A_156 : memref<128xi32, #tpu.memory_space<vmem>>) semaphore(%arg11 : memref<!tpu.dma_semaphore, #tpu.memory_space<semaphore_mem>>)
      } else {
      }
      %add3A_141 = arith.constant 1 : i32
      %add3A_142 = arith.addi %mul3A_122, %add3A_141 : i32
      %dma_wait3A_143 = arith.constant 0 : i32
      %dma_wait3A_144 = tpu.memref_slice %arg6[%add3A_142, %dma_wait3A_143] : memref<40x128xi32, #tpu.memory_space<vmem>> -> memref<1x128xi32, #tpu.memory_space<vmem>>
      %dma_wait3A_145 = tpu.memref_squeeze %dma_wait3A_144 : memref<1x128xi32, #tpu.memory_space<vmem>> -> memref<128xi32, #tpu.memory_space<vmem>>
      %dma_wait3A_146 = arith.constant 0 : i32
      %dma_wait3A_147 = arith.constant 0 : i32
      %dma_wait3A_148 = tpu.memref_slice %arg2[%dma_wait3A_146, %dma_wait3A_147] : memref<10000x128xf32, #tpu.memory_space<hbm>> -> memref<10000x128xf32, #tpu.memory_space<hbm>>
      tpu.wait_indirect_dma semaphore(%arg12 : memref<!tpu.dma_semaphore, #tpu.memory_space<semaphore_mem>>) src(%dma_wait3A_148 : memref<10000x128xf32, #tpu.memory_space<hbm>>) dst(%arg9 : memref<128x128xf32, #tpu.memory_space<vmem>>)
      %add3A_149 = arith.constant 1 : i32
      %add3A_150 = arith.addi %mul3A_122, %add3A_149 : i32
      "tpu.region"() ({
        %run_scoped3A = tpu.sem_alloc : memref<!tpu.dma_semaphore, #tpu.memory_space<semaphore_mem>>
        %dma_start3A_152 = arith.constant 0 : i32
        %dma_start3A_153 = tpu.memref_slice %arg7[%add3A_150, %dma_start3A_152] : memref<40x128xi32, #tpu.memory_space<vmem>> -> memref<1x128xi32, #tpu.memory_space<vmem>>
        %dma_start3A_154 = tpu.memref_squeeze %dma_start3A_153 : memref<1x128xi32, #tpu.memory_space<vmem>> -> memref<128xi32, #tpu.memory_space<vmem>>
        %dma_start3A_155 = arith.constant 0 : i32
        %dma_start3A_156 = arith.constant 0 : i32
        %dma_start3A_157 = tpu.memref_slice %arg10[%dma_start3A_155, %dma_start3A_156] : memref<10240x128xf32, #tpu.memory_space<vmem_shared>> -> memref<10240x128xf32, #tpu.memory_space<vmem_shared>>
        tpu.enqueue_indirect_dma source(%arg9 : memref<128x128xf32, #tpu.memory_space<vmem>>) target(%dma_start3A_157 : memref<10240x128xf32, #tpu.memory_space<vmem_shared>>) offsets(%dma_start3A_154 : memref<128xi32, #tpu.memory_space<vmem>>) semaphore(%run_scoped3A : memref<!tpu.dma_semaphore, #tpu.memory_space<semaphore_mem>>) {add = true}
        %dma_wait3A_158 = arith.constant 0 : i32
        %dma_wait3A_159 = tpu.memref_slice %arg7[%add3A_150, %dma_wait3A_158] : memref<40x128xi32, #tpu.memory_space<vmem>> -> memref<1x128xi32, #tpu.memory_space<vmem>>
        %dma_wait3A_160 = tpu.memref_squeeze %dma_wait3A_159 : memref<1x128xi32, #tpu.memory_space<vmem>> -> memref<128xi32, #tpu.memory_space<vmem>>
        %dma_wait3A_161 = arith.constant 0 : i32
        %dma_wait3A_162 = arith.constant 0 : i32
        %dma_wait3A_163 = tpu.memref_slice %arg10[%dma_wait3A_161, %dma_wait3A_162] : memref<10240x128xf32, #tpu.memory_space<vmem_shared>> -> memref<10240x128xf32, #tpu.memory_space<vmem_shared>>
        tpu.wait_indirect_dma semaphore(%run_scoped3A : memref<!tpu.dma_semaphore, #tpu.memory_space<semaphore_mem>>) src(%arg9 : memref<128x128xf32, #tpu.memory_space<vmem>>) dst(%dma_wait3A_163 : memref<10240x128xf32, #tpu.memory_space<vmem_shared>>)
        tpu.yield
      }) : () -> ()
      %scan3A_151 = arith.constant 0 : i32
      scf.yield %scan3A_151 : i32
    }
    %scan3A_99 = arith.constant 20 : i32
    "tpu.region"() ({
      %run_scoped3A = tpu.sem_alloc : memref<!tpu.dma_semaphore, #tpu.memory_space<semaphore_mem>>
      %dma_start3A_119 = arith.constant 40 : i32
      %dma_start3A_120 = arith.constant 0 : i32
      %dma_start3A_121 = tpu.memref_slice %arg3[%add3A, %dma_start3A_119, %dma_start3A_120] : memref<32x80x128xi32, #tpu.memory_space<hbm>> -> memref<1x40x128xi32, #tpu.memory_space<hbm>>
      %dma_start3A_122 = tpu.memref_squeeze %dma_start3A_121 : memref<1x40x128xi32, #tpu.memory_space<hbm>> -> memref<40x128xi32, #tpu.memory_space<hbm>>
      %dma_start3A_123 = arith.constant 40 : i32
      %dma_start3A_124 = arith.constant 0 : i32
      %dma_start3A_125 = tpu.memref_slice %arg3[%add3A, %dma_start3A_123, %dma_start3A_124] : memref<32x80x128xi32, #tpu.memory_space<hbm>> -> memref<1x40x128xi32, #tpu.memory_space<hbm>>
      %dma_start3A_126 = tpu.memref_squeeze %dma_start3A_125 : memref<1x40x128xi32, #tpu.memory_space<hbm>> -> memref<40x128xi32, #tpu.memory_space<hbm>>
      tpu.enqueue_dma source(%dma_start3A_126 : memref<40x128xi32, #tpu.memory_space<hbm>>) target(%arg6 : memref<40x128xi32, #tpu.memory_space<vmem>>) target_semaphore(%run_scoped3A : memref<!tpu.dma_semaphore, #tpu.memory_space<semaphore_mem>>)
      %dma_wait3A_127 = arith.constant 40 : i32
      %dma_wait3A_128 = arith.constant 0 : i32
      %dma_wait3A_129 = tpu.memref_slice %arg3[%add3A, %dma_wait3A_127, %dma_wait3A_128] : memref<32x80x128xi32, #tpu.memory_space<hbm>> -> memref<1x40x128xi32, #tpu.memory_space<hbm>>
      %dma_wait3A_130 = tpu.memref_squeeze %dma_wait3A_129 : memref<1x40x128xi32, #tpu.memory_space<hbm>> -> memref<40x128xi32, #tpu.memory_space<hbm>>
      %dma_wait3A_131 = arith.constant 40 : i32
      %dma_wait3A_132 = arith.constant 0 : i32
      %dma_wait3A_133 = tpu.memref_slice %arg3[%add3A, %dma_wait3A_131, %dma_wait3A_132] : memref<32x80x128xi32, #tpu.memory_space<hbm>> -> memref<1x40x128xi32, #tpu.memory_space<hbm>>
      %dma_wait3A_134 = tpu.memref_squeeze %dma_wait3A_133 : memref<1x40x128xi32, #tpu.memory_space<hbm>> -> memref<40x128xi32, #tpu.memory_space<hbm>>
      tpu.wait_dma2 semaphore(%run_scoped3A : memref<!tpu.dma_semaphore, #tpu.memory_space<semaphore_mem>>) src(%dma_wait3A_134 : memref<40x128xi32, #tpu.memory_space<hbm>>) dst(%arg6 : memref<40x128xi32, #tpu.memory_space<vmem>>)
      tpu.yield
    }) : () -> ()
    "tpu.region"() ({
      %run_scoped3A = tpu.sem_alloc : memref<!tpu.dma_semaphore, #tpu.memory_space<semaphore_mem>>
      %dma_start3A_119 = arith.constant 40 : i32
      %dma_start3A_120 = arith.constant 0 : i32
      %dma_start3A_121 = tpu.memref_slice %arg4[%add3A, %dma_start3A_119, %dma_start3A_120] : memref<32x80x128xi32, #tpu.memory_space<hbm>> -> memref<1x40x128xi32, #tpu.memory_space<hbm>>
      %dma_start3A_122 = tpu.memref_squeeze %dma_start3A_121 : memref<1x40x128xi32, #tpu.memory_space<hbm>> -> memref<40x128xi32, #tpu.memory_space<hbm>>
      %dma_start3A_123 = arith.constant 40 : i32
      %dma_start3A_124 = arith.constant 0 : i32
      %dma_start3A_125 = tpu.memref_slice %arg4[%add3A, %dma_start3A_123, %dma_start3A_124] : memref<32x80x128xi32, #tpu.memory_space<hbm>> -> memref<1x40x128xi32, #tpu.memory_space<hbm>>
      %dma_start3A_126 = tpu.memref_squeeze %dma_start3A_125 : memref<1x40x128xi32, #tpu.memory_space<hbm>> -> memref<40x128xi32, #tpu.memory_space<hbm>>
      tpu.enqueue_dma source(%dma_start3A_126 : memref<40x128xi32, #tpu.memory_space<hbm>>) target(%arg7 : memref<40x128xi32, #tpu.memory_space<vmem>>) target_semaphore(%run_scoped3A : memref<!tpu.dma_semaphore, #tpu.memory_space<semaphore_mem>>)
      %dma_wait3A_127 = arith.constant 40 : i32
      %dma_wait3A_128 = arith.constant 0 : i32
      %dma_wait3A_129 = tpu.memref_slice %arg4[%add3A, %dma_wait3A_127, %dma_wait3A_128] : memref<32x80x128xi32, #tpu.memory_space<hbm>> -> memref<1x40x128xi32, #tpu.memory_space<hbm>>
      %dma_wait3A_130 = tpu.memref_squeeze %dma_wait3A_129 : memref<1x40x128xi32, #tpu.memory_space<hbm>> -> memref<40x128xi32, #tpu.memory_space<hbm>>
      %dma_wait3A_131 = arith.constant 40 : i32
      %dma_wait3A_132 = arith.constant 0 : i32
      %dma_wait3A_133 = tpu.memref_slice %arg4[%add3A, %dma_wait3A_131, %dma_wait3A_132] : memref<32x80x128xi32, #tpu.memory_space<hbm>> -> memref<1x40x128xi32, #tpu.memory_space<hbm>>
      %dma_wait3A_134 = tpu.memref_squeeze %dma_wait3A_133 : memref<1x40x128xi32, #tpu.memory_space<hbm>> -> memref<40x128xi32, #tpu.memory_space<hbm>>
      tpu.wait_dma2 semaphore(%run_scoped3A : memref<!tpu.dma_semaphore, #tpu.memory_space<semaphore_mem>>) src(%dma_wait3A_134 : memref<40x128xi32, #tpu.memory_space<hbm>>) dst(%arg7 : memref<40x128xi32, #tpu.memory_space<vmem>>)
      tpu.yield
    }) : () -> ()
    %dma_start3A_100 = arith.constant 0 : i32
    %dma_start3A_101 = arith.constant 0 : i32
    %dma_start3A_102 = tpu.memref_slice %arg6[%dma_start3A_100, %dma_start3A_101] : memref<40x128xi32, #tpu.memory_space<vmem>> -> memref<1x128xi32, #tpu.memory_space<vmem>>
    %dma_start3A_103 = tpu.memref_squeeze %dma_start3A_102 : memref<1x128xi32, #tpu.memory_space<vmem>> -> memref<128xi32, #tpu.memory_space<vmem>>
    %dma_start3A_104 = arith.constant 0 : i32
    %dma_start3A_105 = arith.constant 0 : i32
    %dma_start3A_106 = tpu.memref_slice %arg2[%dma_start3A_104, %dma_start3A_105] : memref<10000x128xf32, #tpu.memory_space<hbm>> -> memref<10000x128xf32, #tpu.memory_space<hbm>>
    tpu.enqueue_indirect_dma source(%dma_start3A_106 : memref<10000x128xf32, #tpu.memory_space<hbm>>) target(%arg8 : memref<128x128xf32, #tpu.memory_space<vmem>>) offsets(%dma_start3A_103 : memref<128xi32, #tpu.memory_space<vmem>>) semaphore(%arg11 : memref<!tpu.dma_semaphore, #tpu.memory_space<semaphore_mem>>)
    %scan3A_107 = arith.constant 0 : i32
    %scan3A_108 = arith.constant 0 : i32
    %scan3A_109 = arith.constant 20 : i32
    %scan3A_110 = arith.addi %scan3A_108, %scan3A_109 : i32
    %scan3A_111 = arith.constant 1 : i32
    %scan3A_112 = scf.for %scan3A_119 = %scan3A_108 to %scan3A_110 step %scan3A_111 iter_args(%scan3A_120 = %scan3A_107) -> (i32)  : i32 {
      %mul3A_121 = arith.constant 2 : i32
      %mul3A_122 = arith.muli %mul3A_121, %scan3A_119 : i32
      %add3A_123 = arith.constant 1 : i32
      %add3A_124 = arith.addi %mul3A_122, %add3A_123 : i32
      %dma_start3A_125 = arith.constant 0 : i32
      %dma_start3A_126 = tpu.memref_slice %arg6[%add3A_124, %dma_start3A_125] : memref<40x128xi32, #tpu.memory_space<vmem>> -> memref<1x128xi32, #tpu.memory_space<vmem>>
      %dma_start3A_127 = tpu.memref_squeeze %dma_start3A_126 : memref<1x128xi32, #tpu.memory_space<vmem>> -> memref<128xi32, #tpu.memory_space<vmem>>
      %dma_start3A_128 = arith.constant 0 : i32
      %dma_start3A_129 = arith.constant 0 : i32
      %dma_start3A_130 = tpu.memref_slice %arg2[%dma_start3A_128, %dma_start3A_129] : memref<10000x128xf32, #tpu.memory_space<hbm>> -> memref<10000x128xf32, #tpu.memory_space<hbm>>
      tpu.enqueue_indirect_dma source(%dma_start3A_130 : memref<10000x128xf32, #tpu.memory_space<hbm>>) target(%arg9 : memref<128x128xf32, #tpu.memory_space<vmem>>) offsets(%dma_start3A_127 : memref<128xi32, #tpu.memory_space<vmem>>) semaphore(%arg12 : memref<!tpu.dma_semaphore, #tpu.memory_space<semaphore_mem>>)
      %dma_wait3A_131 = arith.constant 0 : i32
      %dma_wait3A_132 = tpu.memref_slice %arg6[%mul3A_122, %dma_wait3A_131] : memref<40x128xi32, #tpu.memory_space<vmem>> -> memref<1x128xi32, #tpu.memory_space<vmem>>
      %dma_wait3A_133 = tpu.memref_squeeze %dma_wait3A_132 : memref<1x128xi32, #tpu.memory_space<vmem>> -> memref<128xi32, #tpu.memory_space<vmem>>
      %dma_wait3A_134 = arith.constant 0 : i32
      %dma_wait3A_135 = arith.constant 0 : i32
      %dma_wait3A_136 = tpu.memref_slice %arg2[%dma_wait3A_134, %dma_wait3A_135] : memref<10000x128xf32, #tpu.memory_space<hbm>> -> memref<10000x128xf32, #tpu.memory_space<hbm>>
      tpu.wait_indirect_dma semaphore(%arg11 : memref<!tpu.dma_semaphore, #tpu.memory_space<semaphore_mem>>) src(%dma_wait3A_136 : memref<10000x128xf32, #tpu.memory_space<hbm>>) dst(%arg8 : memref<128x128xf32, #tpu.memory_space<vmem>>)
      "tpu.region"() ({
        %run_scoped3A = tpu.sem_alloc : memref<!tpu.dma_semaphore, #tpu.memory_space<semaphore_mem>>
        %dma_start3A_152 = arith.constant 0 : i32
        %dma_start3A_153 = tpu.memref_slice %arg7[%mul3A_122, %dma_start3A_152] : memref<40x128xi32, #tpu.memory_space<vmem>> -> memref<1x128xi32, #tpu.memory_space<vmem>>
        %dma_start3A_154 = tpu.memref_squeeze %dma_start3A_153 : memref<1x128xi32, #tpu.memory_space<vmem>> -> memref<128xi32, #tpu.memory_space<vmem>>
        %dma_start3A_155 = arith.constant 0 : i32
        %dma_start3A_156 = arith.constant 0 : i32
        %dma_start3A_157 = tpu.memref_slice %arg10[%dma_start3A_155, %dma_start3A_156] : memref<10240x128xf32, #tpu.memory_space<vmem_shared>> -> memref<10240x128xf32, #tpu.memory_space<vmem_shared>>
        tpu.enqueue_indirect_dma source(%arg8 : memref<128x128xf32, #tpu.memory_space<vmem>>) target(%dma_start3A_157 : memref<10240x128xf32, #tpu.memory_space<vmem_shared>>) offsets(%dma_start3A_154 : memref<128xi32, #tpu.memory_space<vmem>>) semaphore(%run_scoped3A : memref<!tpu.dma_semaphore, #tpu.memory_space<semaphore_mem>>) {add = true}
        %dma_wait3A_158 = arith.constant 0 : i32
        %dma_wait3A_159 = tpu.memref_slice %arg7[%mul3A_122, %dma_wait3A_158] : memref<40x128xi32, #tpu.memory_space<vmem>> -> memref<1x128xi32, #tpu.memory_space<vmem>>
        %dma_wait3A_160 = tpu.memref_squeeze %dma_wait3A_159 : memref<1x128xi32, #tpu.memory_space<vmem>> -> memref<128xi32, #tpu.memory_space<vmem>>
        %dma_wait3A_161 = arith.constant 0 : i32
        %dma_wait3A_162 = arith.constant 0 : i32
        %dma_wait3A_163 = tpu.memref_slice %arg10[%dma_wait3A_161, %dma_wait3A_162] : memref<10240x128xf32, #tpu.memory_space<vmem_shared>> -> memref<10240x128xf32, #tpu.memory_space<vmem_shared>>
        tpu.wait_indirect_dma semaphore(%run_scoped3A : memref<!tpu.dma_semaphore, #tpu.memory_space<semaphore_mem>>) src(%arg8 : memref<128x128xf32, #tpu.memory_space<vmem>>) dst(%dma_wait3A_163 : memref<10240x128xf32, #tpu.memory_space<vmem_shared>>)
        tpu.yield
      }) : () -> ()
      %add3A_137 = arith.constant 2 : i32
      %add3A_138 = arith.addi %mul3A_122, %add3A_137 : i32
      %lt3A = arith.constant 40 : i32
      %lt3A_139 = arith.cmpi slt, %add3A_138, %lt3A : i32
      %convert_element_type3A = arith.extui %lt3A_139 : i1 to i32
      %cond3A = arith.constant 0 : i32
      %cond3A_140 = arith.cmpi ne, %convert_element_type3A, %cond3A : i32
      scf.if %cond3A_140 {
        %add3A_152 = arith.constant 2 : i32
        %add3A_153 = arith.addi %mul3A_122, %add3A_152 : i32
        %dma_start3A_154 = arith.constant 0 : i32
        %dma_start3A_155 = tpu.memref_slice %arg6[%add3A_153, %dma_start3A_154] : memref<40x128xi32, #tpu.memory_space<vmem>> -> memref<1x128xi32, #tpu.memory_space<vmem>>
        %dma_start3A_156 = tpu.memref_squeeze %dma_start3A_155 : memref<1x128xi32, #tpu.memory_space<vmem>> -> memref<128xi32, #tpu.memory_space<vmem>>
        %dma_start3A_157 = arith.constant 0 : i32
        %dma_start3A_158 = arith.constant 0 : i32
        %dma_start3A_159 = tpu.memref_slice %arg2[%dma_start3A_157, %dma_start3A_158] : memref<10000x128xf32, #tpu.memory_space<hbm>> -> memref<10000x128xf32, #tpu.memory_space<hbm>>
        tpu.enqueue_indirect_dma source(%dma_start3A_159 : memref<10000x128xf32, #tpu.memory_space<hbm>>) target(%arg8 : memref<128x128xf32, #tpu.memory_space<vmem>>) offsets(%dma_start3A_156 : memref<128xi32, #tpu.memory_space<vmem>>) semaphore(%arg11 : memref<!tpu.dma_semaphore, #tpu.memory_space<semaphore_mem>>)
      } else {
      }
      %add3A_141 = arith.constant 1 : i32
      %add3A_142 = arith.addi %mul3A_122, %add3A_141 : i32
      %dma_wait3A_143 = arith.constant 0 : i32
      %dma_wait3A_144 = tpu.memref_slice %arg6[%add3A_142, %dma_wait3A_143] : memref<40x128xi32, #tpu.memory_space<vmem>> -> memref<1x128xi32, #tpu.memory_space<vmem>>
      %dma_wait3A_145 = tpu.memref_squeeze %dma_wait3A_144 : memref<1x128xi32, #tpu.memory_space<vmem>> -> memref<128xi32, #tpu.memory_space<vmem>>
      %dma_wait3A_146 = arith.constant 0 : i32
      %dma_wait3A_147 = arith.constant 0 : i32
      %dma_wait3A_148 = tpu.memref_slice %arg2[%dma_wait3A_146, %dma_wait3A_147] : memref<10000x128xf32, #tpu.memory_space<hbm>> -> memref<10000x128xf32, #tpu.memory_space<hbm>>
      tpu.wait_indirect_dma semaphore(%arg12 : memref<!tpu.dma_semaphore, #tpu.memory_space<semaphore_mem>>) src(%dma_wait3A_148 : memref<10000x128xf32, #tpu.memory_space<hbm>>) dst(%arg9 : memref<128x128xf32, #tpu.memory_space<vmem>>)
      %add3A_149 = arith.constant 1 : i32
      %add3A_150 = arith.addi %mul3A_122, %add3A_149 : i32
      "tpu.region"() ({
        %run_scoped3A = tpu.sem_alloc : memref<!tpu.dma_semaphore, #tpu.memory_space<semaphore_mem>>
        %dma_start3A_152 = arith.constant 0 : i32
        %dma_start3A_153 = tpu.memref_slice %arg7[%add3A_150, %dma_start3A_152] : memref<40x128xi32, #tpu.memory_space<vmem>> -> memref<1x128xi32, #tpu.memory_space<vmem>>
        %dma_start3A_154 = tpu.memref_squeeze %dma_start3A_153 : memref<1x128xi32, #tpu.memory_space<vmem>> -> memref<128xi32, #tpu.memory_space<vmem>>
        %dma_start3A_155 = arith.constant 0 : i32
        %dma_start3A_156 = arith.constant 0 : i32
        %dma_start3A_157 = tpu.memref_slice %arg10[%dma_start3A_155, %dma_start3A_156] : memref<10240x128xf32, #tpu.memory_space<vmem_shared>> -> memref<10240x128xf32, #tpu.memory_space<vmem_shared>>
        tpu.enqueue_indirect_dma source(%arg9 : memref<128x128xf32, #tpu.memory_space<vmem>>) target(%dma_start3A_157 : memref<10240x128xf32, #tpu.memory_space<vmem_shared>>) offsets(%dma_start3A_154 : memref<128xi32, #tpu.memory_space<vmem>>) semaphore(%run_scoped3A : memref<!tpu.dma_semaphore, #tpu.memory_space<semaphore_mem>>) {add = true}
        %dma_wait3A_158 = arith.constant 0 : i32
        %dma_wait3A_159 = tpu.memref_slice %arg7[%add3A_150, %dma_wait3A_158] : memref<40x128xi32, #tpu.memory_space<vmem>> -> memref<1x128xi32, #tpu.memory_space<vmem>>
        %dma_wait3A_160 = tpu.memref_squeeze %dma_wait3A_159 : memref<1x128xi32, #tpu.memory_space<vmem>> -> memref<128xi32, #tpu.memory_space<vmem>>
        %dma_wait3A_161 = arith.constant 0 : i32
        %dma_wait3A_162 = arith.constant 0 : i32
        %dma_wait3A_163 = tpu.memref_slice %arg10[%dma_wait3A_161, %dma_wait3A_162] : memref<10240x128xf32, #tpu.memory_space<vmem_shared>> -> memref<10240x128xf32, #tpu.memory_space<vmem_shared>>
        tpu.wait_indirect_dma semaphore(%run_scoped3A : memref<!tpu.dma_semaphore, #tpu.memory_space<semaphore_mem>>) src(%arg9 : memref<128x128xf32, #tpu.memory_space<vmem>>) dst(%dma_wait3A_163 : memref<10240x128xf32, #tpu.memory_space<vmem_shared>>)
        tpu.yield
      }) : () -> ()
      %scan3A_151 = arith.constant 0 : i32
      scf.yield %scan3A_151 : i32
    }
    %scan3A_113 = arith.constant 20 : i32
    %barrier3A_114 = arith.constant 0 : index
    tpu.barrier barrier_id(%barrier3A_114)
    %mul3A_115 = arith.constant 640 : i32
    %mul3A_116 = arith.muli %arg1, %mul3A_115 : i32
    %mul3A_117 = arith.constant 640 : i32
    %mul3A_118 = arith.muli %arg1, %mul3A_117 : i32
    "tpu.region"() ({
      %run_scoped3A = tpu.sem_alloc : memref<!tpu.dma_semaphore, #tpu.memory_space<semaphore_mem>>
      %dma_start3A_119 = arith.constant 0 : i32
      %dma_start3A_120 = tpu.memref_slice %arg5[%arg0, %mul3A_118, %dma_start3A_119] : memref<2x10240x128xf32, #tpu.memory_space<hbm>> -> memref<1x640x128xf32, #tpu.memory_space<hbm>>
      %dma_start3A_121 = tpu.memref_squeeze %dma_start3A_120 : memref<1x640x128xf32, #tpu.memory_space<hbm>> -> memref<640x128xf32, #tpu.memory_space<hbm>>
      %dma_start3A_122 = arith.constant 0 : i32
      %dma_start3A_123 = tpu.memref_slice %arg10[%mul3A_116, %dma_start3A_122] : memref<10240x128xf32, #tpu.memory_space<vmem_shared>> -> memref<640x128xf32, #tpu.memory_space<vmem_shared>>
      tpu.enqueue_dma source(%dma_start3A_123 : memref<640x128xf32, #tpu.memory_space<vmem_shared>>) target(%dma_start3A_121 : memref<640x128xf32, #tpu.memory_space<hbm>>) target_semaphore(%run_scoped3A : memref<!tpu.dma_semaphore, #tpu.memory_space<semaphore_mem>>)
      %dma_wait3A_124 = arith.constant 0 : i32
      %dma_wait3A_125 = tpu.memref_slice %arg5[%arg0, %mul3A_118, %dma_wait3A_124] : memref<2x10240x128xf32, #tpu.memory_space<hbm>> -> memref<1x640x128xf32, #tpu.memory_space<hbm>>
      %dma_wait3A_126 = tpu.memref_squeeze %dma_wait3A_125 : memref<1x640x128xf32, #tpu.memory_space<hbm>> -> memref<640x128xf32, #tpu.memory_space<hbm>>
      %dma_wait3A_127 = arith.constant 0 : i32
      %dma_wait3A_128 = tpu.memref_slice %arg10[%mul3A_116, %dma_wait3A_127] : memref<10240x128xf32, #tpu.memory_space<vmem_shared>> -> memref<640x128xf32, #tpu.memory_space<vmem_shared>>
      tpu.wait_dma2 semaphore(%run_scoped3A : memref<!tpu.dma_semaphore, #tpu.memory_space<semaphore_mem>>) src(%dma_wait3A_128 : memref<640x128xf32, #tpu.memory_space<vmem_shared>>) dst(%dma_wait3A_126 : memref<640x128xf32, #tpu.memory_space<hbm>>)
      tpu.yield
    }) : () -> ()
    return
  }
}

#map = affine_map<(d0, d1) -> (0, 0)>
#map1 = affine_map<(d0, d1) -> (0, 0, 0)>
module attributes {stable_mosaic.version = 14 : i64} {
  func.func @_seg_body(%arg0: i32, %arg1: i32, %arg2: memref<10000x128xf32, #tpu.memory_space<hbm>>, %arg3: memref<32x80x128xi32, #tpu.memory_space<hbm>>, %arg4: memref<32x80x128xi32, #tpu.memory_space<hbm>>, %arg5: memref<2x10240x128xf32, #tpu.memory_space<hbm>>, %arg6: memref<40x128xi32, #tpu.memory_space<vmem>>, %arg7: memref<40x128xi32, #tpu.memory_space<vmem>>, %arg8: memref<128x128xf32, #tpu.memory_space<vmem>>, %arg9: memref<128x128xf32, #tpu.memory_space<vmem>>, %arg10: memref<10240x128xf32, #tpu.memory_space<vmem_shared>>, %arg11: memref<!tpu.dma_semaphore, #tpu.memory_space<semaphore_mem>>, %arg12: memref<!tpu.dma_semaphore, #tpu.memory_space<semaphore_mem>>) attributes {dimension_semantics = [#tpu.dimension_semantics<core_parallel>, #tpu.dimension_semantics<subcore_parallel>], iteration_bounds = array<i64: 2, 16>, scalar_prefetch = 0 : i64, scratch_operands = 7 : i64, tpu.core_type = #tpu.core_type<sc_vector_subcore>, window_params = [{transform_indices = #map}, {transform_indices = #map1}, {transform_indices = #map1}, {transform_indices = #map1}]} {
    %mul3A = arith.constant 16 : i32
    %mul3A_0 = arith.muli %arg0, %mul3A : i32
    %add3A = arith.addi %mul3A_0, %arg1 : i32
    %broadcast_in_dim3A = arith.constant 0.000000e+00 : f32
    %broadcast_in_dim3A_1 = vector.broadcast %broadcast_in_dim3A : f32 to vector<16xf32>
    %scan3A = arith.constant 0 : i32
    %scan3A_2 = arith.constant 0 : i32
    %scan3A_3 = arith.constant 128 : i32
    %scan3A_4 = arith.addi %scan3A_2, %scan3A_3 : i32
    %scan3A_5 = arith.constant 1 : i32
    %scan3A_6 = scf.for %scan3A_119 = %scan3A_2 to %scan3A_4 step %scan3A_5 iter_args(%scan3A_120 = %scan3A) -> (i32)  : i32 {
      %swap3A = arith.index_cast %scan3A_119 : i32 to index
      %swap3A_121 = arith.constant 0 : index
      %swap3A_122 = tpu.vector_load %arg8[%swap3A, %swap3A_121] {strides = array<i32>} : memref<128x128xf32, #tpu.memory_space<vmem>>, vector<1x16xf32>,
      %swap3A_123 = vector.shape_cast %swap3A_122 : vector<1x16xf32> to vector<16xf32>
      %swap3A_124 = vector.shape_cast %broadcast_in_dim3A_1 : vector<16xf32> to vector<1x16xf32>
      tpu.vector_store %arg8[%swap3A, %swap3A_121], %swap3A_124 {strides = array<i32>} : memref<128x128xf32, #tpu.memory_space<vmem>>, vector<1x16xf32>,
      %swap3A_125 = arith.index_cast %scan3A_119 : i32 to index
      %swap3A_126 = arith.constant 16 : index
      %swap3A_127 = tpu.vector_load %arg8[%swap3A_125, %swap3A_126] {strides = array<i32>} : memref<128x128xf32, #tpu.memory_space<vmem>>, vector<1x16xf32>,
      %swap3A_128 = vector.shape_cast %swap3A_127 : vector<1x16xf32> to vector<16xf32>
      %swap3A_129 = vector.shape_cast %broadcast_in_dim3A_1 : vector<16xf32> to vector<1x16xf32>
      tpu.vector_store %arg8[%swap3A_125, %swap3A_126], %swap3A_129 {strides = array<i32>} : memref<128x128xf32, #tpu.memory_space<vmem>>, vector<1x16xf32>,
      %swap3A_130 = arith.index_cast %scan3A_119 : i32 to index
      %swap3A_131 = arith.constant 32 : index
      %swap3A_132 = tpu.vector_load %arg8[%swap3A_130, %swap3A_131] {strides = array<i32>} : memref<128x128xf32, #tpu.memory_space<vmem>>, vector<1x16xf32>,
      %swap3A_133 = vector.shape_cast %swap3A_132 : vector<1x16xf32> to vector<16xf32>
      %swap3A_134 = vector.shape_cast %broadcast_in_dim3A_1 : vector<16xf32> to vector<1x16xf32>
      tpu.vector_store %arg8[%swap3A_130, %swap3A_131], %swap3A_134 {strides = array<i32>} : memref<128x128xf32, #tpu.memory_space<vmem>>, vector<1x16xf32>,
      %swap3A_135 = arith.index_cast %scan3A_119 : i32 to index
      %swap3A_136 = arith.constant 48 : index
      %swap3A_137 = tpu.vector_load %arg8[%swap3A_135, %swap3A_136] {strides = array<i32>} : memref<128x128xf32, #tpu.memory_space<vmem>>, vector<1x16xf32>,
      %swap3A_138 = vector.shape_cast %swap3A_137 : vector<1x16xf32> to vector<16xf32>
      %swap3A_139 = vector.shape_cast %broadcast_in_dim3A_1 : vector<16xf32> to vector<1x16xf32>
      tpu.vector_store %arg8[%swap3A_135, %swap3A_136], %swap3A_139 {strides = array<i32>} : memref<128x128xf32, #tpu.memory_space<vmem>>, vector<1x16xf32>,
      %swap3A_140 = arith.index_cast %scan3A_119 : i32 to index
      %swap3A_141 = arith.constant 64 : index
      %swap3A_142 = tpu.vector_load %arg8[%swap3A_140, %swap3A_141] {strides = array<i32>} : memref<128x128xf32, #tpu.memory_space<vmem>>, vector<1x16xf32>,
      %swap3A_143 = vector.shape_cast %swap3A_142 : vector<1x16xf32> to vector<16xf32>
      %swap3A_144 = vector.shape_cast %broadcast_in_dim3A_1 : vector<16xf32> to vector<1x16xf32>
      tpu.vector_store %arg8[%swap3A_140, %swap3A_141], %swap3A_144 {strides = array<i32>} : memref<128x128xf32, #tpu.memory_space<vmem>>, vector<1x16xf32>,
      %swap3A_145 = arith.index_cast %scan3A_119 : i32 to index
      %swap3A_146 = arith.constant 80 : index
      %swap3A_147 = tpu.vector_load %arg8[%swap3A_145, %swap3A_146] {strides = array<i32>} : memref<128x128xf32, #tpu.memory_space<vmem>>, vector<1x16xf32>,
      %swap3A_148 = vector.shape_cast %swap3A_147 : vector<1x16xf32> to vector<16xf32>
      %swap3A_149 = vector.shape_cast %broadcast_in_dim3A_1 : vector<16xf32> to vector<1x16xf32>
      tpu.vector_store %arg8[%swap3A_145, %swap3A_146], %swap3A_149 {strides = array<i32>} : memref<128x128xf32, #tpu.memory_space<vmem>>, vector<1x16xf32>,
      %swap3A_150 = arith.index_cast %scan3A_119 : i32 to index
      %swap3A_151 = arith.constant 96 : index
      %swap3A_152 = tpu.vector_load %arg8[%swap3A_150, %swap3A_151] {strides = array<i32>} : memref<128x128xf32, #tpu.memory_space<vmem>>, vector<1x16xf32>,
      %swap3A_153 = vector.shape_cast %swap3A_152 : vector<1x16xf32> to vector<16xf32>
      %swap3A_154 = vector.shape_cast %broadcast_in_dim3A_1 : vector<16xf32> to vector<1x16xf32>
      tpu.vector_store %arg8[%swap3A_150, %swap3A_151], %swap3A_154 {strides = array<i32>} : memref<128x128xf32, #tpu.memory_space<vmem>>, vector<1x16xf32>,
      %swap3A_155 = arith.index_cast %scan3A_119 : i32 to index
      %swap3A_156 = arith.constant 112 : index
      %swap3A_157 = tpu.vector_load %arg8[%swap3A_155, %swap3A_156] {strides = array<i32>} : memref<128x128xf32, #tpu.memory_space<vmem>>, vector<1x16xf32>,
      %swap3A_158 = vector.shape_cast %swap3A_157 : vector<1x16xf32> to vector<16xf32>
      %swap3A_159 = vector.shape_cast %broadcast_in_dim3A_1 : vector<16xf32> to vector<1x16xf32>
      tpu.vector_store %arg8[%swap3A_155, %swap3A_156], %swap3A_159 {strides = array<i32>} : memref<128x128xf32, #tpu.memory_space<vmem>>, vector<1x16xf32>,
      %scan3A_160 = arith.constant 0 : i32
      scf.yield %scan3A_160 : i32
    }
    %scan3A_7 = arith.constant 128 : i32
    %mul3A_8 = arith.constant 640 : i32
    %mul3A_9 = arith.muli %arg1, %mul3A_8 : i32
    %add3A_10 = arith.constant 0 : i32
    %add3A_11 = arith.addi %mul3A_9, %add3A_10 : i32
    %dma_start3A = arith.constant 0 : i32
    %dma_start3A_12 = tpu.memref_slice %arg10[%add3A_11, %dma_start3A] : memref<10240x128xf32, #tpu.memory_space<vmem_shared>> -> memref<128x128xf32, #tpu.memory_space<vmem_shared>>
    %dma_start3A_13 = arith.constant 0 : i32
    %dma_start3A_14 = tpu.memref_slice %arg10[%add3A_11, %dma_start3A_13] : memref<10240x128xf32, #tpu.memory_space<vmem_shared>> -> memref<128x128xf32, #tpu.memory_space<vmem_shared>>
    tpu.enqueue_dma source(%arg8 : memref<128x128xf32, #tpu.memory_space<vmem>>) target(%dma_start3A_14 : memref<128x128xf32, #tpu.memory_space<vmem_shared>>) target_semaphore(%arg12 : memref<!tpu.dma_semaphore, #tpu.memory_space<semaphore_mem>>)
    %mul3A_15 = arith.constant 640 : i32
    %mul3A_16 = arith.muli %arg1, %mul3A_15 : i32
    %add3A_17 = arith.constant 128 : i32
    %add3A_18 = arith.addi %mul3A_16, %add3A_17 : i32
    %dma_start3A_19 = arith.constant 0 : i32
    %dma_start3A_20 = tpu.memref_slice %arg10[%add3A_18, %dma_start3A_19] : memref<10240x128xf32, #tpu.memory_space<vmem_shared>> -> memref<128x128xf32, #tpu.memory_space<vmem_shared>>
    %dma_start3A_21 = arith.constant 0 : i32
    %dma_start3A_22 = tpu.memref_slice %arg10[%add3A_18, %dma_start3A_21] : memref<10240x128xf32, #tpu.memory_space<vmem_shared>> -> memref<128x128xf32, #tpu.memory_space<vmem_shared>>
    tpu.enqueue_dma source(%arg8 : memref<128x128xf32, #tpu.memory_space<vmem>>) target(%dma_start3A_22 : memref<128x128xf32, #tpu.memory_space<vmem_shared>>) target_semaphore(%arg12 : memref<!tpu.dma_semaphore, #tpu.memory_space<semaphore_mem>>)
    %mul3A_23 = arith.constant 640 : i32
    %mul3A_24 = arith.muli %arg1, %mul3A_23 : i32
    %add3A_25 = arith.constant 256 : i32
    %add3A_26 = arith.addi %mul3A_24, %add3A_25 : i32
    %dma_start3A_27 = arith.constant 0 : i32
    %dma_start3A_28 = tpu.memref_slice %arg10[%add3A_26, %dma_start3A_27] : memref<10240x128xf32, #tpu.memory_space<vmem_shared>> -> memref<128x128xf32, #tpu.memory_space<vmem_shared>>
    %dma_start3A_29 = arith.constant 0 : i32
    %dma_start3A_30 = tpu.memref_slice %arg10[%add3A_26, %dma_start3A_29] : memref<10240x128xf32, #tpu.memory_space<vmem_shared>> -> memref<128x128xf32, #tpu.memory_space<vmem_shared>>
    tpu.enqueue_dma source(%arg8 : memref<128x128xf32, #tpu.memory_space<vmem>>) target(%dma_start3A_30 : memref<128x128xf32, #tpu.memory_space<vmem_shared>>) target_semaphore(%arg12 : memref<!tpu.dma_semaphore, #tpu.memory_space<semaphore_mem>>)
    %mul3A_31 = arith.constant 640 : i32
    %mul3A_32 = arith.muli %arg1, %mul3A_31 : i32
    %add3A_33 = arith.constant 384 : i32
    %add3A_34 = arith.addi %mul3A_32, %add3A_33 : i32
    %dma_start3A_35 = arith.constant 0 : i32
    %dma_start3A_36 = tpu.memref_slice %arg10[%add3A_34, %dma_start3A_35] : memref<10240x128xf32, #tpu.memory_space<vmem_shared>> -> memref<128x128xf32, #tpu.memory_space<vmem_shared>>
    %dma_start3A_37 = arith.constant 0 : i32
    %dma_start3A_38 = tpu.memref_slice %arg10[%add3A_34, %dma_start3A_37] : memref<10240x128xf32, #tpu.memory_space<vmem_shared>> -> memref<128x128xf32, #tpu.memory_space<vmem_shared>>
    tpu.enqueue_dma source(%arg8 : memref<128x128xf32, #tpu.memory_space<vmem>>) target(%dma_start3A_38 : memref<128x128xf32, #tpu.memory_space<vmem_shared>>) target_semaphore(%arg12 : memref<!tpu.dma_semaphore, #tpu.memory_space<semaphore_mem>>)
    %mul3A_39 = arith.constant 640 : i32
    %mul3A_40 = arith.muli %arg1, %mul3A_39 : i32
    %add3A_41 = arith.constant 512 : i32
    %add3A_42 = arith.addi %mul3A_40, %add3A_41 : i32
    %dma_start3A_43 = arith.constant 0 : i32
    %dma_start3A_44 = tpu.memref_slice %arg10[%add3A_42, %dma_start3A_43] : memref<10240x128xf32, #tpu.memory_space<vmem_shared>> -> memref<128x128xf32, #tpu.memory_space<vmem_shared>>
    %dma_start3A_45 = arith.constant 0 : i32
    %dma_start3A_46 = tpu.memref_slice %arg10[%add3A_42, %dma_start3A_45] : memref<10240x128xf32, #tpu.memory_space<vmem_shared>> -> memref<128x128xf32, #tpu.memory_space<vmem_shared>>
    tpu.enqueue_dma source(%arg8 : memref<128x128xf32, #tpu.memory_space<vmem>>) target(%dma_start3A_46 : memref<128x128xf32, #tpu.memory_space<vmem_shared>>) target_semaphore(%arg12 : memref<!tpu.dma_semaphore, #tpu.memory_space<semaphore_mem>>)
    %mul3A_47 = arith.constant 640 : i32
    %mul3A_48 = arith.muli %arg1, %mul3A_47 : i32
    %add3A_49 = arith.constant 0 : i32
    %add3A_50 = arith.addi %mul3A_48, %add3A_49 : i32
    %dma_wait3A = arith.constant 0 : i32
    %dma_wait3A_51 = tpu.memref_slice %arg10[%add3A_50, %dma_wait3A] : memref<10240x128xf32, #tpu.memory_space<vmem_shared>> -> memref<128x128xf32, #tpu.memory_space<vmem_shared>>
    %dma_wait3A_52 = arith.constant 0 : i32
    %dma_wait3A_53 = tpu.memref_slice %arg10[%add3A_50, %dma_wait3A_52] : memref<10240x128xf32, #tpu.memory_space<vmem_shared>> -> memref<128x128xf32, #tpu.memory_space<vmem_shared>>
    tpu.wait_dma2 semaphore(%arg12 : memref<!tpu.dma_semaphore, #tpu.memory_space<semaphore_mem>>) src(%arg8 : memref<128x128xf32, #tpu.memory_space<vmem>>) dst(%dma_wait3A_53 : memref<128x128xf32, #tpu.memory_space<vmem_shared>>)
    %mul3A_54 = arith.constant 640 : i32
    %mul3A_55 = arith.muli %arg1, %mul3A_54 : i32
    %add3A_56 = arith.constant 128 : i32
    %add3A_57 = arith.addi %mul3A_55, %add3A_56 : i32
    %dma_wait3A_58 = arith.constant 0 : i32
    %dma_wait3A_59 = tpu.memref_slice %arg10[%add3A_57, %dma_wait3A_58] : memref<10240x128xf32, #tpu.memory_space<vmem_shared>> -> memref<128x128xf32, #tpu.memory_space<vmem_shared>>
    %dma_wait3A_60 = arith.constant 0 : i32
    %dma_wait3A_61 = tpu.memref_slice %arg10[%add3A_57, %dma_wait3A_60] : memref<10240x128xf32, #tpu.memory_space<vmem_shared>> -> memref<128x128xf32, #tpu.memory_space<vmem_shared>>
    tpu.wait_dma2 semaphore(%arg12 : memref<!tpu.dma_semaphore, #tpu.memory_space<semaphore_mem>>) src(%arg8 : memref<128x128xf32, #tpu.memory_space<vmem>>) dst(%dma_wait3A_61 : memref<128x128xf32, #tpu.memory_space<vmem_shared>>)
    %mul3A_62 = arith.constant 640 : i32
    %mul3A_63 = arith.muli %arg1, %mul3A_62 : i32
    %add3A_64 = arith.constant 256 : i32
    %add3A_65 = arith.addi %mul3A_63, %add3A_64 : i32
    %dma_wait3A_66 = arith.constant 0 : i32
    %dma_wait3A_67 = tpu.memref_slice %arg10[%add3A_65, %dma_wait3A_66] : memref<10240x128xf32, #tpu.memory_space<vmem_shared>> -> memref<128x128xf32, #tpu.memory_space<vmem_shared>>
    %dma_wait3A_68 = arith.constant 0 : i32
    %dma_wait3A_69 = tpu.memref_slice %arg10[%add3A_65, %dma_wait3A_68] : memref<10240x128xf32, #tpu.memory_space<vmem_shared>> -> memref<128x128xf32, #tpu.memory_space<vmem_shared>>
    tpu.wait_dma2 semaphore(%arg12 : memref<!tpu.dma_semaphore, #tpu.memory_space<semaphore_mem>>) src(%arg8 : memref<128x128xf32, #tpu.memory_space<vmem>>) dst(%dma_wait3A_69 : memref<128x128xf32, #tpu.memory_space<vmem_shared>>)
    %mul3A_70 = arith.constant 640 : i32
    %mul3A_71 = arith.muli %arg1, %mul3A_70 : i32
    %add3A_72 = arith.constant 384 : i32
    %add3A_73 = arith.addi %mul3A_71, %add3A_72 : i32
    %dma_wait3A_74 = arith.constant 0 : i32
    %dma_wait3A_75 = tpu.memref_slice %arg10[%add3A_73, %dma_wait3A_74] : memref<10240x128xf32, #tpu.memory_space<vmem_shared>> -> memref<128x128xf32, #tpu.memory_space<vmem_shared>>
    %dma_wait3A_76 = arith.constant 0 : i32
    %dma_wait3A_77 = tpu.memref_slice %arg10[%add3A_73, %dma_wait3A_76] : memref<10240x128xf32, #tpu.memory_space<vmem_shared>> -> memref<128x128xf32, #tpu.memory_space<vmem_shared>>
    tpu.wait_dma2 semaphore(%arg12 : memref<!tpu.dma_semaphore, #tpu.memory_space<semaphore_mem>>) src(%arg8 : memref<128x128xf32, #tpu.memory_space<vmem>>) dst(%dma_wait3A_77 : memref<128x128xf32, #tpu.memory_space<vmem_shared>>)
    %mul3A_78 = arith.constant 640 : i32
    %mul3A_79 = arith.muli %arg1, %mul3A_78 : i32
    %add3A_80 = arith.constant 512 : i32
    %add3A_81 = arith.addi %mul3A_79, %add3A_80 : i32
    %dma_wait3A_82 = arith.constant 0 : i32
    %dma_wait3A_83 = tpu.memref_slice %arg10[%add3A_81, %dma_wait3A_82] : memref<10240x128xf32, #tpu.memory_space<vmem_shared>> -> memref<128x128xf32, #tpu.memory_space<vmem_shared>>
    %dma_wait3A_84 = arith.constant 0 : i32
    %dma_wait3A_85 = tpu.memref_slice %arg10[%add3A_81, %dma_wait3A_84] : memref<10240x128xf32, #tpu.memory_space<vmem_shared>> -> memref<128x128xf32, #tpu.memory_space<vmem_shared>>
    tpu.wait_dma2 semaphore(%arg12 : memref<!tpu.dma_semaphore, #tpu.memory_space<semaphore_mem>>) src(%arg8 : memref<128x128xf32, #tpu.memory_space<vmem>>) dst(%dma_wait3A_85 : memref<128x128xf32, #tpu.memory_space<vmem_shared>>)
    %barrier3A = arith.constant 0 : index
    tpu.barrier barrier_id(%barrier3A)
    "tpu.region"() ({
      %run_scoped3A = tpu.sem_alloc : memref<!tpu.dma_semaphore, #tpu.memory_space<semaphore_mem>>
      %dma_start3A_119 = arith.constant 0 : i32
      %dma_start3A_120 = arith.constant 0 : i32
      %dma_start3A_121 = tpu.memref_slice %arg3[%add3A, %dma_start3A_119, %dma_start3A_120] : memref<32x80x128xi32, #tpu.memory_space<hbm>> -> memref<1x40x128xi32, #tpu.memory_space<hbm>>
      %dma_start3A_122 = tpu.memref_squeeze %dma_start3A_121 : memref<1x40x128xi32, #tpu.memory_space<hbm>> -> memref<40x128xi32, #tpu.memory_space<hbm>>
      %dma_start3A_123 = arith.constant 0 : i32
      %dma_start3A_124 = arith.constant 0 : i32
      %dma_start3A_125 = tpu.memref_slice %arg3[%add3A, %dma_start3A_123, %dma_start3A_124] : memref<32x80x128xi32, #tpu.memory_space<hbm>> -> memref<1x40x128xi32, #tpu.memory_space<hbm>>
      %dma_start3A_126 = tpu.memref_squeeze %dma_start3A_125 : memref<1x40x128xi32, #tpu.memory_space<hbm>> -> memref<40x128xi32, #tpu.memory_space<hbm>>
      tpu.enqueue_dma source(%dma_start3A_126 : memref<40x128xi32, #tpu.memory_space<hbm>>) target(%arg6 : memref<40x128xi32, #tpu.memory_space<vmem>>) target_semaphore(%run_scoped3A : memref<!tpu.dma_semaphore, #tpu.memory_space<semaphore_mem>>)
      %dma_wait3A_127 = arith.constant 0 : i32
      %dma_wait3A_128 = arith.constant 0 : i32
      %dma_wait3A_129 = tpu.memref_slice %arg3[%add3A, %dma_wait3A_127, %dma_wait3A_128] : memref<32x80x128xi32, #tpu.memory_space<hbm>> -> memref<1x40x128xi32, #tpu.memory_space<hbm>>
      %dma_wait3A_130 = tpu.memref_squeeze %dma_wait3A_129 : memref<1x40x128xi32, #tpu.memory_space<hbm>> -> memref<40x128xi32, #tpu.memory_space<hbm>>
      %dma_wait3A_131 = arith.constant 0 : i32
      %dma_wait3A_132 = arith.constant 0 : i32
      %dma_wait3A_133 = tpu.memref_slice %arg3[%add3A, %dma_wait3A_131, %dma_wait3A_132] : memref<32x80x128xi32, #tpu.memory_space<hbm>> -> memref<1x40x128xi32, #tpu.memory_space<hbm>>
      %dma_wait3A_134 = tpu.memref_squeeze %dma_wait3A_133 : memref<1x40x128xi32, #tpu.memory_space<hbm>> -> memref<40x128xi32, #tpu.memory_space<hbm>>
      tpu.wait_dma2 semaphore(%run_scoped3A : memref<!tpu.dma_semaphore, #tpu.memory_space<semaphore_mem>>) src(%dma_wait3A_134 : memref<40x128xi32, #tpu.memory_space<hbm>>) dst(%arg6 : memref<40x128xi32, #tpu.memory_space<vmem>>)
      tpu.yield
    }) : () -> ()
    "tpu.region"() ({
      %run_scoped3A = tpu.sem_alloc : memref<!tpu.dma_semaphore, #tpu.memory_space<semaphore_mem>>
      %dma_start3A_119 = arith.constant 0 : i32
      %dma_start3A_120 = arith.constant 0 : i32
      %dma_start3A_121 = tpu.memref_slice %arg4[%add3A, %dma_start3A_119, %dma_start3A_120] : memref<32x80x128xi32, #tpu.memory_space<hbm>> -> memref<1x40x128xi32, #tpu.memory_space<hbm>>
      %dma_start3A_122 = tpu.memref_squeeze %dma_start3A_121 : memref<1x40x128xi32, #tpu.memory_space<hbm>> -> memref<40x128xi32, #tpu.memory_space<hbm>>
      %dma_start3A_123 = arith.constant 0 : i32
      %dma_start3A_124 = arith.constant 0 : i32
      %dma_start3A_125 = tpu.memref_slice %arg4[%add3A, %dma_start3A_123, %dma_start3A_124] : memref<32x80x128xi32, #tpu.memory_space<hbm>> -> memref<1x40x128xi32, #tpu.memory_space<hbm>>
      %dma_start3A_126 = tpu.memref_squeeze %dma_start3A_125 : memref<1x40x128xi32, #tpu.memory_space<hbm>> -> memref<40x128xi32, #tpu.memory_space<hbm>>
      tpu.enqueue_dma source(%dma_start3A_126 : memref<40x128xi32, #tpu.memory_space<hbm>>) target(%arg7 : memref<40x128xi32, #tpu.memory_space<vmem>>) target_semaphore(%run_scoped3A : memref<!tpu.dma_semaphore, #tpu.memory_space<semaphore_mem>>)
      %dma_wait3A_127 = arith.constant 0 : i32
      %dma_wait3A_128 = arith.constant 0 : i32
      %dma_wait3A_129 = tpu.memref_slice %arg4[%add3A, %dma_wait3A_127, %dma_wait3A_128] : memref<32x80x128xi32, #tpu.memory_space<hbm>> -> memref<1x40x128xi32, #tpu.memory_space<hbm>>
      %dma_wait3A_130 = tpu.memref_squeeze %dma_wait3A_129 : memref<1x40x128xi32, #tpu.memory_space<hbm>> -> memref<40x128xi32, #tpu.memory_space<hbm>>
      %dma_wait3A_131 = arith.constant 0 : i32
      %dma_wait3A_132 = arith.constant 0 : i32
      %dma_wait3A_133 = tpu.memref_slice %arg4[%add3A, %dma_wait3A_131, %dma_wait3A_132] : memref<32x80x128xi32, #tpu.memory_space<hbm>> -> memref<1x40x128xi32, #tpu.memory_space<hbm>>
      %dma_wait3A_134 = tpu.memref_squeeze %dma_wait3A_133 : memref<1x40x128xi32, #tpu.memory_space<hbm>> -> memref<40x128xi32, #tpu.memory_space<hbm>>
      tpu.wait_dma2 semaphore(%run_scoped3A : memref<!tpu.dma_semaphore, #tpu.memory_space<semaphore_mem>>) src(%dma_wait3A_134 : memref<40x128xi32, #tpu.memory_space<hbm>>) dst(%arg7 : memref<40x128xi32, #tpu.memory_space<vmem>>)
      tpu.yield
    }) : () -> ()
    %dma_start3A_86 = arith.constant 0 : i32
    %dma_start3A_87 = arith.constant 0 : i32
    %dma_start3A_88 = tpu.memref_slice %arg6[%dma_start3A_86, %dma_start3A_87] : memref<40x128xi32, #tpu.memory_space<vmem>> -> memref<1x128xi32, #tpu.memory_space<vmem>>
    %dma_start3A_89 = tpu.memref_squeeze %dma_start3A_88 : memref<1x128xi32, #tpu.memory_space<vmem>> -> memref<128xi32, #tpu.memory_space<vmem>>
    %dma_start3A_90 = arith.constant 0 : i32
    %dma_start3A_91 = arith.constant 0 : i32
    %dma_start3A_92 = tpu.memref_slice %arg2[%dma_start3A_90, %dma_start3A_91] : memref<10000x128xf32, #tpu.memory_space<hbm>> -> memref<10000x128xf32, #tpu.memory_space<hbm>>
    tpu.enqueue_indirect_dma source(%dma_start3A_92 : memref<10000x128xf32, #tpu.memory_space<hbm>>) target(%arg8 : memref<128x128xf32, #tpu.memory_space<vmem>>) offsets(%dma_start3A_89 : memref<128xi32, #tpu.memory_space<vmem>>) semaphore(%arg11 : memref<!tpu.dma_semaphore, #tpu.memory_space<semaphore_mem>>)
    %scan3A_93 = arith.constant 0 : i32
    %scan3A_94 = arith.constant 0 : i32
    %scan3A_95 = arith.constant 20 : i32
    %scan3A_96 = arith.addi %scan3A_94, %scan3A_95 : i32
    %scan3A_97 = arith.constant 1 : i32
    %scan3A_98 = scf.for %scan3A_119 = %scan3A_94 to %scan3A_96 step %scan3A_97 iter_args(%scan3A_120 = %scan3A_93) -> (i32)  : i32 {
      %mul3A_121 = arith.constant 2 : i32
      %mul3A_122 = arith.muli %mul3A_121, %scan3A_119 : i32
      %add3A_123 = arith.constant 1 : i32
      %add3A_124 = arith.addi %mul3A_122, %add3A_123 : i32
      %dma_start3A_125 = arith.constant 0 : i32
      %dma_start3A_126 = tpu.memref_slice %arg6[%add3A_124, %dma_start3A_125] : memref<40x128xi32, #tpu.memory_space<vmem>> -> memref<1x128xi32, #tpu.memory_space<vmem>>
      %dma_start3A_127 = tpu.memref_squeeze %dma_start3A_126 : memref<1x128xi32, #tpu.memory_space<vmem>> -> memref<128xi32, #tpu.memory_space<vmem>>
      %dma_start3A_128 = arith.constant 0 : i32
      %dma_start3A_129 = arith.constant 0 : i32
      %dma_start3A_130 = tpu.memref_slice %arg2[%dma_start3A_128, %dma_start3A_129] : memref<10000x128xf32, #tpu.memory_space<hbm>> -> memref<10000x128xf32, #tpu.memory_space<hbm>>
      tpu.enqueue_indirect_dma source(%dma_start3A_130 : memref<10000x128xf32, #tpu.memory_space<hbm>>) target(%arg9 : memref<128x128xf32, #tpu.memory_space<vmem>>) offsets(%dma_start3A_127 : memref<128xi32, #tpu.memory_space<vmem>>) semaphore(%arg12 : memref<!tpu.dma_semaphore, #tpu.memory_space<semaphore_mem>>)
      %dma_wait3A_131 = arith.constant 0 : i32
      %dma_wait3A_132 = tpu.memref_slice %arg6[%mul3A_122, %dma_wait3A_131] : memref<40x128xi32, #tpu.memory_space<vmem>> -> memref<1x128xi32, #tpu.memory_space<vmem>>
      %dma_wait3A_133 = tpu.memref_squeeze %dma_wait3A_132 : memref<1x128xi32, #tpu.memory_space<vmem>> -> memref<128xi32, #tpu.memory_space<vmem>>
      %dma_wait3A_134 = arith.constant 0 : i32
      %dma_wait3A_135 = arith.constant 0 : i32
      %dma_wait3A_136 = tpu.memref_slice %arg2[%dma_wait3A_134, %dma_wait3A_135] : memref<10000x128xf32, #tpu.memory_space<hbm>> -> memref<10000x128xf32, #tpu.memory_space<hbm>>
      tpu.wait_indirect_dma semaphore(%arg11 : memref<!tpu.dma_semaphore, #tpu.memory_space<semaphore_mem>>) src(%dma_wait3A_136 : memref<10000x128xf32, #tpu.memory_space<hbm>>) dst(%arg8 : memref<128x128xf32, #tpu.memory_space<vmem>>)
      "tpu.region"() ({
        %run_scoped3A = tpu.sem_alloc : memref<!tpu.dma_semaphore, #tpu.memory_space<semaphore_mem>>
        %dma_start3A_152 = arith.constant 0 : i32
        %dma_start3A_153 = tpu.memref_slice %arg7[%mul3A_122, %dma_start3A_152] : memref<40x128xi32, #tpu.memory_space<vmem>> -> memref<1x128xi32, #tpu.memory_space<vmem>>
        %dma_start3A_154 = tpu.memref_squeeze %dma_start3A_153 : memref<1x128xi32, #tpu.memory_space<vmem>> -> memref<128xi32, #tpu.memory_space<vmem>>
        %dma_start3A_155 = arith.constant 0 : i32
        %dma_start3A_156 = arith.constant 0 : i32
        %dma_start3A_157 = tpu.memref_slice %arg10[%dma_start3A_155, %dma_start3A_156] : memref<10240x128xf32, #tpu.memory_space<vmem_shared>> -> memref<10240x128xf32, #tpu.memory_space<vmem_shared>>
        tpu.enqueue_indirect_dma source(%arg8 : memref<128x128xf32, #tpu.memory_space<vmem>>) target(%dma_start3A_157 : memref<10240x128xf32, #tpu.memory_space<vmem_shared>>) offsets(%dma_start3A_154 : memref<128xi32, #tpu.memory_space<vmem>>) semaphore(%run_scoped3A : memref<!tpu.dma_semaphore, #tpu.memory_space<semaphore_mem>>) {add = true}
        %dma_wait3A_158 = arith.constant 0 : i32
        %dma_wait3A_159 = tpu.memref_slice %arg7[%mul3A_122, %dma_wait3A_158] : memref<40x128xi32, #tpu.memory_space<vmem>> -> memref<1x128xi32, #tpu.memory_space<vmem>>
        %dma_wait3A_160 = tpu.memref_squeeze %dma_wait3A_159 : memref<1x128xi32, #tpu.memory_space<vmem>> -> memref<128xi32, #tpu.memory_space<vmem>>
        %dma_wait3A_161 = arith.constant 0 : i32
        %dma_wait3A_162 = arith.constant 0 : i32
        %dma_wait3A_163 = tpu.memref_slice %arg10[%dma_wait3A_161, %dma_wait3A_162] : memref<10240x128xf32, #tpu.memory_space<vmem_shared>> -> memref<10240x128xf32, #tpu.memory_space<vmem_shared>>
        tpu.wait_indirect_dma semaphore(%run_scoped3A : memref<!tpu.dma_semaphore, #tpu.memory_space<semaphore_mem>>) src(%arg8 : memref<128x128xf32, #tpu.memory_space<vmem>>) dst(%dma_wait3A_163 : memref<10240x128xf32, #tpu.memory_space<vmem_shared>>)
        tpu.yield
      }) : () -> ()
      %add3A_137 = arith.constant 2 : i32
      %add3A_138 = arith.addi %mul3A_122, %add3A_137 : i32
      %lt3A = arith.constant 40 : i32
      %lt3A_139 = arith.cmpi slt, %add3A_138, %lt3A : i32
      %convert_element_type3A = arith.extui %lt3A_139 : i1 to i32
      %cond3A = arith.constant 0 : i32
      %cond3A_140 = arith.cmpi ne, %convert_element_type3A, %cond3A : i32
      scf.if %cond3A_140 {
        %add3A_152 = arith.constant 2 : i32
        %add3A_153 = arith.addi %mul3A_122, %add3A_152 : i32
        %dma_start3A_154 = arith.constant 0 : i32
        %dma_start3A_155 = tpu.memref_slice %arg6[%add3A_153, %dma_start3A_154] : memref<40x128xi32, #tpu.memory_space<vmem>> -> memref<1x128xi32, #tpu.memory_space<vmem>>
        %dma_start3A_156 = tpu.memref_squeeze %dma_start3A_155 : memref<1x128xi32, #tpu.memory_space<vmem>> -> memref<128xi32, #tpu.memory_space<vmem>>
        %dma_start3A_157 = arith.constant 0 : i32
        %dma_start3A_158 = arith.constant 0 : i32
        %dma_start3A_159 = tpu.memref_slice %arg2[%dma_start3A_157, %dma_start3A_158] : memref<10000x128xf32, #tpu.memory_space<hbm>> -> memref<10000x128xf32, #tpu.memory_space<hbm>>
        tpu.enqueue_indirect_dma source(%dma_start3A_159 : memref<10000x128xf32, #tpu.memory_space<hbm>>) target(%arg8 : memref<128x128xf32, #tpu.memory_space<vmem>>) offsets(%dma_start3A_156 : memref<128xi32, #tpu.memory_space<vmem>>) semaphore(%arg11 : memref<!tpu.dma_semaphore, #tpu.memory_space<semaphore_mem>>)
      } else {
      }
      %add3A_141 = arith.constant 1 : i32
      %add3A_142 = arith.addi %mul3A_122, %add3A_141 : i32
      %dma_wait3A_143 = arith.constant 0 : i32
      %dma_wait3A_144 = tpu.memref_slice %arg6[%add3A_142, %dma_wait3A_143] : memref<40x128xi32, #tpu.memory_space<vmem>> -> memref<1x128xi32, #tpu.memory_space<vmem>>
      %dma_wait3A_145 = tpu.memref_squeeze %dma_wait3A_144 : memref<1x128xi32, #tpu.memory_space<vmem>> -> memref<128xi32, #tpu.memory_space<vmem>>
      %dma_wait3A_146 = arith.constant 0 : i32
      %dma_wait3A_147 = arith.constant 0 : i32
      %dma_wait3A_148 = tpu.memref_slice %arg2[%dma_wait3A_146, %dma_wait3A_147] : memref<10000x128xf32, #tpu.memory_space<hbm>> -> memref<10000x128xf32, #tpu.memory_space<hbm>>
      tpu.wait_indirect_dma semaphore(%arg12 : memref<!tpu.dma_semaphore, #tpu.memory_space<semaphore_mem>>) src(%dma_wait3A_148 : memref<10000x128xf32, #tpu.memory_space<hbm>>) dst(%arg9 : memref<128x128xf32, #tpu.memory_space<vmem>>)
      %add3A_149 = arith.constant 1 : i32
      %add3A_150 = arith.addi %mul3A_122, %add3A_149 : i32
      "tpu.region"() ({
        %run_scoped3A = tpu.sem_alloc : memref<!tpu.dma_semaphore, #tpu.memory_space<semaphore_mem>>
        %dma_start3A_152 = arith.constant 0 : i32
        %dma_start3A_153 = tpu.memref_slice %arg7[%add3A_150, %dma_start3A_152] : memref<40x128xi32, #tpu.memory_space<vmem>> -> memref<1x128xi32, #tpu.memory_space<vmem>>
        %dma_start3A_154 = tpu.memref_squeeze %dma_start3A_153 : memref<1x128xi32, #tpu.memory_space<vmem>> -> memref<128xi32, #tpu.memory_space<vmem>>
        %dma_start3A_155 = arith.constant 0 : i32
        %dma_start3A_156 = arith.constant 0 : i32
        %dma_start3A_157 = tpu.memref_slice %arg10[%dma_start3A_155, %dma_start3A_156] : memref<10240x128xf32, #tpu.memory_space<vmem_shared>> -> memref<10240x128xf32, #tpu.memory_space<vmem_shared>>
        tpu.enqueue_indirect_dma source(%arg9 : memref<128x128xf32, #tpu.memory_space<vmem>>) target(%dma_start3A_157 : memref<10240x128xf32, #tpu.memory_space<vmem_shared>>) offsets(%dma_start3A_154 : memref<128xi32, #tpu.memory_space<vmem>>) semaphore(%run_scoped3A : memref<!tpu.dma_semaphore, #tpu.memory_space<semaphore_mem>>) {add = true}
        %dma_wait3A_158 = arith.constant 0 : i32
        %dma_wait3A_159 = tpu.memref_slice %arg7[%add3A_150, %dma_wait3A_158] : memref<40x128xi32, #tpu.memory_space<vmem>> -> memref<1x128xi32, #tpu.memory_space<vmem>>
        %dma_wait3A_160 = tpu.memref_squeeze %dma_wait3A_159 : memref<1x128xi32, #tpu.memory_space<vmem>> -> memref<128xi32, #tpu.memory_space<vmem>>
        %dma_wait3A_161 = arith.constant 0 : i32
        %dma_wait3A_162 = arith.constant 0 : i32
        %dma_wait3A_163 = tpu.memref_slice %arg10[%dma_wait3A_161, %dma_wait3A_162] : memref<10240x128xf32, #tpu.memory_space<vmem_shared>> -> memref<10240x128xf32, #tpu.memory_space<vmem_shared>>
        tpu.wait_indirect_dma semaphore(%run_scoped3A : memref<!tpu.dma_semaphore, #tpu.memory_space<semaphore_mem>>) src(%arg9 : memref<128x128xf32, #tpu.memory_space<vmem>>) dst(%dma_wait3A_163 : memref<10240x128xf32, #tpu.memory_space<vmem_shared>>)
        tpu.yield
      }) : () -> ()
      %scan3A_151 = arith.constant 0 : i32
      scf.yield %scan3A_151 : i32
    }
    %scan3A_99 = arith.constant 20 : i32
    "tpu.region"() ({
      %run_scoped3A = tpu.sem_alloc : memref<!tpu.dma_semaphore, #tpu.memory_space<semaphore_mem>>
      %dma_start3A_119 = arith.constant 40 : i32
      %dma_start3A_120 = arith.constant 0 : i32
      %dma_start3A_121 = tpu.memref_slice %arg3[%add3A, %dma_start3A_119, %dma_start3A_120] : memref<32x80x128xi32, #tpu.memory_space<hbm>> -> memref<1x40x128xi32, #tpu.memory_space<hbm>>
      %dma_start3A_122 = tpu.memref_squeeze %dma_start3A_121 : memref<1x40x128xi32, #tpu.memory_space<hbm>> -> memref<40x128xi32, #tpu.memory_space<hbm>>
      %dma_start3A_123 = arith.constant 40 : i32
      %dma_start3A_124 = arith.constant 0 : i32
      %dma_start3A_125 = tpu.memref_slice %arg3[%add3A, %dma_start3A_123, %dma_start3A_124] : memref<32x80x128xi32, #tpu.memory_space<hbm>> -> memref<1x40x128xi32, #tpu.memory_space<hbm>>
      %dma_start3A_126 = tpu.memref_squeeze %dma_start3A_125 : memref<1x40x128xi32, #tpu.memory_space<hbm>> -> memref<40x128xi32, #tpu.memory_space<hbm>>
      tpu.enqueue_dma source(%dma_start3A_126 : memref<40x128xi32, #tpu.memory_space<hbm>>) target(%arg6 : memref<40x128xi32, #tpu.memory_space<vmem>>) target_semaphore(%run_scoped3A : memref<!tpu.dma_semaphore, #tpu.memory_space<semaphore_mem>>)
      %dma_wait3A_127 = arith.constant 40 : i32
      %dma_wait3A_128 = arith.constant 0 : i32
      %dma_wait3A_129 = tpu.memref_slice %arg3[%add3A, %dma_wait3A_127, %dma_wait3A_128] : memref<32x80x128xi32, #tpu.memory_space<hbm>> -> memref<1x40x128xi32, #tpu.memory_space<hbm>>
      %dma_wait3A_130 = tpu.memref_squeeze %dma_wait3A_129 : memref<1x40x128xi32, #tpu.memory_space<hbm>> -> memref<40x128xi32, #tpu.memory_space<hbm>>
      %dma_wait3A_131 = arith.constant 40 : i32
      %dma_wait3A_132 = arith.constant 0 : i32
      %dma_wait3A_133 = tpu.memref_slice %arg3[%add3A, %dma_wait3A_131, %dma_wait3A_132] : memref<32x80x128xi32, #tpu.memory_space<hbm>> -> memref<1x40x128xi32, #tpu.memory_space<hbm>>
      %dma_wait3A_134 = tpu.memref_squeeze %dma_wait3A_133 : memref<1x40x128xi32, #tpu.memory_space<hbm>> -> memref<40x128xi32, #tpu.memory_space<hbm>>
      tpu.wait_dma2 semaphore(%run_scoped3A : memref<!tpu.dma_semaphore, #tpu.memory_space<semaphore_mem>>) src(%dma_wait3A_134 : memref<40x128xi32, #tpu.memory_space<hbm>>) dst(%arg6 : memref<40x128xi32, #tpu.memory_space<vmem>>)
      tpu.yield
    }) : () -> ()
    "tpu.region"() ({
      %run_scoped3A = tpu.sem_alloc : memref<!tpu.dma_semaphore, #tpu.memory_space<semaphore_mem>>
      %dma_start3A_119 = arith.constant 40 : i32
      %dma_start3A_120 = arith.constant 0 : i32
      %dma_start3A_121 = tpu.memref_slice %arg4[%add3A, %dma_start3A_119, %dma_start3A_120] : memref<32x80x128xi32, #tpu.memory_space<hbm>> -> memref<1x40x128xi32, #tpu.memory_space<hbm>>
      %dma_start3A_122 = tpu.memref_squeeze %dma_start3A_121 : memref<1x40x128xi32, #tpu.memory_space<hbm>> -> memref<40x128xi32, #tpu.memory_space<hbm>>
      %dma_start3A_123 = arith.constant 40 : i32
      %dma_start3A_124 = arith.constant 0 : i32
      %dma_start3A_125 = tpu.memref_slice %arg4[%add3A, %dma_start3A_123, %dma_start3A_124] : memref<32x80x128xi32, #tpu.memory_space<hbm>> -> memref<1x40x128xi32, #tpu.memory_space<hbm>>
      %dma_start3A_126 = tpu.memref_squeeze %dma_start3A_125 : memref<1x40x128xi32, #tpu.memory_space<hbm>> -> memref<40x128xi32, #tpu.memory_space<hbm>>
      tpu.enqueue_dma source(%dma_start3A_126 : memref<40x128xi32, #tpu.memory_space<hbm>>) target(%arg7 : memref<40x128xi32, #tpu.memory_space<vmem>>) target_semaphore(%run_scoped3A : memref<!tpu.dma_semaphore, #tpu.memory_space<semaphore_mem>>)
      %dma_wait3A_127 = arith.constant 40 : i32
      %dma_wait3A_128 = arith.constant 0 : i32
      %dma_wait3A_129 = tpu.memref_slice %arg4[%add3A, %dma_wait3A_127, %dma_wait3A_128] : memref<32x80x128xi32, #tpu.memory_space<hbm>> -> memref<1x40x128xi32, #tpu.memory_space<hbm>>
      %dma_wait3A_130 = tpu.memref_squeeze %dma_wait3A_129 : memref<1x40x128xi32, #tpu.memory_space<hbm>> -> memref<40x128xi32, #tpu.memory_space<hbm>>
      %dma_wait3A_131 = arith.constant 40 : i32
      %dma_wait3A_132 = arith.constant 0 : i32
      %dma_wait3A_133 = tpu.memref_slice %arg4[%add3A, %dma_wait3A_131, %dma_wait3A_132] : memref<32x80x128xi32, #tpu.memory_space<hbm>> -> memref<1x40x128xi32, #tpu.memory_space<hbm>>
      %dma_wait3A_134 = tpu.memref_squeeze %dma_wait3A_133 : memref<1x40x128xi32, #tpu.memory_space<hbm>> -> memref<40x128xi32, #tpu.memory_space<hbm>>
      tpu.wait_dma2 semaphore(%run_scoped3A : memref<!tpu.dma_semaphore, #tpu.memory_space<semaphore_mem>>) src(%dma_wait3A_134 : memref<40x128xi32, #tpu.memory_space<hbm>>) dst(%arg7 : memref<40x128xi32, #tpu.memory_space<vmem>>)
      tpu.yield
    }) : () -> ()
    %dma_start3A_100 = arith.constant 0 : i32
    %dma_start3A_101 = arith.constant 0 : i32
    %dma_start3A_102 = tpu.memref_slice %arg6[%dma_start3A_100, %dma_start3A_101] : memref<40x128xi32, #tpu.memory_space<vmem>> -> memref<1x128xi32, #tpu.memory_space<vmem>>
    %dma_start3A_103 = tpu.memref_squeeze %dma_start3A_102 : memref<1x128xi32, #tpu.memory_space<vmem>> -> memref<128xi32, #tpu.memory_space<vmem>>
    %dma_start3A_104 = arith.constant 0 : i32
    %dma_start3A_105 = arith.constant 0 : i32
    %dma_start3A_106 = tpu.memref_slice %arg2[%dma_start3A_104, %dma_start3A_105] : memref<10000x128xf32, #tpu.memory_space<hbm>> -> memref<10000x128xf32, #tpu.memory_space<hbm>>
    tpu.enqueue_indirect_dma source(%dma_start3A_106 : memref<10000x128xf32, #tpu.memory_space<hbm>>) target(%arg8 : memref<128x128xf32, #tpu.memory_space<vmem>>) offsets(%dma_start3A_103 : memref<128xi32, #tpu.memory_space<vmem>>) semaphore(%arg11 : memref<!tpu.dma_semaphore, #tpu.memory_space<semaphore_mem>>)
    %scan3A_107 = arith.constant 0 : i32
    %scan3A_108 = arith.constant 0 : i32
    %scan3A_109 = arith.constant 20 : i32
    %scan3A_110 = arith.addi %scan3A_108, %scan3A_109 : i32
    %scan3A_111 = arith.constant 1 : i32
    %scan3A_112 = scf.for %scan3A_119 = %scan3A_108 to %scan3A_110 step %scan3A_111 iter_args(%scan3A_120 = %scan3A_107) -> (i32)  : i32 {
      %mul3A_121 = arith.constant 2 : i32
      %mul3A_122 = arith.muli %mul3A_121, %scan3A_119 : i32
      %add3A_123 = arith.constant 1 : i32
      %add3A_124 = arith.addi %mul3A_122, %add3A_123 : i32
      %dma_start3A_125 = arith.constant 0 : i32
      %dma_start3A_126 = tpu.memref_slice %arg6[%add3A_124, %dma_start3A_125] : memref<40x128xi32, #tpu.memory_space<vmem>> -> memref<1x128xi32, #tpu.memory_space<vmem>>
      %dma_start3A_127 = tpu.memref_squeeze %dma_start3A_126 : memref<1x128xi32, #tpu.memory_space<vmem>> -> memref<128xi32, #tpu.memory_space<vmem>>
      %dma_start3A_128 = arith.constant 0 : i32
      %dma_start3A_129 = arith.constant 0 : i32
      %dma_start3A_130 = tpu.memref_slice %arg2[%dma_start3A_128, %dma_start3A_129] : memref<10000x128xf32, #tpu.memory_space<hbm>> -> memref<10000x128xf32, #tpu.memory_space<hbm>>
      tpu.enqueue_indirect_dma source(%dma_start3A_130 : memref<10000x128xf32, #tpu.memory_space<hbm>>) target(%arg9 : memref<128x128xf32, #tpu.memory_space<vmem>>) offsets(%dma_start3A_127 : memref<128xi32, #tpu.memory_space<vmem>>) semaphore(%arg12 : memref<!tpu.dma_semaphore, #tpu.memory_space<semaphore_mem>>)
      %dma_wait3A_131 = arith.constant 0 : i32
      %dma_wait3A_132 = tpu.memref_slice %arg6[%mul3A_122, %dma_wait3A_131] : memref<40x128xi32, #tpu.memory_space<vmem>> -> memref<1x128xi32, #tpu.memory_space<vmem>>
      %dma_wait3A_133 = tpu.memref_squeeze %dma_wait3A_132 : memref<1x128xi32, #tpu.memory_space<vmem>> -> memref<128xi32, #tpu.memory_space<vmem>>
      %dma_wait3A_134 = arith.constant 0 : i32
      %dma_wait3A_135 = arith.constant 0 : i32
      %dma_wait3A_136 = tpu.memref_slice %arg2[%dma_wait3A_134, %dma_wait3A_135] : memref<10000x128xf32, #tpu.memory_space<hbm>> -> memref<10000x128xf32, #tpu.memory_space<hbm>>
      tpu.wait_indirect_dma semaphore(%arg11 : memref<!tpu.dma_semaphore, #tpu.memory_space<semaphore_mem>>) src(%dma_wait3A_136 : memref<10000x128xf32, #tpu.memory_space<hbm>>) dst(%arg8 : memref<128x128xf32, #tpu.memory_space<vmem>>)
      "tpu.region"() ({
        %run_scoped3A = tpu.sem_alloc : memref<!tpu.dma_semaphore, #tpu.memory_space<semaphore_mem>>
        %dma_start3A_152 = arith.constant 0 : i32
        %dma_start3A_153 = tpu.memref_slice %arg7[%mul3A_122, %dma_start3A_152] : memref<40x128xi32, #tpu.memory_space<vmem>> -> memref<1x128xi32, #tpu.memory_space<vmem>>
        %dma_start3A_154 = tpu.memref_squeeze %dma_start3A_153 : memref<1x128xi32, #tpu.memory_space<vmem>> -> memref<128xi32, #tpu.memory_space<vmem>>
        %dma_start3A_155 = arith.constant 0 : i32
        %dma_start3A_156 = arith.constant 0 : i32
        %dma_start3A_157 = tpu.memref_slice %arg10[%dma_start3A_155, %dma_start3A_156] : memref<10240x128xf32, #tpu.memory_space<vmem_shared>> -> memref<10240x128xf32, #tpu.memory_space<vmem_shared>>
        tpu.enqueue_indirect_dma source(%arg8 : memref<128x128xf32, #tpu.memory_space<vmem>>) target(%dma_start3A_157 : memref<10240x128xf32, #tpu.memory_space<vmem_shared>>) offsets(%dma_start3A_154 : memref<128xi32, #tpu.memory_space<vmem>>) semaphore(%run_scoped3A : memref<!tpu.dma_semaphore, #tpu.memory_space<semaphore_mem>>) {add = true}
        %dma_wait3A_158 = arith.constant 0 : i32
        %dma_wait3A_159 = tpu.memref_slice %arg7[%mul3A_122, %dma_wait3A_158] : memref<40x128xi32, #tpu.memory_space<vmem>> -> memref<1x128xi32, #tpu.memory_space<vmem>>
        %dma_wait3A_160 = tpu.memref_squeeze %dma_wait3A_159 : memref<1x128xi32, #tpu.memory_space<vmem>> -> memref<128xi32, #tpu.memory_space<vmem>>
        %dma_wait3A_161 = arith.constant 0 : i32
        %dma_wait3A_162 = arith.constant 0 : i32
        %dma_wait3A_163 = tpu.memref_slice %arg10[%dma_wait3A_161, %dma_wait3A_162] : memref<10240x128xf32, #tpu.memory_space<vmem_shared>> -> memref<10240x128xf32, #tpu.memory_space<vmem_shared>>
        tpu.wait_indirect_dma semaphore(%run_scoped3A : memref<!tpu.dma_semaphore, #tpu.memory_space<semaphore_mem>>) src(%arg8 : memref<128x128xf32, #tpu.memory_space<vmem>>) dst(%dma_wait3A_163 : memref<10240x128xf32, #tpu.memory_space<vmem_shared>>)
        tpu.yield
      }) : () -> ()
      %add3A_137 = arith.constant 2 : i32
      %add3A_138 = arith.addi %mul3A_122, %add3A_137 : i32
      %lt3A = arith.constant 40 : i32
      %lt3A_139 = arith.cmpi slt, %add3A_138, %lt3A : i32
      %convert_element_type3A = arith.extui %lt3A_139 : i1 to i32
      %cond3A = arith.constant 0 : i32
      %cond3A_140 = arith.cmpi ne, %convert_element_type3A, %cond3A : i32
      scf.if %cond3A_140 {
        %add3A_152 = arith.constant 2 : i32
        %add3A_153 = arith.addi %mul3A_122, %add3A_152 : i32
        %dma_start3A_154 = arith.constant 0 : i32
        %dma_start3A_155 = tpu.memref_slice %arg6[%add3A_153, %dma_start3A_154] : memref<40x128xi32, #tpu.memory_space<vmem>> -> memref<1x128xi32, #tpu.memory_space<vmem>>
        %dma_start3A_156 = tpu.memref_squeeze %dma_start3A_155 : memref<1x128xi32, #tpu.memory_space<vmem>> -> memref<128xi32, #tpu.memory_space<vmem>>
        %dma_start3A_157 = arith.constant 0 : i32
        %dma_start3A_158 = arith.constant 0 : i32
        %dma_start3A_159 = tpu.memref_slice %arg2[%dma_start3A_157, %dma_start3A_158] : memref<10000x128xf32, #tpu.memory_space<hbm>> -> memref<10000x128xf32, #tpu.memory_space<hbm>>
        tpu.enqueue_indirect_dma source(%dma_start3A_159 : memref<10000x128xf32, #tpu.memory_space<hbm>>) target(%arg8 : memref<128x128xf32, #tpu.memory_space<vmem>>) offsets(%dma_start3A_156 : memref<128xi32, #tpu.memory_space<vmem>>) semaphore(%arg11 : memref<!tpu.dma_semaphore, #tpu.memory_space<semaphore_mem>>)
      } else {
      }
      %add3A_141 = arith.constant 1 : i32
      %add3A_142 = arith.addi %mul3A_122, %add3A_141 : i32
      %dma_wait3A_143 = arith.constant 0 : i32
      %dma_wait3A_144 = tpu.memref_slice %arg6[%add3A_142, %dma_wait3A_143] : memref<40x128xi32, #tpu.memory_space<vmem>> -> memref<1x128xi32, #tpu.memory_space<vmem>>
      %dma_wait3A_145 = tpu.memref_squeeze %dma_wait3A_144 : memref<1x128xi32, #tpu.memory_space<vmem>> -> memref<128xi32, #tpu.memory_space<vmem>>
      %dma_wait3A_146 = arith.constant 0 : i32
      %dma_wait3A_147 = arith.constant 0 : i32
      %dma_wait3A_148 = tpu.memref_slice %arg2[%dma_wait3A_146, %dma_wait3A_147] : memref<10000x128xf32, #tpu.memory_space<hbm>> -> memref<10000x128xf32, #tpu.memory_space<hbm>>
      tpu.wait_indirect_dma semaphore(%arg12 : memref<!tpu.dma_semaphore, #tpu.memory_space<semaphore_mem>>) src(%dma_wait3A_148 : memref<10000x128xf32, #tpu.memory_space<hbm>>) dst(%arg9 : memref<128x128xf32, #tpu.memory_space<vmem>>)
      %add3A_149 = arith.constant 1 : i32
      %add3A_150 = arith.addi %mul3A_122, %add3A_149 : i32
      "tpu.region"() ({
        %run_scoped3A = tpu.sem_alloc : memref<!tpu.dma_semaphore, #tpu.memory_space<semaphore_mem>>
        %dma_start3A_152 = arith.constant 0 : i32
        %dma_start3A_153 = tpu.memref_slice %arg7[%add3A_150, %dma_start3A_152] : memref<40x128xi32, #tpu.memory_space<vmem>> -> memref<1x128xi32, #tpu.memory_space<vmem>>
        %dma_start3A_154 = tpu.memref_squeeze %dma_start3A_153 : memref<1x128xi32, #tpu.memory_space<vmem>> -> memref<128xi32, #tpu.memory_space<vmem>>
        %dma_start3A_155 = arith.constant 0 : i32
        %dma_start3A_156 = arith.constant 0 : i32
        %dma_start3A_157 = tpu.memref_slice %arg10[%dma_start3A_155, %dma_start3A_156] : memref<10240x128xf32, #tpu.memory_space<vmem_shared>> -> memref<10240x128xf32, #tpu.memory_space<vmem_shared>>
        tpu.enqueue_indirect_dma source(%arg9 : memref<128x128xf32, #tpu.memory_space<vmem>>) target(%dma_start3A_157 : memref<10240x128xf32, #tpu.memory_space<vmem_shared>>) offsets(%dma_start3A_154 : memref<128xi32, #tpu.memory_space<vmem>>) semaphore(%run_scoped3A : memref<!tpu.dma_semaphore, #tpu.memory_space<semaphore_mem>>) {add = true}
        %dma_wait3A_158 = arith.constant 0 : i32
        %dma_wait3A_159 = tpu.memref_slice %arg7[%add3A_150, %dma_wait3A_158] : memref<40x128xi32, #tpu.memory_space<vmem>> -> memref<1x128xi32, #tpu.memory_space<vmem>>
        %dma_wait3A_160 = tpu.memref_squeeze %dma_wait3A_159 : memref<1x128xi32, #tpu.memory_space<vmem>> -> memref<128xi32, #tpu.memory_space<vmem>>
        %dma_wait3A_161 = arith.constant 0 : i32
        %dma_wait3A_162 = arith.constant 0 : i32
        %dma_wait3A_163 = tpu.memref_slice %arg10[%dma_wait3A_161, %dma_wait3A_162] : memref<10240x128xf32, #tpu.memory_space<vmem_shared>> -> memref<10240x128xf32, #tpu.memory_space<vmem_shared>>
        tpu.wait_indirect_dma semaphore(%run_scoped3A : memref<!tpu.dma_semaphore, #tpu.memory_space<semaphore_mem>>) src(%arg9 : memref<128x128xf32, #tpu.memory_space<vmem>>) dst(%dma_wait3A_163 : memref<10240x128xf32, #tpu.memory_space<vmem_shared>>)
        tpu.yield
      }) : () -> ()
      %scan3A_151 = arith.constant 0 : i32
      scf.yield %scan3A_151 : i32
    }
    %scan3A_113 = arith.constant 20 : i32
    %barrier3A_114 = arith.constant 0 : index
    tpu.barrier barrier_id(%barrier3A_114)
    %mul3A_115 = arith.constant 640 : i32
    %mul3A_116 = arith.muli %arg1, %mul3A_115 : i32
    %mul3A_117 = arith.constant 640 : i32
    %mul3A_118 = arith.muli %arg1, %mul3A_117 : i32
    "tpu.region"() ({
      %run_scoped3A = tpu.sem_alloc : memref<!tpu.dma_semaphore, #tpu.memory_space<semaphore_mem>>
      %dma_start3A_119 = arith.constant 0 : i32
      %dma_start3A_120 = tpu.memref_slice %arg5[%arg0, %mul3A_118, %dma_start3A_119] : memref<2x10240x128xf32, #tpu.memory_space<hbm>> -> memref<1x640x128xf32, #tpu.memory_space<hbm>>
      %dma_start3A_121 = tpu.memref_squeeze %dma_start3A_120 : memref<1x640x128xf32, #tpu.memory_space<hbm>> -> memref<640x128xf32, #tpu.memory_space<hbm>>
      %dma_start3A_122 = arith.constant 0 : i32
      %dma_start3A_123 = tpu.memref_slice %arg10[%mul3A_116, %dma_start3A_122] : memref<10240x128xf32, #tpu.memory_space<vmem_shared>> -> memref<640x128xf32, #tpu.memory_space<vmem_shared>>
      tpu.enqueue_dma source(%dma_start3A_123 : memref<640x128xf32, #tpu.memory_space<vmem_shared>>) target(%dma_start3A_121 : memref<640x128xf32, #tpu.memory_space<hbm>>) target_semaphore(%run_scoped3A : memref<!tpu.dma_semaphore, #tpu.memory_space<semaphore_mem>>)
      %dma_wait3A_124 = arith.constant 0 : i32
      %dma_wait3A_125 = tpu.memref_slice %arg5[%arg0, %mul3A_118, %dma_wait3A_124] : memref<2x10240x128xf32, #tpu.memory_space<hbm>> -> memref<1x640x128xf32, #tpu.memory_space<hbm>>
      %dma_wait3A_126 = tpu.memref_squeeze %dma_wait3A_125 : memref<1x640x128xf32, #tpu.memory_space<hbm>> -> memref<640x128xf32, #tpu.memory_space<hbm>>
      %dma_wait3A_127 = arith.constant 0 : i32
      %dma_wait3A_128 = tpu.memref_slice %arg10[%mul3A_116, %dma_wait3A_127] : memref<10240x128xf32, #tpu.memory_space<vmem_shared>> -> memref<640x128xf32, #tpu.memory_space<vmem_shared>>
      tpu.wait_dma2 semaphore(%run_scoped3A : memref<!tpu.dma_semaphore, #tpu.memory_space<semaphore_mem>>) src(%dma_wait3A_128 : memref<640x128xf32, #tpu.memory_space<vmem_shared>>) dst(%dma_wait3A_126 : memref<640x128xf32, #tpu.memory_space<hbm>>)
      tpu.yield
    }) : () -> ()
    return
  }
}

module attributes {stable_mosaic.version = 14 : i64} {
  func.func @body(%arg0: i32, %arg1: memref<2000x128xf32, #tpu.memory_space<vmem>>, %arg2: memref<2x2000x128xf32, #tpu.memory_space<vmem>>, %arg3: memref<2x2000x128xf32, #tpu.memory_space<vmem>>, %arg4: memref<128x128xf32, #tpu.memory_space<vmem>>, %arg5: memref<128x128xf32, #tpu.memory_space<vmem>>, %arg6: memref<1x128xf32, #tpu.memory_space<vmem>>, %arg7: memref<2000x128xf32, #tpu.memory_space<vmem>>) attributes {dimension_semantics = [#tpu.dimension_semantics<arbitrary>], iteration_bounds = array<i64: 5>, scalar_prefetch = 0 : i64, scratch_operands = 0 : i64, tpu.core_type = #tpu.core_type<tc>, window_params = [{transform_indices = @transform_0, window_bounds = array<i64: 2000, 128>}, {transform_indices = @transform_1, window_bounds = array<i64: 2, 2000, 128>}, {transform_indices = @transform_2, window_bounds = array<i64: 2, 2000, 128>}, {pipeline_mode = #tpu.pipeline_mode<synchronous>, transform_indices = @transform_3, window_bounds = array<i64: 128, 128>}, {pipeline_mode = #tpu.pipeline_mode<synchronous>, transform_indices = @transform_4, window_bounds = array<i64: 128, 128>}, {pipeline_mode = #tpu.pipeline_mode<synchronous>, transform_indices = @transform_5, window_bounds = array<i64: 1, 128>}, {transform_indices = @transform_6, window_bounds = array<i64: 2000, 128>}]} {
    %get3A = arith.constant 0 : index
    %get3A_0 = arith.constant 0 : index
    %get3A_1 = vector.load %arg1[%get3A, %get3A_0] : memref<2000x128xf32, #tpu.memory_space<vmem>>, vector<2000x128xf32>
    %get3A_2 = arith.constant 0 : index
    %get3A_3 = arith.constant 0 : index
    %get3A_4 = vector.load %arg4[%get3A_2, %get3A_3] : memref<128x128xf32, #tpu.memory_space<vmem>>, vector<128x128xf32>
    %get3A_5 = arith.constant 0 : index
    %get3A_6 = arith.constant 0 : index
    %get3A_7 = vector.load %arg5[%get3A_5, %get3A_6] : memref<128x128xf32, #tpu.memory_space<vmem>>, vector<128x128xf32>
    %get3A_8 = arith.constant 0 : index
    %get3A_9 = arith.constant 0 : index
    %get3A_10 = vector.load %arg6[%get3A_8, %get3A_9] : memref<1x128xf32, #tpu.memory_space<vmem>>, vector<1x128xf32>
    %get3A_11 = arith.constant 0 : index
    %get3A_12 = arith.constant 0 : index
    %get3A_13 = arith.constant 0 : index
    %get3A_14 = vector.load %arg2[%get3A_11, %get3A_12, %get3A_13] : memref<2x2000x128xf32, #tpu.memory_space<vmem>>, vector<1x2000x128xf32>
    %get3A_15 = vector.shape_cast %get3A_14 : vector<1x2000x128xf32> to vector<2000x128xf32>
    %get3A_16 = arith.constant 1 : index
    %get3A_17 = arith.constant 0 : index
    %get3A_18 = arith.constant 0 : index
    %get3A_19 = vector.load %arg2[%get3A_16, %get3A_17, %get3A_18] : memref<2x2000x128xf32, #tpu.memory_space<vmem>>, vector<1x2000x128xf32>
    %get3A_20 = vector.shape_cast %get3A_19 : vector<1x2000x128xf32> to vector<2000x128xf32>
    %get3A_21 = arith.constant 0 : index
    %get3A_22 = arith.constant 0 : index
    %get3A_23 = arith.constant 0 : index
    %get3A_24 = vector.load %arg3[%get3A_21, %get3A_22, %get3A_23] : memref<2x2000x128xf32, #tpu.memory_space<vmem>>, vector<1x2000x128xf32>
    %get3A_25 = vector.shape_cast %get3A_24 : vector<1x2000x128xf32> to vector<2000x128xf32>
    %get3A_26 = arith.constant 1 : index
    %get3A_27 = arith.constant 0 : index
    %get3A_28 = arith.constant 0 : index
    %get3A_29 = vector.load %arg3[%get3A_26, %get3A_27, %get3A_28] : memref<2x2000x128xf32, #tpu.memory_space<vmem>>, vector<1x2000x128xf32>
    %get3A_30 = vector.shape_cast %get3A_29 : vector<1x2000x128xf32> to vector<2000x128xf32>
    %slice3A = vector.extract_strided_slice %get3A_25 {offsets = [0, 0], sizes = [2000, 1], strides = [1, 1]} : vector<2000x128xf32> to vector<2000x1xf32>
    %slice3A_31 = vector.extract_strided_slice %get3A_30 {offsets = [0, 0], sizes = [2000, 1], strides = [1, 1]} : vector<2000x128xf32> to vector<2000x1xf32>
    %add3A = arith.addf %slice3A, %slice3A_31 : vector<2000x1xf32>
    %max3A = arith.constant 1.000000e+00 : f32
    %max3A_32 = vector.broadcast %max3A : f32 to vector<2000x1xf32>
    %max3A_33 = arith.maximumf %add3A, %max3A_32 : vector<2000x1xf32>
    %add3A_34 = arith.addf %get3A_15, %get3A_20 : vector<2000x128xf32>
    %div3A = vector.broadcast %max3A_33 : vector<2000x1xf32> to vector<2000x128xf32>
    %div3A_35 = arith.divf %add3A_34, %div3A : vector<2000x128xf32>
    %dot_general3A = arith.constant dense<0.000000e+00> : vector<2000x128xf32>
    %dot_general3A_36 = tpu.matmul %get3A_1, %get3A_4, %dot_general3A {dimension_numbers = #tpu.dot_dimension_numbers<[1], [0], [0], [1], [0, 0, 1, 1], [], []>, transpose_lhs_hint = false} : vector<2000x128xf32>, vector<128x128xf32>, vector<2000x128xf32> -> vector<2000x128xf32>
    %dot_general3A_37 = arith.constant dense<0.000000e+00> : vector<2000x128xf32>
    %dot_general3A_38 = tpu.matmul %div3A_35, %get3A_7, %dot_general3A_37 {dimension_numbers = #tpu.dot_dimension_numbers<[1], [0], [0], [1], [0, 0, 1, 1], [], []>, transpose_lhs_hint = false} : vector<2000x128xf32>, vector<128x128xf32>, vector<2000x128xf32> -> vector<2000x128xf32>
    %add3A_39 = arith.addf %dot_general3A_36, %dot_general3A_38 : vector<2000x128xf32>
    %add3A_40 = vector.broadcast %get3A_10 : vector<1x128xf32> to vector<2000x128xf32>
    %add3A_41 = arith.addf %add3A_39, %add3A_40 : vector<2000x128xf32>
    %max3A_42 = arith.constant 0.000000e+00 : f32
    %max3A_43 = vector.broadcast %max3A_42 : f32 to vector<2000x128xf32>
    %max3A_44 = arith.maximumf %add3A_41, %max3A_43 : vector<2000x128xf32>
    %swap3A = arith.constant 0 : index
    %swap3A_45 = arith.constant 0 : index
    %swap3A_46 = vector.load %arg7[%swap3A, %swap3A_45] : memref<2000x128xf32, #tpu.memory_space<vmem>>, vector<2000x128xf32>
    tpu.vector_store %arg7[%swap3A, %swap3A_45], %max3A_44 {strides = array<i32>} : memref<2000x128xf32, #tpu.memory_space<vmem>>, vector<2000x128xf32>,
    return
  }
  func.func @transform_0(%arg0: i32) -> (i32, i32) {
    %c0_i32 = arith.constant 0 : i32
    %c0_i32_0 = arith.constant 0 : i32
    return %arg0, %c0_i32 : i32, i32
  }
  func.func @transform_1(%arg0: i32) -> (i32, i32, i32) {
    %c0_i32 = arith.constant 0 : i32
    %c0_i32_0 = arith.constant 0 : i32
    %c0_i32_1 = arith.constant 0 : i32
    return %c0_i32, %arg0, %c0_i32_0 : i32, i32, i32
  }
  func.func @transform_2(%arg0: i32) -> (i32, i32, i32) {
    %c0_i32 = arith.constant 0 : i32
    %c0_i32_0 = arith.constant 0 : i32
    %c0_i32_1 = arith.constant 0 : i32
    return %c0_i32, %arg0, %c0_i32_0 : i32, i32, i32
  }
  func.func @transform_3(%arg0: i32) -> (i32, i32) {
    %c0_i32 = arith.constant 0 : i32
    %c0_i32_0 = arith.constant 0 : i32
    %c0_i32_1 = arith.constant 0 : i32
    return %c0_i32, %c0_i32_0 : i32, i32
  }
  func.func @transform_4(%arg0: i32) -> (i32, i32) {
    %c0_i32 = arith.constant 0 : i32
    %c0_i32_0 = arith.constant 0 : i32
    %c0_i32_1 = arith.constant 0 : i32
    return %c0_i32, %c0_i32_0 : i32, i32
  }
  func.func @transform_5(%arg0: i32) -> (i32, i32) {
    %c0_i32 = arith.constant 0 : i32
    %c0_i32_0 = arith.constant 0 : i32
    %c0_i32_1 = arith.constant 0 : i32
    return %c0_i32, %c0_i32_0 : i32, i32
  }
  func.func @transform_6(%arg0: i32) -> (i32, i32) {
    %c0_i32 = arith.constant 0 : i32
    %c0_i32_0 = arith.constant 0 : i32
    return %arg0, %c0_i32 : i32, i32
  }
}

module attributes {stable_mosaic.version = 14 : i64} {
  func.func @body(%arg0: i32, %arg1: memref<2000x128xf32, #tpu.memory_space<vmem>>, %arg2: memref<128x128xf32, #tpu.memory_space<vmem>>, %arg3: memref<1x128xf32, #tpu.memory_space<vmem>>, %arg4: memref<1x128xf32, #tpu.memory_space<vmem>>, %arg5: memref<1x128xf32, #tpu.memory_space<vmem>>, %arg6: memref<128x128xf32, #tpu.memory_space<vmem>>, %arg7: memref<1x128xf32, #tpu.memory_space<vmem>>, %arg8: memref<128x128xf32, #tpu.memory_space<vmem>>, %arg9: memref<1x128xf32, #tpu.memory_space<vmem>>, %arg10: memref<2000x128xf32, #tpu.memory_space<vmem>>) attributes {dimension_semantics = [#tpu.dimension_semantics<arbitrary>], iteration_bounds = array<i64: 5>, scalar_prefetch = 0 : i64, scratch_operands = 0 : i64, tpu.core_type = #tpu.core_type<tc>, window_params = [{transform_indices = @transform_0, window_bounds = array<i64: 2000, 128>}, {pipeline_mode = #tpu.pipeline_mode<synchronous>, transform_indices = @transform_1, window_bounds = array<i64: 128, 128>}, {pipeline_mode = #tpu.pipeline_mode<synchronous>, transform_indices = @transform_2, window_bounds = array<i64: 1, 128>}, {pipeline_mode = #tpu.pipeline_mode<synchronous>, transform_indices = @transform_3, window_bounds = array<i64: 1, 128>}, {pipeline_mode = #tpu.pipeline_mode<synchronous>, transform_indices = @transform_4, window_bounds = array<i64: 1, 128>}, {pipeline_mode = #tpu.pipeline_mode<synchronous>, transform_indices = @transform_5, window_bounds = array<i64: 128, 128>}, {pipeline_mode = #tpu.pipeline_mode<synchronous>, transform_indices = @transform_6, window_bounds = array<i64: 1, 128>}, {pipeline_mode = #tpu.pipeline_mode<synchronous>, transform_indices = @transform_7, window_bounds = array<i64: 128, 128>}, {pipeline_mode = #tpu.pipeline_mode<synchronous>, transform_indices = @transform_8, window_bounds = array<i64: 1, 128>}, {transform_indices = @transform_9, window_bounds = array<i64: 2000, 128>}]} {
    %get3A = arith.constant 0 : index
    %get3A_0 = arith.constant 0 : index
    %get3A_1 = vector.load %arg1[%get3A, %get3A_0] : memref<2000x128xf32, #tpu.memory_space<vmem>>, vector<2000x128xf32>
    %get3A_2 = arith.constant 0 : index
    %get3A_3 = arith.constant 0 : index
    %get3A_4 = vector.load %arg2[%get3A_2, %get3A_3] : memref<128x128xf32, #tpu.memory_space<vmem>>, vector<128x128xf32>
    %dot_general3A = arith.constant dense<0.000000e+00> : vector<2000x128xf32>
    %dot_general3A_5 = tpu.matmul %get3A_1, %get3A_4, %dot_general3A {dimension_numbers = #tpu.dot_dimension_numbers<[1], [0], [0], [1], [0, 0, 1, 1], [], []>, transpose_lhs_hint = false} : vector<2000x128xf32>, vector<128x128xf32>, vector<2000x128xf32> -> vector<2000x128xf32>
    %get3A_6 = arith.constant 0 : index
    %get3A_7 = arith.constant 0 : index
    %get3A_8 = vector.load %arg3[%get3A_6, %get3A_7] : memref<1x128xf32, #tpu.memory_space<vmem>>, vector<1x128xf32>
    %add3A = vector.broadcast %get3A_8 : vector<1x128xf32> to vector<2000x128xf32>
    %add3A_9 = arith.addf %dot_general3A_5, %add3A : vector<2000x128xf32>
    %max3A = arith.constant 0.000000e+00 : f32
    %max3A_10 = vector.broadcast %max3A : f32 to vector<2000x128xf32>
    %max3A_11 = arith.maximumf %add3A_9, %max3A_10 : vector<2000x128xf32>
    %reduce_sum3A = arith.constant dense<0.000000e+00> : vector<2000xf32>
    %reduce_sum3A_12 = vector.multi_reduction <add>, %max3A_11, %reduce_sum3A [1] : vector<2000x128xf32> to vector<2000xf32>
    %broadcast_in_dim3A = vector.shape_cast %reduce_sum3A_12 : vector<2000xf32> to vector<2000x1xf32>
    %div3A = arith.constant 1.280000e+02 : f32
    %div3A_13 = vector.broadcast %div3A : f32 to vector<2000x1xf32>
    %div3A_14 = arith.divf %broadcast_in_dim3A, %div3A_13 : vector<2000x1xf32>
    %sub3A = vector.broadcast %div3A_14 : vector<2000x1xf32> to vector<2000x128xf32>
    %sub3A_15 = arith.subf %max3A_11, %sub3A : vector<2000x128xf32>
    %square3A = arith.mulf %sub3A_15, %sub3A_15 : vector<2000x128xf32>
    %reduce_sum3A_16 = arith.constant dense<0.000000e+00> : vector<2000xf32>
    %reduce_sum3A_17 = vector.multi_reduction <add>, %square3A, %reduce_sum3A_16 [1] : vector<2000x128xf32> to vector<2000xf32>
    %broadcast_in_dim3A_18 = vector.shape_cast %reduce_sum3A_17 : vector<2000xf32> to vector<2000x1xf32>
    %div3A_19 = arith.constant 1.280000e+02 : f32
    %div3A_20 = vector.broadcast %div3A_19 : f32 to vector<2000x1xf32>
    %div3A_21 = arith.divf %broadcast_in_dim3A_18, %div3A_20 : vector<2000x1xf32>
    %sub3A_22 = vector.broadcast %div3A_14 : vector<2000x1xf32> to vector<2000x128xf32>
    %sub3A_23 = arith.subf %max3A_11, %sub3A_22 : vector<2000x128xf32>
    %add3A_24 = arith.constant 9.99999974E-6 : f32
    %add3A_25 = vector.broadcast %add3A_24 : f32 to vector<2000x1xf32>
    %add3A_26 = arith.addf %div3A_21, %add3A_25 : vector<2000x1xf32>
    %rsqrt3A = math.rsqrt %add3A_26 : vector<2000x1xf32>
    %mul3A = vector.broadcast %rsqrt3A : vector<2000x1xf32> to vector<2000x128xf32>
    %mul3A_27 = arith.mulf %sub3A_23, %mul3A : vector<2000x128xf32>
    %get3A_28 = arith.constant 0 : index
    %get3A_29 = arith.constant 0 : index
    %get3A_30 = vector.load %arg4[%get3A_28, %get3A_29] : memref<1x128xf32, #tpu.memory_space<vmem>>, vector<1x128xf32>
    %mul3A_31 = vector.broadcast %get3A_30 : vector<1x128xf32> to vector<2000x128xf32>
    %mul3A_32 = arith.mulf %mul3A_27, %mul3A_31 : vector<2000x128xf32>
    %get3A_33 = arith.constant 0 : index
    %get3A_34 = arith.constant 0 : index
    %get3A_35 = vector.load %arg5[%get3A_33, %get3A_34] : memref<1x128xf32, #tpu.memory_space<vmem>>, vector<1x128xf32>
    %add3A_36 = vector.broadcast %get3A_35 : vector<1x128xf32> to vector<2000x128xf32>
    %add3A_37 = arith.addf %mul3A_32, %add3A_36 : vector<2000x128xf32>
    %get3A_38 = arith.constant 0 : index
    %get3A_39 = arith.constant 0 : index
    %get3A_40 = vector.load %arg6[%get3A_38, %get3A_39] : memref<128x128xf32, #tpu.memory_space<vmem>>, vector<128x128xf32>
    %dot_general3A_41 = arith.constant dense<0.000000e+00> : vector<2000x128xf32>
    %dot_general3A_42 = tpu.matmul %add3A_37, %get3A_40, %dot_general3A_41 {dimension_numbers = #tpu.dot_dimension_numbers<[1], [0], [0], [1], [0, 0, 1, 1], [], []>, transpose_lhs_hint = false} : vector<2000x128xf32>, vector<128x128xf32>, vector<2000x128xf32> -> vector<2000x128xf32>
    %get3A_43 = arith.constant 0 : index
    %get3A_44 = arith.constant 0 : index
    %get3A_45 = vector.load %arg7[%get3A_43, %get3A_44] : memref<1x128xf32, #tpu.memory_space<vmem>>, vector<1x128xf32>
    %add3A_46 = vector.broadcast %get3A_45 : vector<1x128xf32> to vector<2000x128xf32>
    %add3A_47 = arith.addf %dot_general3A_42, %add3A_46 : vector<2000x128xf32>
    %get3A_48 = arith.constant 0 : index
    %get3A_49 = arith.constant 0 : index
    %get3A_50 = vector.load %arg8[%get3A_48, %get3A_49] : memref<128x128xf32, #tpu.memory_space<vmem>>, vector<128x128xf32>
    %dot_general3A_51 = arith.constant dense<0.000000e+00> : vector<2000x128xf32>
    %dot_general3A_52 = tpu.matmul %add3A_47, %get3A_50, %dot_general3A_51 {dimension_numbers = #tpu.dot_dimension_numbers<[1], [0], [0], [1], [0, 0, 1, 1], [], []>, transpose_lhs_hint = false} : vector<2000x128xf32>, vector<128x128xf32>, vector<2000x128xf32> -> vector<2000x128xf32>
    %get3A_53 = arith.constant 0 : index
    %get3A_54 = arith.constant 0 : index
    %get3A_55 = vector.load %arg9[%get3A_53, %get3A_54] : memref<1x128xf32, #tpu.memory_space<vmem>>, vector<1x128xf32>
    %add3A_56 = vector.broadcast %get3A_55 : vector<1x128xf32> to vector<2000x128xf32>
    %add3A_57 = arith.addf %dot_general3A_52, %add3A_56 : vector<2000x128xf32>
    %max3A_58 = arith.constant 0.000000e+00 : f32
    %max3A_59 = vector.broadcast %max3A_58 : f32 to vector<2000x128xf32>
    %max3A_60 = arith.maximumf %add3A_57, %max3A_59 : vector<2000x128xf32>
    %swap3A = arith.constant 0 : index
    %swap3A_61 = arith.constant 0 : index
    %swap3A_62 = vector.load %arg10[%swap3A, %swap3A_61] : memref<2000x128xf32, #tpu.memory_space<vmem>>, vector<2000x128xf32>
    tpu.vector_store %arg10[%swap3A, %swap3A_61], %max3A_60 {strides = array<i32>} : memref<2000x128xf32, #tpu.memory_space<vmem>>, vector<2000x128xf32>,
    return
  }
  func.func @transform_0(%arg0: i32) -> (i32, i32) {
    %c0_i32 = arith.constant 0 : i32
    %c0_i32_0 = arith.constant 0 : i32
    return %arg0, %c0_i32 : i32, i32
  }
  func.func @transform_1(%arg0: i32) -> (i32, i32) {
    %c0_i32 = arith.constant 0 : i32
    %c0_i32_0 = arith.constant 0 : i32
    %c0_i32_1 = arith.constant 0 : i32
    return %c0_i32, %c0_i32_0 : i32, i32
  }
  func.func @transform_2(%arg0: i32) -> (i32, i32) {
    %c0_i32 = arith.constant 0 : i32
    %c0_i32_0 = arith.constant 0 : i32
    %c0_i32_1 = arith.constant 0 : i32
    return %c0_i32, %c0_i32_0 : i32, i32
  }
  func.func @transform_3(%arg0: i32) -> (i32, i32) {
    %c0_i32 = arith.constant 0 : i32
    %c0_i32_0 = arith.constant 0 : i32
    %c0_i32_1 = arith.constant 0 : i32
    return %c0_i32, %c0_i32_0 : i32, i32
  }
  func.func @transform_4(%arg0: i32) -> (i32, i32) {
    %c0_i32 = arith.constant 0 : i32
    %c0_i32_0 = arith.constant 0 : i32
    %c0_i32_1 = arith.constant 0 : i32
    return %c0_i32, %c0_i32_0 : i32, i32
  }
  func.func @transform_5(%arg0: i32) -> (i32, i32) {
    %c0_i32 = arith.constant 0 : i32
    %c0_i32_0 = arith.constant 0 : i32
    %c0_i32_1 = arith.constant 0 : i32
    return %c0_i32, %c0_i32_0 : i32, i32
  }
  func.func @transform_6(%arg0: i32) -> (i32, i32) {
    %c0_i32 = arith.constant 0 : i32
    %c0_i32_0 = arith.constant 0 : i32
    %c0_i32_1 = arith.constant 0 : i32
    return %c0_i32, %c0_i32_0 : i32, i32
  }
  func.func @transform_7(%arg0: i32) -> (i32, i32) {
    %c0_i32 = arith.constant 0 : i32
    %c0_i32_0 = arith.constant 0 : i32
    %c0_i32_1 = arith.constant 0 : i32
    return %c0_i32, %c0_i32_0 : i32, i32
  }
  func.func @transform_8(%arg0: i32) -> (i32, i32) {
    %c0_i32 = arith.constant 0 : i32
    %c0_i32_0 = arith.constant 0 : i32
    %c0_i32_1 = arith.constant 0 : i32
    return %c0_i32, %c0_i32_0 : i32, i32
  }
  func.func @transform_9(%arg0: i32) -> (i32, i32) {
    %c0_i32 = arith.constant 0 : i32
    %c0_i32_0 = arith.constant 0 : i32
    return %arg0, %c0_i32 : i32, i32
  }
}

module attributes {stable_mosaic.version = 14 : i64} {
  func.func @body(%arg0: i32, %arg1: memref<2000x128xf32, #tpu.memory_space<vmem>>, %arg2: memref<2x2000x128xf32, #tpu.memory_space<vmem>>, %arg3: memref<2x2000x128xf32, #tpu.memory_space<vmem>>, %arg4: memref<128x128xf32, #tpu.memory_space<vmem>>, %arg5: memref<128x128xf32, #tpu.memory_space<vmem>>, %arg6: memref<1x128xf32, #tpu.memory_space<vmem>>, %arg7: memref<2000x128xf32, #tpu.memory_space<vmem>>, %arg8: memref<128x128xf32, #tpu.memory_space<vmem>>, %arg9: memref<1x128xf32, #tpu.memory_space<vmem>>, %arg10: memref<2000x128xf32, #tpu.memory_space<vmem>>) attributes {dimension_semantics = [#tpu.dimension_semantics<arbitrary>], iteration_bounds = array<i64: 5>, scalar_prefetch = 0 : i64, scratch_operands = 0 : i64, tpu.core_type = #tpu.core_type<tc>, window_params = [{transform_indices = @transform_0, window_bounds = array<i64: 2000, 128>}, {transform_indices = @transform_1, window_bounds = array<i64: 2, 2000, 128>}, {transform_indices = @transform_2, window_bounds = array<i64: 2, 2000, 128>}, {pipeline_mode = #tpu.pipeline_mode<synchronous>, transform_indices = @transform_3, window_bounds = array<i64: 128, 128>}, {pipeline_mode = #tpu.pipeline_mode<synchronous>, transform_indices = @transform_4, window_bounds = array<i64: 128, 128>}, {pipeline_mode = #tpu.pipeline_mode<synchronous>, transform_indices = @transform_5, window_bounds = array<i64: 1, 128>}, {transform_indices = @transform_6, window_bounds = array<i64: 2000, 128>}, {pipeline_mode = #tpu.pipeline_mode<synchronous>, transform_indices = @transform_7, window_bounds = array<i64: 128, 128>}, {pipeline_mode = #tpu.pipeline_mode<synchronous>, transform_indices = @transform_8, window_bounds = array<i64: 1, 128>}, {transform_indices = @transform_9, window_bounds = array<i64: 2000, 128>}]} {
    %get3A = arith.constant 0 : index
    %get3A_0 = arith.constant 0 : index
    %get3A_1 = vector.load %arg1[%get3A, %get3A_0] : memref<2000x128xf32, #tpu.memory_space<vmem>>, vector<2000x128xf32>
    %get3A_2 = arith.constant 0 : index
    %get3A_3 = arith.constant 0 : index
    %get3A_4 = vector.load %arg4[%get3A_2, %get3A_3] : memref<128x128xf32, #tpu.memory_space<vmem>>, vector<128x128xf32>
    %get3A_5 = arith.constant 0 : index
    %get3A_6 = arith.constant 0 : index
    %get3A_7 = vector.load %arg5[%get3A_5, %get3A_6] : memref<128x128xf32, #tpu.memory_space<vmem>>, vector<128x128xf32>
    %get3A_8 = arith.constant 0 : index
    %get3A_9 = arith.constant 0 : index
    %get3A_10 = vector.load %arg6[%get3A_8, %get3A_9] : memref<1x128xf32, #tpu.memory_space<vmem>>, vector<1x128xf32>
    %get3A_11 = arith.constant 0 : index
    %get3A_12 = arith.constant 0 : index
    %get3A_13 = arith.constant 0 : index
    %get3A_14 = vector.load %arg2[%get3A_11, %get3A_12, %get3A_13] : memref<2x2000x128xf32, #tpu.memory_space<vmem>>, vector<1x2000x128xf32>
    %get3A_15 = vector.shape_cast %get3A_14 : vector<1x2000x128xf32> to vector<2000x128xf32>
    %get3A_16 = arith.constant 1 : index
    %get3A_17 = arith.constant 0 : index
    %get3A_18 = arith.constant 0 : index
    %get3A_19 = vector.load %arg2[%get3A_16, %get3A_17, %get3A_18] : memref<2x2000x128xf32, #tpu.memory_space<vmem>>, vector<1x2000x128xf32>
    %get3A_20 = vector.shape_cast %get3A_19 : vector<1x2000x128xf32> to vector<2000x128xf32>
    %get3A_21 = arith.constant 0 : index
    %get3A_22 = arith.constant 0 : index
    %get3A_23 = arith.constant 0 : index
    %get3A_24 = vector.load %arg3[%get3A_21, %get3A_22, %get3A_23] : memref<2x2000x128xf32, #tpu.memory_space<vmem>>, vector<1x2000x128xf32>
    %get3A_25 = vector.shape_cast %get3A_24 : vector<1x2000x128xf32> to vector<2000x128xf32>
    %get3A_26 = arith.constant 1 : index
    %get3A_27 = arith.constant 0 : index
    %get3A_28 = arith.constant 0 : index
    %get3A_29 = vector.load %arg3[%get3A_26, %get3A_27, %get3A_28] : memref<2x2000x128xf32, #tpu.memory_space<vmem>>, vector<1x2000x128xf32>
    %get3A_30 = vector.shape_cast %get3A_29 : vector<1x2000x128xf32> to vector<2000x128xf32>
    %slice3A = vector.extract_strided_slice %get3A_25 {offsets = [0, 0], sizes = [2000, 1], strides = [1, 1]} : vector<2000x128xf32> to vector<2000x1xf32>
    %slice3A_31 = vector.extract_strided_slice %get3A_30 {offsets = [0, 0], sizes = [2000, 1], strides = [1, 1]} : vector<2000x128xf32> to vector<2000x1xf32>
    %add3A = arith.addf %slice3A, %slice3A_31 : vector<2000x1xf32>
    %max3A = arith.constant 1.000000e+00 : f32
    %max3A_32 = vector.broadcast %max3A : f32 to vector<2000x1xf32>
    %max3A_33 = arith.maximumf %add3A, %max3A_32 : vector<2000x1xf32>
    %add3A_34 = arith.addf %get3A_15, %get3A_20 : vector<2000x128xf32>
    %div3A = vector.broadcast %max3A_33 : vector<2000x1xf32> to vector<2000x128xf32>
    %div3A_35 = arith.divf %add3A_34, %div3A : vector<2000x128xf32>
    %dot_general3A = arith.constant dense<0.000000e+00> : vector<2000x128xf32>
    %dot_general3A_36 = tpu.matmul %get3A_1, %get3A_4, %dot_general3A {dimension_numbers = #tpu.dot_dimension_numbers<[1], [0], [0], [1], [0, 0, 1, 1], [], []>, transpose_lhs_hint = false} : vector<2000x128xf32>, vector<128x128xf32>, vector<2000x128xf32> -> vector<2000x128xf32>
    %dot_general3A_37 = arith.constant dense<0.000000e+00> : vector<2000x128xf32>
    %dot_general3A_38 = tpu.matmul %div3A_35, %get3A_7, %dot_general3A_37 {dimension_numbers = #tpu.dot_dimension_numbers<[1], [0], [0], [1], [0, 0, 1, 1], [], []>, transpose_lhs_hint = false} : vector<2000x128xf32>, vector<128x128xf32>, vector<2000x128xf32> -> vector<2000x128xf32>
    %add3A_39 = arith.addf %dot_general3A_36, %dot_general3A_38 : vector<2000x128xf32>
    %add3A_40 = vector.broadcast %get3A_10 : vector<1x128xf32> to vector<2000x128xf32>
    %add3A_41 = arith.addf %add3A_39, %add3A_40 : vector<2000x128xf32>
    %max3A_42 = arith.constant 0.000000e+00 : f32
    %max3A_43 = vector.broadcast %max3A_42 : f32 to vector<2000x128xf32>
    %max3A_44 = arith.maximumf %add3A_41, %max3A_43 : vector<2000x128xf32>
    %get3A_45 = arith.constant 0 : index
    %get3A_46 = arith.constant 0 : index
    %get3A_47 = vector.load %arg7[%get3A_45, %get3A_46] : memref<2000x128xf32, #tpu.memory_space<vmem>>, vector<2000x128xf32>
    %get3A_48 = arith.constant 0 : index
    %get3A_49 = arith.constant 0 : index
    %get3A_50 = vector.load %arg8[%get3A_48, %get3A_49] : memref<128x128xf32, #tpu.memory_space<vmem>>, vector<128x128xf32>
    %dot_general3A_51 = arith.constant dense<0.000000e+00> : vector<2000x128xf32>
    %dot_general3A_52 = tpu.matmul %get3A_47, %get3A_50, %dot_general3A_51 {dimension_numbers = #tpu.dot_dimension_numbers<[1], [0], [0], [1], [0, 0, 1, 1], [], []>, transpose_lhs_hint = false} : vector<2000x128xf32>, vector<128x128xf32>, vector<2000x128xf32> -> vector<2000x128xf32>
    %get3A_53 = arith.constant 0 : index
    %get3A_54 = arith.constant 0 : index
    %get3A_55 = vector.load %arg9[%get3A_53, %get3A_54] : memref<1x128xf32, #tpu.memory_space<vmem>>, vector<1x128xf32>
    %add3A_56 = vector.broadcast %get3A_55 : vector<1x128xf32> to vector<2000x128xf32>
    %add3A_57 = arith.addf %dot_general3A_52, %add3A_56 : vector<2000x128xf32>
    %max3A_58 = arith.constant 0.000000e+00 : f32
    %max3A_59 = vector.broadcast %max3A_58 : f32 to vector<2000x128xf32>
    %max3A_60 = arith.maximumf %add3A_57, %max3A_59 : vector<2000x128xf32>
    %add3A_61 = arith.addf %max3A_44, %max3A_60 : vector<2000x128xf32>
    %mul3A = arith.constant 5.000000e-01 : f32
    %mul3A_62 = vector.broadcast %mul3A : f32 to vector<2000x128xf32>
    %mul3A_63 = arith.mulf %add3A_61, %mul3A_62 : vector<2000x128xf32>
    %swap3A = arith.constant 0 : index
    %swap3A_64 = arith.constant 0 : index
    %swap3A_65 = vector.load %arg10[%swap3A, %swap3A_64] : memref<2000x128xf32, #tpu.memory_space<vmem>>, vector<2000x128xf32>
    tpu.vector_store %arg10[%swap3A, %swap3A_64], %mul3A_63 {strides = array<i32>} : memref<2000x128xf32, #tpu.memory_space<vmem>>, vector<2000x128xf32>,
    return
  }
  func.func @transform_0(%arg0: i32) -> (i32, i32) {
    %c0_i32 = arith.constant 0 : i32
    %c0_i32_0 = arith.constant 0 : i32
    return %arg0, %c0_i32 : i32, i32
  }
  func.func @transform_1(%arg0: i32) -> (i32, i32, i32) {
    %c0_i32 = arith.constant 0 : i32
    %c0_i32_0 = arith.constant 0 : i32
    %c0_i32_1 = arith.constant 0 : i32
    return %c0_i32, %arg0, %c0_i32_0 : i32, i32, i32
  }
  func.func @transform_2(%arg0: i32) -> (i32, i32, i32) {
    %c0_i32 = arith.constant 0 : i32
    %c0_i32_0 = arith.constant 0 : i32
    %c0_i32_1 = arith.constant 0 : i32
    return %c0_i32, %arg0, %c0_i32_0 : i32, i32, i32
  }
  func.func @transform_3(%arg0: i32) -> (i32, i32) {
    %c0_i32 = arith.constant 0 : i32
    %c0_i32_0 = arith.constant 0 : i32
    %c0_i32_1 = arith.constant 0 : i32
    return %c0_i32, %c0_i32_0 : i32, i32
  }
  func.func @transform_4(%arg0: i32) -> (i32, i32) {
    %c0_i32 = arith.constant 0 : i32
    %c0_i32_0 = arith.constant 0 : i32
    %c0_i32_1 = arith.constant 0 : i32
    return %c0_i32, %c0_i32_0 : i32, i32
  }
  func.func @transform_5(%arg0: i32) -> (i32, i32) {
    %c0_i32 = arith.constant 0 : i32
    %c0_i32_0 = arith.constant 0 : i32
    %c0_i32_1 = arith.constant 0 : i32
    return %c0_i32, %c0_i32_0 : i32, i32
  }
  func.func @transform_6(%arg0: i32) -> (i32, i32) {
    %c0_i32 = arith.constant 0 : i32
    %c0_i32_0 = arith.constant 0 : i32
    return %arg0, %c0_i32 : i32, i32
  }
  func.func @transform_7(%arg0: i32) -> (i32, i32) {
    %c0_i32 = arith.constant 0 : i32
    %c0_i32_0 = arith.constant 0 : i32
    %c0_i32_1 = arith.constant 0 : i32
    return %c0_i32, %c0_i32_0 : i32, i32
  }
  func.func @transform_8(%arg0: i32) -> (i32, i32) {
    %c0_i32 = arith.constant 0 : i32
    %c0_i32_0 = arith.constant 0 : i32
    %c0_i32_1 = arith.constant 0 : i32
    return %c0_i32, %c0_i32_0 : i32, i32
  }
  func.func @transform_9(%arg0: i32) -> (i32, i32) {
    %c0_i32 = arith.constant 0 : i32
    %c0_i32_0 = arith.constant 0 : i32
    return %arg0, %c0_i32 : i32, i32
  }
}

module attributes {stable_mosaic.version = 14 : i64} {
  func.func @body(%arg0: i32, %arg1: memref<2000x128xf32, #tpu.memory_space<vmem>>, %arg2: memref<2x2000x128xf32, #tpu.memory_space<vmem>>, %arg3: memref<2x2000x128xf32, #tpu.memory_space<vmem>>, %arg4: memref<128x128xf32, #tpu.memory_space<vmem>>, %arg5: memref<128x128xf32, #tpu.memory_space<vmem>>, %arg6: memref<1x128xf32, #tpu.memory_space<vmem>>, %arg7: memref<128x128xf32, #tpu.memory_space<vmem>>, %arg8: memref<1x128xf32, #tpu.memory_space<vmem>>, %arg9: memref<128x128xf32, #tpu.memory_space<vmem>>, %arg10: memref<1x128xf32, #tpu.memory_space<vmem>>, %arg11: memref<2000x128xf32, #tpu.memory_space<vmem>>, %arg12: memref<2000x128xf32, #tpu.memory_space<vmem>>, %arg13: memref<2000x128xf32, #tpu.memory_space<vmem>>) attributes {dimension_semantics = [#tpu.dimension_semantics<arbitrary>], iteration_bounds = array<i64: 5>, scalar_prefetch = 0 : i64, scratch_operands = 0 : i64, tpu.core_type = #tpu.core_type<tc>, window_params = [{transform_indices = @transform_0, window_bounds = array<i64: 2000, 128>}, {transform_indices = @transform_1, window_bounds = array<i64: 2, 2000, 128>}, {transform_indices = @transform_2, window_bounds = array<i64: 2, 2000, 128>}, {pipeline_mode = #tpu.pipeline_mode<synchronous>, transform_indices = @transform_3, window_bounds = array<i64: 128, 128>}, {pipeline_mode = #tpu.pipeline_mode<synchronous>, transform_indices = @transform_4, window_bounds = array<i64: 128, 128>}, {pipeline_mode = #tpu.pipeline_mode<synchronous>, transform_indices = @transform_5, window_bounds = array<i64: 1, 128>}, {pipeline_mode = #tpu.pipeline_mode<synchronous>, transform_indices = @transform_6, window_bounds = array<i64: 128, 128>}, {pipeline_mode = #tpu.pipeline_mode<synchronous>, transform_indices = @transform_7, window_bounds = array<i64: 1, 128>}, {pipeline_mode = #tpu.pipeline_mode<synchronous>, transform_indices = @transform_8, window_bounds = array<i64: 128, 128>}, {pipeline_mode = #tpu.pipeline_mode<synchronous>, transform_indices = @transform_9, window_bounds = array<i64: 1, 128>}, {transform_indices = @transform_10, window_bounds = array<i64: 2000, 128>}, {transform_indices = @transform_11, window_bounds = array<i64: 2000, 128>}, {transform_indices = @transform_12, window_bounds = array<i64: 2000, 128>}]} {
    %get3A = arith.constant 0 : index
    %get3A_0 = arith.constant 0 : index
    %get3A_1 = vector.load %arg1[%get3A, %get3A_0] : memref<2000x128xf32, #tpu.memory_space<vmem>>, vector<2000x128xf32>
    %get3A_2 = arith.constant 0 : index
    %get3A_3 = arith.constant 0 : index
    %get3A_4 = vector.load %arg4[%get3A_2, %get3A_3] : memref<128x128xf32, #tpu.memory_space<vmem>>, vector<128x128xf32>
    %get3A_5 = arith.constant 0 : index
    %get3A_6 = arith.constant 0 : index
    %get3A_7 = vector.load %arg5[%get3A_5, %get3A_6] : memref<128x128xf32, #tpu.memory_space<vmem>>, vector<128x128xf32>
    %get3A_8 = arith.constant 0 : index
    %get3A_9 = arith.constant 0 : index
    %get3A_10 = vector.load %arg6[%get3A_8, %get3A_9] : memref<1x128xf32, #tpu.memory_space<vmem>>, vector<1x128xf32>
    %get3A_11 = arith.constant 0 : index
    %get3A_12 = arith.constant 0 : index
    %get3A_13 = arith.constant 0 : index
    %get3A_14 = vector.load %arg2[%get3A_11, %get3A_12, %get3A_13] : memref<2x2000x128xf32, #tpu.memory_space<vmem>>, vector<1x2000x128xf32>
    %get3A_15 = vector.shape_cast %get3A_14 : vector<1x2000x128xf32> to vector<2000x128xf32>
    %get3A_16 = arith.constant 1 : index
    %get3A_17 = arith.constant 0 : index
    %get3A_18 = arith.constant 0 : index
    %get3A_19 = vector.load %arg2[%get3A_16, %get3A_17, %get3A_18] : memref<2x2000x128xf32, #tpu.memory_space<vmem>>, vector<1x2000x128xf32>
    %get3A_20 = vector.shape_cast %get3A_19 : vector<1x2000x128xf32> to vector<2000x128xf32>
    %get3A_21 = arith.constant 0 : index
    %get3A_22 = arith.constant 0 : index
    %get3A_23 = arith.constant 0 : index
    %get3A_24 = vector.load %arg3[%get3A_21, %get3A_22, %get3A_23] : memref<2x2000x128xf32, #tpu.memory_space<vmem>>, vector<1x2000x128xf32>
    %get3A_25 = vector.shape_cast %get3A_24 : vector<1x2000x128xf32> to vector<2000x128xf32>
    %get3A_26 = arith.constant 1 : index
    %get3A_27 = arith.constant 0 : index
    %get3A_28 = arith.constant 0 : index
    %get3A_29 = vector.load %arg3[%get3A_26, %get3A_27, %get3A_28] : memref<2x2000x128xf32, #tpu.memory_space<vmem>>, vector<1x2000x128xf32>
    %get3A_30 = vector.shape_cast %get3A_29 : vector<1x2000x128xf32> to vector<2000x128xf32>
    %slice3A = vector.extract_strided_slice %get3A_25 {offsets = [0, 0], sizes = [2000, 1], strides = [1, 1]} : vector<2000x128xf32> to vector<2000x1xf32>
    %slice3A_31 = vector.extract_strided_slice %get3A_30 {offsets = [0, 0], sizes = [2000, 1], strides = [1, 1]} : vector<2000x128xf32> to vector<2000x1xf32>
    %add3A = arith.addf %slice3A, %slice3A_31 : vector<2000x1xf32>
    %max3A = arith.constant 1.000000e+00 : f32
    %max3A_32 = vector.broadcast %max3A : f32 to vector<2000x1xf32>
    %max3A_33 = arith.maximumf %add3A, %max3A_32 : vector<2000x1xf32>
    %add3A_34 = arith.addf %get3A_15, %get3A_20 : vector<2000x128xf32>
    %div3A = vector.broadcast %max3A_33 : vector<2000x1xf32> to vector<2000x128xf32>
    %div3A_35 = arith.divf %add3A_34, %div3A : vector<2000x128xf32>
    %dot_general3A = arith.constant dense<0.000000e+00> : vector<2000x128xf32>
    %dot_general3A_36 = tpu.matmul %get3A_1, %get3A_4, %dot_general3A {dimension_numbers = #tpu.dot_dimension_numbers<[1], [0], [0], [1], [0, 0, 1, 1], [], []>, transpose_lhs_hint = false} : vector<2000x128xf32>, vector<128x128xf32>, vector<2000x128xf32> -> vector<2000x128xf32>
    %dot_general3A_37 = arith.constant dense<0.000000e+00> : vector<2000x128xf32>
    %dot_general3A_38 = tpu.matmul %div3A_35, %get3A_7, %dot_general3A_37 {dimension_numbers = #tpu.dot_dimension_numbers<[1], [0], [0], [1], [0, 0, 1, 1], [], []>, transpose_lhs_hint = false} : vector<2000x128xf32>, vector<128x128xf32>, vector<2000x128xf32> -> vector<2000x128xf32>
    %add3A_39 = arith.addf %dot_general3A_36, %dot_general3A_38 : vector<2000x128xf32>
    %add3A_40 = vector.broadcast %get3A_10 : vector<1x128xf32> to vector<2000x128xf32>
    %add3A_41 = arith.addf %add3A_39, %add3A_40 : vector<2000x128xf32>
    %max3A_42 = arith.constant 0.000000e+00 : f32
    %max3A_43 = vector.broadcast %max3A_42 : f32 to vector<2000x128xf32>
    %max3A_44 = arith.maximumf %add3A_41, %max3A_43 : vector<2000x128xf32>
    %swap3A = arith.constant 0 : index
    %swap3A_45 = arith.constant 0 : index
    %swap3A_46 = vector.load %arg11[%swap3A, %swap3A_45] : memref<2000x128xf32, #tpu.memory_space<vmem>>, vector<2000x128xf32>
    tpu.vector_store %arg11[%swap3A, %swap3A_45], %max3A_44 {strides = array<i32>} : memref<2000x128xf32, #tpu.memory_space<vmem>>, vector<2000x128xf32>,
    %get3A_47 = arith.constant 0 : index
    %get3A_48 = arith.constant 0 : index
    %get3A_49 = vector.load %arg7[%get3A_47, %get3A_48] : memref<128x128xf32, #tpu.memory_space<vmem>>, vector<128x128xf32>
    %dot_general3A_50 = arith.constant dense<0.000000e+00> : vector<2000x128xf32>
    %dot_general3A_51 = tpu.matmul %get3A_1, %get3A_49, %dot_general3A_50 {dimension_numbers = #tpu.dot_dimension_numbers<[1], [0], [0], [1], [0, 0, 1, 1], [], []>, transpose_lhs_hint = false} : vector<2000x128xf32>, vector<128x128xf32>, vector<2000x128xf32> -> vector<2000x128xf32>
    %get3A_52 = arith.constant 0 : index
    %get3A_53 = arith.constant 0 : index
    %get3A_54 = vector.load %arg8[%get3A_52, %get3A_53] : memref<1x128xf32, #tpu.memory_space<vmem>>, vector<1x128xf32>
    %add3A_55 = vector.broadcast %get3A_54 : vector<1x128xf32> to vector<2000x128xf32>
    %add3A_56 = arith.addf %dot_general3A_51, %add3A_55 : vector<2000x128xf32>
    %max3A_57 = arith.constant 0.000000e+00 : f32
    %max3A_58 = vector.broadcast %max3A_57 : f32 to vector<2000x128xf32>
    %max3A_59 = arith.maximumf %add3A_56, %max3A_58 : vector<2000x128xf32>
    %swap3A_60 = arith.constant 0 : index
    %swap3A_61 = arith.constant 0 : index
    %swap3A_62 = vector.load %arg12[%swap3A_60, %swap3A_61] : memref<2000x128xf32, #tpu.memory_space<vmem>>, vector<2000x128xf32>
    tpu.vector_store %arg12[%swap3A_60, %swap3A_61], %max3A_59 {strides = array<i32>} : memref<2000x128xf32, #tpu.memory_space<vmem>>, vector<2000x128xf32>,
    %get3A_63 = arith.constant 0 : index
    %get3A_64 = arith.constant 0 : index
    %get3A_65 = vector.load %arg9[%get3A_63, %get3A_64] : memref<128x128xf32, #tpu.memory_space<vmem>>, vector<128x128xf32>
    %dot_general3A_66 = arith.constant dense<0.000000e+00> : vector<2000x128xf32>
    %dot_general3A_67 = tpu.matmul %get3A_1, %get3A_65, %dot_general3A_66 {dimension_numbers = #tpu.dot_dimension_numbers<[1], [0], [0], [1], [0, 0, 1, 1], [], []>, transpose_lhs_hint = false} : vector<2000x128xf32>, vector<128x128xf32>, vector<2000x128xf32> -> vector<2000x128xf32>
    %get3A_68 = arith.constant 0 : index
    %get3A_69 = arith.constant 0 : index
    %get3A_70 = vector.load %arg10[%get3A_68, %get3A_69] : memref<1x128xf32, #tpu.memory_space<vmem>>, vector<1x128xf32>
    %add3A_71 = vector.broadcast %get3A_70 : vector<1x128xf32> to vector<2000x128xf32>
    %add3A_72 = arith.addf %dot_general3A_67, %add3A_71 : vector<2000x128xf32>
    %max3A_73 = arith.constant 0.000000e+00 : f32
    %max3A_74 = vector.broadcast %max3A_73 : f32 to vector<2000x128xf32>
    %max3A_75 = arith.maximumf %add3A_72, %max3A_74 : vector<2000x128xf32>
    %swap3A_76 = arith.constant 0 : index
    %swap3A_77 = arith.constant 0 : index
    %swap3A_78 = vector.load %arg13[%swap3A_76, %swap3A_77] : memref<2000x128xf32, #tpu.memory_space<vmem>>, vector<2000x128xf32>
    tpu.vector_store %arg13[%swap3A_76, %swap3A_77], %max3A_75 {strides = array<i32>} : memref<2000x128xf32, #tpu.memory_space<vmem>>, vector<2000x128xf32>,
    return
  }
  func.func @transform_0(%arg0: i32) -> (i32, i32) {
    %c0_i32 = arith.constant 0 : i32
    %c0_i32_0 = arith.constant 0 : i32
    return %arg0, %c0_i32 : i32, i32
  }
  func.func @transform_1(%arg0: i32) -> (i32, i32, i32) {
    %c0_i32 = arith.constant 0 : i32
    %c0_i32_0 = arith.constant 0 : i32
    %c0_i32_1 = arith.constant 0 : i32
    return %c0_i32, %arg0, %c0_i32_0 : i32, i32, i32
  }
  func.func @transform_2(%arg0: i32) -> (i32, i32, i32) {
    %c0_i32 = arith.constant 0 : i32
    %c0_i32_0 = arith.constant 0 : i32
    %c0_i32_1 = arith.constant 0 : i32
    return %c0_i32, %arg0, %c0_i32_0 : i32, i32, i32
  }
  func.func @transform_3(%arg0: i32) -> (i32, i32) {
    %c0_i32 = arith.constant 0 : i32
    %c0_i32_0 = arith.constant 0 : i32
    %c0_i32_1 = arith.constant 0 : i32
    return %c0_i32, %c0_i32_0 : i32, i32
  }
  func.func @transform_4(%arg0: i32) -> (i32, i32) {
    %c0_i32 = arith.constant 0 : i32
    %c0_i32_0 = arith.constant 0 : i32
    %c0_i32_1 = arith.constant 0 : i32
    return %c0_i32, %c0_i32_0 : i32, i32
  }
  func.func @transform_5(%arg0: i32) -> (i32, i32) {
    %c0_i32 = arith.constant 0 : i32
    %c0_i32_0 = arith.constant 0 : i32
    %c0_i32_1 = arith.constant 0 : i32
    return %c0_i32, %c0_i32_0 : i32, i32
  }
  func.func @transform_6(%arg0: i32) -> (i32, i32) {
    %c0_i32 = arith.constant 0 : i32
    %c0_i32_0 = arith.constant 0 : i32
    %c0_i32_1 = arith.constant 0 : i32
    return %c0_i32, %c0_i32_0 : i32, i32
  }
  func.func @transform_7(%arg0: i32) -> (i32, i32) {
    %c0_i32 = arith.constant 0 : i32
    %c0_i32_0 = arith.constant 0 : i32
    %c0_i32_1 = arith.constant 0 : i32
    return %c0_i32, %c0_i32_0 : i32, i32
  }
  func.func @transform_8(%arg0: i32) -> (i32, i32) {
    %c0_i32 = arith.constant 0 : i32
    %c0_i32_0 = arith.constant 0 : i32
    %c0_i32_1 = arith.constant 0 : i32
    return %c0_i32, %c0_i32_0 : i32, i32
  }
  func.func @transform_9(%arg0: i32) -> (i32, i32) {
    %c0_i32 = arith.constant 0 : i32
    %c0_i32_0 = arith.constant 0 : i32
    %c0_i32_1 = arith.constant 0 : i32
    return %c0_i32, %c0_i32_0 : i32, i32
  }
  func.func @transform_10(%arg0: i32) -> (i32, i32) {
    %c0_i32 = arith.constant 0 : i32
    %c0_i32_0 = arith.constant 0 : i32
    return %arg0, %c0_i32 : i32, i32
  }
  func.func @transform_11(%arg0: i32) -> (i32, i32) {
    %c0_i32 = arith.constant 0 : i32
    %c0_i32_0 = arith.constant 0 : i32
    return %arg0, %c0_i32 : i32, i32
  }
  func.func @transform_12(%arg0: i32) -> (i32, i32) {
    %c0_i32 = arith.constant 0 : i32
    %c0_i32_0 = arith.constant 0 : i32
    return %arg0, %c0_i32 : i32, i32
  }
}

module attributes {stable_mosaic.version = 14 : i64} {
  func.func @body(%arg0: i32, %arg1: memref<2000x128xf32, #tpu.memory_space<vmem>>, %arg2: memref<2000x128xf32, #tpu.memory_space<vmem>>, %arg3: memref<2000x128xf32, #tpu.memory_space<vmem>>, %arg4: memref<2x2000x128xf32, #tpu.memory_space<vmem>>, %arg5: memref<2x2000x128xf32, #tpu.memory_space<vmem>>, %arg6: memref<128x128xf32, #tpu.memory_space<vmem>>, %arg7: memref<128x128xf32, #tpu.memory_space<vmem>>, %arg8: memref<1x128xf32, #tpu.memory_space<vmem>>, %arg9: memref<128x128xf32, #tpu.memory_space<vmem>>, %arg10: memref<1x128xf32, #tpu.memory_space<vmem>>, %arg11: memref<128x128xf32, #tpu.memory_space<vmem>>, %arg12: memref<1x128xf32, #tpu.memory_space<vmem>>, %arg13: memref<2000x128xf32, #tpu.memory_space<vmem>>) attributes {dimension_semantics = [#tpu.dimension_semantics<arbitrary>], iteration_bounds = array<i64: 5>, scalar_prefetch = 0 : i64, scratch_operands = 0 : i64, tpu.core_type = #tpu.core_type<tc>, window_params = [{transform_indices = @transform_0, window_bounds = array<i64: 2000, 128>}, {transform_indices = @transform_1, window_bounds = array<i64: 2000, 128>}, {transform_indices = @transform_2, window_bounds = array<i64: 2000, 128>}, {transform_indices = @transform_3, window_bounds = array<i64: 2, 2000, 128>}, {transform_indices = @transform_4, window_bounds = array<i64: 2, 2000, 128>}, {pipeline_mode = #tpu.pipeline_mode<synchronous>, transform_indices = @transform_5, window_bounds = array<i64: 128, 128>}, {pipeline_mode = #tpu.pipeline_mode<synchronous>, transform_indices = @transform_6, window_bounds = array<i64: 128, 128>}, {pipeline_mode = #tpu.pipeline_mode<synchronous>, transform_indices = @transform_7, window_bounds = array<i64: 1, 128>}, {pipeline_mode = #tpu.pipeline_mode<synchronous>, transform_indices = @transform_8, window_bounds = array<i64: 128, 128>}, {pipeline_mode = #tpu.pipeline_mode<synchronous>, transform_indices = @transform_9, window_bounds = array<i64: 1, 128>}, {pipeline_mode = #tpu.pipeline_mode<synchronous>, transform_indices = @transform_10, window_bounds = array<i64: 128, 128>}, {pipeline_mode = #tpu.pipeline_mode<synchronous>, transform_indices = @transform_11, window_bounds = array<i64: 1, 128>}, {transform_indices = @transform_12, window_bounds = array<i64: 2000, 128>}]} {
    %get3A = arith.constant 0 : index
    %get3A_0 = arith.constant 0 : index
    %get3A_1 = vector.load %arg1[%get3A, %get3A_0] : memref<2000x128xf32, #tpu.memory_space<vmem>>, vector<2000x128xf32>
    %get3A_2 = arith.constant 0 : index
    %get3A_3 = arith.constant 0 : index
    %get3A_4 = vector.load %arg6[%get3A_2, %get3A_3] : memref<128x128xf32, #tpu.memory_space<vmem>>, vector<128x128xf32>
    %get3A_5 = arith.constant 0 : index
    %get3A_6 = arith.constant 0 : index
    %get3A_7 = vector.load %arg7[%get3A_5, %get3A_6] : memref<128x128xf32, #tpu.memory_space<vmem>>, vector<128x128xf32>
    %get3A_8 = arith.constant 0 : index
    %get3A_9 = arith.constant 0 : index
    %get3A_10 = vector.load %arg8[%get3A_8, %get3A_9] : memref<1x128xf32, #tpu.memory_space<vmem>>, vector<1x128xf32>
    %get3A_11 = arith.constant 0 : index
    %get3A_12 = arith.constant 0 : index
    %get3A_13 = arith.constant 0 : index
    %get3A_14 = vector.load %arg4[%get3A_11, %get3A_12, %get3A_13] : memref<2x2000x128xf32, #tpu.memory_space<vmem>>, vector<1x2000x128xf32>
    %get3A_15 = vector.shape_cast %get3A_14 : vector<1x2000x128xf32> to vector<2000x128xf32>
    %get3A_16 = arith.constant 1 : index
    %get3A_17 = arith.constant 0 : index
    %get3A_18 = arith.constant 0 : index
    %get3A_19 = vector.load %arg4[%get3A_16, %get3A_17, %get3A_18] : memref<2x2000x128xf32, #tpu.memory_space<vmem>>, vector<1x2000x128xf32>
    %get3A_20 = vector.shape_cast %get3A_19 : vector<1x2000x128xf32> to vector<2000x128xf32>
    %get3A_21 = arith.constant 0 : index
    %get3A_22 = arith.constant 0 : index
    %get3A_23 = arith.constant 0 : index
    %get3A_24 = vector.load %arg5[%get3A_21, %get3A_22, %get3A_23] : memref<2x2000x128xf32, #tpu.memory_space<vmem>>, vector<1x2000x128xf32>
    %get3A_25 = vector.shape_cast %get3A_24 : vector<1x2000x128xf32> to vector<2000x128xf32>
    %get3A_26 = arith.constant 1 : index
    %get3A_27 = arith.constant 0 : index
    %get3A_28 = arith.constant 0 : index
    %get3A_29 = vector.load %arg5[%get3A_26, %get3A_27, %get3A_28] : memref<2x2000x128xf32, #tpu.memory_space<vmem>>, vector<1x2000x128xf32>
    %get3A_30 = vector.shape_cast %get3A_29 : vector<1x2000x128xf32> to vector<2000x128xf32>
    %slice3A = vector.extract_strided_slice %get3A_25 {offsets = [0, 0], sizes = [2000, 1], strides = [1, 1]} : vector<2000x128xf32> to vector<2000x1xf32>
    %slice3A_31 = vector.extract_strided_slice %get3A_30 {offsets = [0, 0], sizes = [2000, 1], strides = [1, 1]} : vector<2000x128xf32> to vector<2000x1xf32>
    %add3A = arith.addf %slice3A, %slice3A_31 : vector<2000x1xf32>
    %max3A = arith.constant 1.000000e+00 : f32
    %max3A_32 = vector.broadcast %max3A : f32 to vector<2000x1xf32>
    %max3A_33 = arith.maximumf %add3A, %max3A_32 : vector<2000x1xf32>
    %add3A_34 = arith.addf %get3A_15, %get3A_20 : vector<2000x128xf32>
    %div3A = vector.broadcast %max3A_33 : vector<2000x1xf32> to vector<2000x128xf32>
    %div3A_35 = arith.divf %add3A_34, %div3A : vector<2000x128xf32>
    %dot_general3A = arith.constant dense<0.000000e+00> : vector<2000x128xf32>
    %dot_general3A_36 = tpu.matmul %get3A_1, %get3A_4, %dot_general3A {dimension_numbers = #tpu.dot_dimension_numbers<[1], [0], [0], [1], [0, 0, 1, 1], [], []>, transpose_lhs_hint = false} : vector<2000x128xf32>, vector<128x128xf32>, vector<2000x128xf32> -> vector<2000x128xf32>
    %dot_general3A_37 = arith.constant dense<0.000000e+00> : vector<2000x128xf32>
    %dot_general3A_38 = tpu.matmul %div3A_35, %get3A_7, %dot_general3A_37 {dimension_numbers = #tpu.dot_dimension_numbers<[1], [0], [0], [1], [0, 0, 1, 1], [], []>, transpose_lhs_hint = false} : vector<2000x128xf32>, vector<128x128xf32>, vector<2000x128xf32> -> vector<2000x128xf32>
    %add3A_39 = arith.addf %dot_general3A_36, %dot_general3A_38 : vector<2000x128xf32>
    %add3A_40 = vector.broadcast %get3A_10 : vector<1x128xf32> to vector<2000x128xf32>
    %add3A_41 = arith.addf %add3A_39, %add3A_40 : vector<2000x128xf32>
    %max3A_42 = arith.constant 0.000000e+00 : f32
    %max3A_43 = vector.broadcast %max3A_42 : f32 to vector<2000x128xf32>
    %max3A_44 = arith.maximumf %add3A_41, %max3A_43 : vector<2000x128xf32>
    %get3A_45 = arith.constant 0 : index
    %get3A_46 = arith.constant 0 : index
    %get3A_47 = vector.load %arg2[%get3A_45, %get3A_46] : memref<2000x128xf32, #tpu.memory_space<vmem>>, vector<2000x128xf32>
    %get3A_48 = arith.constant 0 : index
    %get3A_49 = arith.constant 0 : index
    %get3A_50 = vector.load %arg9[%get3A_48, %get3A_49] : memref<128x128xf32, #tpu.memory_space<vmem>>, vector<128x128xf32>
    %dot_general3A_51 = arith.constant dense<0.000000e+00> : vector<2000x128xf32>
    %dot_general3A_52 = tpu.matmul %get3A_47, %get3A_50, %dot_general3A_51 {dimension_numbers = #tpu.dot_dimension_numbers<[1], [0], [0], [1], [0, 0, 1, 1], [], []>, transpose_lhs_hint = false} : vector<2000x128xf32>, vector<128x128xf32>, vector<2000x128xf32> -> vector<2000x128xf32>
    %get3A_53 = arith.constant 0 : index
    %get3A_54 = arith.constant 0 : index
    %get3A_55 = vector.load %arg10[%get3A_53, %get3A_54] : memref<1x128xf32, #tpu.memory_space<vmem>>, vector<1x128xf32>
    %add3A_56 = vector.broadcast %get3A_55 : vector<1x128xf32> to vector<2000x128xf32>
    %add3A_57 = arith.addf %dot_general3A_52, %add3A_56 : vector<2000x128xf32>
    %max3A_58 = arith.constant 0.000000e+00 : f32
    %max3A_59 = vector.broadcast %max3A_58 : f32 to vector<2000x128xf32>
    %max3A_60 = arith.maximumf %add3A_57, %max3A_59 : vector<2000x128xf32>
    %get3A_61 = arith.constant 0 : index
    %get3A_62 = arith.constant 0 : index
    %get3A_63 = vector.load %arg3[%get3A_61, %get3A_62] : memref<2000x128xf32, #tpu.memory_space<vmem>>, vector<2000x128xf32>
    %get3A_64 = arith.constant 0 : index
    %get3A_65 = arith.constant 0 : index
    %get3A_66 = vector.load %arg11[%get3A_64, %get3A_65] : memref<128x128xf32, #tpu.memory_space<vmem>>, vector<128x128xf32>
    %dot_general3A_67 = arith.constant dense<0.000000e+00> : vector<2000x128xf32>
    %dot_general3A_68 = tpu.matmul %get3A_63, %get3A_66, %dot_general3A_67 {dimension_numbers = #tpu.dot_dimension_numbers<[1], [0], [0], [1], [0, 0, 1, 1], [], []>, transpose_lhs_hint = false} : vector<2000x128xf32>, vector<128x128xf32>, vector<2000x128xf32> -> vector<2000x128xf32>
    %get3A_69 = arith.constant 0 : index
    %get3A_70 = arith.constant 0 : index
    %get3A_71 = vector.load %arg12[%get3A_69, %get3A_70] : memref<1x128xf32, #tpu.memory_space<vmem>>, vector<1x128xf32>
    %add3A_72 = vector.broadcast %get3A_71 : vector<1x128xf32> to vector<2000x128xf32>
    %add3A_73 = arith.addf %dot_general3A_68, %add3A_72 : vector<2000x128xf32>
    %max3A_74 = arith.constant 0.000000e+00 : f32
    %max3A_75 = vector.broadcast %max3A_74 : f32 to vector<2000x128xf32>
    %max3A_76 = arith.maximumf %add3A_73, %max3A_75 : vector<2000x128xf32>
    %add3A_77 = arith.addf %max3A_44, %max3A_60 : vector<2000x128xf32>
    %add3A_78 = arith.addf %add3A_77, %max3A_76 : vector<2000x128xf32>
    %mul3A = arith.constant 0.333333343 : f32
    %mul3A_79 = vector.broadcast %mul3A : f32 to vector<2000x128xf32>
    %mul3A_80 = arith.mulf %add3A_78, %mul3A_79 : vector<2000x128xf32>
    %swap3A = arith.constant 0 : index
    %swap3A_81 = arith.constant 0 : index
    %swap3A_82 = vector.load %arg13[%swap3A, %swap3A_81] : memref<2000x128xf32, #tpu.memory_space<vmem>>, vector<2000x128xf32>
    tpu.vector_store %arg13[%swap3A, %swap3A_81], %mul3A_80 {strides = array<i32>} : memref<2000x128xf32, #tpu.memory_space<vmem>>, vector<2000x128xf32>,
    return
  }
  func.func @transform_0(%arg0: i32) -> (i32, i32) {
    %c0_i32 = arith.constant 0 : i32
    %c0_i32_0 = arith.constant 0 : i32
    return %arg0, %c0_i32 : i32, i32
  }
  func.func @transform_1(%arg0: i32) -> (i32, i32) {
    %c0_i32 = arith.constant 0 : i32
    %c0_i32_0 = arith.constant 0 : i32
    return %arg0, %c0_i32 : i32, i32
  }
  func.func @transform_2(%arg0: i32) -> (i32, i32) {
    %c0_i32 = arith.constant 0 : i32
    %c0_i32_0 = arith.constant 0 : i32
    return %arg0, %c0_i32 : i32, i32
  }
  func.func @transform_3(%arg0: i32) -> (i32, i32, i32) {
    %c0_i32 = arith.constant 0 : i32
    %c0_i32_0 = arith.constant 0 : i32
    %c0_i32_1 = arith.constant 0 : i32
    return %c0_i32, %arg0, %c0_i32_0 : i32, i32, i32
  }
  func.func @transform_4(%arg0: i32) -> (i32, i32, i32) {
    %c0_i32 = arith.constant 0 : i32
    %c0_i32_0 = arith.constant 0 : i32
    %c0_i32_1 = arith.constant 0 : i32
    return %c0_i32, %arg0, %c0_i32_0 : i32, i32, i32
  }
  func.func @transform_5(%arg0: i32) -> (i32, i32) {
    %c0_i32 = arith.constant 0 : i32
    %c0_i32_0 = arith.constant 0 : i32
    %c0_i32_1 = arith.constant 0 : i32
    return %c0_i32, %c0_i32_0 : i32, i32
  }
  func.func @transform_6(%arg0: i32) -> (i32, i32) {
    %c0_i32 = arith.constant 0 : i32
    %c0_i32_0 = arith.constant 0 : i32
    %c0_i32_1 = arith.constant 0 : i32
    return %c0_i32, %c0_i32_0 : i32, i32
  }
  func.func @transform_7(%arg0: i32) -> (i32, i32) {
    %c0_i32 = arith.constant 0 : i32
    %c0_i32_0 = arith.constant 0 : i32
    %c0_i32_1 = arith.constant 0 : i32
    return %c0_i32, %c0_i32_0 : i32, i32
  }
  func.func @transform_8(%arg0: i32) -> (i32, i32) {
    %c0_i32 = arith.constant 0 : i32
    %c0_i32_0 = arith.constant 0 : i32
    %c0_i32_1 = arith.constant 0 : i32
    return %c0_i32, %c0_i32_0 : i32, i32
  }
  func.func @transform_9(%arg0: i32) -> (i32, i32) {
    %c0_i32 = arith.constant 0 : i32
    %c0_i32_0 = arith.constant 0 : i32
    %c0_i32_1 = arith.constant 0 : i32
    return %c0_i32, %c0_i32_0 : i32, i32
  }
  func.func @transform_10(%arg0: i32) -> (i32, i32) {
    %c0_i32 = arith.constant 0 : i32
    %c0_i32_0 = arith.constant 0 : i32
    %c0_i32_1 = arith.constant 0 : i32
    return %c0_i32, %c0_i32_0 : i32, i32
  }
  func.func @transform_11(%arg0: i32) -> (i32, i32) {
    %c0_i32 = arith.constant 0 : i32
    %c0_i32_0 = arith.constant 0 : i32
    %c0_i32_1 = arith.constant 0 : i32
    return %c0_i32, %c0_i32_0 : i32, i32
  }
  func.func @transform_12(%arg0: i32) -> (i32, i32) {
    %c0_i32 = arith.constant 0 : i32
    %c0_i32_0 = arith.constant 0 : i32
    return %arg0, %c0_i32 : i32, i32
  }
}

module attributes {stable_mosaic.version = 14 : i64} {
  func.func @body(%arg0: i32, %arg1: memref<2000x128xf32, #tpu.memory_space<vmem>>, %arg2: memref<2x2000x128xf32, #tpu.memory_space<vmem>>, %arg3: memref<2x2000x128xf32, #tpu.memory_space<vmem>>, %arg4: memref<128x128xf32, #tpu.memory_space<vmem>>, %arg5: memref<128x128xf32, #tpu.memory_space<vmem>>, %arg6: memref<1x128xf32, #tpu.memory_space<vmem>>, %arg7: memref<128x128xf32, #tpu.memory_space<vmem>>, %arg8: memref<1x128xf32, #tpu.memory_space<vmem>>, %arg9: memref<128x128xf32, #tpu.memory_space<vmem>>, %arg10: memref<1x128xf32, #tpu.memory_space<vmem>>, %arg11: memref<128x128xf32, #tpu.memory_space<vmem>>, %arg12: memref<1x128xf32, #tpu.memory_space<vmem>>, %arg13: memref<128x64xf32, #tpu.memory_space<vmem>>, %arg14: memref<1x64xf32, #tpu.memory_space<vmem>>, %arg15: memref<2000x64xf32, #tpu.memory_space<vmem>>) attributes {dimension_semantics = [#tpu.dimension_semantics<arbitrary>], iteration_bounds = array<i64: 5>, scalar_prefetch = 0 : i64, scratch_operands = 0 : i64, tpu.core_type = #tpu.core_type<tc>, window_params = [{transform_indices = @transform_0, window_bounds = array<i64: 2000, 128>}, {transform_indices = @transform_1, window_bounds = array<i64: 2, 2000, 128>}, {transform_indices = @transform_2, window_bounds = array<i64: 2, 2000, 128>}, {pipeline_mode = #tpu.pipeline_mode<synchronous>, transform_indices = @transform_3, window_bounds = array<i64: 128, 128>}, {pipeline_mode = #tpu.pipeline_mode<synchronous>, transform_indices = @transform_4, window_bounds = array<i64: 128, 128>}, {pipeline_mode = #tpu.pipeline_mode<synchronous>, transform_indices = @transform_5, window_bounds = array<i64: 1, 128>}, {pipeline_mode = #tpu.pipeline_mode<synchronous>, transform_indices = @transform_6, window_bounds = array<i64: 128, 128>}, {pipeline_mode = #tpu.pipeline_mode<synchronous>, transform_indices = @transform_7, window_bounds = array<i64: 1, 128>}, {pipeline_mode = #tpu.pipeline_mode<synchronous>, transform_indices = @transform_8, window_bounds = array<i64: 128, 128>}, {pipeline_mode = #tpu.pipeline_mode<synchronous>, transform_indices = @transform_9, window_bounds = array<i64: 1, 128>}, {pipeline_mode = #tpu.pipeline_mode<synchronous>, transform_indices = @transform_10, window_bounds = array<i64: 128, 128>}, {pipeline_mode = #tpu.pipeline_mode<synchronous>, transform_indices = @transform_11, window_bounds = array<i64: 1, 128>}, {pipeline_mode = #tpu.pipeline_mode<synchronous>, transform_indices = @transform_12, window_bounds = array<i64: 128, 64>}, {pipeline_mode = #tpu.pipeline_mode<synchronous>, transform_indices = @transform_13, window_bounds = array<i64: 1, 64>}, {transform_indices = @transform_14, window_bounds = array<i64: 2000, 64>}]} {
    %get3A = arith.constant 0 : index
    %get3A_0 = arith.constant 0 : index
    %get3A_1 = vector.load %arg1[%get3A, %get3A_0] : memref<2000x128xf32, #tpu.memory_space<vmem>>, vector<2000x128xf32>
    %get3A_2 = arith.constant 0 : index
    %get3A_3 = arith.constant 0 : index
    %get3A_4 = vector.load %arg4[%get3A_2, %get3A_3] : memref<128x128xf32, #tpu.memory_space<vmem>>, vector<128x128xf32>
    %get3A_5 = arith.constant 0 : index
    %get3A_6 = arith.constant 0 : index
    %get3A_7 = vector.load %arg5[%get3A_5, %get3A_6] : memref<128x128xf32, #tpu.memory_space<vmem>>, vector<128x128xf32>
    %get3A_8 = arith.constant 0 : index
    %get3A_9 = arith.constant 0 : index
    %get3A_10 = vector.load %arg6[%get3A_8, %get3A_9] : memref<1x128xf32, #tpu.memory_space<vmem>>, vector<1x128xf32>
    %get3A_11 = arith.constant 0 : index
    %get3A_12 = arith.constant 0 : index
    %get3A_13 = arith.constant 0 : index
    %get3A_14 = vector.load %arg2[%get3A_11, %get3A_12, %get3A_13] : memref<2x2000x128xf32, #tpu.memory_space<vmem>>, vector<1x2000x128xf32>
    %get3A_15 = vector.shape_cast %get3A_14 : vector<1x2000x128xf32> to vector<2000x128xf32>
    %get3A_16 = arith.constant 1 : index
    %get3A_17 = arith.constant 0 : index
    %get3A_18 = arith.constant 0 : index
    %get3A_19 = vector.load %arg2[%get3A_16, %get3A_17, %get3A_18] : memref<2x2000x128xf32, #tpu.memory_space<vmem>>, vector<1x2000x128xf32>
    %get3A_20 = vector.shape_cast %get3A_19 : vector<1x2000x128xf32> to vector<2000x128xf32>
    %get3A_21 = arith.constant 0 : index
    %get3A_22 = arith.constant 0 : index
    %get3A_23 = arith.constant 0 : index
    %get3A_24 = vector.load %arg3[%get3A_21, %get3A_22, %get3A_23] : memref<2x2000x128xf32, #tpu.memory_space<vmem>>, vector<1x2000x128xf32>
    %get3A_25 = vector.shape_cast %get3A_24 : vector<1x2000x128xf32> to vector<2000x128xf32>
    %get3A_26 = arith.constant 1 : index
    %get3A_27 = arith.constant 0 : index
    %get3A_28 = arith.constant 0 : index
    %get3A_29 = vector.load %arg3[%get3A_26, %get3A_27, %get3A_28] : memref<2x2000x128xf32, #tpu.memory_space<vmem>>, vector<1x2000x128xf32>
    %get3A_30 = vector.shape_cast %get3A_29 : vector<1x2000x128xf32> to vector<2000x128xf32>
    %slice3A = vector.extract_strided_slice %get3A_25 {offsets = [0, 0], sizes = [2000, 1], strides = [1, 1]} : vector<2000x128xf32> to vector<2000x1xf32>
    %slice3A_31 = vector.extract_strided_slice %get3A_30 {offsets = [0, 0], sizes = [2000, 1], strides = [1, 1]} : vector<2000x128xf32> to vector<2000x1xf32>
    %add3A = arith.addf %slice3A, %slice3A_31 : vector<2000x1xf32>
    %max3A = arith.constant 1.000000e+00 : f32
    %max3A_32 = vector.broadcast %max3A : f32 to vector<2000x1xf32>
    %max3A_33 = arith.maximumf %add3A, %max3A_32 : vector<2000x1xf32>
    %add3A_34 = arith.addf %get3A_15, %get3A_20 : vector<2000x128xf32>
    %div3A = vector.broadcast %max3A_33 : vector<2000x1xf32> to vector<2000x128xf32>
    %div3A_35 = arith.divf %add3A_34, %div3A : vector<2000x128xf32>
    %dot_general3A = arith.constant dense<0.000000e+00> : vector<2000x128xf32>
    %dot_general3A_36 = tpu.matmul %get3A_1, %get3A_4, %dot_general3A {dimension_numbers = #tpu.dot_dimension_numbers<[1], [0], [0], [1], [0, 0, 1, 1], [], []>, transpose_lhs_hint = false} : vector<2000x128xf32>, vector<128x128xf32>, vector<2000x128xf32> -> vector<2000x128xf32>
    %dot_general3A_37 = arith.constant dense<0.000000e+00> : vector<2000x128xf32>
    %dot_general3A_38 = tpu.matmul %div3A_35, %get3A_7, %dot_general3A_37 {dimension_numbers = #tpu.dot_dimension_numbers<[1], [0], [0], [1], [0, 0, 1, 1], [], []>, transpose_lhs_hint = false} : vector<2000x128xf32>, vector<128x128xf32>, vector<2000x128xf32> -> vector<2000x128xf32>
    %add3A_39 = arith.addf %dot_general3A_36, %dot_general3A_38 : vector<2000x128xf32>
    %add3A_40 = vector.broadcast %get3A_10 : vector<1x128xf32> to vector<2000x128xf32>
    %add3A_41 = arith.addf %add3A_39, %add3A_40 : vector<2000x128xf32>
    %max3A_42 = arith.constant 0.000000e+00 : f32
    %max3A_43 = vector.broadcast %max3A_42 : f32 to vector<2000x128xf32>
    %max3A_44 = arith.maximumf %add3A_41, %max3A_43 : vector<2000x128xf32>
    %get3A_45 = arith.constant 0 : index
    %get3A_46 = arith.constant 0 : index
    %get3A_47 = vector.load %arg7[%get3A_45, %get3A_46] : memref<128x128xf32, #tpu.memory_space<vmem>>, vector<128x128xf32>
    %dot_general3A_48 = arith.constant dense<0.000000e+00> : vector<2000x128xf32>
    %dot_general3A_49 = tpu.matmul %get3A_1, %get3A_47, %dot_general3A_48 {dimension_numbers = #tpu.dot_dimension_numbers<[1], [0], [0], [1], [0, 0, 1, 1], [], []>, transpose_lhs_hint = false} : vector<2000x128xf32>, vector<128x128xf32>, vector<2000x128xf32> -> vector<2000x128xf32>
    %get3A_50 = arith.constant 0 : index
    %get3A_51 = arith.constant 0 : index
    %get3A_52 = vector.load %arg8[%get3A_50, %get3A_51] : memref<1x128xf32, #tpu.memory_space<vmem>>, vector<1x128xf32>
    %add3A_53 = vector.broadcast %get3A_52 : vector<1x128xf32> to vector<2000x128xf32>
    %add3A_54 = arith.addf %dot_general3A_49, %add3A_53 : vector<2000x128xf32>
    %max3A_55 = arith.constant 0.000000e+00 : f32
    %max3A_56 = vector.broadcast %max3A_55 : f32 to vector<2000x128xf32>
    %max3A_57 = arith.maximumf %add3A_54, %max3A_56 : vector<2000x128xf32>
    %get3A_58 = arith.constant 0 : index
    %get3A_59 = arith.constant 0 : index
    %get3A_60 = vector.load %arg9[%get3A_58, %get3A_59] : memref<128x128xf32, #tpu.memory_space<vmem>>, vector<128x128xf32>
    %dot_general3A_61 = arith.constant dense<0.000000e+00> : vector<2000x128xf32>
    %dot_general3A_62 = tpu.matmul %get3A_1, %get3A_60, %dot_general3A_61 {dimension_numbers = #tpu.dot_dimension_numbers<[1], [0], [0], [1], [0, 0, 1, 1], [], []>, transpose_lhs_hint = false} : vector<2000x128xf32>, vector<128x128xf32>, vector<2000x128xf32> -> vector<2000x128xf32>
    %get3A_63 = arith.constant 0 : index
    %get3A_64 = arith.constant 0 : index
    %get3A_65 = vector.load %arg10[%get3A_63, %get3A_64] : memref<1x128xf32, #tpu.memory_space<vmem>>, vector<1x128xf32>
    %add3A_66 = vector.broadcast %get3A_65 : vector<1x128xf32> to vector<2000x128xf32>
    %add3A_67 = arith.addf %dot_general3A_62, %add3A_66 : vector<2000x128xf32>
    %max3A_68 = arith.constant 0.000000e+00 : f32
    %max3A_69 = vector.broadcast %max3A_68 : f32 to vector<2000x128xf32>
    %max3A_70 = arith.maximumf %add3A_67, %max3A_69 : vector<2000x128xf32>
    %get3A_71 = arith.constant 0 : index
    %get3A_72 = arith.constant 0 : index
    %get3A_73 = vector.load %arg11[%get3A_71, %get3A_72] : memref<128x128xf32, #tpu.memory_space<vmem>>, vector<128x128xf32>
    %dot_general3A_74 = arith.constant dense<0.000000e+00> : vector<2000x128xf32>
    %dot_general3A_75 = tpu.matmul %get3A_1, %get3A_73, %dot_general3A_74 {dimension_numbers = #tpu.dot_dimension_numbers<[1], [0], [0], [1], [0, 0, 1, 1], [], []>, transpose_lhs_hint = false} : vector<2000x128xf32>, vector<128x128xf32>, vector<2000x128xf32> -> vector<2000x128xf32>
    %get3A_76 = arith.constant 0 : index
    %get3A_77 = arith.constant 0 : index
    %get3A_78 = vector.load %arg12[%get3A_76, %get3A_77] : memref<1x128xf32, #tpu.memory_space<vmem>>, vector<1x128xf32>
    %add3A_79 = vector.broadcast %get3A_78 : vector<1x128xf32> to vector<2000x128xf32>
    %add3A_80 = arith.addf %dot_general3A_75, %add3A_79 : vector<2000x128xf32>
    %max3A_81 = arith.constant 0.000000e+00 : f32
    %max3A_82 = vector.broadcast %max3A_81 : f32 to vector<2000x128xf32>
    %max3A_83 = arith.maximumf %add3A_80, %max3A_82 : vector<2000x128xf32>
    %add3A_84 = arith.addf %max3A_44, %max3A_57 : vector<2000x128xf32>
    %add3A_85 = arith.addf %add3A_84, %max3A_70 : vector<2000x128xf32>
    %add3A_86 = arith.addf %add3A_85, %max3A_83 : vector<2000x128xf32>
    %mul3A = arith.constant 2.500000e-01 : f32
    %mul3A_87 = vector.broadcast %mul3A : f32 to vector<2000x128xf32>
    %mul3A_88 = arith.mulf %add3A_86, %mul3A_87 : vector<2000x128xf32>
    %get3A_89 = arith.constant 0 : index
    %get3A_90 = arith.constant 0 : index
    %get3A_91 = vector.load %arg13[%get3A_89, %get3A_90] : memref<128x64xf32, #tpu.memory_space<vmem>>, vector<128x64xf32>
    %dot_general3A_92 = arith.constant dense<0.000000e+00> : vector<2000x64xf32>
    %dot_general3A_93 = tpu.matmul %mul3A_88, %get3A_91, %dot_general3A_92 {dimension_numbers = #tpu.dot_dimension_numbers<[1], [0], [0], [1], [0, 0, 1, 1], [], []>, transpose_lhs_hint = false} : vector<2000x128xf32>, vector<128x64xf32>, vector<2000x64xf32> -> vector<2000x64xf32>
    %get3A_94 = arith.constant 0 : index
    %get3A_95 = arith.constant 0 : index
    %get3A_96 = vector.load %arg14[%get3A_94, %get3A_95] : memref<1x64xf32, #tpu.memory_space<vmem>>, vector<1x64xf32>
    %add3A_97 = vector.broadcast %get3A_96 : vector<1x64xf32> to vector<2000x64xf32>
    %add3A_98 = arith.addf %dot_general3A_93, %add3A_97 : vector<2000x64xf32>
    %swap3A = arith.constant 0 : index
    %swap3A_99 = arith.constant 0 : index
    %swap3A_100 = vector.load %arg15[%swap3A, %swap3A_99] : memref<2000x64xf32, #tpu.memory_space<vmem>>, vector<2000x64xf32>
    tpu.vector_store %arg15[%swap3A, %swap3A_99], %add3A_98 {strides = array<i32>} : memref<2000x64xf32, #tpu.memory_space<vmem>>, vector<2000x64xf32>,
    return
  }
  func.func @transform_0(%arg0: i32) -> (i32, i32) {
    %c0_i32 = arith.constant 0 : i32
    %c0_i32_0 = arith.constant 0 : i32
    return %arg0, %c0_i32 : i32, i32
  }
  func.func @transform_1(%arg0: i32) -> (i32, i32, i32) {
    %c0_i32 = arith.constant 0 : i32
    %c0_i32_0 = arith.constant 0 : i32
    %c0_i32_1 = arith.constant 0 : i32
    return %c0_i32, %arg0, %c0_i32_0 : i32, i32, i32
  }
  func.func @transform_2(%arg0: i32) -> (i32, i32, i32) {
    %c0_i32 = arith.constant 0 : i32
    %c0_i32_0 = arith.constant 0 : i32
    %c0_i32_1 = arith.constant 0 : i32
    return %c0_i32, %arg0, %c0_i32_0 : i32, i32, i32
  }
  func.func @transform_3(%arg0: i32) -> (i32, i32) {
    %c0_i32 = arith.constant 0 : i32
    %c0_i32_0 = arith.constant 0 : i32
    %c0_i32_1 = arith.constant 0 : i32
    return %c0_i32, %c0_i32_0 : i32, i32
  }
  func.func @transform_4(%arg0: i32) -> (i32, i32) {
    %c0_i32 = arith.constant 0 : i32
    %c0_i32_0 = arith.constant 0 : i32
    %c0_i32_1 = arith.constant 0 : i32
    return %c0_i32, %c0_i32_0 : i32, i32
  }
  func.func @transform_5(%arg0: i32) -> (i32, i32) {
    %c0_i32 = arith.constant 0 : i32
    %c0_i32_0 = arith.constant 0 : i32
    %c0_i32_1 = arith.constant 0 : i32
    return %c0_i32, %c0_i32_0 : i32, i32
  }
  func.func @transform_6(%arg0: i32) -> (i32, i32) {
    %c0_i32 = arith.constant 0 : i32
    %c0_i32_0 = arith.constant 0 : i32
    %c0_i32_1 = arith.constant 0 : i32
    return %c0_i32, %c0_i32_0 : i32, i32
  }
  func.func @transform_7(%arg0: i32) -> (i32, i32) {
    %c0_i32 = arith.constant 0 : i32
    %c0_i32_0 = arith.constant 0 : i32
    %c0_i32_1 = arith.constant 0 : i32
    return %c0_i32, %c0_i32_0 : i32, i32
  }
  func.func @transform_8(%arg0: i32) -> (i32, i32) {
    %c0_i32 = arith.constant 0 : i32
    %c0_i32_0 = arith.constant 0 : i32
    %c0_i32_1 = arith.constant 0 : i32
    return %c0_i32, %c0_i32_0 : i32, i32
  }
  func.func @transform_9(%arg0: i32) -> (i32, i32) {
    %c0_i32 = arith.constant 0 : i32
    %c0_i32_0 = arith.constant 0 : i32
    %c0_i32_1 = arith.constant 0 : i32
    return %c0_i32, %c0_i32_0 : i32, i32
  }
  func.func @transform_10(%arg0: i32) -> (i32, i32) {
    %c0_i32 = arith.constant 0 : i32
    %c0_i32_0 = arith.constant 0 : i32
    %c0_i32_1 = arith.constant 0 : i32
    return %c0_i32, %c0_i32_0 : i32, i32
  }
  func.func @transform_11(%arg0: i32) -> (i32, i32) {
    %c0_i32 = arith.constant 0 : i32
    %c0_i32_0 = arith.constant 0 : i32
    %c0_i32_1 = arith.constant 0 : i32
    return %c0_i32, %c0_i32_0 : i32, i32
  }
  func.func @transform_12(%arg0: i32) -> (i32, i32) {
    %c0_i32 = arith.constant 0 : i32
    %c0_i32_0 = arith.constant 0 : i32
    %c0_i32_1 = arith.constant 0 : i32
    return %c0_i32, %c0_i32_0 : i32, i32
  }
  func.func @transform_13(%arg0: i32) -> (i32, i32) {
    %c0_i32 = arith.constant 0 : i32
    %c0_i32_0 = arith.constant 0 : i32
    %c0_i32_1 = arith.constant 0 : i32
    return %c0_i32, %c0_i32_0 : i32, i32
  }
  func.func @transform_14(%arg0: i32) -> (i32, i32) {
    %c0_i32 = arith.constant 0 : i32
    %c0_i32_0 = arith.constant 0 : i32
    return %arg0, %c0_i32 : i32, i32
  }
}

</mosaic_0001>

<sc_bundles>
// kernel: kernel.13.cloned.1.call-start
scs
__scs_entry_jumppad:
0x0: {  	(pc) =	sbr.rel $0x88, $3  }
0x1: {  	(tag) =	ssettag $0x0;
	lr =	simm.s32 $0x1  }
0x2: {  	[smem:$0x3F76] =	sst lr;
	_ =	strace $0xD0000000  }
0x3: {  	_ = 	snop  }
0x4: {  	_ = 	snop  }
0x5: {  	_ = 	snop  }
0x6: {  	_ = 	snop  }
0x7: {  	_ = 	snop  }
__scs_overlays_trampoline_lowered:
0x8: {  	[smem:$0x3F85] =	sst s0  }
0x9: {  	[smem:$0x3F86] =	sst s1  }
0xa: {  	[smem:$0x3F87] =	sst s2  }
0xb: {  	[smem:$0x3F88] =	sst s3  }
0xc: {  	[smem:$0x3F89] =	sst s4  }
0xd: {  	[smem:$0x3F8A] =	sst s5  }
0xe: {  	[smem:$0x3F8B] =	sst s6  }
0xf: {  	[smem:$0x3F8C] =	sst s7  }
0x10: {  	[smem:$0x3F8D] =	sst s8  }
0x11: {  	[smem:$0x3F8E] =	sst s9;
	s0 =	simm.s32 @!p0 $0x0  }
0x12: {  	s1 =	sld [smem:$0x3F74];
	s0 =	simm.s32 @p0 $0x1  }
0x13: {  	[smem:$0x3F8F] =	sst s0;
	s0 =	simm.s32 @!p1 $0x0  }
0x14: {  	s2 =	sld [smem:$0x3F73];
	s0 =	simm.s32 @p1 $0x1  }
0x15: {  	[smem:$0x3F90] =	sst s0;
	s0 =	simm.s32 @!p2 $0x0  }
0x16: {  	s3 =	sld [smem:$0x3FDB];
	s0 =	simm.s32 @p2 $0x1  }
0x17: {  	s4 =	simm.s32 $0x1BF5;
	[smem:$0x3F92] =	sst s0  }
0x18: {  	s0 =	sld [smem:$0x3F75];
	_ =	swait.ge [sflag:s4], $0x0  }
0x19: {  	s7 =	sld [smem:$0x3F76]  }
0x1a: {  	s8 =	sadd.s32 $0xFFFFE003, lr  }
0x1b: {  	s9 =	sadd.s32 $0xFFFFFEF7, lr;
	s5 =	simm.s32 $0xFFFFFFFF;
	p2 =	slt.u32 s8, $0xFFFFF086  }
0x1c: {  	p1 =	slt.u32 s9, $0xF7A;
	s5 =	simm.s32 @!p2 $0x0  }
0x1d: {  	s5 =	simm.s32 @p1 $0x1;
	p0 =	seq.s32 s7, s2  }
0x1e: {  	s7 =	smul.u32 @!p0 $0xF7A, s2;
	p2 =	seq.s32 @!p0 s5, $0x0  }
0x1f: {  	s9 =	smul.u32 $0xF7A, s1;
	s8 =	simm.s32 @!p0 $0x1BF5;
	p2 =	por !p2, p0  }
0x20: {  	[sflag:s8] =	ssyncset.s32 @!p0 $0xFFFFF086;
	s6 =	sadd.s32 @!p0 s3, s7;
	s7 =	simm.s32 @!p0 $0x108  }
0x21: {  	s3 =	sadd.s32 s3, s9;
	s6 =	sadd.s32 @!p0 $0x88, s6;
	s7 =	simm.s32 @p2 $0x1082  }
0x22: {  	[simem:s7], [sflag:s8] =	dma.local @!p0 [hbm:s6], $0xF7A  }
0x23: {  	s9 =	sor.u32 $0xD0000000, s2;
	s6 =	simm.s32 $0x108;
	_ =	swait.ge @!p0 [sflag:s8], $0x0  }
0x24: {  	s3 =	sadd.s32 $0x88, s3;
	s6 =	simm.s32 @!p1 $0x1082;
	[sflag:s4] =	ssyncset.s32 $0xFFFFF086  }
0x25: {  	[simem:s6], [sflag:s4] =	dma.local [hbm:s3], $0xF7A  }
0x26: {  	[smem:$0x3F76] =	sst s1;
	(tag) =	ssettag s2;
	_ =	strace s9  }
0x27: {  	s1 =	sld [smem:$0x3F86]  }
0x28: {  	s2 =	sld [smem:$0x3F87]  }
0x29: {  	s4 =	sld [smem:$0x3F89]  }
0x2a: {  	p0 =	seq.s32 s5, $0x0;
	s5 =	sld [smem:$0x3F8A]  }
0x2b: {  	s6 =	sld [smem:$0x3F8B]  }
0x2c: {  	s7 =	sld [smem:$0x3F8C]  }
0x2d: {  	s3 =	simm.s32 $0x108;
	s8 =	sld [smem:$0x3F8D]  }
0x2e: {  	s3 =	simm.s32 @!p0 $0x1082;
	s9 =	sld [smem:$0x3F8E]  }
0x2f: {  	lr =	sadd.s32 s0, s3;
	s0 =	sld [smem:$0x3F85]  }
0x30: {  	s3 =	sld [smem:$0x3F88]  }
0x31: {  	[smem:$0x3F91] =	sst s10  }
0x32: {  	s10 =	sld [smem:$0x3F8F];
	_ =	sdelay $0x3  }
0x33: {  	p0 =	seq.s32 s10, $0x1;
	s10 =	sld [smem:$0x3F91];
	_ =	sdelay $0x3  }
0x34: {  	[smem:$0x3F91] =	sst s10  }
0x35: {  	s10 =	sld [smem:$0x3F90];
	_ =	sdelay $0x3  }
0x36: {  	p1 =	seq.s32 s10, $0x1;
	s10 =	sld [smem:$0x3F91];
	_ =	sdelay $0x3  }
0x37: {  	[smem:$0x3F91] =	sst s10  }
0x38: {  	s10 =	sld [smem:$0x3F92]  }
0x39: {  	_ = 	snop;
	(pc) =	sbr.ind lr, $3  }
0x3a: {  	_ = 	snop  }
0x3b: {  	_ = 	snop  }
0x3c: {  	p2 =	seq.s32 s10, $0x1;
	s10 =	sld [smem:$0x3F91]  }
0x3d: {  	_ =	shalt  }
0x3e: {  	_ =	shalt  }
0x3f: {  	_ =	shalt  }
0x40: {  	_ =	shalt  }
0x41: {  	_ =	shalt  }
0x42: {  	_ =	shalt  }
0x43: {  	_ =	shalt  }
0x44: {  	_ =	shalt  }
0x45: {  	_ =	shalt  }
0x46: {  	_ =	shalt  }
0x47: {  	_ =	shalt  }
0x48: {  	_ =	shalt  }
0x49: {  	_ =	shalt  }
0x4a: {  	_ =	shalt  }
0x4b: {  	_ =	shalt  }
0x4c: {  	_ =	shalt  }
0x4d: {  	_ =	shalt  }
0x4e: {  	_ =	shalt  }
0x4f: {  	_ =	shalt  }
0x50: {  	_ =	shalt  }
0x51: {  	_ =	shalt  }
0x52: {  	_ =	shalt  }
0x53: {  	_ =	shalt  }
0x54: {  	_ =	shalt  }
0x55: {  	_ =	shalt  }
0x56: {  	_ =	shalt  }
0x57: {  	_ =	shalt  }
0x58: {  	_ =	shalt  }
0x59: {  	_ =	shalt  }
0x5a: {  	_ =	shalt  }
0x5b: {  	_ =	shalt  }
0x5c: {  	_ =	shalt  }
0x5d: {  	_ =	shalt  }
0x5e: {  	_ =	shalt  }
0x5f: {  	_ =	shalt  }
0x60: {  	_ =	shalt  }
0x61: {  	_ =	shalt  }
0x62: {  	_ =	shalt  }
0x63: {  	_ =	shalt  }
0x64: {  	_ =	shalt  }
0x65: {  	_ =	shalt  }
0x66: {  	_ =	shalt  }
0x67: {  	_ =	shalt  }
0x68: {  	_ =	shalt  }
0x69: {  	_ =	shalt  }
0x6a: {  	_ =	shalt  }
0x6b: {  	_ =	shalt  }
0x6c: {  	_ =	shalt  }
0x6d: {  	_ =	shalt  }
0x6e: {  	_ =	shalt  }
0x6f: {  	_ =	shalt  }
0x70: {  	_ =	shalt  }
0x71: {  	_ =	shalt  }
0x72: {  	_ =	shalt  }
0x73: {  	_ =	shalt  }
0x74: {  	_ =	shalt  }
0x75: {  	_ =	shalt  }
0x76: {  	_ =	shalt  }
0x77: {  	_ =	shalt  }
0x78: {  	_ =	shalt  }
0x79: {  	_ =	shalt  }
0x7a: {  	_ =	shalt  }
0x7b: {  	_ =	shalt  }
0x7c: {  	_ =	shalt  }
0x7d: {  	_ =	shalt  }
0x7e: {  	_ =	shalt  }
0x7f: {  	_ =	shalt  }
0x80: {  	_ =	shalt  }
0x81: {  	_ =	shalt  }
0x82: {  	_ =	shalt  }
0x83: {  	_ =	shalt  }
0x84: {  	_ =	shalt  }
0x85: {  	_ =	shalt  }
0x86: {  	_ =	shalt  }
0x87: {  	_ =	shalt  }
.Lfunc_end0:
.L_simem_size_0:
called_computation_lowered:
.L_overlay_start_0:
0x88: {  	s2 =	sld [smem:$0x3FD9]  }
0x89: {  	s3 =	sld [smem:$0x3FFE];
	_ =	sdelay $0x1  }
0x8a: {  	s1 =	srdreg.scid  }
0x8b: {  	s0 =	sand.u32 $0x1, s1  }
0x8c: {  	s17 =	sshll.u32 s0, $0xA;
	s2 =	sadd.s32 s3, s2  }
0x8d: {  	s2 =	sadd.s32 s2, s17  }
0x8e: {  	[smem:$0x3F9D] =	sst s2  }
0x8f: {  	_ = 	snop  }
0x90: {  	s2 =	sld [smem:$0x3FC9]  }
0x91: {  	s18 =	sld [smem:$0x3FD0];
	(tm) =	ssettm $0x1  }
0x92: {  	s4 =	sld [smem:$0x3FFB];
	_ =	sdelay $0x3  }
0x93: {  	_ =	strace s4  }
0x94: {  	s4 =	sld [smem:$0x3FFC];
	_ =	sdelay $0x3  }
0x95: {  	_ =	strace s4  }
0x96: {  	s4 =	sld [smem:$0x3FFD];
	_ =	sdelay $0x3  }
0x97: {  	_ =	strace s4  }
0x98: {  	_ =	strace $0x8FFFFFFF  }
0x99: {  	s19 =	sld [smem:$0x3FDB];
	_ =	sdelay $0x1  }
0x9a: {  	s5 =	simm.s32 $_scs_section_size  }
0x9b: {  	s6 =	simm.s32 $_size__tile_overlayer_lowered;
	s7 =	simm.s32 $_tile_overlayer_lowered  }
0x9c: {  	s22 =	simm.s32 $0x1BFF;
	s21 =	sshll.u32 s7, $0x1;
	s4 =	sadd.s32 s5, s19  }
0x9d: {  	s8 =	simm.s32 $0x0;
	s20 =	sshll.u32 s6, $0x1;
	s6 =	sadd.s32 s21, s4  }
0x9e: {  	[timem:s8], [sflag:s22] =	dma.local [hbm:s6], s20  }
0x9f: {  	_ =	swait.ge [sflag:s22], s20  }
0xa0: {  	s5 =	ssub.s32 $0x0, s20;
	[sflag:s22] =	ssyncset.done $0x0  }
0xa1: {  	[sflag:s22] =	ssyncadd.s32 s5;
	_ =	sdelay $0x1  }
0xa2: {  	s23 =	simm.s32 $0x1B8B  }
0xa3: {  	_ =	swait.ge [sflag:s23], $0x1  }
0xa4: {  	[sflag:s23] =	ssyncset.done $0x0  }
0xa5: {  	s25 =	simm.s32 $0x1B8E;
	s24 =	sld [smem:$0x3FFE];
	[sflag:s23] =	ssyncadd.s32 $0xFFFFFFFF  }
0xa6: {  	s26 =	simm.s32 $execute0_lowered;
	[smem:$0x3FD2] =	sst s25  }
0xa7: {  	s6 =	sshll.u32 s26, $0x1;
	_ =	strace $0x80000046;
	[dreg:$0x1] =	wrdreg $0xFFFFFFFF  }
0xa8: {  	s28 =	simm.s32 $_size_execute0_lowered;
	s4 =	sadd.s32 s4, s6;
	[dreg:$0x0] =	wrdreg $0x0  }
0xa9: {  	s6 =	sshll.u32 s28, $0x1;
	[dreg:$0x2] =	wrdreg s4  }
0xaa: {  	[dreg:$0x3] =	wrdreg s6  }
0xab: {  	[dreg:$0x4] =	wrdreg $0xC0  }
0xac: {  	_ =	task [dreg:s8], $0x5FFFF  }
0xad: {  	[dreg:$0x1] =	wrdreg $0xFFFFFFFF  }
0xae: {  	[dreg:$0x0] =	wrdreg $0x60  }
0xaf: {  	[dreg:$0x2] =	wrdreg s2  }
0xb0: {  	[dreg:$0x3] =	wrdreg s18  }
0xb1: {  	[dreg:$0x4] =	wrdreg s24  }
0xb2: {  	[dreg:$0x5] =	wrdreg $0xA8000  }
0xb3: {  	[dreg:$0x6] =	wrdreg $0x9  }
0xb4: {  	_ =	task.clear_ibuf [dreg:s8], $0x7FFFF;
	_ =	strace $0x90000046  }
0xb5: {  	s29 =	simm.s32 $0x9;
	_ =	strace $0x80000048  }
0xb6: {  	_ =	swait.ge [sflag:s29], $0x1  }
0xb7: {  	[sflag:s29] =	ssyncadd.s32 $0xFFFFFFFF  }
0xb8: {  	_ =	strace $0x90000048  }
0xb9: {  	_ =	sfence  }
0xba: {  	s30 =	sld [smem:$0x0];
	_ =	sdelay $0x2  }
0xbb: {  	s31 =	sshll.u32 s1, $0xD;
	s1 =	sshrl.u32 s1, $0x2  }
0xbc: {  	s3 =	sand.u32 $0x4000, s31;
	s1 =	sadd.s32 s1, s30  }
0xbd: {  	s0 =	sor.u32 s3, s0;
	s1 =	sshll.u32 s1, $0x11  }
0xbe: {  	s0 =	sor.u32 s1, s0  }
0xbf: {  	s0 =	sadd.s32 $0x8F2B, s0  }
0xc0: {  	[sflag:s0] =	ssyncadd.remote.s32 $0x1  }
0xc1: {  	_ =	sfence.sel $0xFFFF  }
0xc2: {  	[dreg:$0x0] =	wrdreg $0xFFFFFFFF;
	(pc) =	sbr.abs _section_cstart, $3  }
0xc3: {  	[dreg:$0x1] =	wrdreg $0xFFFFFFFF  }
0xc4: {  	_ =	task.clear_ibuf [dreg:s8], $0x2FFFF;
	_ =	strace $0x9FFFFFFF  }
0xc5: {  	(tm) =	ssettm $0x7FFFFFFF  }
tec
execute0_lowered:
.L_overlay_start_1:
0x0: {  	(tag) =	ssettag $0x1  }
0x1: {  	s0 =	rddreg [dreg:$0x0]  }
0x2: {  	s1 =	rddreg [dreg:$0x1]  }
0x3: {  	s2 =	rddreg [dreg:$0x2]  }
0x4: {  	s4 =	srdreg.scid;
	s3 =	rddreg [dreg:$0x3]  }
0x5: {  	s8 =	stileid.u32;
	s14 =	simm.s32 $0x0;
	s17 =	simm.s32 $0x2800  }
0x6: {  	s18 =	simm.s32 $0x2;
	s19 =	simm.s32 $0x1400;
	s20 =	simm.s32 $0x3  }
0x7: {  	s16 =	simm.s32 $0x2680;
	s28 =	simm.s32 $0x6800;
	s29 =	simm.s32 $0x1  }
0x8: {  	s30 =	simm.s32 $0x1380;
	s31 =	simm.s32 $0x0;
	s6 =	smul.u32 $0x14000, s8  }
0x9: {  	s4 =	sand.u32 $0x1, s4;
	[smem:$0x7FF] =	sst s14;
	s21 =	smul.u32 $0x50000, s8  }
0xa: {  	s11 =	sadd.s32 $0x8E00, s2;
	s5 =	smul.u32 $0x140000, s4;
	s22 =	sshll.u32 s4, $0x4  }
0xb: {  	_ =	strace $0x80000047;
	s4 =	ssub.s32 $0x2, s4;
	s8 =	sor.u32 s8, s22  }
0xc: {  	s23 =	sshrl.u32 s21, $0x2;
	s24 =	sshrl.u32 s4, $0x1;
	s21 =	simm.s32 $0x80  }
0xd: {  	s22 =	simm.s32 $0x1600;
	s5 =	sadd.s32 s6, s5;
	s9 =	smul.u32 $0x2800, s8  }
0xe: {  	s4 =	ssub.s32 s4, s24;
	s24 =	simm.s32 $0x2600;
	s7 =	sshrl.u32 s5, $0x3  }
0xf: {  	s5 =	sadd.s32 s23, s3;
	s26 =	smax.u32 s4, $0x1;
	s4 =	simm.s32 $0x1480  }
0x10: {  	s23 =	simm.s32 $0x2500;
	s2 =	sadd.s32 s7, s2;
	s6 =	sadd.s32 $0x4000, s5  }
0x11: {  	s7 =	sadd.s32 $0x8000, s5;
	s8 =	sadd.s32 $0xC000, s5;
	s12 =	sshrl.u32 s9, $0x3  }
0x12: {  	s9 =	sadd.s32 $0x10000, s5;
	[dreg:$0x9] =	wrdreg s26;
	s26 =	simm.s32 $0x2780  }
0x13: {  	s10 =	sadd.s32 s11, s12;
	s13 =	sadd.s32 $0x280, s12;
	s15 =	sadd.s32 $0x62E00, s2  }
0x14: {  	s12 =	sadd.s32 s1, s12;
	s25 =	sadd.s32 $0x12E00, s2;
	[dreg:$0x5] =	wrdreg s15  }
0x15: {  	s11 =	sadd.s32 s11, s13;
	[dreg:$0x6] =	wrdreg s12;
	s1 =	sadd.s32 s1, s13  }
0x16: {  	[dreg:$0x8] =	wrdreg s25;
	s12 =	simm.s32 $0x1500;
	s13 =	simm.s32 $0x1580  }
0x17: {  	v0 =	vimm.f32 $0.0e+00;
	v1 =	vimm.f32 $1.000000000e+00;
	s15 =	simm.s32 $0x2580;
	s25 =	simm.s32 $0x2700;
	[dreg:$0x7] =	wrdreg s1  }
.LBB2_1:
0x18: {  	s1 =	simm.s32 $0x0;
	s2 =	simm.s32 $0x200  }
.LBB2_2:
0x19: {  	p0 =	sne.s32 s2, $0xFE00;
	[tilespmem:s1+$0x2870] =	vst v0  }
0x1a: {  	[tilespmem:s1+$0x2800] =	vst v0  }
0x1b: {  	[tilespmem:s1+$0x2810] =	vst v0  }
.Ltmp0:
0x1c: {  	[tilespmem:s1+$0x2820] =	vst v0;
	(pc) =	sbr.rel @p0 .LBB2_2-.Ltmp0, $4  }
0x1d: {  	[tilespmem:s1+$0x2830] =	vst v0  }
0x1e: {  	[tilespmem:s1+$0x2840] =	vst v0  }
0x1f: {  	[tilespmem:s1+$0x2850] =	vst v0  }
0x20: {  	[tilespmem:s1+$0x2860] =	vst v0;
	s1 =	sshra.s32 s2, $0x2;
	s2 =	sadd.s32 $0x200, s2  }
0x21: {  	[tilespmem:s1+$0x2870] =	vst v0  }
0x22: {  	[tilespmem:s1+$0x2800] =	vst v0  }
0x23: {  	[tilespmem:s1+$0x2810] =	vst v0  }
0x24: {  	[tilespmem:s1+$0x2820] =	vst v0  }
0x25: {  	[tilespmem:s1+$0x2830] =	vst v0  }
0x26: {  	[tilespmem:s1+$0x2840] =	vst v0  }
0x27: {  	[tilespmem:s1+$0x2850] =	vst v0  }
0x28: {  	[tilespmem:s1+$0x2860] =	vst v0  }
0x29: {  	[spmem:s5] =	stream.linear.scatter [tilespmem:s17], [sflag:$0x2], $0x4000, $0x38;
	[tilespmem:$0x1E800] =	vst v63  }
0x2a: {  	_ = 	snop  }
0x2b: {  	[spmem:s6] =	stream.linear.scatter [tilespmem:s17], [sflag:$0x2], $0x4000, $0x38;
	[tilespmem:$0x1E800] =	vst v63  }
0x2c: {  	_ = 	snop  }
0x2d: {  	[spmem:s7] =	stream.linear.scatter [tilespmem:s17], [sflag:$0x2], $0x4000, $0x38;
	[tilespmem:$0x1E800] =	vst v63  }
0x2e: {  	_ = 	snop  }
0x2f: {  	[spmem:s8] =	stream.linear.scatter [tilespmem:s17], [sflag:$0x2], $0x4000, $0x38;
	[tilespmem:$0x1E800] =	vst v63  }
0x30: {  	_ = 	snop  }
0x31: {  	[spmem:s9] =	stream.linear.scatter [tilespmem:s17], [sflag:$0x2], $0x4000, $0x38;
	[tilespmem:$0x1E800] =	vst v63  }
0x32: {  	_ =	swait.ge [sflag:s18], $0x4000  }
0x33: {  	[sflag:s18] =	ssyncset.done $0x0  }
0x34: {  	[sflag:s18] =	ssyncadd.s32 $0xFFFFC000  }
0x35: {  	_ =	swait.ge [sflag:s18], $0x4000  }
0x36: {  	[sflag:s18] =	ssyncset.done $0x0  }
0x37: {  	[sflag:s18] =	ssyncadd.s32 $0xFFFFC000  }
0x38: {  	_ =	swait.ge [sflag:s18], $0x4000  }
0x39: {  	[sflag:s18] =	ssyncset.done $0x0  }
0x3a: {  	[sflag:s18] =	ssyncadd.s32 $0xFFFFC000  }
0x3b: {  	_ =	swait.ge [sflag:s18], $0x4000  }
0x3c: {  	[sflag:s18] =	ssyncset.done $0x0  }
0x3d: {  	[sflag:s18] =	ssyncadd.s32 $0xFFFFC000  }
0x3e: {  	_ =	swait.ge [sflag:s18], $0x4000  }
0x3f: {  	[sflag:s18] =	ssyncset.done $0x0  }
0x40: {  	[sflag:s18] =	ssyncadd.s32 $0xFFFFC000  }
0x41: {  	s1 =	simm.s32 $0x0;
	s2 =	simm.s32 $0x200;
	[bflag:$0x0] =	sbarrier.arrive $0xFFFF  }
.LBB2_4:
0x42: {  	p0 =	sne.s32 s2, $0xFE00;
	[tilespmem:s1+$0x2870] =	vst v1  }
0x43: {  	[tilespmem:s1+$0x2800] =	vst v1  }
0x44: {  	[tilespmem:s1+$0x2810] =	vst v1  }
.Ltmp1:
0x45: {  	[tilespmem:s1+$0x2820] =	vst v1;
	(pc) =	sbr.rel @p0 .LBB2_4-.Ltmp1, $4  }
0x46: {  	[tilespmem:s1+$0x2830] =	vst v1  }
0x47: {  	[tilespmem:s1+$0x2840] =	vst v1  }
0x48: {  	[tilespmem:s1+$0x2850] =	vst v1  }
0x49: {  	[tilespmem:s1+$0x2860] =	vst v1;
	s1 =	sshra.s32 s2, $0x2;
	s2 =	sadd.s32 $0x200, s2  }
0x4a: {  	[tilespmem:s1+$0x2870] =	vst v1  }
0x4b: {  	[tilespmem:s1+$0x2800] =	vst v1  }
0x4c: {  	[tilespmem:s1+$0x2810] =	vst v1  }
0x4d: {  	[tilespmem:s1+$0x2820] =	vst v1  }
0x4e: {  	[tilespmem:s1+$0x2830] =	vst v1  }
0x4f: {  	[tilespmem:s1+$0x2840] =	vst v1  }
0x50: {  	[tilespmem:s1+$0x2850] =	vst v1  }
0x51: {  	[tilespmem:s1+$0x2860] =	vst v1  }
0x52: {  	[tilespmem:s19], [sflag:$0x3] =	stream.linear.gather [hbm4b:s10+s14], $0x1400, $0x38;
	[tilespmem:$0x1E800] =	vst v63  }
0x53: {  	_ =	swait.ge [sflag:s20], $0x1400  }
0x54: {  	[sflag:s20] =	ssyncset.done $0x0  }
0x55: {  	[sflag:s20] =	ssyncadd.s32 $0xFFFFEC00  }
0x56: {  	[spmem:s3] =	stream.indirect.scatter.add.f32 [tilespmem:s17], [sflag:$0x2], $0x80, s19, s21, $0xb8;
	[tilespmem:$0x1E800] =	vst v63  }
0x57: {  	_ = 	snop  }
0x58: {  	[spmem:s3] =	stream.indirect.scatter.add.f32 [tilespmem:s17], [sflag:$0x2], $0x80, s4, s21, $0xb8;
	[tilespmem:$0x1E800] =	vst v63  }
0x59: {  	_ = 	snop  }
0x5a: {  	[spmem:s3] =	stream.indirect.scatter.add.f32 [tilespmem:s17], [sflag:$0x2], $0x80, s12, s21, $0xb8;
	[tilespmem:$0x1E800] =	vst v63  }
0x5b: {  	_ = 	snop  }
0x5c: {  	[spmem:s3] =	stream.indirect.scatter.add.f32 [tilespmem:s17], [sflag:$0x2], $0x80, s13, s21, $0xb8;
	[tilespmem:$0x1E800] =	vst v63  }
0x5d: {  	_ = 	snop  }
0x5e: {  	[spmem:s3] =	stream.indirect.scatter.add.f32 [tilespmem:s17], [sflag:$0x2], $0x80, s22, s21, $0xb8;
	[tilespmem:$0x1E800] =	vst v63  }
0x5f: {  	s2 =	simm.s32 $0x1680  }
0x60: {  	[spmem:s3] =	stream.indirect.scatter.add.f32 [tilespmem:s17], [sflag:$0x2], $0x80, s2, s21, $0xb8;
	[tilespmem:$0x1E800] =	vst v63  }
0x61: {  	s2 =	simm.s32 $0x1700  }
0x62: {  	[spmem:s3] =	stream.indirect.scatter.add.f32 [tilespmem:s17], [sflag:$0x2], $0x80, s2, s21, $0xb8;
	[tilespmem:$0x1E800] =	vst v63  }
0x63: {  	s2 =	simm.s32 $0x1780  }
0x64: {  	[spmem:s3] =	stream.indirect.scatter.add.f32 [tilespmem:s17], [sflag:$0x2], $0x80, s2, s21, $0xb8;
	[tilespmem:$0x1E800] =	vst v63  }
0x65: {  	s2 =	simm.s32 $0x1800  }
0x66: {  	[spmem:s3] =	stream.indirect.scatter.add.f32 [tilespmem:s17], [sflag:$0x2], $0x80, s2, s21, $0xb8;
	[tilespmem:$0x1E800] =	vst v63  }
0x67: {  	s2 =	simm.s32 $0x1880  }
0x68: {  	[spmem:s3] =	stream.indirect.scatter.add.f32 [tilespmem:s17], [sflag:$0x2], $0x80, s2, s21, $0xb8;
	[tilespmem:$0x1E800] =	vst v63  }
0x69: {  	s2 =	simm.s32 $0x1900  }
0x6a: {  	[spmem:s3] =	stream.indirect.scatter.add.f32 [tilespmem:s17], [sflag:$0x2], $0x80, s2, s21, $0xb8;
	[tilespmem:$0x1E800] =	vst v63  }
0x6b: {  	s2 =	simm.s32 $0x1980  }
0x6c: {  	[spmem:s3] =	stream.indirect.scatter.add.f32 [tilespmem:s17], [sflag:$0x2], $0x80, s2, s21, $0xb8;
	[tilespmem:$0x1E800] =	vst v63  }
0x6d: {  	s2 =	simm.s32 $0x1A00  }
0x6e: {  	[spmem:s3] =	stream.indirect.scatter.add.f32 [tilespmem:s17], [sflag:$0x2], $0x80, s2, s21, $0xb8;
	[tilespmem:$0x1E800] =	vst v63  }
0x6f: {  	s2 =	simm.s32 $0x1A80  }
0x70: {  	[spmem:s3] =	stream.indirect.scatter.add.f32 [tilespmem:s17], [sflag:$0x2], $0x80, s2, s21, $0xb8;
	[tilespmem:$0x1E800] =	vst v63  }
0x71: {  	s2 =	simm.s32 $0x1B00  }
0x72: {  	[spmem:s3] =	stream.indirect.scatter.add.f32 [tilespmem:s17], [sflag:$0x2], $0x80, s2, s21, $0xb8;
	[tilespmem:$0x1E800] =	vst v63  }
0x73: {  	s2 =	simm.s32 $0x1B80  }
0x74: {  	[spmem:s3] =	stream.indirect.scatter.add.f32 [tilespmem:s17], [sflag:$0x2], $0x80, s2, s21, $0xb8;
	[tilespmem:$0x1E800] =	vst v63  }
0x75: {  	s2 =	simm.s32 $0x1C00  }
0x76: {  	[spmem:s3] =	stream.indirect.scatter.add.f32 [tilespmem:s17], [sflag:$0x2], $0x80, s2, s21, $0xb8;
	[tilespmem:$0x1E800] =	vst v63  }
0x77: {  	s2 =	simm.s32 $0x1C80  }
0x78: {  	[spmem:s3] =	stream.indirect.scatter.add.f32 [tilespmem:s17], [sflag:$0x2], $0x80, s2, s21, $0xb8;
	[tilespmem:$0x1E800] =	vst v63  }
0x79: {  	s2 =	simm.s32 $0x1D00  }
0x7a: {  	[spmem:s3] =	stream.indirect.scatter.add.f32 [tilespmem:s17], [sflag:$0x2], $0x80, s2, s21, $0xb8;
	[tilespmem:$0x1E800] =	vst v63  }
0x7b: {  	s2 =	simm.s32 $0x1D80  }
0x7c: {  	[spmem:s3] =	stream.indirect.scatter.add.f32 [tilespmem:s17], [sflag:$0x2], $0x80, s2, s21, $0xb8;
	[tilespmem:$0x1E800] =	vst v63  }
0x7d: {  	s2 =	simm.s32 $0x1E00  }
0x7e: {  	[spmem:s3] =	stream.indirect.scatter.add.f32 [tilespmem:s17], [sflag:$0x2], $0x80, s2, s21, $0xb8;
	[tilespmem:$0x1E800] =	vst v63  }
0x7f: {  	s2 =	simm.s32 $0x1E80  }
0x80: {  	[spmem:s3] =	stream.indirect.scatter.add.f32 [tilespmem:s17], [sflag:$0x2], $0x80, s2, s21, $0xb8;
	[tilespmem:$0x1E800] =	vst v63  }
0x81: {  	s2 =	simm.s32 $0x1F00  }
0x82: {  	[spmem:s3] =	stream.indirect.scatter.add.f32 [tilespmem:s17], [sflag:$0x2], $0x80, s2, s21, $0xb8;
	[tilespmem:$0x1E800] =	vst v63  }
0x83: {  	s2 =	simm.s32 $0x1F80  }
0x84: {  	[spmem:s3] =	stream.indirect.scatter.add.f32 [tilespmem:s17], [sflag:$0x2], $0x80, s2, s21, $0xb8;
	[tilespmem:$0x1E800] =	vst v63  }
0x85: {  	s2 =	simm.s32 $0x2000  }
0x86: {  	[spmem:s3] =	stream.indirect.scatter.add.f32 [tilespmem:s17], [sflag:$0x2], $0x80, s2, s21, $0xb8;
	[tilespmem:$0x1E800] =	vst v63  }
0x87: {  	s2 =	simm.s32 $0x2080  }
0x88: {  	[spmem:s3] =	stream.indirect.scatter.add.f32 [tilespmem:s17], [sflag:$0x2], $0x80, s2, s21, $0xb8;
	[tilespmem:$0x1E800] =	vst v63  }
0x89: {  	s2 =	simm.s32 $0x2100  }
0x8a: {  	[spmem:s3] =	stream.indirect.scatter.add.f32 [tilespmem:s17], [sflag:$0x2], $0x80, s2, s21, $0xb8;
	[tilespmem:$0x1E800] =	vst v63  }
0x8b: {  	s2 =	simm.s32 $0x2180  }
0x8c: {  	[spmem:s3] =	stream.indirect.scatter.add.f32 [tilespmem:s17], [sflag:$0x2], $0x80, s2, s21, $0xb8;
	[tilespmem:$0x1E800] =	vst v63  }
0x8d: {  	s2 =	simm.s32 $0x2200  }
0x8e: {  	[spmem:s3] =	stream.indirect.scatter.add.f32 [tilespmem:s17], [sflag:$0x2], $0x80, s2, s21, $0xb8;
	[tilespmem:$0x1E800] =	vst v63  }
0x8f: {  	s2 =	simm.s32 $0x2280  }
0x90: {  	[spmem:s3] =	stream.indirect.scatter.add.f32 [tilespmem:s17], [sflag:$0x2], $0x80, s2, s21, $0xb8;
	[tilespmem:$0x1E800] =	vst v63  }
0x91: {  	s2 =	simm.s32 $0x2300  }
0x92: {  	[spmem:s3] =	stream.indirect.scatter.add.f32 [tilespmem:s17], [sflag:$0x2], $0x80, s2, s21, $0xb8;
	[tilespmem:$0x1E800] =	vst v63  }
0x93: {  	s2 =	simm.s32 $0x2380  }
0x94: {  	[spmem:s3] =	stream.indirect.scatter.add.f32 [tilespmem:s17], [sflag:$0x2], $0x80, s2, s21, $0xb8;
	[tilespmem:$0x1E800] =	vst v63  }
0x95: {  	s2 =	simm.s32 $0x2400  }
0x96: {  	[spmem:s3] =	stream.indirect.scatter.add.f32 [tilespmem:s17], [sflag:$0x2], $0x80, s2, s21, $0xb8;
	[tilespmem:$0x1E800] =	vst v63  }
0x97: {  	s2 =	simm.s32 $0x2480  }
0x98: {  	[spmem:s3] =	stream.indirect.scatter.add.f32 [tilespmem:s17], [sflag:$0x2], $0x80, s2, s21, $0xb8;
	[tilespmem:$0x1E800] =	vst v63  }
0x99: {  	_ = 	snop  }
0x9a: {  	[spmem:s3] =	stream.indirect.scatter.add.f32 [tilespmem:s17], [sflag:$0x2], $0x80, s23, s21, $0xb8;
	[tilespmem:$0x1E800] =	vst v63  }
0x9b: {  	_ = 	snop  }
0x9c: {  	[spmem:s3] =	stream.indirect.scatter.add.f32 [tilespmem:s17], [sflag:$0x2], $0x80, s15, s21, $0xb8;
	[tilespmem:$0x1E800] =	vst v63  }
0x9d: {  	_ = 	snop  }
0x9e: {  	[spmem:s3] =	stream.indirect.scatter.add.f32 [tilespmem:s17], [sflag:$0x2], $0x80, s24, s21, $0xb8;
	[tilespmem:$0x1E800] =	vst v63  }
0x9f: {  	_ = 	snop  }
0xa0: {  	[spmem:s3] =	stream.indirect.scatter.add.f32 [tilespmem:s17], [sflag:$0x2], $0x80, s16, s21, $0xb8;
	[tilespmem:$0x1E800] =	vst v63  }
0xa1: {  	_ = 	snop  }
0xa2: {  	[spmem:s3] =	stream.indirect.scatter.add.f32 [tilespmem:s17], [sflag:$0x2], $0x80, s25, s21, $0xb8;
	[tilespmem:$0x1E800] =	vst v63  }
0xa3: {  	_ = 	snop  }
0xa4: {  	[spmem:s3] =	stream.indirect.scatter.add.f32 [tilespmem:s17], [sflag:$0x2], $0x80, s26, s21, $0xb8;
	[tilespmem:$0x1E800] =	vst v63  }
0xa5: {  	_ =	swait.ge [sflag:s18], $0x4000  }
0xa6: {  	s1 =	simm.s32 $0x27;
	[sflag:s18] =	ssyncset.done $0x0  }
.LBB2_6:
0xa7: {  	p0 =	sne.s32 s1, $0x1;
	s1 =	sadd.s32 $0xFFFFFFFF, s1;
	[sflag:s18] =	ssyncadd.s32 $0xFFFFC000  }
.Ltmp2:
0xa8: {  	(pc) =	sbr.rel @p0 .LBB2_6-.Ltmp2, $3  }
0xa9: {  	_ =	sdelay $0x1  }
0xaa: {  	_ =	swait.ge [sflag:s18], $0x4000  }
0xab: {  	[sflag:s18] =	ssyncset.done $0x0  }
0xac: {  	[sflag:s18] =	ssyncadd.s32 $0xFFFFC000  }
0xad: {  	[tilespmem:s19], [sflag:$0x3] =	stream.linear.gather [hbm4b:s11+s14], $0x1400, $0x38;
	[tilespmem:$0x1E800] =	vst v63  }
0xae: {  	_ =	swait.ge [sflag:s20], $0x1400  }
0xaf: {  	[sflag:s20] =	ssyncset.done $0x0  }
0xb0: {  	[sflag:s20] =	ssyncadd.s32 $0xFFFFEC00  }
0xb1: {  	[spmem:s3] =	stream.indirect.scatter.add.f32 [tilespmem:s17], [sflag:$0x2], $0x80, s19, s21, $0xb8;
	[tilespmem:$0x1E800] =	vst v63  }
0xb2: {  	_ = 	snop  }
0xb3: {  	[spmem:s3] =	stream.indirect.scatter.add.f32 [tilespmem:s17], [sflag:$0x2], $0x80, s4, s21, $0xb8;
	[tilespmem:$0x1E800] =	vst v63  }
0xb4: {  	_ = 	snop  }
0xb5: {  	[spmem:s3] =	stream.indirect.scatter.add.f32 [tilespmem:s17], [sflag:$0x2], $0x80, s12, s21, $0xb8;
	[tilespmem:$0x1E800] =	vst v63  }
0xb6: {  	_ = 	snop  }
0xb7: {  	[spmem:s3] =	stream.indirect.scatter.add.f32 [tilespmem:s17], [sflag:$0x2], $0x80, s13, s21, $0xb8;
	[tilespmem:$0x1E800] =	vst v63  }
0xb8: {  	_ = 	snop  }
0xb9: {  	[spmem:s3] =	stream.indirect.scatter.add.f32 [tilespmem:s17], [sflag:$0x2], $0x80, s22, s21, $0xb8;
	[tilespmem:$0x1E800] =	vst v63  }
0xba: {  	s1 =	simm.s32 $0x1680  }
0xbb: {  	[spmem:s3] =	stream.indirect.scatter.add.f32 [tilespmem:s17], [sflag:$0x2], $0x80, s1, s21, $0xb8;
	[tilespmem:$0x1E800] =	vst v63  }
0xbc: {  	s12 =	simm.s32 $0x1700  }
0xbd: {  	[spmem:s3] =	stream.indirect.scatter.add.f32 [tilespmem:s17], [sflag:$0x2], $0x80, s12, s21, $0xb8;
	[tilespmem:$0x1E800] =	vst v63  }
0xbe: {  	s13 =	simm.s32 $0x1780  }
0xbf: {  	[spmem:s3] =	stream.indirect.scatter.add.f32 [tilespmem:s17], [sflag:$0x2], $0x80, s13, s21, $0xb8;
	[tilespmem:$0x1E800] =	vst v63  }
0xc0: {  	s14 =	simm.s32 $0x1800  }
0xc1: {  	[spmem:s3] =	stream.indirect.scatter.add.f32 [tilespmem:s17], [sflag:$0x2], $0x80, s14, s21, $0xb8;
	[tilespmem:$0x1E800] =	vst v63  }
0xc2: {  	s22 =	simm.s32 $0x1880  }
0xc3: {  	[spmem:s3] =	stream.indirect.scatter.add.f32 [tilespmem:s17], [sflag:$0x2], $0x80, s22, s21, $0xb8;
	[tilespmem:$0x1E800] =	vst v63  }
0xc4: {  	s2 =	simm.s32 $0x1900  }
0xc5: {  	[spmem:s3] =	stream.indirect.scatter.add.f32 [tilespmem:s17], [sflag:$0x2], $0x80, s2, s21, $0xb8;
	[tilespmem:$0x1E800] =	vst v63  }
0xc6: {  	s4 =	simm.s32 $0x1980  }
0xc7: {  	[spmem:s3] =	stream.indirect.scatter.add.f32 [tilespmem:s17], [sflag:$0x2], $0x80, s4, s21, $0xb8;
	[tilespmem:$0x1E800] =	vst v63  }
0xc8: {  	s12 =	simm.s32 $0x1A00  }
0xc9: {  	[spmem:s3] =	stream.indirect.scatter.add.f32 [tilespmem:s17], [sflag:$0x2], $0x80, s12, s21, $0xb8;
	[tilespmem:$0x1E800] =	vst v63  }
0xca: {  	s13 =	simm.s32 $0x1A80  }
0xcb: {  	[spmem:s3] =	stream.indirect.scatter.add.f32 [tilespmem:s17], [sflag:$0x2], $0x80, s13, s21, $0xb8;
	[tilespmem:$0x1E800] =	vst v63  }
0xcc: {  	s14 =	simm.s32 $0x1B00  }
0xcd: {  	[spmem:s3] =	stream.indirect.scatter.add.f32 [tilespmem:s17], [sflag:$0x2], $0x80, s14, s21, $0xb8;
	[tilespmem:$0x1E800] =	vst v63  }
0xce: {  	s22 =	simm.s32 $0x1B80  }
0xcf: {  	[spmem:s3] =	stream.indirect.scatter.add.f32 [tilespmem:s17], [sflag:$0x2], $0x80, s22, s21, $0xb8;
	[tilespmem:$0x1E800] =	vst v63  }
0xd0: {  	s2 =	simm.s32 $0x1C00  }
0xd1: {  	[spmem:s3] =	stream.indirect.scatter.add.f32 [tilespmem:s17], [sflag:$0x2], $0x80, s2, s21, $0xb8;
	[tilespmem:$0x1E800] =	vst v63  }
0xd2: {  	s4 =	simm.s32 $0x1C80  }
0xd3: {  	[spmem:s3] =	stream.indirect.scatter.add.f32 [tilespmem:s17], [sflag:$0x2], $0x80, s4, s21, $0xb8;
	[tilespmem:$0x1E800] =	vst v63  }
0xd4: {  	s12 =	simm.s32 $0x1D00  }
0xd5: {  	[spmem:s3] =	stream.indirect.scatter.add.f32 [tilespmem:s17], [sflag:$0x2], $0x80, s12, s21, $0xb8;
	[tilespmem:$0x1E800] =	vst v63  }
0xd6: {  	s13 =	simm.s32 $0x1D80  }
0xd7: {  	[spmem:s3] =	stream.indirect.scatter.add.f32 [tilespmem:s17], [sflag:$0x2], $0x80, s13, s21, $0xb8;
	[tilespmem:$0x1E800] =	vst v63  }
0xd8: {  	s14 =	simm.s32 $0x1E00  }
0xd9: {  	[spmem:s3] =	stream.indirect.scatter.add.f32 [tilespmem:s17], [sflag:$0x2], $0x80, s14, s21, $0xb8;
	[tilespmem:$0x1E800] =	vst v63  }
0xda: {  	s22 =	simm.s32 $0x1E80  }
0xdb: {  	[spmem:s3] =	stream.indirect.scatter.add.f32 [tilespmem:s17], [sflag:$0x2], $0x80, s22, s21, $0xb8;
	[tilespmem:$0x1E800] =	vst v63  }
0xdc: {  	s2 =	simm.s32 $0x1F00  }
0xdd: {  	[spmem:s3] =	stream.indirect.scatter.add.f32 [tilespmem:s17], [sflag:$0x2], $0x80, s2, s21, $0xb8;
	[tilespmem:$0x1E800] =	vst v63  }
0xde: {  	s4 =	simm.s32 $0x1F80  }
0xdf: {  	[spmem:s3] =	stream.indirect.scatter.add.f32 [tilespmem:s17], [sflag:$0x2], $0x80, s4, s21, $0xb8;
	[tilespmem:$0x1E800] =	vst v63  }
0xe0: {  	s12 =	simm.s32 $0x2000  }
0xe1: {  	[spmem:s3] =	stream.indirect.scatter.add.f32 [tilespmem:s17], [sflag:$0x2], $0x80, s12, s21, $0xb8;
	[tilespmem:$0x1E800] =	vst v63  }
0xe2: {  	s13 =	simm.s32 $0x2080  }
0xe3: {  	[spmem:s3] =	stream.indirect.scatter.add.f32 [tilespmem:s17], [sflag:$0x2], $0x80, s13, s21, $0xb8;
	[tilespmem:$0x1E800] =	vst v63  }
0xe4: {  	s14 =	simm.s32 $0x2100  }
0xe5: {  	[spmem:s3] =	stream.indirect.scatter.add.f32 [tilespmem:s17], [sflag:$0x2], $0x80, s14, s21, $0xb8;
	[tilespmem:$0x1E800] =	vst v63  }
0xe6: {  	s22 =	simm.s32 $0x2180  }
0xe7: {  	[spmem:s3] =	stream.indirect.scatter.add.f32 [tilespmem:s17], [sflag:$0x2], $0x80, s22, s21, $0xb8;
	[tilespmem:$0x1E800] =	vst v63  }
0xe8: {  	s2 =	simm.s32 $0x2200  }
0xe9: {  	[spmem:s3] =	stream.indirect.scatter.add.f32 [tilespmem:s17], [sflag:$0x2], $0x80, s2, s21, $0xb8;
	[tilespmem:$0x1E800] =	vst v63  }
0xea: {  	s4 =	simm.s32 $0x2280  }
0xeb: {  	[spmem:s3] =	stream.indirect.scatter.add.f32 [tilespmem:s17], [sflag:$0x2], $0x80, s4, s21, $0xb8;
	[tilespmem:$0x1E800] =	vst v63  }
0xec: {  	s12 =	simm.s32 $0x2300  }
0xed: {  	[spmem:s3] =	stream.indirect.scatter.add.f32 [tilespmem:s17], [sflag:$0x2], $0x80, s12, s21, $0xb8;
	[tilespmem:$0x1E800] =	vst v63  }
0xee: {  	s13 =	simm.s32 $0x2380  }
0xef: {  	[spmem:s3] =	stream.indirect.scatter.add.f32 [tilespmem:s17], [sflag:$0x2], $0x80, s13, s21, $0xb8;
	[tilespmem:$0x1E800] =	vst v63  }
0xf0: {  	s14 =	simm.s32 $0x2400  }
0xf1: {  	[spmem:s3] =	stream.indirect.scatter.add.f32 [tilespmem:s17], [sflag:$0x2], $0x80, s14, s21, $0xb8;
	[tilespmem:$0x1E800] =	vst v63  }
0xf2: {  	s22 =	simm.s32 $0x2480  }
0xf3: {  	[spmem:s3] =	stream.indirect.scatter.add.f32 [tilespmem:s17], [sflag:$0x2], $0x80, s22, s21, $0xb8;
	[tilespmem:$0x1E800] =	vst v63  }
0xf4: {  	_ = 	snop  }
0xf5: {  	[spmem:s3] =	stream.indirect.scatter.add.f32 [tilespmem:s17], [sflag:$0x2], $0x80, s23, s21, $0xb8;
	[tilespmem:$0x1E800] =	vst v63  }
0xf6: {  	_ = 	snop  }
0xf7: {  	[spmem:s3] =	stream.indirect.scatter.add.f32 [tilespmem:s17], [sflag:$0x2], $0x80, s15, s21, $0xb8;
	[tilespmem:$0x1E800] =	vst v63  }
0xf8: {  	_ = 	snop  }
0xf9: {  	[spmem:s3] =	stream.indirect.scatter.add.f32 [tilespmem:s17], [sflag:$0x2], $0x80, s24, s21, $0xb8;
	[tilespmem:$0x1E800] =	vst v63  }
0xfa: {  	_ = 	snop  }
0xfb: {  	[spmem:s3] =	stream.indirect.scatter.add.f32 [tilespmem:s17], [sflag:$0x2], $0x80, s16, s21, $0xb8;
	[tilespmem:$0x1E800] =	vst v63  }
0xfc: {  	_ = 	snop  }
0xfd: {  	[spmem:s3] =	stream.indirect.scatter.add.f32 [tilespmem:s17], [sflag:$0x2], $0x80, s25, s21, $0xb8;
	[tilespmem:$0x1E800] =	vst v63  }
0xfe: {  	_ = 	snop  }
0xff: {  	[spmem:s3] =	stream.indirect.scatter.add.f32 [tilespmem:s17], [sflag:$0x2], $0x80, s26, s21, $0xb8;
	[tilespmem:$0x1E800] =	vst v63  }
0x100: {  	_ =	swait.ge [sflag:s18], $0x4000  }
0x101: {  	s1 =	simm.s32 $0x27;
	[sflag:s18] =	ssyncset.done $0x0  }
.LBB2_8:
0x102: {  	p0 =	sne.s32 s1, $0x1;
	s1 =	sadd.s32 $0xFFFFFFFF, s1;
	[sflag:s18] =	ssyncadd.s32 $0xFFFFC000  }
.Ltmp3:
0x103: {  	(pc) =	sbr.rel @p0 .LBB2_8-.Ltmp3, $3  }
0x104: {  	_ =	sdelay $0x1  }
0x105: {  	_ =	swait.ge [sflag:s18], $0x4000  }
0x106: {  	[sflag:s18] =	ssyncset.done $0x0  }
0x107: {  	[sflag:s18] =	ssyncadd.s32 $0xFFFFC000;
	s1 =	stileid.u32  }
0x108: {  	s1 =	sshll.u32 s1, $0x6;
	[bflag:$0x0] =	sbarrier.arrive $0xFFFF  }
0x109: {  	s2 =	sshrl.u32 s5, $0x3;
	s1 =	sor.u32 $0x1C03, s1;
	s4 =	rddreg [dreg:$0x5]  }
0x10a: {  	[hbm:s4], [sflag:s1] =	dma.local [spmem:s2], $0x2800  }
0x10b: {  	_ =	swait.ge [sflag:s20], $0x2800  }
0x10c: {  	[sflag:s20] =	ssyncset.done $0x0  }
0x10d: {  	s12 =	simm.s32 $0x200;
	s4 =	simm.s32 $0x0;
	[sflag:s20] =	ssyncadd.s32 $0xFFFFD800  }
.LBB2_10:
0x10e: {  	p0 =	sne.s32 s12, $0xFE00;
	[tilespmem:s4+$0x2870] =	vst v0  }
0x10f: {  	[tilespmem:s4+$0x2800] =	vst v0  }
0x110: {  	[tilespmem:s4+$0x2810] =	vst v0  }
.Ltmp4:
0x111: {  	[tilespmem:s4+$0x2820] =	vst v0;
	(pc) =	sbr.rel @p0 .LBB2_10-.Ltmp4, $4  }
0x112: {  	[tilespmem:s4+$0x2830] =	vst v0  }
0x113: {  	[tilespmem:s4+$0x2840] =	vst v0  }
0x114: {  	[tilespmem:s4+$0x2850] =	vst v0  }
0x115: {  	[tilespmem:s4+$0x2860] =	vst v0;
	s4 =	sshra.s32 s12, $0x2;
	s12 =	sadd.s32 $0x200, s12  }
0x116: {  	[tilespmem:s4+$0x2870] =	vst v0  }
0x117: {  	[tilespmem:s4+$0x2800] =	vst v0  }
0x118: {  	[tilespmem:s4+$0x2810] =	vst v0  }
0x119: {  	[tilespmem:s4+$0x2820] =	vst v0  }
0x11a: {  	[tilespmem:s4+$0x2830] =	vst v0  }
0x11b: {  	[tilespmem:s4+$0x2840] =	vst v0  }
0x11c: {  	[tilespmem:s4+$0x2850] =	vst v0  }
0x11d: {  	[tilespmem:s4+$0x2860] =	vst v0  }
0x11e: {  	[spmem:s5] =	stream.linear.scatter [tilespmem:s17], [sflag:$0x2], $0x4000, $0x38;
	[tilespmem:$0x1E800] =	vst v63  }
0x11f: {  	_ = 	snop  }
0x120: {  	[spmem:s6] =	stream.linear.scatter [tilespmem:s17], [sflag:$0x2], $0x4000, $0x38;
	[tilespmem:$0x1E800] =	vst v63  }
0x121: {  	_ = 	snop  }
0x122: {  	[spmem:s7] =	stream.linear.scatter [tilespmem:s17], [sflag:$0x2], $0x4000, $0x38;
	[tilespmem:$0x1E800] =	vst v63  }
0x123: {  	_ = 	snop  }
0x124: {  	[spmem:s8] =	stream.linear.scatter [tilespmem:s17], [sflag:$0x2], $0x4000, $0x38;
	[tilespmem:$0x1E800] =	vst v63  }
0x125: {  	_ = 	snop  }
0x126: {  	[spmem:s9] =	stream.linear.scatter [tilespmem:s17], [sflag:$0x2], $0x4000, $0x38;
	[tilespmem:$0x1E800] =	vst v63  }
0x127: {  	_ =	swait.ge [sflag:s18], $0x4000  }
0x128: {  	[sflag:s18] =	ssyncset.done $0x0  }
0x129: {  	[sflag:s18] =	ssyncadd.s32 $0xFFFFC000  }
0x12a: {  	_ =	swait.ge [sflag:s18], $0x4000  }
0x12b: {  	[sflag:s18] =	ssyncset.done $0x0  }
0x12c: {  	[sflag:s18] =	ssyncadd.s32 $0xFFFFC000  }
0x12d: {  	_ =	swait.ge [sflag:s18], $0x4000  }
0x12e: {  	[sflag:s18] =	ssyncset.done $0x0  }
0x12f: {  	[sflag:s18] =	ssyncadd.s32 $0xFFFFC000  }
0x130: {  	_ =	swait.ge [sflag:s18], $0x4000  }
0x131: {  	[sflag:s18] =	ssyncset.done $0x0  }
0x132: {  	[sflag:s18] =	ssyncadd.s32 $0xFFFFC000  }
0x133: {  	_ =	swait.ge [sflag:s18], $0x4000  }
0x134: {  	[sflag:s18] =	ssyncset.done $0x0  }
0x135: {  	[sflag:s18] =	ssyncadd.s32 $0xFFFFC000  }
0x136: {  	[bflag:$0x0] =	sbarrier.arrive $0xFFFF  }
0x137: {  	s22 =	simm.s32 $0x0;
	s12 =	rddreg [dreg:$0x6]  }
0x138: {  	[tilespmem:s22], [sflag:$0x3] =	stream.linear.gather [hbm4b:s12+s22], $0x1400, $0x38;
	[tilespmem:$0x1E800] =	vst v63  }
0x139: {  	_ =	swait.ge [sflag:s20], $0x1400  }
0x13a: {  	[sflag:s20] =	ssyncset.done $0x0  }
0x13b: {  	[sflag:s20] =	ssyncadd.s32 $0xFFFFEC00  }
0x13c: {  	[tilespmem:s19], [sflag:$0x3] =	stream.linear.gather [hbm4b:s10+s22], $0x1400, $0x38;
	[tilespmem:$0x1E800] =	vst v63  }
0x13d: {  	_ =	swait.ge [sflag:s20], $0x1400  }
0x13e: {  	[sflag:s20] =	ssyncset.done $0x0  }
0x13f: {  	[sflag:s20] =	ssyncadd.s32 $0xFFFFEC00  }
0x140: {  	[tilespmem:s17], [sflag:$0x1] =	stream.indirect.gather [hbm4b:s0+s21], $0x80, s22, s21, $0xb8;
	[tilespmem:$0x1E800] =	vst v63  }
0x141: {  	s12 =	simm.s32 $0x80  }
0x142: {  	[tilespmem:s28], [sflag:$0x2] =	stream.indirect.gather [hbm4b:s0+s21], $0x80, s12, s21, $0xb8;
	[tilespmem:$0x1E800] =	vst v63  }
0x143: {  	_ =	swait.ge [sflag:s29], $0x4000  }
0x144: {  	[sflag:s29] =	ssyncset.done $0x0  }
0x145: {  	s13 =	simm.s32 $0x1400;
	[sflag:s29] =	ssyncadd.s32 $0xFFFFC000  }
0x146: {  	[spmem:s3] =	stream.indirect.scatter.add.f32 [tilespmem:s17], [sflag:$0x3], $0x80, s13, s21, $0xb8;
	[tilespmem:$0x1E800] =	vst v63  }
0x147: {  	_ =	swait.ge [sflag:s20], $0x4000  }
0x148: {  	[sflag:s20] =	ssyncset.done $0x0  }
0x149: {  	s14 =	simm.s32 $0x100;
	[sflag:s20] =	ssyncadd.s32 $0xFFFFC000  }
0x14a: {  	[tilespmem:s17], [sflag:$0x1] =	stream.indirect.gather [hbm4b:s0+s21], $0x80, s14, s21, $0xb8;
	[tilespmem:$0x1E800] =	vst v63  }
0x14b: {  	_ =	swait.ge [sflag:s18], $0x4000  }
0x14c: {  	[sflag:s18] =	ssyncset.done $0x0  }
0x14d: {  	s22 =	simm.s32 $0x1480;
	[sflag:s18] =	ssyncadd.s32 $0xFFFFC000  }
0x14e: {  	[spmem:s3] =	stream.indirect.scatter.add.f32 [tilespmem:s28], [sflag:$0x3], $0x80, s22, s21, $0xb8;
	[tilespmem:$0x1E800] =	vst v63  }
0x14f: {  	_ =	swait.ge [sflag:s20], $0x4000  }
0x150: {  	s4 =	simm.s32 $0x100;
	s12 =	simm.s32 $0x800;
	[sflag:s20] =	ssyncset.done $0x0  }
.LBB2_12:
0x151: {  	s13 =	sadd.s32 $0x80, s4  }
0x152: {  	[sflag:s20] =	ssyncadd.s32 $0xFFFFC000;
	s22 =	smov.u32 s12;
	s14 =	sadd.s32 $0x400, s12  }
0x153: {  	[tilespmem:s28], [sflag:$0x2] =	stream.indirect.gather [hbm4b:s0+s21], $0x80, s13, s21, $0xb8;
	[tilespmem:$0x1E800] =	vst v63  }
0x154: {  	p0 =	sne.s32 s12, $0x4800;
	_ =	swait.ge [sflag:s29], $0x4000  }
0x155: {  	[sflag:s29] =	ssyncset.done $0x0  }
0x156: {  	s12 =	sadd.s32 $0x1400, s4;
	[sflag:s29] =	ssyncadd.s32 $0xFFFFC000  }
0x157: {  	[spmem:s3] =	stream.indirect.scatter.add.f32 [tilespmem:s17], [sflag:$0x3], $0x80, s12, s21, $0xb8;
	[tilespmem:$0x1E800] =	vst v63  }
0x158: {  	_ =	swait.ge [sflag:s20], $0x4000  }
0x159: {  	[sflag:s20] =	ssyncset.done $0x0  }
0x15a: {  	s12 =	sadd.s32 $0x100, s4;
	[sflag:s20] =	ssyncadd.s32 $0xFFFFC000  }
0x15b: {  	[tilespmem:s17], [sflag:$0x1] =	stream.indirect.gather [hbm4b:s0+s21], $0x80, s12, s21, $0xb8;
	[tilespmem:$0x1E800] =	vst v63  }
0x15c: {  	_ =	swait.ge [sflag:s18], $0x4000  }
.Ltmp5:
0x15d: {  	[sflag:s18] =	ssyncset.done $0x0;
	(pc) =	sbr.rel @p0 .LBB2_12-.Ltmp5, $4  }
0x15e: {  	s4 =	sadd.s32 $0x1480, s4;
	[sflag:s18] =	ssyncadd.s32 $0xFFFFC000  }
0x15f: {  	[spmem:s3] =	stream.indirect.scatter.add.f32 [tilespmem:s28], [sflag:$0x3], $0x80, s4, s21, $0xb8;
	[tilespmem:$0x1E800] =	vst v63  }
0x160: {  	_ =	swait.ge [sflag:s20], $0x4000  }
0x161: {  	s12 =	smov.u32 s14;
	s4 =	sshra.s32 s22, $0x2;
	[sflag:s20] =	ssyncset.done $0x0  }
0x162: {  	s12 =	sadd.s32 $0x80, s4;
	[sflag:s20] =	ssyncadd.s32 $0xFFFFC000  }
0x163: {  	[tilespmem:s28], [sflag:$0x2] =	stream.indirect.gather [hbm4b:s0+s21], $0x80, s12, s21, $0xb8;
	[tilespmem:$0x1E800] =	vst v63  }
0x164: {  	_ =	swait.ge [sflag:s29], $0x4000  }
0x165: {  	[sflag:s29] =	ssyncset.done $0x0  }
0x166: {  	s14 =	sadd.s32 $0x1400, s4;
	[sflag:s29] =	ssyncadd.s32 $0xFFFFC000  }
0x167: {  	[spmem:s3] =	stream.indirect.scatter.add.f32 [tilespmem:s17], [sflag:$0x3], $0x80, s14, s21, $0xb8;
	[tilespmem:$0x1E800] =	vst v63  }
0x168: {  	_ =	swait.ge [sflag:s20], $0x4000  }
0x169: {  	[sflag:s20] =	ssyncset.done $0x0  }
0x16a: {  	s22 =	sadd.s32 $0x100, s4;
	[sflag:s20] =	ssyncadd.s32 $0xFFFFC000  }
0x16b: {  	[tilespmem:s17], [sflag:$0x1] =	stream.indirect.gather [hbm4b:s0+s21], $0x80, s22, s21, $0xb8;
	[tilespmem:$0x1E800] =	vst v63  }
0x16c: {  	_ =	swait.ge [sflag:s18], $0x4000  }
0x16d: {  	[sflag:s18] =	ssyncset.done $0x0  }
0x16e: {  	s13 =	sadd.s32 $0x1480, s4;
	[sflag:s18] =	ssyncadd.s32 $0xFFFFC000  }
0x16f: {  	[spmem:s3] =	stream.indirect.scatter.add.f32 [tilespmem:s28], [sflag:$0x3], $0x80, s13, s21, $0xb8;
	[tilespmem:$0x1E800] =	vst v63  }
0x170: {  	_ =	swait.ge [sflag:s20], $0x4000  }
0x171: {  	[sflag:s20] =	ssyncset.done $0x0  }
0x172: {  	[sflag:s20] =	ssyncadd.s32 $0xFFFFC000  }
0x173: {  	[tilespmem:s28], [sflag:$0x2] =	stream.indirect.gather [hbm4b:s0+s21], $0x80, s30, s21, $0xb8;
	[tilespmem:$0x1E800] =	vst v63  }
0x174: {  	_ =	swait.ge [sflag:s29], $0x4000  }
0x175: {  	[sflag:s29] =	ssyncset.done $0x0  }
0x176: {  	[sflag:s29] =	ssyncadd.s32 $0xFFFFC000  }
0x177: {  	[spmem:s3] =	stream.indirect.scatter.add.f32 [tilespmem:s17], [sflag:$0x3], $0x80, s25, s21, $0xb8;
	[tilespmem:$0x1E800] =	vst v63  }
0x178: {  	_ =	swait.ge [sflag:s20], $0x4000  }
0x179: {  	[sflag:s20] =	ssyncset.done $0x0  }
0x17a: {  	[sflag:s20] =	ssyncadd.s32 $0xFFFFC000  }
0x17b: {  	_ =	swait.ge [sflag:s18], $0x4000  }
0x17c: {  	[sflag:s18] =	ssyncset.done $0x0  }
0x17d: {  	[sflag:s18] =	ssyncadd.s32 $0xFFFFC000  }
0x17e: {  	[spmem:s3] =	stream.indirect.scatter.add.f32 [tilespmem:s28], [sflag:$0x3], $0x80, s26, s21, $0xb8;
	[tilespmem:$0x1E800] =	vst v63  }
0x17f: {  	_ =	swait.ge [sflag:s20], $0x4000  }
0x180: {  	[sflag:s20] =	ssyncset.done $0x0  }
0x181: {  	s14 =	simm.s32 $0x0;
	s22 =	rddreg [dreg:$0x7];
	[sflag:s20] =	ssyncadd.s32 $0xFFFFC000  }
0x182: {  	[tilespmem:s14], [sflag:$0x3] =	stream.linear.gather [hbm4b:s22+s14], $0x1400, $0x38;
	[tilespmem:$0x1E800] =	vst v63  }
0x183: {  	_ =	swait.ge [sflag:s20], $0x1400  }
0x184: {  	[sflag:s20] =	ssyncset.done $0x0  }
0x185: {  	[sflag:s20] =	ssyncadd.s32 $0xFFFFEC00  }
0x186: {  	[tilespmem:s19], [sflag:$0x3] =	stream.linear.gather [hbm4b:s11+s14], $0x1400, $0x38;
	[tilespmem:$0x1E800] =	vst v63  }
0x187: {  	_ =	swait.ge [sflag:s20], $0x1400  }
0x188: {  	[sflag:s20] =	ssyncset.done $0x0  }
0x189: {  	[sflag:s20] =	ssyncadd.s32 $0xFFFFEC00  }
0x18a: {  	[tilespmem:s17], [sflag:$0x1] =	stream.indirect.gather [hbm4b:s0+s21], $0x80, s14, s21, $0xb8;
	[tilespmem:$0x1E800] =	vst v63  }
0x18b: {  	s12 =	simm.s32 $0x80  }
0x18c: {  	[tilespmem:s28], [sflag:$0x2] =	stream.indirect.gather [hbm4b:s0+s21], $0x80, s12, s21, $0xb8;
	[tilespmem:$0x1E800] =	vst v63  }
0x18d: {  	_ =	swait.ge [sflag:s29], $0x4000  }
0x18e: {  	[sflag:s29] =	ssyncset.done $0x0  }
0x18f: {  	s13 =	simm.s32 $0x1400;
	[sflag:s29] =	ssyncadd.s32 $0xFFFFC000  }
0x190: {  	[spmem:s3] =	stream.indirect.scatter.add.f32 [tilespmem:s17], [sflag:$0x3], $0x80, s13, s21, $0xb8;
	[tilespmem:$0x1E800] =	vst v63  }
0x191: {  	_ =	swait.ge [sflag:s20], $0x4000  }
0x192: {  	[sflag:s20] =	ssyncset.done $0x0  }
0x193: {  	s14 =	simm.s32 $0x100;
	[sflag:s20] =	ssyncadd.s32 $0xFFFFC000  }
0x194: {  	[tilespmem:s17], [sflag:$0x1] =	stream.indirect.gather [hbm4b:s0+s21], $0x80, s14, s21, $0xb8;
	[tilespmem:$0x1E800] =	vst v63  }
0x195: {  	_ =	swait.ge [sflag:s18], $0x4000  }
0x196: {  	[sflag:s18] =	ssyncset.done $0x0  }
0x197: {  	s22 =	simm.s32 $0x1480;
	[sflag:s18] =	ssyncadd.s32 $0xFFFFC000  }
0x198: {  	[spmem:s3] =	stream.indirect.scatter.add.f32 [tilespmem:s28], [sflag:$0x3], $0x80, s22, s21, $0xb8;
	[tilespmem:$0x1E800] =	vst v63  }
0x199: {  	_ =	swait.ge [sflag:s20], $0x4000  }
0x19a: {  	s4 =	simm.s32 $0x100;
	s12 =	simm.s32 $0x800;
	[sflag:s20] =	ssyncset.done $0x0  }
.LBB2_14:
0x19b: {  	s13 =	sadd.s32 $0x80, s4  }
0x19c: {  	[sflag:s20] =	ssyncadd.s32 $0xFFFFC000;
	s14 =	smov.u32 s12;
	s22 =	sadd.s32 $0x400, s12  }
0x19d: {  	[tilespmem:s28], [sflag:$0x2] =	stream.indirect.gather [hbm4b:s0+s21], $0x80, s13, s21, $0xb8;
	[tilespmem:$0x1E800] =	vst v63  }
0x19e: {  	p0 =	sne.s32 s12, $0x4800;
	_ =	swait.ge [sflag:s29], $0x4000  }
0x19f: {  	[sflag:s29] =	ssyncset.done $0x0  }
0x1a0: {  	s12 =	sadd.s32 $0x1400, s4;
	[sflag:s29] =	ssyncadd.s32 $0xFFFFC000  }
0x1a1: {  	[spmem:s3] =	stream.indirect.scatter.add.f32 [tilespmem:s17], [sflag:$0x3], $0x80, s12, s21, $0xb8;
	[tilespmem:$0x1E800] =	vst v63  }
0x1a2: {  	_ =	swait.ge [sflag:s20], $0x4000  }
0x1a3: {  	[sflag:s20] =	ssyncset.done $0x0  }
0x1a4: {  	s12 =	sadd.s32 $0x100, s4;
	[sflag:s20] =	ssyncadd.s32 $0xFFFFC000  }
0x1a5: {  	[tilespmem:s17], [sflag:$0x1] =	stream.indirect.gather [hbm4b:s0+s21], $0x80, s12, s21, $0xb8;
	[tilespmem:$0x1E800] =	vst v63  }
0x1a6: {  	_ =	swait.ge [sflag:s18], $0x4000  }
.Ltmp6:
0x1a7: {  	[sflag:s18] =	ssyncset.done $0x0;
	(pc) =	sbr.rel @p0 .LBB2_14-.Ltmp6, $4  }
0x1a8: {  	s4 =	sadd.s32 $0x1480, s4;
	[sflag:s18] =	ssyncadd.s32 $0xFFFFC000  }
0x1a9: {  	[spmem:s3] =	stream.indirect.scatter.add.f32 [tilespmem:s28], [sflag:$0x3], $0x80, s4, s21, $0xb8;
	[tilespmem:$0x1E800] =	vst v63  }
0x1aa: {  	_ =	swait.ge [sflag:s20], $0x4000  }
0x1ab: {  	s12 =	smov.u32 s22;
	s4 =	sshra.s32 s14, $0x2;
	[sflag:s20] =	ssyncset.done $0x0  }
0x1ac: {  	s12 =	sadd.s32 $0x80, s4;
	[sflag:s20] =	ssyncadd.s32 $0xFFFFC000  }
0x1ad: {  	[tilespmem:s28], [sflag:$0x2] =	stream.indirect.gather [hbm4b:s0+s21], $0x80, s12, s21, $0xb8;
	[tilespmem:$0x1E800] =	vst v63  }
0x1ae: {  	_ =	swait.ge [sflag:s29], $0x4000  }
0x1af: {  	[sflag:s29] =	ssyncset.done $0x0  }
0x1b0: {  	s14 =	sadd.s32 $0x1400, s4;
	[sflag:s29] =	ssyncadd.s32 $0xFFFFC000  }
0x1b1: {  	[spmem:s3] =	stream.indirect.scatter.add.f32 [tilespmem:s17], [sflag:$0x3], $0x80, s14, s21, $0xb8;
	[tilespmem:$0x1E800] =	vst v63  }
0x1b2: {  	_ =	swait.ge [sflag:s20], $0x4000  }
0x1b3: {  	[sflag:s20] =	ssyncset.done $0x0  }
0x1b4: {  	s22 =	sadd.s32 $0x100, s4;
	[sflag:s20] =	ssyncadd.s32 $0xFFFFC000  }
0x1b5: {  	[tilespmem:s17], [sflag:$0x1] =	stream.indirect.gather [hbm4b:s0+s21], $0x80, s22, s21, $0xb8;
	[tilespmem:$0x1E800] =	vst v63  }
0x1b6: {  	_ =	swait.ge [sflag:s18], $0x4000  }
0x1b7: {  	[sflag:s18] =	ssyncset.done $0x0  }
0x1b8: {  	s13 =	sadd.s32 $0x1480, s4;
	[sflag:s18] =	ssyncadd.s32 $0xFFFFC000  }
0x1b9: {  	[spmem:s3] =	stream.indirect.scatter.add.f32 [tilespmem:s28], [sflag:$0x3], $0x80, s13, s21, $0xb8;
	[tilespmem:$0x1E800] =	vst v63  }
0x1ba: {  	_ =	swait.ge [sflag:s20], $0x4000  }
0x1bb: {  	[sflag:s20] =	ssyncset.done $0x0  }
0x1bc: {  	[sflag:s20] =	ssyncadd.s32 $0xFFFFC000  }
0x1bd: {  	[tilespmem:s28], [sflag:$0x2] =	stream.indirect.gather [hbm4b:s0+s21], $0x80, s30, s21, $0xb8;
	[tilespmem:$0x1E800] =	vst v63  }
0x1be: {  	_ =	swait.ge [sflag:s29], $0x4000  }
0x1bf: {  	[sflag:s29] =	ssyncset.done $0x0  }
0x1c0: {  	[sflag:s29] =	ssyncadd.s32 $0xFFFFC000  }
0x1c1: {  	[spmem:s3] =	stream.indirect.scatter.add.f32 [tilespmem:s17], [sflag:$0x3], $0x80, s25, s21, $0xb8;
	[tilespmem:$0x1E800] =	vst v63  }
0x1c2: {  	_ =	swait.ge [sflag:s20], $0x4000  }
0x1c3: {  	[sflag:s20] =	ssyncset.done $0x0  }
0x1c4: {  	[sflag:s20] =	ssyncadd.s32 $0xFFFFC000  }
0x1c5: {  	_ =	swait.ge [sflag:s18], $0x4000  }
0x1c6: {  	[sflag:s18] =	ssyncset.done $0x0  }
0x1c7: {  	[sflag:s18] =	ssyncadd.s32 $0xFFFFC000  }
0x1c8: {  	[spmem:s3] =	stream.indirect.scatter.add.f32 [tilespmem:s28], [sflag:$0x3], $0x80, s26, s21, $0xb8;
	[tilespmem:$0x1E800] =	vst v63  }
0x1c9: {  	_ =	swait.ge [sflag:s20], $0x4000  }
0x1ca: {  	[sflag:s20] =	ssyncset.done $0x0  }
0x1cb: {  	[sflag:s20] =	ssyncadd.s32 $0xFFFFC000  }
0x1cc: {  	[bflag:$0x0] =	sbarrier.arrive $0xFFFF  }
0x1cd: {  	s14 =	rddreg [dreg:$0x8]  }
0x1ce: {  	[hbm:s14], [sflag:s1] =	dma.local [spmem:s2], $0x2800  }
0x1cf: {  	_ =	swait.ge [sflag:s20], $0x2800  }
0x1d0: {  	s31 =	sadd.s32 $0x1, s31;
	s22 =	rddreg [dreg:$0x9]  }
0x1d1: {  	p0 =	sne.s32 s31, s22  }
.Ltmp7:
0x1d2: {  	_ = 	snop;
	(pc) =	sbr.rel @p0 .LBB2_1-.Ltmp7, $4  }
0x1d3: {  	_ = 	snop  }
0x1d4: {  	s4 =	simm.s32 $0x1480  }
0x1d5: {  	s12 =	simm.s32 $0x1500;
	s13 =	simm.s32 $0x1580;
	[sflag:s20] =	ssyncset.done $0x0  }
0x1d6: {  	s14 =	simm.s32 $0x0;
	[sflag:s20] =	ssyncadd.s32 $0xFFFFD800;
	s22 =	simm.s32 $0x1600  }
0x1d7: {  	_ =	sfence.sel $0x180000  }
0x1d8: {  	[bflag:$0x0] =	sbarrier.arrive $0xFFFF  }
0x1d9: {  	_ =	strace $0x90000047  }
0x1da: {  	s0 =	stileid.u32;
	[bflag:$0x2] =	sbarrier.arrive $0xFFFF  }
0x1db: {  	p0 =	sne.s32 s0, $0x0;
	s0 =	rddreg [dreg:$0x4]  }
0x1dc: {  	s0 =	sadd.s32 @!p0 $0x100000, s0  }
0x1dd: {  	[sflag:s0] =	ssyncadd.tile.s32 @!p0 $0x1;
	_ =	shalt  }
.Lfunc_end2:
_tile_overlayer_lowered:
.L_overlay_start_2:
0x1de: {  	(tag) =	ssettag $0x2  }
0x1df: {  	s0 =	rddreg [dreg:$0x0];
	s2 =	stileid.u32  }
0x1e0: {  	s1 =	rddreg [dreg:$0x1];
	p0 =	sne.s32 s2, $0x0  }
0x1e1: {  	s3 =	rddreg [dreg:$0x2];
	[bflag:$0x3] =	sbarrier.arrive $0xFFFF;
	s2 =	simm.s32 @!p0 $0x1C03  }
0x1e2: {  	[timem:s3], [sflag:s2] =	dma.local @!p0 [hbm:s0], s1  }
0x1e3: {  	s0 =	simm.s32 @!p0 $0x3  }
0x1e4: {  	_ =	swait.ge @!p0 [sflag:s0], s1  }
0x1e5: {  	s1 =	ssub.s32 @!p0 $0x0, s1;
	[sflag:s0] =	ssyncset.done @!p0 $0x0  }
0x1e6: {  	[sflag:s0] =	ssyncadd.s32 @!p0 s1  }
0x1e7: {  	[bflag:$0x3] =	sbarrier.arrive $0xFFFF  }
0x1e8: {  	_ =	shalt  }

// kernel: kernel.16.cloned.1.call-start
scs
__scs_entry_jumppad:
0x0: {  	(pc) =	sbr.rel $0x88, $3  }
0x1: {  	(tag) =	ssettag $0x0;
	lr =	simm.s32 $0x1  }
0x2: {  	[smem:$0x3F76] =	sst lr;
	_ =	strace $0xD0000000  }
0x3: {  	_ = 	snop  }
0x4: {  	_ = 	snop  }
0x5: {  	_ = 	snop  }
0x6: {  	_ = 	snop  }
0x7: {  	_ = 	snop  }
__scs_overlays_trampoline_lowered:
0x8: {  	[smem:$0x3F85] =	sst s0  }
0x9: {  	[smem:$0x3F86] =	sst s1  }
0xa: {  	[smem:$0x3F87] =	sst s2  }
0xb: {  	[smem:$0x3F88] =	sst s3  }
0xc: {  	[smem:$0x3F89] =	sst s4  }
0xd: {  	[smem:$0x3F8A] =	sst s5  }
0xe: {  	[smem:$0x3F8B] =	sst s6  }
0xf: {  	[smem:$0x3F8C] =	sst s7  }
0x10: {  	[smem:$0x3F8D] =	sst s8  }
0x11: {  	[smem:$0x3F8E] =	sst s9;
	s0 =	simm.s32 @!p0 $0x0  }
0x12: {  	s1 =	sld [smem:$0x3F74];
	s0 =	simm.s32 @p0 $0x1  }
0x13: {  	[smem:$0x3F8F] =	sst s0;
	s0 =	simm.s32 @!p1 $0x0  }
0x14: {  	s2 =	sld [smem:$0x3F73];
	s0 =	simm.s32 @p1 $0x1  }
0x15: {  	[smem:$0x3F90] =	sst s0;
	s0 =	simm.s32 @!p2 $0x0  }
0x16: {  	s3 =	sld [smem:$0x3FDB];
	s0 =	simm.s32 @p2 $0x1  }
0x17: {  	s4 =	simm.s32 $0x1BF5;
	[smem:$0x3F92] =	sst s0  }
0x18: {  	s0 =	sld [smem:$0x3F75];
	_ =	swait.ge [sflag:s4], $0x0  }
0x19: {  	s7 =	sld [smem:$0x3F76]  }
0x1a: {  	s8 =	sadd.s32 $0xFFFFE003, lr  }
0x1b: {  	s9 =	sadd.s32 $0xFFFFFEF7, lr;
	s5 =	simm.s32 $0xFFFFFFFF;
	p2 =	slt.u32 s8, $0xFFFFF086  }
0x1c: {  	p1 =	slt.u32 s9, $0xF7A;
	s5 =	simm.s32 @!p2 $0x0  }
0x1d: {  	s5 =	simm.s32 @p1 $0x1;
	p0 =	seq.s32 s7, s2  }
0x1e: {  	s7 =	smul.u32 @!p0 $0xF7A, s2;
	p2 =	seq.s32 @!p0 s5, $0x0  }
0x1f: {  	s9 =	smul.u32 $0xF7A, s1;
	s8 =	simm.s32 @!p0 $0x1BF5;
	p2 =	por !p2, p0  }
0x20: {  	[sflag:s8] =	ssyncset.s32 @!p0 $0xFFFFF086;
	s6 =	sadd.s32 @!p0 s3, s7;
	s7 =	simm.s32 @!p0 $0x108  }
0x21: {  	s3 =	sadd.s32 s3, s9;
	s6 =	sadd.s32 @!p0 $0x88, s6;
	s7 =	simm.s32 @p2 $0x1082  }
0x22: {  	[simem:s7], [sflag:s8] =	dma.local @!p0 [hbm:s6], $0xF7A  }
0x23: {  	s9 =	sor.u32 $0xD0000000, s2;
	s6 =	simm.s32 $0x108;
	_ =	swait.ge @!p0 [sflag:s8], $0x0  }
0x24: {  	s3 =	sadd.s32 $0x88, s3;
	s6 =	simm.s32 @!p1 $0x1082;
	[sflag:s4] =	ssyncset.s32 $0xFFFFF086  }
0x25: {  	[simem:s6], [sflag:s4] =	dma.local [hbm:s3], $0xF7A  }
0x26: {  	[smem:$0x3F76] =	sst s1;
	(tag) =	ssettag s2;
	_ =	strace s9  }
0x27: {  	s1 =	sld [smem:$0x3F86]  }
0x28: {  	s2 =	sld [smem:$0x3F87]  }
0x29: {  	s4 =	sld [smem:$0x3F89]  }
0x2a: {  	p0 =	seq.s32 s5, $0x0;
	s5 =	sld [smem:$0x3F8A]  }
0x2b: {  	s6 =	sld [smem:$0x3F8B]  }
0x2c: {  	s7 =	sld [smem:$0x3F8C]  }
0x2d: {  	s3 =	simm.s32 $0x108;
	s8 =	sld [smem:$0x3F8D]  }
0x2e: {  	s3 =	simm.s32 @!p0 $0x1082;
	s9 =	sld [smem:$0x3F8E]  }
0x2f: {  	lr =	sadd.s32 s0, s3;
	s0 =	sld [smem:$0x3F85]  }
0x30: {  	s3 =	sld [smem:$0x3F88]  }
0x31: {  	[smem:$0x3F91] =	sst s10  }
0x32: {  	s10 =	sld [smem:$0x3F8F];
	_ =	sdelay $0x3  }
0x33: {  	p0 =	seq.s32 s10, $0x1;
	s10 =	sld [smem:$0x3F91];
	_ =	sdelay $0x3  }
0x34: {  	[smem:$0x3F91] =	sst s10  }
0x35: {  	s10 =	sld [smem:$0x3F90];
	_ =	sdelay $0x3  }
0x36: {  	p1 =	seq.s32 s10, $0x1;
	s10 =	sld [smem:$0x3F91];
	_ =	sdelay $0x3  }
0x37: {  	[smem:$0x3F91] =	sst s10  }
0x38: {  	s10 =	sld [smem:$0x3F92]  }
0x39: {  	_ = 	snop;
	(pc) =	sbr.ind lr, $3  }
0x3a: {  	_ = 	snop  }
0x3b: {  	_ = 	snop  }
0x3c: {  	p2 =	seq.s32 s10, $0x1;
	s10 =	sld [smem:$0x3F91]  }
0x3d: {  	_ =	shalt  }
0x3e: {  	_ =	shalt  }
0x3f: {  	_ =	shalt  }
0x40: {  	_ =	shalt  }
0x41: {  	_ =	shalt  }
0x42: {  	_ =	shalt  }
0x43: {  	_ =	shalt  }
0x44: {  	_ =	shalt  }
0x45: {  	_ =	shalt  }
0x46: {  	_ =	shalt  }
0x47: {  	_ =	shalt  }
0x48: {  	_ =	shalt  }
0x49: {  	_ =	shalt  }
0x4a: {  	_ =	shalt  }
0x4b: {  	_ =	shalt  }
0x4c: {  	_ =	shalt  }
0x4d: {  	_ =	shalt  }
0x4e: {  	_ =	shalt  }
0x4f: {  	_ =	shalt  }
0x50: {  	_ =	shalt  }
0x51: {  	_ =	shalt  }
0x52: {  	_ =	shalt  }
0x53: {  	_ =	shalt  }
0x54: {  	_ =	shalt  }
0x55: {  	_ =	shalt  }
0x56: {  	_ =	shalt  }
0x57: {  	_ =	shalt  }
0x58: {  	_ =	shalt  }
0x59: {  	_ =	shalt  }
0x5a: {  	_ =	shalt  }
0x5b: {  	_ =	shalt  }
0x5c: {  	_ =	shalt  }
0x5d: {  	_ =	shalt  }
0x5e: {  	_ =	shalt  }
0x5f: {  	_ =	shalt  }
0x60: {  	_ =	shalt  }
0x61: {  	_ =	shalt  }
0x62: {  	_ =	shalt  }
0x63: {  	_ =	shalt  }
0x64: {  	_ =	shalt  }
0x65: {  	_ =	shalt  }
0x66: {  	_ =	shalt  }
0x67: {  	_ =	shalt  }
0x68: {  	_ =	shalt  }
0x69: {  	_ =	shalt  }
0x6a: {  	_ =	shalt  }
0x6b: {  	_ =	shalt  }
0x6c: {  	_ =	shalt  }
0x6d: {  	_ =	shalt  }
0x6e: {  	_ =	shalt  }
0x6f: {  	_ =	shalt  }
0x70: {  	_ =	shalt  }
0x71: {  	_ =	shalt  }
0x72: {  	_ =	shalt  }
0x73: {  	_ =	shalt  }
0x74: {  	_ =	shalt  }
0x75: {  	_ =	shalt  }
0x76: {  	_ =	shalt  }
0x77: {  	_ =	shalt  }
0x78: {  	_ =	shalt  }
0x79: {  	_ =	shalt  }
0x7a: {  	_ =	shalt  }
0x7b: {  	_ =	shalt  }
0x7c: {  	_ =	shalt  }
0x7d: {  	_ =	shalt  }
0x7e: {  	_ =	shalt  }
0x7f: {  	_ =	shalt  }
0x80: {  	_ =	shalt  }
0x81: {  	_ =	shalt  }
0x82: {  	_ =	shalt  }
0x83: {  	_ =	shalt  }
0x84: {  	_ =	shalt  }
0x85: {  	_ =	shalt  }
0x86: {  	_ =	shalt  }
0x87: {  	_ =	shalt  }
.Lfunc_end0:
.L_simem_size_0:
called_computation.1_lowered:
.L_overlay_start_0:
0x88: {  	s2 =	sld [smem:$0x3FD9]  }
0x89: {  	s3 =	sld [smem:$0x3FFE];
	_ =	sdelay $0x1  }
0x8a: {  	s1 =	srdreg.scid  }
0x8b: {  	s0 =	sand.u32 $0x1, s1  }
0x8c: {  	s17 =	sshll.u32 s0, $0xA;
	s2 =	sadd.s32 s3, s2  }
0x8d: {  	s2 =	sadd.s32 s2, s17  }
0x8e: {  	[smem:$0x3F9D] =	sst s2  }
0x8f: {  	_ = 	snop  }
0x90: {  	s2 =	sld [smem:$0x3FD0];
	(tm) =	ssettm $0x1  }
0x91: {  	s18 =	sld [smem:$0x3FFB];
	_ =	sdelay $0x3  }
0x92: {  	_ =	strace s18  }
0x93: {  	s3 =	sld [smem:$0x3FFC];
	_ =	sdelay $0x3  }
0x94: {  	_ =	strace s3  }
0x95: {  	s3 =	sld [smem:$0x3FFD];
	_ =	sdelay $0x3  }
0x96: {  	_ =	strace s3  }
0x97: {  	_ =	strace $0x8FFFFFFF  }
0x98: {  	s19 =	sld [smem:$0x3FDB];
	_ =	sdelay $0x1  }
0x99: {  	s4 =	simm.s32 $_scs_section_size  }
0x9a: {  	s5 =	simm.s32 $_size__tile_overlayer_lowered;
	s6 =	simm.s32 $_tile_overlayer_lowered  }
0x9b: {  	s22 =	simm.s32 $0x1BFF;
	s21 =	sshll.u32 s6, $0x1;
	s3 =	sadd.s32 s4, s19  }
0x9c: {  	s7 =	simm.s32 $0x0;
	s20 =	sshll.u32 s5, $0x1;
	s5 =	sadd.s32 s21, s3  }
0x9d: {  	[timem:s7], [sflag:s22] =	dma.local [hbm:s5], s20  }
0x9e: {  	_ =	swait.ge [sflag:s22], s20  }
0x9f: {  	s4 =	ssub.s32 $0x0, s20;
	[sflag:s22] =	ssyncset.done $0x0  }
0xa0: {  	[sflag:s22] =	ssyncadd.s32 s4;
	_ =	sdelay $0x1  }
0xa1: {  	s23 =	simm.s32 $0x1B8B  }
0xa2: {  	_ =	swait.ge [sflag:s23], $0x1  }
0xa3: {  	[sflag:s23] =	ssyncset.done $0x0  }
0xa4: {  	s25 =	simm.s32 $0x1B8E;
	s24 =	sld [smem:$0x3FFE];
	[sflag:s23] =	ssyncadd.s32 $0xFFFFFFFF  }
0xa5: {  	s26 =	simm.s32 $execute0_lowered;
	[smem:$0x3FD2] =	sst s25  }
0xa6: {  	s5 =	sshll.u32 s26, $0x1;
	_ =	strace $0x80000049;
	[dreg:$0x1] =	wrdreg $0xFFFFFFFF  }
0xa7: {  	s28 =	simm.s32 $_size_execute0_lowered;
	s3 =	sadd.s32 s3, s5;
	[dreg:$0x0] =	wrdreg $0x0  }
0xa8: {  	s5 =	sshll.u32 s28, $0x1;
	[dreg:$0x2] =	wrdreg s3  }
0xa9: {  	[dreg:$0x3] =	wrdreg s5  }
0xaa: {  	[dreg:$0x4] =	wrdreg $0xC0  }
0xab: {  	_ =	task [dreg:s7], $0x5FFFF  }
0xac: {  	[dreg:$0x1] =	wrdreg $0xFFFFFFFF  }
0xad: {  	[dreg:$0x0] =	wrdreg $0x60  }
0xae: {  	[dreg:$0x2] =	wrdreg s24  }
0xaf: {  	[dreg:$0x3] =	wrdreg s2  }
0xb0: {  	[dreg:$0x4] =	wrdreg $0xA8000  }
0xb1: {  	[dreg:$0x5] =	wrdreg $0x9  }
0xb2: {  	_ =	task.clear_ibuf [dreg:s7], $0x6FFFF;
	_ =	strace $0x90000049  }
0xb3: {  	s29 =	simm.s32 $0x9;
	_ =	strace $0x8000004B  }
0xb4: {  	_ =	swait.ge [sflag:s29], $0x1  }
0xb5: {  	[sflag:s29] =	ssyncadd.s32 $0xFFFFFFFF  }
0xb6: {  	_ =	strace $0x9000004B  }
0xb7: {  	_ =	sfence  }
0xb8: {  	s30 =	sld [smem:$0x0];
	_ =	sdelay $0x2  }
0xb9: {  	s31 =	sshll.u32 s1, $0xD;
	s1 =	sshrl.u32 s1, $0x2  }
0xba: {  	s3 =	sand.u32 $0x4000, s31;
	s1 =	sadd.s32 s1, s30  }
0xbb: {  	s0 =	sor.u32 s3, s0;
	s1 =	sshll.u32 s1, $0x11  }
0xbc: {  	s0 =	sor.u32 s1, s0  }
0xbd: {  	s0 =	sadd.s32 $0x8F2B, s0  }
0xbe: {  	[sflag:s0] =	ssyncadd.remote.s32 $0x1  }
0xbf: {  	_ =	sfence.sel $0xFFFF  }
0xc0: {  	[dreg:$0x0] =	wrdreg $0xFFFFFFFF;
	(pc) =	sbr.abs _section_cstart, $3  }
0xc1: {  	[dreg:$0x1] =	wrdreg $0xFFFFFFFF  }
0xc2: {  	_ =	task.clear_ibuf [dreg:s7], $0x2FFFF;
	_ =	strace $0x9FFFFFFF  }
0xc3: {  	(tm) =	ssettm $0x7FFFFFFF  }
tec
execute0_lowered:
.L_overlay_start_1:
0x0: {  	(tag) =	ssettag $0x1  }
0x1: {  	s6 =	rddreg [dreg:$0x0]  }
0x2: {  	s12 =	rddreg [dreg:$0x1]  }
0x3: {  	s1 =	rddreg [dreg:$0x2]  }
0x4: {  	s2 =	srdreg.scid;
	s0 =	rddreg [dreg:$0x3];
	s3 =	simm.s32 $0x0  }
0x5: {  	s17 =	simm.s32 $0x2;
	s18 =	simm.s32 $0x3;
	s19 =	simm.s32 $0x1400  }
0x6: {  	s20 =	simm.s32 $0x80;
	s21 =	simm.s32 $0x6800;
	s22 =	simm.s32 $0x1  }
0x7: {  	s23 =	simm.s32 $0x1380;
	s24 =	simm.s32 $0x2700;
	s5 =	sand.u32 $0x1, s2  }
0x8: {  	s25 =	simm.s32 $0x2780;
	s2 =	stileid.u32;
	s7 =	smul.u32 $0x140000, s5  }
0x9: {  	[smem:$0x7FF] =	sst s3;
	s4 =	sadd.s32 $0x12E00, s6;
	s8 =	smul.u32 $0x14000, s2  }
0xa: {  	s13 =	sadd.s32 $0x8E00, s6;
	s29 =	smul.u32 $0x50000, s2;
	s9 =	sshll.u32 s5, $0x4  }
0xb: {  	_ =	strace $0x8000004A;
	s10 =	ssub.s32 $0x2, s5;
	s9 =	sor.u32 s2, s9  }
0xc: {  	s31 =	sshrl.u32 s10, $0x1;
	s7 =	sadd.s32 s8, s7;
	s30 =	sshrl.u32 s29, $0x2  }
0xd: {  	s9 =	smul.u32 $0x2800, s9;
	s15 =	ssub.s32 s10, s31;
	s7 =	sshrl.u32 s7, $0x3  }
0xe: {  	s5 =	sadd.s32 s30, s1;
	s15 =	smax.u32 s15, $0x1;
	s14 =	sadd.s32 s7, s6  }
0xf: {  	s6 =	sadd.s32 $0x4000, s5;
	s7 =	sadd.s32 $0x8000, s5;
	s11 =	sshrl.u32 s9, $0x3  }
0x10: {  	s8 =	sadd.s32 $0xC000, s5;
	s9 =	sadd.s32 $0x10000, s5;
	s10 =	sadd.s32 s12, s11  }
0x11: {  	s16 =	sadd.s32 $0x280, s11;
	s11 =	sadd.s32 s13, s11;
	s14 =	sadd.s32 $0xB2E00, s14  }
0x12: {  	v0 =	vimm.f32 $0.0e+00;
	s12 =	sadd.s32 s12, s16;
	s13 =	sadd.s32 s13, s16;
	s16 =	simm.s32 $0x2800  }
.LBB2_1:
0x13: {  	s26 =	simm.s32 $0x0;
	s28 =	simm.s32 $0x200  }
.LBB2_2:
0x14: {  	p0 =	sne.s32 s28, $0xFE00;
	[tilespmem:s26+$0x2870] =	vst v0  }
0x15: {  	[tilespmem:s26+$0x2800] =	vst v0  }
0x16: {  	[tilespmem:s26+$0x2810] =	vst v0  }
.Ltmp0:
0x17: {  	[tilespmem:s26+$0x2820] =	vst v0;
	(pc) =	sbr.rel @p0 .LBB2_2-.Ltmp0, $4  }
0x18: {  	[tilespmem:s26+$0x2830] =	vst v0  }
0x19: {  	[tilespmem:s26+$0x2840] =	vst v0  }
0x1a: {  	[tilespmem:s26+$0x2850] =	vst v0  }
0x1b: {  	[tilespmem:s26+$0x2860] =	vst v0;
	s26 =	sshra.s32 s28, $0x2;
	s28 =	sadd.s32 $0x200, s28  }
0x1c: {  	[tilespmem:s26+$0x2870] =	vst v0  }
0x1d: {  	[tilespmem:s26+$0x2800] =	vst v0  }
0x1e: {  	[tilespmem:s26+$0x2810] =	vst v0  }
0x1f: {  	[tilespmem:s26+$0x2820] =	vst v0  }
0x20: {  	[tilespmem:s26+$0x2830] =	vst v0  }
0x21: {  	[tilespmem:s26+$0x2840] =	vst v0  }
0x22: {  	[tilespmem:s26+$0x2850] =	vst v0  }
0x23: {  	[tilespmem:s26+$0x2860] =	vst v0  }
0x24: {  	[spmem:s5] =	stream.linear.scatter [tilespmem:s16], [sflag:$0x2], $0x4000, $0x38;
	[tilespmem:$0x1E800] =	vst v63  }
0x25: {  	_ = 	snop  }
0x26: {  	[spmem:s6] =	stream.linear.scatter [tilespmem:s16], [sflag:$0x2], $0x4000, $0x38;
	[tilespmem:$0x1E800] =	vst v63  }
0x27: {  	_ = 	snop  }
0x28: {  	[spmem:s7] =	stream.linear.scatter [tilespmem:s16], [sflag:$0x2], $0x4000, $0x38;
	[tilespmem:$0x1E800] =	vst v63  }
0x29: {  	_ = 	snop  }
0x2a: {  	[spmem:s8] =	stream.linear.scatter [tilespmem:s16], [sflag:$0x2], $0x4000, $0x38;
	[tilespmem:$0x1E800] =	vst v63  }
0x2b: {  	_ = 	snop  }
0x2c: {  	[spmem:s9] =	stream.linear.scatter [tilespmem:s16], [sflag:$0x2], $0x4000, $0x38;
	[tilespmem:$0x1E800] =	vst v63  }
0x2d: {  	_ =	swait.ge [sflag:s17], $0x4000  }
0x2e: {  	[sflag:s17] =	ssyncset.done $0x0  }
0x2f: {  	[sflag:s17] =	ssyncadd.s32 $0xFFFFC000  }
0x30: {  	_ =	swait.ge [sflag:s17], $0x4000  }
0x31: {  	[sflag:s17] =	ssyncset.done $0x0  }
0x32: {  	[sflag:s17] =	ssyncadd.s32 $0xFFFFC000  }
0x33: {  	_ =	swait.ge [sflag:s17], $0x4000  }
0x34: {  	[sflag:s17] =	ssyncset.done $0x0  }
0x35: {  	[sflag:s17] =	ssyncadd.s32 $0xFFFFC000  }
0x36: {  	_ =	swait.ge [sflag:s17], $0x4000  }
0x37: {  	[sflag:s17] =	ssyncset.done $0x0  }
0x38: {  	[sflag:s17] =	ssyncadd.s32 $0xFFFFC000  }
0x39: {  	_ =	swait.ge [sflag:s17], $0x4000  }
0x3a: {  	[sflag:s17] =	ssyncset.done $0x0  }
0x3b: {  	[sflag:s17] =	ssyncadd.s32 $0xFFFFC000  }
0x3c: {  	s30 =	simm.s32 $0x0;
	[bflag:$0x0] =	sbarrier.arrive $0xFFFF  }
0x3d: {  	[tilespmem:s30], [sflag:$0x3] =	stream.linear.gather [hbm4b:s10+s30], $0x1400, $0x38;
	[tilespmem:$0x1E800] =	vst v63  }
0x3e: {  	_ =	swait.ge [sflag:s18], $0x1400  }
0x3f: {  	[sflag:s18] =	ssyncset.done $0x0  }
0x40: {  	[sflag:s18] =	ssyncadd.s32 $0xFFFFEC00  }
0x41: {  	[tilespmem:s19], [sflag:$0x3] =	stream.linear.gather [hbm4b:s11+s30], $0x1400, $0x38;
	[tilespmem:$0x1E800] =	vst v63  }
0x42: {  	_ =	swait.ge [sflag:s18], $0x1400  }
0x43: {  	[sflag:s18] =	ssyncset.done $0x0  }
0x44: {  	[sflag:s18] =	ssyncadd.s32 $0xFFFFEC00  }
0x45: {  	[tilespmem:s16], [sflag:$0x1] =	stream.indirect.gather [hbm4b:s4+s20], $0x80, s30, s20, $0xb8;
	[tilespmem:$0x1E800] =	vst v63  }
0x46: {  	s31 =	simm.s32 $0x80  }
0x47: {  	[tilespmem:s21], [sflag:$0x2] =	stream.indirect.gather [hbm4b:s4+s20], $0x80, s31, s20, $0xb8;
	[tilespmem:$0x1E800] =	vst v63  }
0x48: {  	_ =	swait.ge [sflag:s22], $0x4000  }
0x49: {  	[sflag:s22] =	ssyncset.done $0x0  }
0x4a: {  	s29 =	simm.s32 $0x1400;
	[sflag:s22] =	ssyncadd.s32 $0xFFFFC000  }
0x4b: {  	[spmem:s1] =	stream.indirect.scatter.add.f32 [tilespmem:s16], [sflag:$0x3], $0x80, s29, s20, $0xb8;
	[tilespmem:$0x1E800] =	vst v63  }
0x4c: {  	_ =	swait.ge [sflag:s18], $0x4000  }
0x4d: {  	[sflag:s18] =	ssyncset.done $0x0  }
0x4e: {  	s30 =	simm.s32 $0x100;
	[sflag:s18] =	ssyncadd.s32 $0xFFFFC000  }
0x4f: {  	[tilespmem:s16], [sflag:$0x1] =	stream.indirect.gather [hbm4b:s4+s20], $0x80, s30, s20, $0xb8;
	[tilespmem:$0x1E800] =	vst v63  }
0x50: {  	_ =	swait.ge [sflag:s17], $0x4000  }
0x51: {  	[sflag:s17] =	ssyncset.done $0x0  }
0x52: {  	s31 =	simm.s32 $0x1480;
	[sflag:s17] =	ssyncadd.s32 $0xFFFFC000  }
0x53: {  	[spmem:s1] =	stream.indirect.scatter.add.f32 [tilespmem:s21], [sflag:$0x3], $0x80, s31, s20, $0xb8;
	[tilespmem:$0x1E800] =	vst v63  }
0x54: {  	_ =	swait.ge [sflag:s18], $0x4000  }
0x55: {  	s28 =	simm.s32 $0x800;
	s26 =	simm.s32 $0x100;
	[sflag:s18] =	ssyncset.done $0x0  }
.LBB2_4:
0x56: {  	s29 =	sadd.s32 $0x80, s26  }
0x57: {  	[sflag:s18] =	ssyncadd.s32 $0xFFFFC000;
	s30 =	smov.u32 s28;
	s31 =	sadd.s32 $0x400, s28  }
0x58: {  	[tilespmem:s21], [sflag:$0x2] =	stream.indirect.gather [hbm4b:s4+s20], $0x80, s29, s20, $0xb8;
	[tilespmem:$0x1E800] =	vst v63  }
0x59: {  	p0 =	sne.s32 s28, $0x4800;
	_ =	swait.ge [sflag:s22], $0x4000  }
0x5a: {  	[sflag:s22] =	ssyncset.done $0x0  }
0x5b: {  	s28 =	sadd.s32 $0x1400, s26;
	[sflag:s22] =	ssyncadd.s32 $0xFFFFC000  }
0x5c: {  	[spmem:s1] =	stream.indirect.scatter.add.f32 [tilespmem:s16], [sflag:$0x3], $0x80, s28, s20, $0xb8;
	[tilespmem:$0x1E800] =	vst v63  }
0x5d: {  	_ =	swait.ge [sflag:s18], $0x4000  }
0x5e: {  	[sflag:s18] =	ssyncset.done $0x0  }
0x5f: {  	s28 =	sadd.s32 $0x100, s26;
	[sflag:s18] =	ssyncadd.s32 $0xFFFFC000  }
0x60: {  	[tilespmem:s16], [sflag:$0x1] =	stream.indirect.gather [hbm4b:s4+s20], $0x80, s28, s20, $0xb8;
	[tilespmem:$0x1E800] =	vst v63  }
0x61: {  	_ =	swait.ge [sflag:s17], $0x4000  }
.Ltmp1:
0x62: {  	[sflag:s17] =	ssyncset.done $0x0;
	(pc) =	sbr.rel @p0 .LBB2_4-.Ltmp1, $4  }
0x63: {  	s26 =	sadd.s32 $0x1480, s26;
	[sflag:s17] =	ssyncadd.s32 $0xFFFFC000  }
0x64: {  	[spmem:s1] =	stream.indirect.scatter.add.f32 [tilespmem:s21], [sflag:$0x3], $0x80, s26, s20, $0xb8;
	[tilespmem:$0x1E800] =	vst v63  }
0x65: {  	_ =	swait.ge [sflag:s18], $0x4000  }
0x66: {  	s28 =	smov.u32 s31;
	s26 =	sshra.s32 s30, $0x2;
	[sflag:s18] =	ssyncset.done $0x0  }
0x67: {  	s28 =	sadd.s32 $0x80, s26;
	[sflag:s18] =	ssyncadd.s32 $0xFFFFC000  }
0x68: {  	[tilespmem:s21], [sflag:$0x2] =	stream.indirect.gather [hbm4b:s4+s20], $0x80, s28, s20, $0xb8;
	[tilespmem:$0x1E800] =	vst v63  }
0x69: {  	_ =	swait.ge [sflag:s22], $0x4000  }
0x6a: {  	[sflag:s22] =	ssyncset.done $0x0  }
0x6b: {  	s28 =	sadd.s32 $0x1400, s26;
	[sflag:s22] =	ssyncadd.s32 $0xFFFFC000  }
0x6c: {  	[spmem:s1] =	stream.indirect.scatter.add.f32 [tilespmem:s16], [sflag:$0x3], $0x80, s28, s20, $0xb8;
	[tilespmem:$0x1E800] =	vst v63  }
0x6d: {  	_ =	swait.ge [sflag:s18], $0x4000  }
0x6e: {  	[sflag:s18] =	ssyncset.done $0x0  }
0x6f: {  	s28 =	sadd.s32 $0x100, s26;
	[sflag:s18] =	ssyncadd.s32 $0xFFFFC000  }
0x70: {  	[tilespmem:s16], [sflag:$0x1] =	stream.indirect.gather [hbm4b:s4+s20], $0x80, s28, s20, $0xb8;
	[tilespmem:$0x1E800] =	vst v63  }
0x71: {  	_ =	swait.ge [sflag:s17], $0x4000  }
0x72: {  	[sflag:s17] =	ssyncset.done $0x0  }
0x73: {  	s29 =	sadd.s32 $0x1480, s26;
	[sflag:s17] =	ssyncadd.s32 $0xFFFFC000  }
0x74: {  	[spmem:s1] =	stream.indirect.scatter.add.f32 [tilespmem:s21], [sflag:$0x3], $0x80, s29, s20, $0xb8;
	[tilespmem:$0x1E800] =	vst v63  }
0x75: {  	_ =	swait.ge [sflag:s18], $0x4000  }
0x76: {  	[sflag:s18] =	ssyncset.done $0x0  }
0x77: {  	[sflag:s18] =	ssyncadd.s32 $0xFFFFC000  }
0x78: {  	[tilespmem:s21], [sflag:$0x2] =	stream.indirect.gather [hbm4b:s4+s20], $0x80, s23, s20, $0xb8;
	[tilespmem:$0x1E800] =	vst v63  }
0x79: {  	_ =	swait.ge [sflag:s22], $0x4000  }
0x7a: {  	[sflag:s22] =	ssyncset.done $0x0  }
0x7b: {  	[sflag:s22] =	ssyncadd.s32 $0xFFFFC000  }
0x7c: {  	[spmem:s1] =	stream.indirect.scatter.add.f32 [tilespmem:s16], [sflag:$0x3], $0x80, s24, s20, $0xb8;
	[tilespmem:$0x1E800] =	vst v63  }
0x7d: {  	_ =	swait.ge [sflag:s18], $0x4000  }
0x7e: {  	[sflag:s18] =	ssyncset.done $0x0  }
0x7f: {  	[sflag:s18] =	ssyncadd.s32 $0xFFFFC000  }
0x80: {  	_ =	swait.ge [sflag:s17], $0x4000  }
0x81: {  	[sflag:s17] =	ssyncset.done $0x0  }
0x82: {  	[sflag:s17] =	ssyncadd.s32 $0xFFFFC000  }
0x83: {  	[spmem:s1] =	stream.indirect.scatter.add.f32 [tilespmem:s21], [sflag:$0x3], $0x80, s25, s20, $0xb8;
	[tilespmem:$0x1E800] =	vst v63  }
0x84: {  	_ =	swait.ge [sflag:s18], $0x4000  }
0x85: {  	[sflag:s18] =	ssyncset.done $0x0  }
0x86: {  	s30 =	simm.s32 $0x0;
	[sflag:s18] =	ssyncadd.s32 $0xFFFFC000  }
0x87: {  	[tilespmem:s30], [sflag:$0x3] =	stream.linear.gather [hbm4b:s12+s30], $0x1400, $0x38;
	[tilespmem:$0x1E800] =	vst v63  }
0x88: {  	_ =	swait.ge [sflag:s18], $0x1400  }
0x89: {  	[sflag:s18] =	ssyncset.done $0x0  }
0x8a: {  	[sflag:s18] =	ssyncadd.s32 $0xFFFFEC00  }
0x8b: {  	[tilespmem:s19], [sflag:$0x3] =	stream.linear.gather [hbm4b:s13+s30], $0x1400, $0x38;
	[tilespmem:$0x1E800] =	vst v63  }
0x8c: {  	_ =	swait.ge [sflag:s18], $0x1400  }
0x8d: {  	[sflag:s18] =	ssyncset.done $0x0  }
0x8e: {  	[sflag:s18] =	ssyncadd.s32 $0xFFFFEC00  }
0x8f: {  	[tilespmem:s16], [sflag:$0x1] =	stream.indirect.gather [hbm4b:s4+s20], $0x80, s30, s20, $0xb8;
	[tilespmem:$0x1E800] =	vst v63  }
0x90: {  	s31 =	simm.s32 $0x80  }
0x91: {  	[tilespmem:s21], [sflag:$0x2] =	stream.indirect.gather [hbm4b:s4+s20], $0x80, s31, s20, $0xb8;
	[tilespmem:$0x1E800] =	vst v63  }
0x92: {  	_ =	swait.ge [sflag:s22], $0x4000  }
0x93: {  	[sflag:s22] =	ssyncset.done $0x0  }
0x94: {  	s29 =	simm.s32 $0x1400;
	[sflag:s22] =	ssyncadd.s32 $0xFFFFC000  }
0x95: {  	[spmem:s1] =	stream.indirect.scatter.add.f32 [tilespmem:s16], [sflag:$0x3], $0x80, s29, s20, $0xb8;
	[tilespmem:$0x1E800] =	vst v63  }
0x96: {  	_ =	swait.ge [sflag:s18], $0x4000  }
0x97: {  	[sflag:s18] =	ssyncset.done $0x0  }
0x98: {  	s30 =	simm.s32 $0x100;
	[sflag:s18] =	ssyncadd.s32 $0xFFFFC000  }
0x99: {  	[tilespmem:s16], [sflag:$0x1] =	stream.indirect.gather [hbm4b:s4+s20], $0x80, s30, s20, $0xb8;
	[tilespmem:$0x1E800] =	vst v63  }
0x9a: {  	_ =	swait.ge [sflag:s17], $0x4000  }
0x9b: {  	[sflag:s17] =	ssyncset.done $0x0  }
0x9c: {  	s31 =	simm.s32 $0x1480;
	[sflag:s17] =	ssyncadd.s32 $0xFFFFC000  }
0x9d: {  	[spmem:s1] =	stream.indirect.scatter.add.f32 [tilespmem:s21], [sflag:$0x3], $0x80, s31, s20, $0xb8;
	[tilespmem:$0x1E800] =	vst v63  }
0x9e: {  	_ =	swait.ge [sflag:s18], $0x4000  }
0x9f: {  	s26 =	simm.s32 $0x100;
	s28 =	simm.s32 $0x800;
	[sflag:s18] =	ssyncset.done $0x0  }
.LBB2_6:
0xa0: {  	s29 =	sadd.s32 $0x80, s26  }
0xa1: {  	[sflag:s18] =	ssyncadd.s32 $0xFFFFC000;
	s30 =	smov.u32 s28;
	s31 =	sadd.s32 $0x400, s28  }
0xa2: {  	[tilespmem:s21], [sflag:$0x2] =	stream.indirect.gather [hbm4b:s4+s20], $0x80, s29, s20, $0xb8;
	[tilespmem:$0x1E800] =	vst v63  }
0xa3: {  	p0 =	sne.s32 s28, $0x4800;
	_ =	swait.ge [sflag:s22], $0x4000  }
0xa4: {  	[sflag:s22] =	ssyncset.done $0x0  }
0xa5: {  	s28 =	sadd.s32 $0x1400, s26;
	[sflag:s22] =	ssyncadd.s32 $0xFFFFC000  }
0xa6: {  	[spmem:s1] =	stream.indirect.scatter.add.f32 [tilespmem:s16], [sflag:$0x3], $0x80, s28, s20, $0xb8;
	[tilespmem:$0x1E800] =	vst v63  }
0xa7: {  	_ =	swait.ge [sflag:s18], $0x4000  }
0xa8: {  	[sflag:s18] =	ssyncset.done $0x0  }
0xa9: {  	s28 =	sadd.s32 $0x100, s26;
	[sflag:s18] =	ssyncadd.s32 $0xFFFFC000  }
0xaa: {  	[tilespmem:s16], [sflag:$0x1] =	stream.indirect.gather [hbm4b:s4+s20], $0x80, s28, s20, $0xb8;
	[tilespmem:$0x1E800] =	vst v63  }
0xab: {  	_ =	swait.ge [sflag:s17], $0x4000  }
.Ltmp2:
0xac: {  	[sflag:s17] =	ssyncset.done $0x0;
	(pc) =	sbr.rel @p0 .LBB2_6-.Ltmp2, $4  }
0xad: {  	s26 =	sadd.s32 $0x1480, s26;
	[sflag:s17] =	ssyncadd.s32 $0xFFFFC000  }
0xae: {  	[spmem:s1] =	stream.indirect.scatter.add.f32 [tilespmem:s21], [sflag:$0x3], $0x80, s26, s20, $0xb8;
	[tilespmem:$0x1E800] =	vst v63  }
0xaf: {  	_ =	swait.ge [sflag:s18], $0x4000  }
0xb0: {  	s28 =	smov.u32 s31;
	s26 =	sshra.s32 s30, $0x2;
	[sflag:s18] =	ssyncset.done $0x0  }
0xb1: {  	s28 =	sadd.s32 $0x80, s26;
	[sflag:s18] =	ssyncadd.s32 $0xFFFFC000  }
0xb2: {  	[tilespmem:s21], [sflag:$0x2] =	stream.indirect.gather [hbm4b:s4+s20], $0x80, s28, s20, $0xb8;
	[tilespmem:$0x1E800] =	vst v63  }
0xb3: {  	_ =	swait.ge [sflag:s22], $0x4000  }
0xb4: {  	[sflag:s22] =	ssyncset.done $0x0  }
0xb5: {  	s30 =	sadd.s32 $0x1400, s26;
	[sflag:s22] =	ssyncadd.s32 $0xFFFFC000  }
0xb6: {  	[spmem:s1] =	stream.indirect.scatter.add.f32 [tilespmem:s16], [sflag:$0x3], $0x80, s30, s20, $0xb8;
	[tilespmem:$0x1E800] =	vst v63  }
0xb7: {  	_ =	swait.ge [sflag:s18], $0x4000  }
0xb8: {  	[sflag:s18] =	ssyncset.done $0x0  }
0xb9: {  	s31 =	sadd.s32 $0x100, s26;
	[sflag:s18] =	ssyncadd.s32 $0xFFFFC000  }
0xba: {  	[tilespmem:s16], [sflag:$0x1] =	stream.indirect.gather [hbm4b:s4+s20], $0x80, s31, s20, $0xb8;
	[tilespmem:$0x1E800] =	vst v63  }
0xbb: {  	_ =	swait.ge [sflag:s17], $0x4000  }
0xbc: {  	[sflag:s17] =	ssyncset.done $0x0  }
0xbd: {  	s29 =	sadd.s32 $0x1480, s26;
	[sflag:s17] =	ssyncadd.s32 $0xFFFFC000  }
0xbe: {  	[spmem:s1] =	stream.indirect.scatter.add.f32 [tilespmem:s21], [sflag:$0x3], $0x80, s29, s20, $0xb8;
	[tilespmem:$0x1E800] =	vst v63  }
0xbf: {  	_ =	swait.ge [sflag:s18], $0x4000  }
0xc0: {  	[sflag:s18] =	ssyncset.done $0x0  }
0xc1: {  	[sflag:s18] =	ssyncadd.s32 $0xFFFFC000  }
0xc2: {  	[tilespmem:s21], [sflag:$0x2] =	stream.indirect.gather [hbm4b:s4+s20], $0x80, s23, s20, $0xb8;
	[tilespmem:$0x1E800] =	vst v63  }
0xc3: {  	_ =	swait.ge [sflag:s22], $0x4000  }
0xc4: {  	[sflag:s22] =	ssyncset.done $0x0  }
0xc5: {  	[sflag:s22] =	ssyncadd.s32 $0xFFFFC000  }
0xc6: {  	[spmem:s1] =	stream.indirect.scatter.add.f32 [tilespmem:s16], [sflag:$0x3], $0x80, s24, s20, $0xb8;
	[tilespmem:$0x1E800] =	vst v63  }
0xc7: {  	_ =	swait.ge [sflag:s18], $0x4000  }
0xc8: {  	[sflag:s18] =	ssyncset.done $0x0  }
0xc9: {  	[sflag:s18] =	ssyncadd.s32 $0xFFFFC000  }
0xca: {  	_ =	swait.ge [sflag:s17], $0x4000  }
0xcb: {  	[sflag:s17] =	ssyncset.done $0x0  }
0xcc: {  	[sflag:s17] =	ssyncadd.s32 $0xFFFFC000  }
0xcd: {  	[spmem:s1] =	stream.indirect.scatter.add.f32 [tilespmem:s21], [sflag:$0x3], $0x80, s25, s20, $0xb8;
	[tilespmem:$0x1E800] =	vst v63  }
0xce: {  	_ =	swait.ge [sflag:s18], $0x4000  }
0xcf: {  	s3 =	sadd.s32 $0x1, s3;
	s30 =	sshll.u32 s2, $0x6;
	[sflag:s18] =	ssyncset.done $0x0  }
0xd0: {  	p0 =	sne.s32 s3, s15;
	s26 =	sor.u32 $0x1C03, s30;
	[sflag:s18] =	ssyncadd.s32 $0xFFFFC000  }
.Ltmp3:
0xd1: {  	s31 =	sshrl.u32 s5, $0x3;
	[bflag:$0x0] =	sbarrier.arrive $0xFFFF;
	(pc) =	sbr.rel @p0 .LBB2_1-.Ltmp3, $4  }
0xd2: {  	[hbm:s14], [sflag:s26] =	dma.local [spmem:s31], $0x2800  }
0xd3: {  	_ =	swait.ge [sflag:s18], $0x2800  }
0xd4: {  	[sflag:s18] =	ssyncset.done $0x0  }
0xd5: {  	[sflag:s18] =	ssyncadd.s32 $0xFFFFD800  }
0xd6: {  	_ =	sfence.sel $0x180000  }
0xd7: {  	[bflag:$0x0] =	sbarrier.arrive $0xFFFF  }
0xd8: {  	p0 =	sne.s32 s2, $0x0;
	_ =	strace $0x9000004A  }
0xd9: {  	s0 =	sadd.s32 @!p0 $0x100000, s0;
	[bflag:$0x2] =	sbarrier.arrive $0xFFFF  }
0xda: {  	[sflag:s0] =	ssyncadd.tile.s32 @!p0 $0x1;
	_ =	shalt  }
.Lfunc_end2:
_tile_overlayer_lowered:
.L_overlay_start_2:
0xdb: {  	(tag) =	ssettag $0x2  }
0xdc: {  	s0 =	rddreg [dreg:$0x0];
	s2 =	stileid.u32  }
0xdd: {  	s1 =	rddreg [dreg:$0x1];
	p0 =	sne.s32 s2, $0x0  }
0xde: {  	s3 =	rddreg [dreg:$0x2];
	[bflag:$0x3] =	sbarrier.arrive $0xFFFF;
	s2 =	simm.s32 @!p0 $0x1C03  }
0xdf: {  	[timem:s3], [sflag:s2] =	dma.local @!p0 [hbm:s0], s1  }
0xe0: {  	s0 =	simm.s32 @!p0 $0x3  }
0xe1: {  	_ =	swait.ge @!p0 [sflag:s0], s1  }
0xe2: {  	s1 =	ssub.s32 @!p0 $0x0, s1;
	[sflag:s0] =	ssyncset.done @!p0 $0x0  }
0xe3: {  	[sflag:s0] =	ssyncadd.s32 @!p0 s1  }
0xe4: {  	[bflag:$0x3] =	sbarrier.arrive $0xFFFF  }
0xe5: {  	_ =	shalt  }

// kernel: kernel.19.cloned.1.call-start
scs
__scs_entry_jumppad:
0x0: {  	(pc) =	sbr.rel $0x88, $3  }
0x1: {  	(tag) =	ssettag $0x0;
	lr =	simm.s32 $0x1  }
0x2: {  	[smem:$0x3F76] =	sst lr;
	_ =	strace $0xD0000000  }
0x3: {  	_ = 	snop  }
0x4: {  	_ = 	snop  }
0x5: {  	_ = 	snop  }
0x6: {  	_ = 	snop  }
0x7: {  	_ = 	snop  }
__scs_overlays_trampoline_lowered:
0x8: {  	[smem:$0x3F85] =	sst s0  }
0x9: {  	[smem:$0x3F86] =	sst s1  }
0xa: {  	[smem:$0x3F87] =	sst s2  }
0xb: {  	[smem:$0x3F88] =	sst s3  }
0xc: {  	[smem:$0x3F89] =	sst s4  }
0xd: {  	[smem:$0x3F8A] =	sst s5  }
0xe: {  	[smem:$0x3F8B] =	sst s6  }
0xf: {  	[smem:$0x3F8C] =	sst s7  }
0x10: {  	[smem:$0x3F8D] =	sst s8  }
0x11: {  	[smem:$0x3F8E] =	sst s9;
	s0 =	simm.s32 @!p0 $0x0  }
0x12: {  	s1 =	sld [smem:$0x3F74];
	s0 =	simm.s32 @p0 $0x1  }
0x13: {  	[smem:$0x3F8F] =	sst s0;
	s0 =	simm.s32 @!p1 $0x0  }
0x14: {  	s2 =	sld [smem:$0x3F73];
	s0 =	simm.s32 @p1 $0x1  }
0x15: {  	[smem:$0x3F90] =	sst s0;
	s0 =	simm.s32 @!p2 $0x0  }
0x16: {  	s3 =	sld [smem:$0x3FDB];
	s0 =	simm.s32 @p2 $0x1  }
0x17: {  	s4 =	simm.s32 $0x1BF5;
	[smem:$0x3F92] =	sst s0  }
0x18: {  	s0 =	sld [smem:$0x3F75];
	_ =	swait.ge [sflag:s4], $0x0  }
0x19: {  	s7 =	sld [smem:$0x3F76]  }
0x1a: {  	s8 =	sadd.s32 $0xFFFFE003, lr  }
0x1b: {  	s9 =	sadd.s32 $0xFFFFFEF7, lr;
	s5 =	simm.s32 $0xFFFFFFFF;
	p2 =	slt.u32 s8, $0xFFFFF086  }
0x1c: {  	p1 =	slt.u32 s9, $0xF7A;
	s5 =	simm.s32 @!p2 $0x0  }
0x1d: {  	s5 =	simm.s32 @p1 $0x1;
	p0 =	seq.s32 s7, s2  }
0x1e: {  	s7 =	smul.u32 @!p0 $0xF7A, s2;
	p2 =	seq.s32 @!p0 s5, $0x0  }
0x1f: {  	s9 =	smul.u32 $0xF7A, s1;
	s8 =	simm.s32 @!p0 $0x1BF5;
	p2 =	por !p2, p0  }
0x20: {  	[sflag:s8] =	ssyncset.s32 @!p0 $0xFFFFF086;
	s6 =	sadd.s32 @!p0 s3, s7;
	s7 =	simm.s32 @!p0 $0x108  }
0x21: {  	s3 =	sadd.s32 s3, s9;
	s6 =	sadd.s32 @!p0 $0x88, s6;
	s7 =	simm.s32 @p2 $0x1082  }
0x22: {  	[simem:s7], [sflag:s8] =	dma.local @!p0 [hbm:s6], $0xF7A  }
0x23: {  	s9 =	sor.u32 $0xD0000000, s2;
	s6 =	simm.s32 $0x108;
	_ =	swait.ge @!p0 [sflag:s8], $0x0  }
0x24: {  	s3 =	sadd.s32 $0x88, s3;
	s6 =	simm.s32 @!p1 $0x1082;
	[sflag:s4] =	ssyncset.s32 $0xFFFFF086  }
0x25: {  	[simem:s6], [sflag:s4] =	dma.local [hbm:s3], $0xF7A  }
0x26: {  	[smem:$0x3F76] =	sst s1;
	(tag) =	ssettag s2;
	_ =	strace s9  }
0x27: {  	s1 =	sld [smem:$0x3F86]  }
0x28: {  	s2 =	sld [smem:$0x3F87]  }
0x29: {  	s4 =	sld [smem:$0x3F89]  }
0x2a: {  	p0 =	seq.s32 s5, $0x0;
	s5 =	sld [smem:$0x3F8A]  }
0x2b: {  	s6 =	sld [smem:$0x3F8B]  }
0x2c: {  	s7 =	sld [smem:$0x3F8C]  }
0x2d: {  	s3 =	simm.s32 $0x108;
	s8 =	sld [smem:$0x3F8D]  }
0x2e: {  	s3 =	simm.s32 @!p0 $0x1082;
	s9 =	sld [smem:$0x3F8E]  }
0x2f: {  	lr =	sadd.s32 s0, s3;
	s0 =	sld [smem:$0x3F85]  }
0x30: {  	s3 =	sld [smem:$0x3F88]  }
0x31: {  	[smem:$0x3F91] =	sst s10  }
0x32: {  	s10 =	sld [smem:$0x3F8F];
	_ =	sdelay $0x3  }
0x33: {  	p0 =	seq.s32 s10, $0x1;
	s10 =	sld [smem:$0x3F91];
	_ =	sdelay $0x3  }
0x34: {  	[smem:$0x3F91] =	sst s10  }
0x35: {  	s10 =	sld [smem:$0x3F90];
	_ =	sdelay $0x3  }
0x36: {  	p1 =	seq.s32 s10, $0x1;
	s10 =	sld [smem:$0x3F91];
	_ =	sdelay $0x3  }
0x37: {  	[smem:$0x3F91] =	sst s10  }
0x38: {  	s10 =	sld [smem:$0x3F92]  }
0x39: {  	_ = 	snop;
	(pc) =	sbr.ind lr, $3  }
0x3a: {  	_ = 	snop  }
0x3b: {  	_ = 	snop  }
0x3c: {  	p2 =	seq.s32 s10, $0x1;
	s10 =	sld [smem:$0x3F91]  }
0x3d: {  	_ =	shalt  }
0x3e: {  	_ =	shalt  }
0x3f: {  	_ =	shalt  }
0x40: {  	_ =	shalt  }
0x41: {  	_ =	shalt  }
0x42: {  	_ =	shalt  }
0x43: {  	_ =	shalt  }
0x44: {  	_ =	shalt  }
0x45: {  	_ =	shalt  }
0x46: {  	_ =	shalt  }
0x47: {  	_ =	shalt  }
0x48: {  	_ =	shalt  }
0x49: {  	_ =	shalt  }
0x4a: {  	_ =	shalt  }
0x4b: {  	_ =	shalt  }
0x4c: {  	_ =	shalt  }
0x4d: {  	_ =	shalt  }
0x4e: {  	_ =	shalt  }
0x4f: {  	_ =	shalt  }
0x50: {  	_ =	shalt  }
0x51: {  	_ =	shalt  }
0x52: {  	_ =	shalt  }
0x53: {  	_ =	shalt  }
0x54: {  	_ =	shalt  }
0x55: {  	_ =	shalt  }
0x56: {  	_ =	shalt  }
0x57: {  	_ =	shalt  }
0x58: {  	_ =	shalt  }
0x59: {  	_ =	shalt  }
0x5a: {  	_ =	shalt  }
0x5b: {  	_ =	shalt  }
0x5c: {  	_ =	shalt  }
0x5d: {  	_ =	shalt  }
0x5e: {  	_ =	shalt  }
0x5f: {  	_ =	shalt  }
0x60: {  	_ =	shalt  }
0x61: {  	_ =	shalt  }
0x62: {  	_ =	shalt  }
0x63: {  	_ =	shalt  }
0x64: {  	_ =	shalt  }
0x65: {  	_ =	shalt  }
0x66: {  	_ =	shalt  }
0x67: {  	_ =	shalt  }
0x68: {  	_ =	shalt  }
0x69: {  	_ =	shalt  }
0x6a: {  	_ =	shalt  }
0x6b: {  	_ =	shalt  }
0x6c: {  	_ =	shalt  }
0x6d: {  	_ =	shalt  }
0x6e: {  	_ =	shalt  }
0x6f: {  	_ =	shalt  }
0x70: {  	_ =	shalt  }
0x71: {  	_ =	shalt  }
0x72: {  	_ =	shalt  }
0x73: {  	_ =	shalt  }
0x74: {  	_ =	shalt  }
0x75: {  	_ =	shalt  }
0x76: {  	_ =	shalt  }
0x77: {  	_ =	shalt  }
0x78: {  	_ =	shalt  }
0x79: {  	_ =	shalt  }
0x7a: {  	_ =	shalt  }
0x7b: {  	_ =	shalt  }
0x7c: {  	_ =	shalt  }
0x7d: {  	_ =	shalt  }
0x7e: {  	_ =	shalt  }
0x7f: {  	_ =	shalt  }
0x80: {  	_ =	shalt  }
0x81: {  	_ =	shalt  }
0x82: {  	_ =	shalt  }
0x83: {  	_ =	shalt  }
0x84: {  	_ =	shalt  }
0x85: {  	_ =	shalt  }
0x86: {  	_ =	shalt  }
0x87: {  	_ =	shalt  }
.Lfunc_end0:
.L_simem_size_0:
called_computation.2_lowered:
.L_overlay_start_0:
0x88: {  	s2 =	sld [smem:$0x3FD9]  }
0x89: {  	s3 =	sld [smem:$0x3FFE];
	_ =	sdelay $0x1  }
0x8a: {  	s1 =	srdreg.scid  }
0x8b: {  	s0 =	sand.u32 $0x1, s1  }
0x8c: {  	s17 =	sshll.u32 s0, $0xA;
	s2 =	sadd.s32 s3, s2  }
0x8d: {  	s2 =	sadd.s32 s2, s17  }
0x8e: {  	[smem:$0x3F9D] =	sst s2  }
0x8f: {  	_ = 	snop  }
0x90: {  	s2 =	sld [smem:$0x3FD0];
	(tm) =	ssettm $0x1  }
0x91: {  	s18 =	sld [smem:$0x3FFB];
	_ =	sdelay $0x3  }
0x92: {  	_ =	strace s18  }
0x93: {  	s3 =	sld [smem:$0x3FFC];
	_ =	sdelay $0x3  }
0x94: {  	_ =	strace s3  }
0x95: {  	s3 =	sld [smem:$0x3FFD];
	_ =	sdelay $0x3  }
0x96: {  	_ =	strace s3  }
0x97: {  	_ =	strace $0x8FFFFFFF  }
0x98: {  	s19 =	sld [smem:$0x3FDB];
	_ =	sdelay $0x1  }
0x99: {  	s4 =	simm.s32 $_scs_section_size  }
0x9a: {  	s5 =	simm.s32 $_size__tile_overlayer_lowered;
	s6 =	simm.s32 $_tile_overlayer_lowered  }
0x9b: {  	s22 =	simm.s32 $0x1BFF;
	s21 =	sshll.u32 s6, $0x1;
	s3 =	sadd.s32 s4, s19  }
0x9c: {  	s7 =	simm.s32 $0x0;
	s20 =	sshll.u32 s5, $0x1;
	s5 =	sadd.s32 s21, s3  }
0x9d: {  	[timem:s7], [sflag:s22] =	dma.local [hbm:s5], s20  }
0x9e: {  	_ =	swait.ge [sflag:s22], s20  }
0x9f: {  	s4 =	ssub.s32 $0x0, s20;
	[sflag:s22] =	ssyncset.done $0x0  }
0xa0: {  	[sflag:s22] =	ssyncadd.s32 s4;
	_ =	sdelay $0x1  }
0xa1: {  	s23 =	simm.s32 $0x1B8B  }
0xa2: {  	_ =	swait.ge [sflag:s23], $0x1  }
0xa3: {  	[sflag:s23] =	ssyncset.done $0x0  }
0xa4: {  	s25 =	simm.s32 $0x1B8E;
	s24 =	sld [smem:$0x3FFE];
	[sflag:s23] =	ssyncadd.s32 $0xFFFFFFFF  }
0xa5: {  	s26 =	simm.s32 $execute0_lowered;
	[smem:$0x3FD2] =	sst s25  }
0xa6: {  	s5 =	sshll.u32 s26, $0x1;
	_ =	strace $0x8000004C;
	[dreg:$0x1] =	wrdreg $0xFFFFFFFF  }
0xa7: {  	s28 =	simm.s32 $_size_execute0_lowered;
	s3 =	sadd.s32 s3, s5;
	[dreg:$0x0] =	wrdreg $0x0  }
0xa8: {  	s5 =	sshll.u32 s28, $0x1;
	[dreg:$0x2] =	wrdreg s3  }
0xa9: {  	[dreg:$0x3] =	wrdreg s5  }
0xaa: {  	[dreg:$0x4] =	wrdreg $0xC0  }
0xab: {  	_ =	task [dreg:s7], $0x5FFFF  }
0xac: {  	[dreg:$0x1] =	wrdreg $0xFFFFFFFF  }
0xad: {  	[dreg:$0x0] =	wrdreg $0x60  }
0xae: {  	[dreg:$0x2] =	wrdreg s24  }
0xaf: {  	[dreg:$0x3] =	wrdreg s2  }
0xb0: {  	[dreg:$0x4] =	wrdreg $0xA8000  }
0xb1: {  	[dreg:$0x5] =	wrdreg $0x9  }
0xb2: {  	_ =	task.clear_ibuf [dreg:s7], $0x6FFFF;
	_ =	strace $0x9000004C  }
0xb3: {  	s29 =	simm.s32 $0x9;
	_ =	strace $0x8000004E  }
0xb4: {  	_ =	swait.ge [sflag:s29], $0x1  }
0xb5: {  	[sflag:s29] =	ssyncadd.s32 $0xFFFFFFFF  }
0xb6: {  	_ =	strace $0x9000004E  }
0xb7: {  	_ =	sfence  }
0xb8: {  	s30 =	sld [smem:$0x0];
	_ =	sdelay $0x2  }
0xb9: {  	s31 =	sshll.u32 s1, $0xD;
	s1 =	sshrl.u32 s1, $0x2  }
0xba: {  	s3 =	sand.u32 $0x4000, s31;
	s1 =	sadd.s32 s1, s30  }
0xbb: {  	s0 =	sor.u32 s3, s0;
	s1 =	sshll.u32 s1, $0x11  }
0xbc: {  	s0 =	sor.u32 s1, s0  }
0xbd: {  	s0 =	sadd.s32 $0x8F2B, s0  }
0xbe: {  	[sflag:s0] =	ssyncadd.remote.s32 $0x1  }
0xbf: {  	_ =	sfence.sel $0xFFFF  }
0xc0: {  	[dreg:$0x0] =	wrdreg $0xFFFFFFFF;
	(pc) =	sbr.abs _section_cstart, $3  }
0xc1: {  	[dreg:$0x1] =	wrdreg $0xFFFFFFFF  }
0xc2: {  	_ =	task.clear_ibuf [dreg:s7], $0x2FFFF;
	_ =	strace $0x9FFFFFFF  }
0xc3: {  	(tm) =	ssettm $0x7FFFFFFF  }
tec
execute0_lowered:
.L_overlay_start_1:
0x0: {  	(tag) =	ssettag $0x1  }
0x1: {  	s6 =	rddreg [dreg:$0x0]  }
0x2: {  	s12 =	rddreg [dreg:$0x1]  }
0x3: {  	s1 =	rddreg [dreg:$0x2]  }
0x4: {  	s2 =	srdreg.scid;
	s0 =	rddreg [dreg:$0x3];
	s3 =	simm.s32 $0x0  }
0x5: {  	s17 =	simm.s32 $0x2;
	s18 =	simm.s32 $0x3;
	s19 =	simm.s32 $0x1400  }
0x6: {  	s20 =	simm.s32 $0x80;
	s21 =	simm.s32 $0x6800;
	s22 =	simm.s32 $0x1  }
0x7: {  	s23 =	simm.s32 $0x1380;
	s24 =	simm.s32 $0x2700;
	s5 =	sand.u32 $0x1, s2  }
0x8: {  	s25 =	simm.s32 $0x2780;
	s2 =	stileid.u32;
	s7 =	smul.u32 $0x140000, s5  }
0x9: {  	[smem:$0x7FF] =	sst s3;
	s4 =	sadd.s32 $0x12E00, s6;
	s8 =	smul.u32 $0x14000, s2  }
0xa: {  	s13 =	sadd.s32 $0x8E00, s6;
	s29 =	smul.u32 $0x50000, s2;
	s9 =	sshll.u32 s5, $0x4  }
0xb: {  	_ =	strace $0x8000004D;
	s10 =	ssub.s32 $0x2, s5;
	s9 =	sor.u32 s2, s9  }
0xc: {  	s31 =	sshrl.u32 s10, $0x1;
	s7 =	sadd.s32 s8, s7;
	s30 =	sshrl.u32 s29, $0x2  }
0xd: {  	s9 =	smul.u32 $0x2800, s9;
	s15 =	ssub.s32 s10, s31;
	s7 =	sshrl.u32 s7, $0x3  }
0xe: {  	s5 =	sadd.s32 s30, s1;
	s15 =	smax.u32 s15, $0x1;
	s14 =	sadd.s32 s7, s6  }
0xf: {  	s6 =	sadd.s32 $0x4000, s5;
	s7 =	sadd.s32 $0x8000, s5;
	s11 =	sshrl.u32 s9, $0x3  }
0x10: {  	s8 =	sadd.s32 $0xC000, s5;
	s9 =	sadd.s32 $0x10000, s5;
	s10 =	sadd.s32 s12, s11  }
0x11: {  	s16 =	sadd.s32 $0x280, s11;
	s11 =	sadd.s32 s13, s11;
	s14 =	sadd.s32 $0xB2E00, s14  }
0x12: {  	v0 =	vimm.f32 $0.0e+00;
	s12 =	sadd.s32 s12, s16;
	s13 =	sadd.s32 s13, s16;
	s16 =	simm.s32 $0x2800  }
.LBB2_1:
0x13: {  	s26 =	simm.s32 $0x0;
	s28 =	simm.s32 $0x200  }
.LBB2_2:
0x14: {  	p0 =	sne.s32 s28, $0xFE00;
	[tilespmem:s26+$0x2870] =	vst v0  }
0x15: {  	[tilespmem:s26+$0x2800] =	vst v0  }
0x16: {  	[tilespmem:s26+$0x2810] =	vst v0  }
.Ltmp0:
0x17: {  	[tilespmem:s26+$0x2820] =	vst v0;
	(pc) =	sbr.rel @p0 .LBB2_2-.Ltmp0, $4  }
0x18: {  	[tilespmem:s26+$0x2830] =	vst v0  }
0x19: {  	[tilespmem:s26+$0x2840] =	vst v0  }
0x1a: {  	[tilespmem:s26+$0x2850] =	vst v0  }
0x1b: {  	[tilespmem:s26+$0x2860] =	vst v0;
	s26 =	sshra.s32 s28, $0x2;
	s28 =	sadd.s32 $0x200, s28  }
0x1c: {  	[tilespmem:s26+$0x2870] =	vst v0  }
0x1d: {  	[tilespmem:s26+$0x2800] =	vst v0  }
0x1e: {  	[tilespmem:s26+$0x2810] =	vst v0  }
0x1f: {  	[tilespmem:s26+$0x2820] =	vst v0  }
0x20: {  	[tilespmem:s26+$0x2830] =	vst v0  }
0x21: {  	[tilespmem:s26+$0x2840] =	vst v0  }
0x22: {  	[tilespmem:s26+$0x2850] =	vst v0  }
0x23: {  	[tilespmem:s26+$0x2860] =	vst v0  }
0x24: {  	[spmem:s5] =	stream.linear.scatter [tilespmem:s16], [sflag:$0x2], $0x4000, $0x38;
	[tilespmem:$0x1E800] =	vst v63  }
0x25: {  	_ = 	snop  }
0x26: {  	[spmem:s6] =	stream.linear.scatter [tilespmem:s16], [sflag:$0x2], $0x4000, $0x38;
	[tilespmem:$0x1E800] =	vst v63  }
0x27: {  	_ = 	snop  }
0x28: {  	[spmem:s7] =	stream.linear.scatter [tilespmem:s16], [sflag:$0x2], $0x4000, $0x38;
	[tilespmem:$0x1E800] =	vst v63  }
0x29: {  	_ = 	snop  }
0x2a: {  	[spmem:s8] =	stream.linear.scatter [tilespmem:s16], [sflag:$0x2], $0x4000, $0x38;
	[tilespmem:$0x1E800] =	vst v63  }
0x2b: {  	_ = 	snop  }
0x2c: {  	[spmem:s9] =	stream.linear.scatter [tilespmem:s16], [sflag:$0x2], $0x4000, $0x38;
	[tilespmem:$0x1E800] =	vst v63  }
0x2d: {  	_ =	swait.ge [sflag:s17], $0x4000  }
0x2e: {  	[sflag:s17] =	ssyncset.done $0x0  }
0x2f: {  	[sflag:s17] =	ssyncadd.s32 $0xFFFFC000  }
0x30: {  	_ =	swait.ge [sflag:s17], $0x4000  }
0x31: {  	[sflag:s17] =	ssyncset.done $0x0  }
0x32: {  	[sflag:s17] =	ssyncadd.s32 $0xFFFFC000  }
0x33: {  	_ =	swait.ge [sflag:s17], $0x4000  }
0x34: {  	[sflag:s17] =	ssyncset.done $0x0  }
0x35: {  	[sflag:s17] =	ssyncadd.s32 $0xFFFFC000  }
0x36: {  	_ =	swait.ge [sflag:s17], $0x4000  }
0x37: {  	[sflag:s17] =	ssyncset.done $0x0  }
0x38: {  	[sflag:s17] =	ssyncadd.s32 $0xFFFFC000  }
0x39: {  	_ =	swait.ge [sflag:s17], $0x4000  }
0x3a: {  	[sflag:s17] =	ssyncset.done $0x0  }
0x3b: {  	[sflag:s17] =	ssyncadd.s32 $0xFFFFC000  }
0x3c: {  	s30 =	simm.s32 $0x0;
	[bflag:$0x0] =	sbarrier.arrive $0xFFFF  }
0x3d: {  	[tilespmem:s30], [sflag:$0x3] =	stream.linear.gather [hbm4b:s10+s30], $0x1400, $0x38;
	[tilespmem:$0x1E800] =	vst v63  }
0x3e: {  	_ =	swait.ge [sflag:s18], $0x1400  }
0x3f: {  	[sflag:s18] =	ssyncset.done $0x0  }
0x40: {  	[sflag:s18] =	ssyncadd.s32 $0xFFFFEC00  }
0x41: {  	[tilespmem:s19], [sflag:$0x3] =	stream.linear.gather [hbm4b:s11+s30], $0x1400, $0x38;
	[tilespmem:$0x1E800] =	vst v63  }
0x42: {  	_ =	swait.ge [sflag:s18], $0x1400  }
0x43: {  	[sflag:s18] =	ssyncset.done $0x0  }
0x44: {  	[sflag:s18] =	ssyncadd.s32 $0xFFFFEC00  }
0x45: {  	[tilespmem:s16], [sflag:$0x1] =	stream.indirect.gather [hbm4b:s4+s20], $0x80, s30, s20, $0xb8;
	[tilespmem:$0x1E800] =	vst v63  }
0x46: {  	s31 =	simm.s32 $0x80  }
0x47: {  	[tilespmem:s21], [sflag:$0x2] =	stream.indirect.gather [hbm4b:s4+s20], $0x80, s31, s20, $0xb8;
	[tilespmem:$0x1E800] =	vst v63  }
0x48: {  	_ =	swait.ge [sflag:s22], $0x4000  }
0x49: {  	[sflag:s22] =	ssyncset.done $0x0  }
0x4a: {  	s29 =	simm.s32 $0x1400;
	[sflag:s22] =	ssyncadd.s32 $0xFFFFC000  }
0x4b: {  	[spmem:s1] =	stream.indirect.scatter.add.f32 [tilespmem:s16], [sflag:$0x3], $0x80, s29, s20, $0xb8;
	[tilespmem:$0x1E800] =	vst v63  }
0x4c: {  	_ =	swait.ge [sflag:s18], $0x4000  }
0x4d: {  	[sflag:s18] =	ssyncset.done $0x0  }
0x4e: {  	s30 =	simm.s32 $0x100;
	[sflag:s18] =	ssyncadd.s32 $0xFFFFC000  }
0x4f: {  	[tilespmem:s16], [sflag:$0x1] =	stream.indirect.gather [hbm4b:s4+s20], $0x80, s30, s20, $0xb8;
	[tilespmem:$0x1E800] =	vst v63  }
0x50: {  	_ =	swait.ge [sflag:s17], $0x4000  }
0x51: {  	[sflag:s17] =	ssyncset.done $0x0  }
0x52: {  	s31 =	simm.s32 $0x1480;
	[sflag:s17] =	ssyncadd.s32 $0xFFFFC000  }
0x53: {  	[spmem:s1] =	stream.indirect.scatter.add.f32 [tilespmem:s21], [sflag:$0x3], $0x80, s31, s20, $0xb8;
	[tilespmem:$0x1E800] =	vst v63  }
0x54: {  	_ =	swait.ge [sflag:s18], $0x4000  }
0x55: {  	s28 =	simm.s32 $0x800;
	s26 =	simm.s32 $0x100;
	[sflag:s18] =	ssyncset.done $0x0  }
.LBB2_4:
0x56: {  	s29 =	sadd.s32 $0x80, s26  }
0x57: {  	[sflag:s18] =	ssyncadd.s32 $0xFFFFC000;
	s30 =	smov.u32 s28;
	s31 =	sadd.s32 $0x400, s28  }
0x58: {  	[tilespmem:s21], [sflag:$0x2] =	stream.indirect.gather [hbm4b:s4+s20], $0x80, s29, s20, $0xb8;
	[tilespmem:$0x1E800] =	vst v63  }
0x59: {  	p0 =	sne.s32 s28, $0x4800;
	_ =	swait.ge [sflag:s22], $0x4000  }
0x5a: {  	[sflag:s22] =	ssyncset.done $0x0  }
0x5b: {  	s28 =	sadd.s32 $0x1400, s26;
	[sflag:s22] =	ssyncadd.s32 $0xFFFFC000  }
0x5c: {  	[spmem:s1] =	stream.indirect.scatter.add.f32 [tilespmem:s16], [sflag:$0x3], $0x80, s28, s20, $0xb8;
	[tilespmem:$0x1E800] =	vst v63  }
0x5d: {  	_ =	swait.ge [sflag:s18], $0x4000  }
0x5e: {  	[sflag:s18] =	ssyncset.done $0x0  }
0x5f: {  	s28 =	sadd.s32 $0x100, s26;
	[sflag:s18] =	ssyncadd.s32 $0xFFFFC000  }
0x60: {  	[tilespmem:s16], [sflag:$0x1] =	stream.indirect.gather [hbm4b:s4+s20], $0x80, s28, s20, $0xb8;
	[tilespmem:$0x1E800] =	vst v63  }
0x61: {  	_ =	swait.ge [sflag:s17], $0x4000  }
.Ltmp1:
0x62: {  	[sflag:s17] =	ssyncset.done $0x0;
	(pc) =	sbr.rel @p0 .LBB2_4-.Ltmp1, $4  }
0x63: {  	s26 =	sadd.s32 $0x1480, s26;
	[sflag:s17] =	ssyncadd.s32 $0xFFFFC000  }
0x64: {  	[spmem:s1] =	stream.indirect.scatter.add.f32 [tilespmem:s21], [sflag:$0x3], $0x80, s26, s20, $0xb8;
	[tilespmem:$0x1E800] =	vst v63  }
0x65: {  	_ =	swait.ge [sflag:s18], $0x4000  }
0x66: {  	s28 =	smov.u32 s31;
	s26 =	sshra.s32 s30, $0x2;
	[sflag:s18] =	ssyncset.done $0x0  }
0x67: {  	s28 =	sadd.s32 $0x80, s26;
	[sflag:s18] =	ssyncadd.s32 $0xFFFFC000  }
0x68: {  	[tilespmem:s21], [sflag:$0x2] =	stream.indirect.gather [hbm4b:s4+s20], $0x80, s28, s20, $0xb8;
	[tilespmem:$0x1E800] =	vst v63  }
0x69: {  	_ =	swait.ge [sflag:s22], $0x4000  }
0x6a: {  	[sflag:s22] =	ssyncset.done $0x0  }
0x6b: {  	s28 =	sadd.s32 $0x1400, s26;
	[sflag:s22] =	ssyncadd.s32 $0xFFFFC000  }
0x6c: {  	[spmem:s1] =	stream.indirect.scatter.add.f32 [tilespmem:s16], [sflag:$0x3], $0x80, s28, s20, $0xb8;
	[tilespmem:$0x1E800] =	vst v63  }
0x6d: {  	_ =	swait.ge [sflag:s18], $0x4000  }
0x6e: {  	[sflag:s18] =	ssyncset.done $0x0  }
0x6f: {  	s28 =	sadd.s32 $0x100, s26;
	[sflag:s18] =	ssyncadd.s32 $0xFFFFC000  }
0x70: {  	[tilespmem:s16], [sflag:$0x1] =	stream.indirect.gather [hbm4b:s4+s20], $0x80, s28, s20, $0xb8;
	[tilespmem:$0x1E800] =	vst v63  }
0x71: {  	_ =	swait.ge [sflag:s17], $0x4000  }
0x72: {  	[sflag:s17] =	ssyncset.done $0x0  }
0x73: {  	s29 =	sadd.s32 $0x1480, s26;
	[sflag:s17] =	ssyncadd.s32 $0xFFFFC000  }
0x74: {  	[spmem:s1] =	stream.indirect.scatter.add.f32 [tilespmem:s21], [sflag:$0x3], $0x80, s29, s20, $0xb8;
	[tilespmem:$0x1E800] =	vst v63  }
0x75: {  	_ =	swait.ge [sflag:s18], $0x4000  }
0x76: {  	[sflag:s18] =	ssyncset.done $0x0  }
0x77: {  	[sflag:s18] =	ssyncadd.s32 $0xFFFFC000  }
0x78: {  	[tilespmem:s21], [sflag:$0x2] =	stream.indirect.gather [hbm4b:s4+s20], $0x80, s23, s20, $0xb8;
	[tilespmem:$0x1E800] =	vst v63  }
0x79: {  	_ =	swait.ge [sflag:s22], $0x4000  }
0x7a: {  	[sflag:s22] =	ssyncset.done $0x0  }
0x7b: {  	[sflag:s22] =	ssyncadd.s32 $0xFFFFC000  }
0x7c: {  	[spmem:s1] =	stream.indirect.scatter.add.f32 [tilespmem:s16], [sflag:$0x3], $0x80, s24, s20, $0xb8;
	[tilespmem:$0x1E800] =	vst v63  }
0x7d: {  	_ =	swait.ge [sflag:s18], $0x4000  }
0x7e: {  	[sflag:s18] =	ssyncset.done $0x0  }
0x7f: {  	[sflag:s18] =	ssyncadd.s32 $0xFFFFC000  }
0x80: {  	_ =	swait.ge [sflag:s17], $0x4000  }
0x81: {  	[sflag:s17] =	ssyncset.done $0x0  }
0x82: {  	[sflag:s17] =	ssyncadd.s32 $0xFFFFC000  }
0x83: {  	[spmem:s1] =	stream.indirect.scatter.add.f32 [tilespmem:s21], [sflag:$0x3], $0x80, s25, s20, $0xb8;
	[tilespmem:$0x1E800] =	vst v63  }
0x84: {  	_ =	swait.ge [sflag:s18], $0x4000  }
0x85: {  	[sflag:s18] =	ssyncset.done $0x0  }
0x86: {  	s30 =	simm.s32 $0x0;
	[sflag:s18] =	ssyncadd.s32 $0xFFFFC000  }
0x87: {  	[tilespmem:s30], [sflag:$0x3] =	stream.linear.gather [hbm4b:s12+s30], $0x1400, $0x38;
	[tilespmem:$0x1E800] =	vst v63  }
0x88: {  	_ =	swait.ge [sflag:s18], $0x1400  }
0x89: {  	[sflag:s18] =	ssyncset.done $0x0  }
0x8a: {  	[sflag:s18] =	ssyncadd.s32 $0xFFFFEC00  }
0x8b: {  	[tilespmem:s19], [sflag:$0x3] =	stream.linear.gather [hbm4b:s13+s30], $0x1400, $0x38;
	[tilespmem:$0x1E800] =	vst v63  }
0x8c: {  	_ =	swait.ge [sflag:s18], $0x1400  }
0x8d: {  	[sflag:s18] =	ssyncset.done $0x0  }
0x8e: {  	[sflag:s18] =	ssyncadd.s32 $0xFFFFEC00  }
0x8f: {  	[tilespmem:s16], [sflag:$0x1] =	stream.indirect.gather [hbm4b:s4+s20], $0x80, s30, s20, $0xb8;
	[tilespmem:$0x1E800] =	vst v63  }
0x90: {  	s31 =	simm.s32 $0x80  }
0x91: {  	[tilespmem:s21], [sflag:$0x2] =	stream.indirect.gather [hbm4b:s4+s20], $0x80, s31, s20, $0xb8;
	[tilespmem:$0x1E800] =	vst v63  }
0x92: {  	_ =	swait.ge [sflag:s22], $0x4000  }
0x93: {  	[sflag:s22] =	ssyncset.done $0x0  }
0x94: {  	s29 =	simm.s32 $0x1400;
	[sflag:s22] =	ssyncadd.s32 $0xFFFFC000  }
0x95: {  	[spmem:s1] =	stream.indirect.scatter.add.f32 [tilespmem:s16], [sflag:$0x3], $0x80, s29, s20, $0xb8;
	[tilespmem:$0x1E800] =	vst v63  }
0x96: {  	_ =	swait.ge [sflag:s18], $0x4000  }
0x97: {  	[sflag:s18] =	ssyncset.done $0x0  }
0x98: {  	s30 =	simm.s32 $0x100;
	[sflag:s18] =	ssyncadd.s32 $0xFFFFC000  }
0x99: {  	[tilespmem:s16], [sflag:$0x1] =	stream.indirect.gather [hbm4b:s4+s20], $0x80, s30, s20, $0xb8;
	[tilespmem:$0x1E800] =	vst v63  }
0x9a: {  	_ =	swait.ge [sflag:s17], $0x4000  }
0x9b: {  	[sflag:s17] =	ssyncset.done $0x0  }
0x9c: {  	s31 =	simm.s32 $0x1480;
	[sflag:s17] =	ssyncadd.s32 $0xFFFFC000  }
0x9d: {  	[spmem:s1] =	stream.indirect.scatter.add.f32 [tilespmem:s21], [sflag:$0x3], $0x80, s31, s20, $0xb8;
	[tilespmem:$0x1E800] =	vst v63  }
0x9e: {  	_ =	swait.ge [sflag:s18], $0x4000  }
0x9f: {  	s26 =	simm.s32 $0x100;
	s28 =	simm.s32 $0x800;
	[sflag:s18] =	ssyncset.done $0x0  }
.LBB2_6:
0xa0: {  	s29 =	sadd.s32 $0x80, s26  }
0xa1: {  	[sflag:s18] =	ssyncadd.s32 $0xFFFFC000;
	s30 =	smov.u32 s28;
	s31 =	sadd.s32 $0x400, s28  }
0xa2: {  	[tilespmem:s21], [sflag:$0x2] =	stream.indirect.gather [hbm4b:s4+s20], $0x80, s29, s20, $0xb8;
	[tilespmem:$0x1E800] =	vst v63  }
0xa3: {  	p0 =	sne.s32 s28, $0x4800;
	_ =	swait.ge [sflag:s22], $0x4000  }
0xa4: {  	[sflag:s22] =	ssyncset.done $0x0  }
0xa5: {  	s28 =	sadd.s32 $0x1400, s26;
	[sflag:s22] =	ssyncadd.s32 $0xFFFFC000  }
0xa6: {  	[spmem:s1] =	stream.indirect.scatter.add.f32 [tilespmem:s16], [sflag:$0x3], $0x80, s28, s20, $0xb8;
	[tilespmem:$0x1E800] =	vst v63  }
0xa7: {  	_ =	swait.ge [sflag:s18], $0x4000  }
0xa8: {  	[sflag:s18] =	ssyncset.done $0x0  }
0xa9: {  	s28 =	sadd.s32 $0x100, s26;
	[sflag:s18] =	ssyncadd.s32 $0xFFFFC000  }
0xaa: {  	[tilespmem:s16], [sflag:$0x1] =	stream.indirect.gather [hbm4b:s4+s20], $0x80, s28, s20, $0xb8;
	[tilespmem:$0x1E800] =	vst v63  }
0xab: {  	_ =	swait.ge [sflag:s17], $0x4000  }
.Ltmp2:
0xac: {  	[sflag:s17] =	ssyncset.done $0x0;
	(pc) =	sbr.rel @p0 .LBB2_6-.Ltmp2, $4  }
0xad: {  	s26 =	sadd.s32 $0x1480, s26;
	[sflag:s17] =	ssyncadd.s32 $0xFFFFC000  }
0xae: {  	[spmem:s1] =	stream.indirect.scatter.add.f32 [tilespmem:s21], [sflag:$0x3], $0x80, s26, s20, $0xb8;
	[tilespmem:$0x1E800] =	vst v63  }
0xaf: {  	_ =	swait.ge [sflag:s18], $0x4000  }
0xb0: {  	s28 =	smov.u32 s31;
	s26 =	sshra.s32 s30, $0x2;
	[sflag:s18] =	ssyncset.done $0x0  }
0xb1: {  	s28 =	sadd.s32 $0x80, s26;
	[sflag:s18] =	ssyncadd.s32 $0xFFFFC000  }
0xb2: {  	[tilespmem:s21], [sflag:$0x2] =	stream.indirect.gather [hbm4b:s4+s20], $0x80, s28, s20, $0xb8;
	[tilespmem:$0x1E800] =	vst v63  }
0xb3: {  	_ =	swait.ge [sflag:s22], $0x4000  }
0xb4: {  	[sflag:s22] =	ssyncset.done $0x0  }
0xb5: {  	s30 =	sadd.s32 $0x1400, s26;
	[sflag:s22] =	ssyncadd.s32 $0xFFFFC000  }
0xb6: {  	[spmem:s1] =	stream.indirect.scatter.add.f32 [tilespmem:s16], [sflag:$0x3], $0x80, s30, s20, $0xb8;
	[tilespmem:$0x1E800] =	vst v63  }
0xb7: {  	_ =	swait.ge [sflag:s18], $0x4000  }
0xb8: {  	[sflag:s18] =	ssyncset.done $0x0  }
0xb9: {  	s31 =	sadd.s32 $0x100, s26;
	[sflag:s18] =	ssyncadd.s32 $0xFFFFC000  }
0xba: {  	[tilespmem:s16], [sflag:$0x1] =	stream.indirect.gather [hbm4b:s4+s20], $0x80, s31, s20, $0xb8;
	[tilespmem:$0x1E800] =	vst v63  }
0xbb: {  	_ =	swait.ge [sflag:s17], $0x4000  }
0xbc: {  	[sflag:s17] =	ssyncset.done $0x0  }
0xbd: {  	s29 =	sadd.s32 $0x1480, s26;
	[sflag:s17] =	ssyncadd.s32 $0xFFFFC000  }
0xbe: {  	[spmem:s1] =	stream.indirect.scatter.add.f32 [tilespmem:s21], [sflag:$0x3], $0x80, s29, s20, $0xb8;
	[tilespmem:$0x1E800] =	vst v63  }
0xbf: {  	_ =	swait.ge [sflag:s18], $0x4000  }
0xc0: {  	[sflag:s18] =	ssyncset.done $0x0  }
0xc1: {  	[sflag:s18] =	ssyncadd.s32 $0xFFFFC000  }
0xc2: {  	[tilespmem:s21], [sflag:$0x2] =	stream.indirect.gather [hbm4b:s4+s20], $0x80, s23, s20, $0xb8;
	[tilespmem:$0x1E800] =	vst v63  }
0xc3: {  	_ =	swait.ge [sflag:s22], $0x4000  }
0xc4: {  	[sflag:s22] =	ssyncset.done $0x0  }
0xc5: {  	[sflag:s22] =	ssyncadd.s32 $0xFFFFC000  }
0xc6: {  	[spmem:s1] =	stream.indirect.scatter.add.f32 [tilespmem:s16], [sflag:$0x3], $0x80, s24, s20, $0xb8;
	[tilespmem:$0x1E800] =	vst v63  }
0xc7: {  	_ =	swait.ge [sflag:s18], $0x4000  }
0xc8: {  	[sflag:s18] =	ssyncset.done $0x0  }
0xc9: {  	[sflag:s18] =	ssyncadd.s32 $0xFFFFC000  }
0xca: {  	_ =	swait.ge [sflag:s17], $0x4000  }
0xcb: {  	[sflag:s17] =	ssyncset.done $0x0  }
0xcc: {  	[sflag:s17] =	ssyncadd.s32 $0xFFFFC000  }
0xcd: {  	[spmem:s1] =	stream.indirect.scatter.add.f32 [tilespmem:s21], [sflag:$0x3], $0x80, s25, s20, $0xb8;
	[tilespmem:$0x1E800] =	vst v63  }
0xce: {  	_ =	swait.ge [sflag:s18], $0x4000  }
0xcf: {  	s3 =	sadd.s32 $0x1, s3;
	s30 =	sshll.u32 s2, $0x6;
	[sflag:s18] =	ssyncset.done $0x0  }
0xd0: {  	p0 =	sne.s32 s3, s15;
	s26 =	sor.u32 $0x1C03, s30;
	[sflag:s18] =	ssyncadd.s32 $0xFFFFC000  }
.Ltmp3:
0xd1: {  	s31 =	sshrl.u32 s5, $0x3;
	[bflag:$0x0] =	sbarrier.arrive $0xFFFF;
	(pc) =	sbr.rel @p0 .LBB2_1-.Ltmp3, $4  }
0xd2: {  	[hbm:s14], [sflag:s26] =	dma.local [spmem:s31], $0x2800  }
0xd3: {  	_ =	swait.ge [sflag:s18], $0x2800  }
0xd4: {  	[sflag:s18] =	ssyncset.done $0x0  }
0xd5: {  	[sflag:s18] =	ssyncadd.s32 $0xFFFFD800  }
0xd6: {  	_ =	sfence.sel $0x180000  }
0xd7: {  	[bflag:$0x0] =	sbarrier.arrive $0xFFFF  }
0xd8: {  	p0 =	sne.s32 s2, $0x0;
	_ =	strace $0x9000004D  }
0xd9: {  	s0 =	sadd.s32 @!p0 $0x100000, s0;
	[bflag:$0x2] =	sbarrier.arrive $0xFFFF  }
0xda: {  	[sflag:s0] =	ssyncadd.tile.s32 @!p0 $0x1;
	_ =	shalt  }
.Lfunc_end2:
_tile_overlayer_lowered:
.L_overlay_start_2:
0xdb: {  	(tag) =	ssettag $0x2  }
0xdc: {  	s0 =	rddreg [dreg:$0x0];
	s2 =	stileid.u32  }
0xdd: {  	s1 =	rddreg [dreg:$0x1];
	p0 =	sne.s32 s2, $0x0  }
0xde: {  	s3 =	rddreg [dreg:$0x2];
	[bflag:$0x3] =	sbarrier.arrive $0xFFFF;
	s2 =	simm.s32 @!p0 $0x1C03  }
0xdf: {  	[timem:s3], [sflag:s2] =	dma.local @!p0 [hbm:s0], s1  }
0xe0: {  	s0 =	simm.s32 @!p0 $0x3  }
0xe1: {  	_ =	swait.ge @!p0 [sflag:s0], s1  }
0xe2: {  	s1 =	ssub.s32 @!p0 $0x0, s1;
	[sflag:s0] =	ssyncset.done @!p0 $0x0  }
0xe3: {  	[sflag:s0] =	ssyncadd.s32 @!p0 s1  }
0xe4: {  	[bflag:$0x3] =	sbarrier.arrive $0xFFFF  }
0xe5: {  	_ =	shalt  }

// kernel: kernel.22.cloned.1.call-start
scs
__scs_entry_jumppad:
0x0: {  	(pc) =	sbr.rel $0x88, $3  }
0x1: {  	(tag) =	ssettag $0x0;
	lr =	simm.s32 $0x1  }
0x2: {  	[smem:$0x3F76] =	sst lr;
	_ =	strace $0xD0000000  }
0x3: {  	_ = 	snop  }
0x4: {  	_ = 	snop  }
0x5: {  	_ = 	snop  }
0x6: {  	_ = 	snop  }
0x7: {  	_ = 	snop  }
__scs_overlays_trampoline_lowered:
0x8: {  	[smem:$0x3F85] =	sst s0  }
0x9: {  	[smem:$0x3F86] =	sst s1  }
0xa: {  	[smem:$0x3F87] =	sst s2  }
0xb: {  	[smem:$0x3F88] =	sst s3  }
0xc: {  	[smem:$0x3F89] =	sst s4  }
0xd: {  	[smem:$0x3F8A] =	sst s5  }
0xe: {  	[smem:$0x3F8B] =	sst s6  }
0xf: {  	[smem:$0x3F8C] =	sst s7  }
0x10: {  	[smem:$0x3F8D] =	sst s8  }
0x11: {  	[smem:$0x3F8E] =	sst s9;
	s0 =	simm.s32 @!p0 $0x0  }
0x12: {  	s1 =	sld [smem:$0x3F74];
	s0 =	simm.s32 @p0 $0x1  }
0x13: {  	[smem:$0x3F8F] =	sst s0;
	s0 =	simm.s32 @!p1 $0x0  }
0x14: {  	s2 =	sld [smem:$0x3F73];
	s0 =	simm.s32 @p1 $0x1  }
0x15: {  	[smem:$0x3F90] =	sst s0;
	s0 =	simm.s32 @!p2 $0x0  }
0x16: {  	s3 =	sld [smem:$0x3FDB];
	s0 =	simm.s32 @p2 $0x1  }
0x17: {  	s4 =	simm.s32 $0x1BF5;
	[smem:$0x3F92] =	sst s0  }
0x18: {  	s0 =	sld [smem:$0x3F75];
	_ =	swait.ge [sflag:s4], $0x0  }
0x19: {  	s7 =	sld [smem:$0x3F76]  }
0x1a: {  	s8 =	sadd.s32 $0xFFFFE003, lr  }
0x1b: {  	s9 =	sadd.s32 $0xFFFFFEF7, lr;
	s5 =	simm.s32 $0xFFFFFFFF;
	p2 =	slt.u32 s8, $0xFFFFF086  }
0x1c: {  	p1 =	slt.u32 s9, $0xF7A;
	s5 =	simm.s32 @!p2 $0x0  }
0x1d: {  	s5 =	simm.s32 @p1 $0x1;
	p0 =	seq.s32 s7, s2  }
0x1e: {  	s7 =	smul.u32 @!p0 $0xF7A, s2;
	p2 =	seq.s32 @!p0 s5, $0x0  }
0x1f: {  	s9 =	smul.u32 $0xF7A, s1;
	s8 =	simm.s32 @!p0 $0x1BF5;
	p2 =	por !p2, p0  }
0x20: {  	[sflag:s8] =	ssyncset.s32 @!p0 $0xFFFFF086;
	s6 =	sadd.s32 @!p0 s3, s7;
	s7 =	simm.s32 @!p0 $0x108  }
0x21: {  	s3 =	sadd.s32 s3, s9;
	s6 =	sadd.s32 @!p0 $0x88, s6;
	s7 =	simm.s32 @p2 $0x1082  }
0x22: {  	[simem:s7], [sflag:s8] =	dma.local @!p0 [hbm:s6], $0xF7A  }
0x23: {  	s9 =	sor.u32 $0xD0000000, s2;
	s6 =	simm.s32 $0x108;
	_ =	swait.ge @!p0 [sflag:s8], $0x0  }
0x24: {  	s3 =	sadd.s32 $0x88, s3;
	s6 =	simm.s32 @!p1 $0x1082;
	[sflag:s4] =	ssyncset.s32 $0xFFFFF086  }
0x25: {  	[simem:s6], [sflag:s4] =	dma.local [hbm:s3], $0xF7A  }
0x26: {  	[smem:$0x3F76] =	sst s1;
	(tag) =	ssettag s2;
	_ =	strace s9  }
0x27: {  	s1 =	sld [smem:$0x3F86]  }
0x28: {  	s2 =	sld [smem:$0x3F87]  }
0x29: {  	s4 =	sld [smem:$0x3F89]  }
0x2a: {  	p0 =	seq.s32 s5, $0x0;
	s5 =	sld [smem:$0x3F8A]  }
0x2b: {  	s6 =	sld [smem:$0x3F8B]  }
0x2c: {  	s7 =	sld [smem:$0x3F8C]  }
0x2d: {  	s3 =	simm.s32 $0x108;
	s8 =	sld [smem:$0x3F8D]  }
0x2e: {  	s3 =	simm.s32 @!p0 $0x1082;
	s9 =	sld [smem:$0x3F8E]  }
0x2f: {  	lr =	sadd.s32 s0, s3;
	s0 =	sld [smem:$0x3F85]  }
0x30: {  	s3 =	sld [smem:$0x3F88]  }
0x31: {  	[smem:$0x3F91] =	sst s10  }
0x32: {  	s10 =	sld [smem:$0x3F8F];
	_ =	sdelay $0x3  }
0x33: {  	p0 =	seq.s32 s10, $0x1;
	s10 =	sld [smem:$0x3F91];
	_ =	sdelay $0x3  }
0x34: {  	[smem:$0x3F91] =	sst s10  }
0x35: {  	s10 =	sld [smem:$0x3F90];
	_ =	sdelay $0x3  }
0x36: {  	p1 =	seq.s32 s10, $0x1;
	s10 =	sld [smem:$0x3F91];
	_ =	sdelay $0x3  }
0x37: {  	[smem:$0x3F91] =	sst s10  }
0x38: {  	s10 =	sld [smem:$0x3F92]  }
0x39: {  	_ = 	snop;
	(pc) =	sbr.ind lr, $3  }
0x3a: {  	_ = 	snop  }
0x3b: {  	_ = 	snop  }
0x3c: {  	p2 =	seq.s32 s10, $0x1;
	s10 =	sld [smem:$0x3F91]  }
0x3d: {  	_ =	shalt  }
0x3e: {  	_ =	shalt  }
0x3f: {  	_ =	shalt  }
0x40: {  	_ =	shalt  }
0x41: {  	_ =	shalt  }
0x42: {  	_ =	shalt  }
0x43: {  	_ =	shalt  }
0x44: {  	_ =	shalt  }
0x45: {  	_ =	shalt  }
0x46: {  	_ =	shalt  }
0x47: {  	_ =	shalt  }
0x48: {  	_ =	shalt  }
0x49: {  	_ =	shalt  }
0x4a: {  	_ =	shalt  }
0x4b: {  	_ =	shalt  }
0x4c: {  	_ =	shalt  }
0x4d: {  	_ =	shalt  }
0x4e: {  	_ =	shalt  }
0x4f: {  	_ =	shalt  }
0x50: {  	_ =	shalt  }
0x51: {  	_ =	shalt  }
0x52: {  	_ =	shalt  }
0x53: {  	_ =	shalt  }
0x54: {  	_ =	shalt  }
0x55: {  	_ =	shalt  }
0x56: {  	_ =	shalt  }
0x57: {  	_ =	shalt  }
0x58: {  	_ =	shalt  }
0x59: {  	_ =	shalt  }
0x5a: {  	_ =	shalt  }
0x5b: {  	_ =	shalt  }
0x5c: {  	_ =	shalt  }
0x5d: {  	_ =	shalt  }
0x5e: {  	_ =	shalt  }
0x5f: {  	_ =	shalt  }
0x60: {  	_ =	shalt  }
0x61: {  	_ =	shalt  }
0x62: {  	_ =	shalt  }
0x63: {  	_ =	shalt  }
0x64: {  	_ =	shalt  }
0x65: {  	_ =	shalt  }
0x66: {  	_ =	shalt  }
0x67: {  	_ =	shalt  }
0x68: {  	_ =	shalt  }
0x69: {  	_ =	shalt  }
0x6a: {  	_ =	shalt  }
0x6b: {  	_ =	shalt  }
0x6c: {  	_ =	shalt  }
0x6d: {  	_ =	shalt  }
0x6e: {  	_ =	shalt  }
0x6f: {  	_ =	shalt  }
0x70: {  	_ =	shalt  }
0x71: {  	_ =	shalt  }
0x72: {  	_ =	shalt  }
0x73: {  	_ =	shalt  }
0x74: {  	_ =	shalt  }
0x75: {  	_ =	shalt  }
0x76: {  	_ =	shalt  }
0x77: {  	_ =	shalt  }
0x78: {  	_ =	shalt  }
0x79: {  	_ =	shalt  }
0x7a: {  	_ =	shalt  }
0x7b: {  	_ =	shalt  }
0x7c: {  	_ =	shalt  }
0x7d: {  	_ =	shalt  }
0x7e: {  	_ =	shalt  }
0x7f: {  	_ =	shalt  }
0x80: {  	_ =	shalt  }
0x81: {  	_ =	shalt  }
0x82: {  	_ =	shalt  }
0x83: {  	_ =	shalt  }
0x84: {  	_ =	shalt  }
0x85: {  	_ =	shalt  }
0x86: {  	_ =	shalt  }
0x87: {  	_ =	shalt  }
.Lfunc_end0:
.L_simem_size_0:
called_computation.3_lowered:
.L_overlay_start_0:
0x88: {  	s2 =	sld [smem:$0x3FD9]  }
0x89: {  	s3 =	sld [smem:$0x3FFE];
	_ =	sdelay $0x1  }
0x8a: {  	s1 =	srdreg.scid  }
0x8b: {  	s0 =	sand.u32 $0x1, s1  }
0x8c: {  	s17 =	sshll.u32 s0, $0xA;
	s2 =	sadd.s32 s3, s2  }
0x8d: {  	s2 =	sadd.s32 s2, s17  }
0x8e: {  	[smem:$0x3F9D] =	sst s2  }
0x8f: {  	_ = 	snop  }
0x90: {  	s2 =	sld [smem:$0x3FD0];
	(tm) =	ssettm $0x1  }
0x91: {  	s18 =	sld [smem:$0x3FFB];
	_ =	sdelay $0x3  }
0x92: {  	_ =	strace s18  }
0x93: {  	s3 =	sld [smem:$0x3FFC];
	_ =	sdelay $0x3  }
0x94: {  	_ =	strace s3  }
0x95: {  	s3 =	sld [smem:$0x3FFD];
	_ =	sdelay $0x3  }
0x96: {  	_ =	strace s3  }
0x97: {  	_ =	strace $0x8FFFFFFF  }
0x98: {  	s19 =	sld [smem:$0x3FDB];
	_ =	sdelay $0x1  }
0x99: {  	s4 =	simm.s32 $_scs_section_size  }
0x9a: {  	s5 =	simm.s32 $_size__tile_overlayer_lowered;
	s6 =	simm.s32 $_tile_overlayer_lowered  }
0x9b: {  	s22 =	simm.s32 $0x1BFF;
	s21 =	sshll.u32 s6, $0x1;
	s3 =	sadd.s32 s4, s19  }
0x9c: {  	s7 =	simm.s32 $0x0;
	s20 =	sshll.u32 s5, $0x1;
	s5 =	sadd.s32 s21, s3  }
0x9d: {  	[timem:s7], [sflag:s22] =	dma.local [hbm:s5], s20  }
0x9e: {  	_ =	swait.ge [sflag:s22], s20  }
0x9f: {  	s4 =	ssub.s32 $0x0, s20;
	[sflag:s22] =	ssyncset.done $0x0  }
0xa0: {  	[sflag:s22] =	ssyncadd.s32 s4;
	_ =	sdelay $0x1  }
0xa1: {  	s23 =	simm.s32 $0x1B8B  }
0xa2: {  	_ =	swait.ge [sflag:s23], $0x1  }
0xa3: {  	[sflag:s23] =	ssyncset.done $0x0  }
0xa4: {  	s25 =	simm.s32 $0x1B8E;
	s24 =	sld [smem:$0x3FFE];
	[sflag:s23] =	ssyncadd.s32 $0xFFFFFFFF  }
0xa5: {  	s26 =	simm.s32 $execute0_lowered;
	[smem:$0x3FD2] =	sst s25  }
0xa6: {  	s5 =	sshll.u32 s26, $0x1;
	_ =	strace $0x8000004F;
	[dreg:$0x1] =	wrdreg $0xFFFFFFFF  }
0xa7: {  	s28 =	simm.s32 $_size_execute0_lowered;
	s3 =	sadd.s32 s3, s5;
	[dreg:$0x0] =	wrdreg $0x0  }
0xa8: {  	s5 =	sshll.u32 s28, $0x1;
	[dreg:$0x2] =	wrdreg s3  }
0xa9: {  	[dreg:$0x3] =	wrdreg s5  }
0xaa: {  	[dreg:$0x4] =	wrdreg $0xC0  }
0xab: {  	_ =	task [dreg:s7], $0x5FFFF  }
0xac: {  	[dreg:$0x1] =	wrdreg $0xFFFFFFFF  }
0xad: {  	[dreg:$0x0] =	wrdreg $0x60  }
0xae: {  	[dreg:$0x2] =	wrdreg s24  }
0xaf: {  	[dreg:$0x3] =	wrdreg s2  }
0xb0: {  	[dreg:$0x4] =	wrdreg $0xA8000  }
0xb1: {  	[dreg:$0x5] =	wrdreg $0x9  }
0xb2: {  	_ =	task.clear_ibuf [dreg:s7], $0x6FFFF;
	_ =	strace $0x9000004F  }
0xb3: {  	s29 =	simm.s32 $0x9;
	_ =	strace $0x80000051  }
0xb4: {  	_ =	swait.ge [sflag:s29], $0x1  }
0xb5: {  	[sflag:s29] =	ssyncadd.s32 $0xFFFFFFFF  }
0xb6: {  	_ =	strace $0x90000051  }
0xb7: {  	_ =	sfence  }
0xb8: {  	s30 =	sld [smem:$0x0];
	_ =	sdelay $0x2  }
0xb9: {  	s31 =	sshll.u32 s1, $0xD;
	s1 =	sshrl.u32 s1, $0x2  }
0xba: {  	s3 =	sand.u32 $0x4000, s31;
	s1 =	sadd.s32 s1, s30  }
0xbb: {  	s0 =	sor.u32 s3, s0;
	s1 =	sshll.u32 s1, $0x11  }
0xbc: {  	s0 =	sor.u32 s1, s0  }
0xbd: {  	s0 =	sadd.s32 $0x8F2B, s0  }
0xbe: {  	[sflag:s0] =	ssyncadd.remote.s32 $0x1  }
0xbf: {  	_ =	sfence.sel $0xFFFF  }
0xc0: {  	[dreg:$0x0] =	wrdreg $0xFFFFFFFF;
	(pc) =	sbr.abs _section_cstart, $3  }
0xc1: {  	[dreg:$0x1] =	wrdreg $0xFFFFFFFF  }
0xc2: {  	_ =	task.clear_ibuf [dreg:s7], $0x2FFFF;
	_ =	strace $0x9FFFFFFF  }
0xc3: {  	(tm) =	ssettm $0x7FFFFFFF  }
tec
execute0_lowered:
.L_overlay_start_1:
0x0: {  	(tag) =	ssettag $0x1  }
0x1: {  	s6 =	rddreg [dreg:$0x0]  }
0x2: {  	s12 =	rddreg [dreg:$0x1]  }
0x3: {  	s1 =	rddreg [dreg:$0x2]  }
0x4: {  	s2 =	srdreg.scid;
	s0 =	rddreg [dreg:$0x3];
	s3 =	simm.s32 $0x0  }
0x5: {  	s17 =	simm.s32 $0x2;
	s18 =	simm.s32 $0x3;
	s19 =	simm.s32 $0x1400  }
0x6: {  	s20 =	simm.s32 $0x80;
	s21 =	simm.s32 $0x6800;
	s22 =	simm.s32 $0x1  }
0x7: {  	s23 =	simm.s32 $0x1380;
	s24 =	simm.s32 $0x2700;
	s5 =	sand.u32 $0x1, s2  }
0x8: {  	s25 =	simm.s32 $0x2780;
	s2 =	stileid.u32;
	s7 =	smul.u32 $0x140000, s5  }
0x9: {  	[smem:$0x7FF] =	sst s3;
	s4 =	sadd.s32 $0x12E00, s6;
	s8 =	smul.u32 $0x14000, s2  }
0xa: {  	s13 =	sadd.s32 $0x8E00, s6;
	s29 =	smul.u32 $0x50000, s2;
	s9 =	sshll.u32 s5, $0x4  }
0xb: {  	_ =	strace $0x80000050;
	s10 =	ssub.s32 $0x2, s5;
	s9 =	sor.u32 s2, s9  }
0xc: {  	s31 =	sshrl.u32 s10, $0x1;
	s7 =	sadd.s32 s8, s7;
	s30 =	sshrl.u32 s29, $0x2  }
0xd: {  	s9 =	smul.u32 $0x2800, s9;
	s15 =	ssub.s32 s10, s31;
	s7 =	sshrl.u32 s7, $0x3  }
0xe: {  	s5 =	sadd.s32 s30, s1;
	s15 =	smax.u32 s15, $0x1;
	s14 =	sadd.s32 s7, s6  }
0xf: {  	s6 =	sadd.s32 $0x4000, s5;
	s7 =	sadd.s32 $0x8000, s5;
	s11 =	sshrl.u32 s9, $0x3  }
0x10: {  	s8 =	sadd.s32 $0xC000, s5;
	s9 =	sadd.s32 $0x10000, s5;
	s10 =	sadd.s32 s12, s11  }
0x11: {  	s16 =	sadd.s32 $0x280, s11;
	s11 =	sadd.s32 s13, s11;
	s14 =	sadd.s32 $0xB2E00, s14  }
0x12: {  	v0 =	vimm.f32 $0.0e+00;
	s12 =	sadd.s32 s12, s16;
	s13 =	sadd.s32 s13, s16;
	s16 =	simm.s32 $0x2800  }
.LBB2_1:
0x13: {  	s26 =	simm.s32 $0x0;
	s28 =	simm.s32 $0x200  }
.LBB2_2:
0x14: {  	p0 =	sne.s32 s28, $0xFE00;
	[tilespmem:s26+$0x2870] =	vst v0  }
0x15: {  	[tilespmem:s26+$0x2800] =	vst v0  }
0x16: {  	[tilespmem:s26+$0x2810] =	vst v0  }
.Ltmp0:
0x17: {  	[tilespmem:s26+$0x2820] =	vst v0;
	(pc) =	sbr.rel @p0 .LBB2_2-.Ltmp0, $4  }
0x18: {  	[tilespmem:s26+$0x2830] =	vst v0  }
0x19: {  	[tilespmem:s26+$0x2840] =	vst v0  }
0x1a: {  	[tilespmem:s26+$0x2850] =	vst v0  }
0x1b: {  	[tilespmem:s26+$0x2860] =	vst v0;
	s26 =	sshra.s32 s28, $0x2;
	s28 =	sadd.s32 $0x200, s28  }
0x1c: {  	[tilespmem:s26+$0x2870] =	vst v0  }
0x1d: {  	[tilespmem:s26+$0x2800] =	vst v0  }
0x1e: {  	[tilespmem:s26+$0x2810] =	vst v0  }
0x1f: {  	[tilespmem:s26+$0x2820] =	vst v0  }
0x20: {  	[tilespmem:s26+$0x2830] =	vst v0  }
0x21: {  	[tilespmem:s26+$0x2840] =	vst v0  }
0x22: {  	[tilespmem:s26+$0x2850] =	vst v0  }
0x23: {  	[tilespmem:s26+$0x2860] =	vst v0  }
0x24: {  	[spmem:s5] =	stream.linear.scatter [tilespmem:s16], [sflag:$0x2], $0x4000, $0x38;
	[tilespmem:$0x1E800] =	vst v63  }
0x25: {  	_ = 	snop  }
0x26: {  	[spmem:s6] =	stream.linear.scatter [tilespmem:s16], [sflag:$0x2], $0x4000, $0x38;
	[tilespmem:$0x1E800] =	vst v63  }
0x27: {  	_ = 	snop  }
0x28: {  	[spmem:s7] =	stream.linear.scatter [tilespmem:s16], [sflag:$0x2], $0x4000, $0x38;
	[tilespmem:$0x1E800] =	vst v63  }
0x29: {  	_ = 	snop  }
0x2a: {  	[spmem:s8] =	stream.linear.scatter [tilespmem:s16], [sflag:$0x2], $0x4000, $0x38;
	[tilespmem:$0x1E800] =	vst v63  }
0x2b: {  	_ = 	snop  }
0x2c: {  	[spmem:s9] =	stream.linear.scatter [tilespmem:s16], [sflag:$0x2], $0x4000, $0x38;
	[tilespmem:$0x1E800] =	vst v63  }
0x2d: {  	_ =	swait.ge [sflag:s17], $0x4000  }
0x2e: {  	[sflag:s17] =	ssyncset.done $0x0  }
0x2f: {  	[sflag:s17] =	ssyncadd.s32 $0xFFFFC000  }
0x30: {  	_ =	swait.ge [sflag:s17], $0x4000  }
0x31: {  	[sflag:s17] =	ssyncset.done $0x0  }
0x32: {  	[sflag:s17] =	ssyncadd.s32 $0xFFFFC000  }
0x33: {  	_ =	swait.ge [sflag:s17], $0x4000  }
0x34: {  	[sflag:s17] =	ssyncset.done $0x0  }
0x35: {  	[sflag:s17] =	ssyncadd.s32 $0xFFFFC000  }
0x36: {  	_ =	swait.ge [sflag:s17], $0x4000  }
0x37: {  	[sflag:s17] =	ssyncset.done $0x0  }
0x38: {  	[sflag:s17] =	ssyncadd.s32 $0xFFFFC000  }
0x39: {  	_ =	swait.ge [sflag:s17], $0x4000  }
0x3a: {  	[sflag:s17] =	ssyncset.done $0x0  }
0x3b: {  	[sflag:s17] =	ssyncadd.s32 $0xFFFFC000  }
0x3c: {  	s30 =	simm.s32 $0x0;
	[bflag:$0x0] =	sbarrier.arrive $0xFFFF  }
0x3d: {  	[tilespmem:s30], [sflag:$0x3] =	stream.linear.gather [hbm4b:s10+s30], $0x1400, $0x38;
	[tilespmem:$0x1E800] =	vst v63  }
0x3e: {  	_ =	swait.ge [sflag:s18], $0x1400  }
0x3f: {  	[sflag:s18] =	ssyncset.done $0x0  }
0x40: {  	[sflag:s18] =	ssyncadd.s32 $0xFFFFEC00  }
0x41: {  	[tilespmem:s19], [sflag:$0x3] =	stream.linear.gather [hbm4b:s11+s30], $0x1400, $0x38;
	[tilespmem:$0x1E800] =	vst v63  }
0x42: {  	_ =	swait.ge [sflag:s18], $0x1400  }
0x43: {  	[sflag:s18] =	ssyncset.done $0x0  }
0x44: {  	[sflag:s18] =	ssyncadd.s32 $0xFFFFEC00  }
0x45: {  	[tilespmem:s16], [sflag:$0x1] =	stream.indirect.gather [hbm4b:s4+s20], $0x80, s30, s20, $0xb8;
	[tilespmem:$0x1E800] =	vst v63  }
0x46: {  	s31 =	simm.s32 $0x80  }
0x47: {  	[tilespmem:s21], [sflag:$0x2] =	stream.indirect.gather [hbm4b:s4+s20], $0x80, s31, s20, $0xb8;
	[tilespmem:$0x1E800] =	vst v63  }
0x48: {  	_ =	swait.ge [sflag:s22], $0x4000  }
0x49: {  	[sflag:s22] =	ssyncset.done $0x0  }
0x4a: {  	s29 =	simm.s32 $0x1400;
	[sflag:s22] =	ssyncadd.s32 $0xFFFFC000  }
0x4b: {  	[spmem:s1] =	stream.indirect.scatter.add.f32 [tilespmem:s16], [sflag:$0x3], $0x80, s29, s20, $0xb8;
	[tilespmem:$0x1E800] =	vst v63  }
0x4c: {  	_ =	swait.ge [sflag:s18], $0x4000  }
0x4d: {  	[sflag:s18] =	ssyncset.done $0x0  }
0x4e: {  	s30 =	simm.s32 $0x100;
	[sflag:s18] =	ssyncadd.s32 $0xFFFFC000  }
0x4f: {  	[tilespmem:s16], [sflag:$0x1] =	stream.indirect.gather [hbm4b:s4+s20], $0x80, s30, s20, $0xb8;
	[tilespmem:$0x1E800] =	vst v63  }
0x50: {  	_ =	swait.ge [sflag:s17], $0x4000  }
0x51: {  	[sflag:s17] =	ssyncset.done $0x0  }
0x52: {  	s31 =	simm.s32 $0x1480;
	[sflag:s17] =	ssyncadd.s32 $0xFFFFC000  }
0x53: {  	[spmem:s1] =	stream.indirect.scatter.add.f32 [tilespmem:s21], [sflag:$0x3], $0x80, s31, s20, $0xb8;
	[tilespmem:$0x1E800] =	vst v63  }
0x54: {  	_ =	swait.ge [sflag:s18], $0x4000  }
0x55: {  	s28 =	simm.s32 $0x800;
	s26 =	simm.s32 $0x100;
	[sflag:s18] =	ssyncset.done $0x0  }
.LBB2_4:
0x56: {  	s29 =	sadd.s32 $0x80, s26  }
0x57: {  	[sflag:s18] =	ssyncadd.s32 $0xFFFFC000;
	s30 =	smov.u32 s28;
	s31 =	sadd.s32 $0x400, s28  }
0x58: {  	[tilespmem:s21], [sflag:$0x2] =	stream.indirect.gather [hbm4b:s4+s20], $0x80, s29, s20, $0xb8;
	[tilespmem:$0x1E800] =	vst v63  }
0x59: {  	p0 =	sne.s32 s28, $0x4800;
	_ =	swait.ge [sflag:s22], $0x4000  }
0x5a: {  	[sflag:s22] =	ssyncset.done $0x0  }
0x5b: {  	s28 =	sadd.s32 $0x1400, s26;
	[sflag:s22] =	ssyncadd.s32 $0xFFFFC000  }
0x5c: {  	[spmem:s1] =	stream.indirect.scatter.add.f32 [tilespmem:s16], [sflag:$0x3], $0x80, s28, s20, $0xb8;
	[tilespmem:$0x1E800] =	vst v63  }
0x5d: {  	_ =	swait.ge [sflag:s18], $0x4000  }
0x5e: {  	[sflag:s18] =	ssyncset.done $0x0  }
0x5f: {  	s28 =	sadd.s32 $0x100, s26;
	[sflag:s18] =	ssyncadd.s32 $0xFFFFC000  }
0x60: {  	[tilespmem:s16], [sflag:$0x1] =	stream.indirect.gather [hbm4b:s4+s20], $0x80, s28, s20, $0xb8;
	[tilespmem:$0x1E800] =	vst v63  }
0x61: {  	_ =	swait.ge [sflag:s17], $0x4000  }
.Ltmp1:
0x62: {  	[sflag:s17] =	ssyncset.done $0x0;
	(pc) =	sbr.rel @p0 .LBB2_4-.Ltmp1, $4  }
0x63: {  	s26 =	sadd.s32 $0x1480, s26;
	[sflag:s17] =	ssyncadd.s32 $0xFFFFC000  }
0x64: {  	[spmem:s1] =	stream.indirect.scatter.add.f32 [tilespmem:s21], [sflag:$0x3], $0x80, s26, s20, $0xb8;
	[tilespmem:$0x1E800] =	vst v63  }
0x65: {  	_ =	swait.ge [sflag:s18], $0x4000  }
0x66: {  	s28 =	smov.u32 s31;
	s26 =	sshra.s32 s30, $0x2;
	[sflag:s18] =	ssyncset.done $0x0  }
0x67: {  	s28 =	sadd.s32 $0x80, s26;
	[sflag:s18] =	ssyncadd.s32 $0xFFFFC000  }
0x68: {  	[tilespmem:s21], [sflag:$0x2] =	stream.indirect.gather [hbm4b:s4+s20], $0x80, s28, s20, $0xb8;
	[tilespmem:$0x1E800] =	vst v63  }
0x69: {  	_ =	swait.ge [sflag:s22], $0x4000  }
0x6a: {  	[sflag:s22] =	ssyncset.done $0x0  }
0x6b: {  	s28 =	sadd.s32 $0x1400, s26;
	[sflag:s22] =	ssyncadd.s32 $0xFFFFC000  }
0x6c: {  	[spmem:s1] =	stream.indirect.scatter.add.f32 [tilespmem:s16], [sflag:$0x3], $0x80, s28, s20, $0xb8;
	[tilespmem:$0x1E800] =	vst v63  }
0x6d: {  	_ =	swait.ge [sflag:s18], $0x4000  }
0x6e: {  	[sflag:s18] =	ssyncset.done $0x0  }
0x6f: {  	s28 =	sadd.s32 $0x100, s26;
	[sflag:s18] =	ssyncadd.s32 $0xFFFFC000  }
0x70: {  	[tilespmem:s16], [sflag:$0x1] =	stream.indirect.gather [hbm4b:s4+s20], $0x80, s28, s20, $0xb8;
	[tilespmem:$0x1E800] =	vst v63  }
0x71: {  	_ =	swait.ge [sflag:s17], $0x4000  }
0x72: {  	[sflag:s17] =	ssyncset.done $0x0  }
0x73: {  	s29 =	sadd.s32 $0x1480, s26;
	[sflag:s17] =	ssyncadd.s32 $0xFFFFC000  }
0x74: {  	[spmem:s1] =	stream.indirect.scatter.add.f32 [tilespmem:s21], [sflag:$0x3], $0x80, s29, s20, $0xb8;
	[tilespmem:$0x1E800] =	vst v63  }
0x75: {  	_ =	swait.ge [sflag:s18], $0x4000  }
0x76: {  	[sflag:s18] =	ssyncset.done $0x0  }
0x77: {  	[sflag:s18] =	ssyncadd.s32 $0xFFFFC000  }
0x78: {  	[tilespmem:s21], [sflag:$0x2] =	stream.indirect.gather [hbm4b:s4+s20], $0x80, s23, s20, $0xb8;
	[tilespmem:$0x1E800] =	vst v63  }
0x79: {  	_ =	swait.ge [sflag:s22], $0x4000  }
0x7a: {  	[sflag:s22] =	ssyncset.done $0x0  }
0x7b: {  	[sflag:s22] =	ssyncadd.s32 $0xFFFFC000  }
0x7c: {  	[spmem:s1] =	stream.indirect.scatter.add.f32 [tilespmem:s16], [sflag:$0x3], $0x80, s24, s20, $0xb8;
	[tilespmem:$0x1E800] =	vst v63  }
0x7d: {  	_ =	swait.ge [sflag:s18], $0x4000  }
0x7e: {  	[sflag:s18] =	ssyncset.done $0x0  }
0x7f: {  	[sflag:s18] =	ssyncadd.s32 $0xFFFFC000  }
0x80: {  	_ =	swait.ge [sflag:s17], $0x4000  }
0x81: {  	[sflag:s17] =	ssyncset.done $0x0  }
0x82: {  	[sflag:s17] =	ssyncadd.s32 $0xFFFFC000  }
0x83: {  	[spmem:s1] =	stream.indirect.scatter.add.f32 [tilespmem:s21], [sflag:$0x3], $0x80, s25, s20, $0xb8;
	[tilespmem:$0x1E800] =	vst v63  }
0x84: {  	_ =	swait.ge [sflag:s18], $0x4000  }
0x85: {  	[sflag:s18] =	ssyncset.done $0x0  }
0x86: {  	s30 =	simm.s32 $0x0;
	[sflag:s18] =	ssyncadd.s32 $0xFFFFC000  }
0x87: {  	[tilespmem:s30], [sflag:$0x3] =	stream.linear.gather [hbm4b:s12+s30], $0x1400, $0x38;
	[tilespmem:$0x1E800] =	vst v63  }
0x88: {  	_ =	swait.ge [sflag:s18], $0x1400  }
0x89: {  	[sflag:s18] =	ssyncset.done $0x0  }
0x8a: {  	[sflag:s18] =	ssyncadd.s32 $0xFFFFEC00  }
0x8b: {  	[tilespmem:s19], [sflag:$0x3] =	stream.linear.gather [hbm4b:s13+s30], $0x1400, $0x38;
	[tilespmem:$0x1E800] =	vst v63  }
0x8c: {  	_ =	swait.ge [sflag:s18], $0x1400  }
0x8d: {  	[sflag:s18] =	ssyncset.done $0x0  }
0x8e: {  	[sflag:s18] =	ssyncadd.s32 $0xFFFFEC00  }
0x8f: {  	[tilespmem:s16], [sflag:$0x1] =	stream.indirect.gather [hbm4b:s4+s20], $0x80, s30, s20, $0xb8;
	[tilespmem:$0x1E800] =	vst v63  }
0x90: {  	s31 =	simm.s32 $0x80  }
0x91: {  	[tilespmem:s21], [sflag:$0x2] =	stream.indirect.gather [hbm4b:s4+s20], $0x80, s31, s20, $0xb8;
	[tilespmem:$0x1E800] =	vst v63  }
0x92: {  	_ =	swait.ge [sflag:s22], $0x4000  }
0x93: {  	[sflag:s22] =	ssyncset.done $0x0  }
0x94: {  	s29 =	simm.s32 $0x1400;
	[sflag:s22] =	ssyncadd.s32 $0xFFFFC000  }
0x95: {  	[spmem:s1] =	stream.indirect.scatter.add.f32 [tilespmem:s16], [sflag:$0x3], $0x80, s29, s20, $0xb8;
	[tilespmem:$0x1E800] =	vst v63  }
0x96: {  	_ =	swait.ge [sflag:s18], $0x4000  }
0x97: {  	[sflag:s18] =	ssyncset.done $0x0  }
0x98: {  	s30 =	simm.s32 $0x100;
	[sflag:s18] =	ssyncadd.s32 $0xFFFFC000  }
0x99: {  	[tilespmem:s16], [sflag:$0x1] =	stream.indirect.gather [hbm4b:s4+s20], $0x80, s30, s20, $0xb8;
	[tilespmem:$0x1E800] =	vst v63  }
0x9a: {  	_ =	swait.ge [sflag:s17], $0x4000  }
0x9b: {  	[sflag:s17] =	ssyncset.done $0x0  }
0x9c: {  	s31 =	simm.s32 $0x1480;
	[sflag:s17] =	ssyncadd.s32 $0xFFFFC000  }
0x9d: {  	[spmem:s1] =	stream.indirect.scatter.add.f32 [tilespmem:s21], [sflag:$0x3], $0x80, s31, s20, $0xb8;
	[tilespmem:$0x1E800] =	vst v63  }
0x9e: {  	_ =	swait.ge [sflag:s18], $0x4000  }
0x9f: {  	s26 =	simm.s32 $0x100;
	s28 =	simm.s32 $0x800;
	[sflag:s18] =	ssyncset.done $0x0  }
.LBB2_6:
0xa0: {  	s29 =	sadd.s32 $0x80, s26  }
0xa1: {  	[sflag:s18] =	ssyncadd.s32 $0xFFFFC000;
	s30 =	smov.u32 s28;
	s31 =	sadd.s32 $0x400, s28  }
0xa2: {  	[tilespmem:s21], [sflag:$0x2] =	stream.indirect.gather [hbm4b:s4+s20], $0x80, s29, s20, $0xb8;
	[tilespmem:$0x1E800] =	vst v63  }
0xa3: {  	p0 =	sne.s32 s28, $0x4800;
	_ =	swait.ge [sflag:s22], $0x4000  }
0xa4: {  	[sflag:s22] =	ssyncset.done $0x0  }
0xa5: {  	s28 =	sadd.s32 $0x1400, s26;
	[sflag:s22] =	ssyncadd.s32 $0xFFFFC000  }
0xa6: {  	[spmem:s1] =	stream.indirect.scatter.add.f32 [tilespmem:s16], [sflag:$0x3], $0x80, s28, s20, $0xb8;
	[tilespmem:$0x1E800] =	vst v63  }
0xa7: {  	_ =	swait.ge [sflag:s18], $0x4000  }
0xa8: {  	[sflag:s18] =	ssyncset.done $0x0  }
0xa9: {  	s28 =	sadd.s32 $0x100, s26;
	[sflag:s18] =	ssyncadd.s32 $0xFFFFC000  }
0xaa: {  	[tilespmem:s16], [sflag:$0x1] =	stream.indirect.gather [hbm4b:s4+s20], $0x80, s28, s20, $0xb8;
	[tilespmem:$0x1E800] =	vst v63  }
0xab: {  	_ =	swait.ge [sflag:s17], $0x4000  }
.Ltmp2:
0xac: {  	[sflag:s17] =	ssyncset.done $0x0;
	(pc) =	sbr.rel @p0 .LBB2_6-.Ltmp2, $4  }
0xad: {  	s26 =	sadd.s32 $0x1480, s26;
	[sflag:s17] =	ssyncadd.s32 $0xFFFFC000  }
0xae: {  	[spmem:s1] =	stream.indirect.scatter.add.f32 [tilespmem:s21], [sflag:$0x3], $0x80, s26, s20, $0xb8;
	[tilespmem:$0x1E800] =	vst v63  }
0xaf: {  	_ =	swait.ge [sflag:s18], $0x4000  }
0xb0: {  	s28 =	smov.u32 s31;
	s26 =	sshra.s32 s30, $0x2;
	[sflag:s18] =	ssyncset.done $0x0  }
0xb1: {  	s28 =	sadd.s32 $0x80, s26;
	[sflag:s18] =	ssyncadd.s32 $0xFFFFC000  }
0xb2: {  	[tilespmem:s21], [sflag:$0x2] =	stream.indirect.gather [hbm4b:s4+s20], $0x80, s28, s20, $0xb8;
	[tilespmem:$0x1E800] =	vst v63  }
0xb3: {  	_ =	swait.ge [sflag:s22], $0x4000  }
0xb4: {  	[sflag:s22] =	ssyncset.done $0x0  }
0xb5: {  	s30 =	sadd.s32 $0x1400, s26;
	[sflag:s22] =	ssyncadd.s32 $0xFFFFC000  }
0xb6: {  	[spmem:s1] =	stream.indirect.scatter.add.f32 [tilespmem:s16], [sflag:$0x3], $0x80, s30, s20, $0xb8;
	[tilespmem:$0x1E800] =	vst v63  }
0xb7: {  	_ =	swait.ge [sflag:s18], $0x4000  }
0xb8: {  	[sflag:s18] =	ssyncset.done $0x0  }
0xb9: {  	s31 =	sadd.s32 $0x100, s26;
	[sflag:s18] =	ssyncadd.s32 $0xFFFFC000  }
0xba: {  	[tilespmem:s16], [sflag:$0x1] =	stream.indirect.gather [hbm4b:s4+s20], $0x80, s31, s20, $0xb8;
	[tilespmem:$0x1E800] =	vst v63  }
0xbb: {  	_ =	swait.ge [sflag:s17], $0x4000  }
0xbc: {  	[sflag:s17] =	ssyncset.done $0x0  }
0xbd: {  	s29 =	sadd.s32 $0x1480, s26;
	[sflag:s17] =	ssyncadd.s32 $0xFFFFC000  }
0xbe: {  	[spmem:s1] =	stream.indirect.scatter.add.f32 [tilespmem:s21], [sflag:$0x3], $0x80, s29, s20, $0xb8;
	[tilespmem:$0x1E800] =	vst v63  }
0xbf: {  	_ =	swait.ge [sflag:s18], $0x4000  }
0xc0: {  	[sflag:s18] =	ssyncset.done $0x0  }
0xc1: {  	[sflag:s18] =	ssyncadd.s32 $0xFFFFC000  }
0xc2: {  	[tilespmem:s21], [sflag:$0x2] =	stream.indirect.gather [hbm4b:s4+s20], $0x80, s23, s20, $0xb8;
	[tilespmem:$0x1E800] =	vst v63  }
0xc3: {  	_ =	swait.ge [sflag:s22], $0x4000  }
0xc4: {  	[sflag:s22] =	ssyncset.done $0x0  }
0xc5: {  	[sflag:s22] =	ssyncadd.s32 $0xFFFFC000  }
0xc6: {  	[spmem:s1] =	stream.indirect.scatter.add.f32 [tilespmem:s16], [sflag:$0x3], $0x80, s24, s20, $0xb8;
	[tilespmem:$0x1E800] =	vst v63  }
0xc7: {  	_ =	swait.ge [sflag:s18], $0x4000  }
0xc8: {  	[sflag:s18] =	ssyncset.done $0x0  }
0xc9: {  	[sflag:s18] =	ssyncadd.s32 $0xFFFFC000  }
0xca: {  	_ =	swait.ge [sflag:s17], $0x4000  }
0xcb: {  	[sflag:s17] =	ssyncset.done $0x0  }
0xcc: {  	[sflag:s17] =	ssyncadd.s32 $0xFFFFC000  }
0xcd: {  	[spmem:s1] =	stream.indirect.scatter.add.f32 [tilespmem:s21], [sflag:$0x3], $0x80, s25, s20, $0xb8;
	[tilespmem:$0x1E800] =	vst v63  }
0xce: {  	_ =	swait.ge [sflag:s18], $0x4000  }
0xcf: {  	s3 =	sadd.s32 $0x1, s3;
	s30 =	sshll.u32 s2, $0x6;
	[sflag:s18] =	ssyncset.done $0x0  }
0xd0: {  	p0 =	sne.s32 s3, s15;
	s26 =	sor.u32 $0x1C03, s30;
	[sflag:s18] =	ssyncadd.s32 $0xFFFFC000  }
.Ltmp3:
0xd1: {  	s31 =	sshrl.u32 s5, $0x3;
	[bflag:$0x0] =	sbarrier.arrive $0xFFFF;
	(pc) =	sbr.rel @p0 .LBB2_1-.Ltmp3, $4  }
0xd2: {  	[hbm:s14], [sflag:s26] =	dma.local [spmem:s31], $0x2800  }
0xd3: {  	_ =	swait.ge [sflag:s18], $0x2800  }
0xd4: {  	[sflag:s18] =	ssyncset.done $0x0  }
0xd5: {  	[sflag:s18] =	ssyncadd.s32 $0xFFFFD800  }
0xd6: {  	_ =	sfence.sel $0x180000  }
0xd7: {  	[bflag:$0x0] =	sbarrier.arrive $0xFFFF  }
0xd8: {  	p0 =	sne.s32 s2, $0x0;
	_ =	strace $0x90000050  }
0xd9: {  	s0 =	sadd.s32 @!p0 $0x100000, s0;
	[bflag:$0x2] =	sbarrier.arrive $0xFFFF  }
0xda: {  	[sflag:s0] =	ssyncadd.tile.s32 @!p0 $0x1;
	_ =	shalt  }
.Lfunc_end2:
_tile_overlayer_lowered:
.L_overlay_start_2:
0xdb: {  	(tag) =	ssettag $0x2  }
0xdc: {  	s0 =	rddreg [dreg:$0x0];
	s2 =	stileid.u32  }
0xdd: {  	s1 =	rddreg [dreg:$0x1];
	p0 =	sne.s32 s2, $0x0  }
0xde: {  	s3 =	rddreg [dreg:$0x2];
	[bflag:$0x3] =	sbarrier.arrive $0xFFFF;
	s2 =	simm.s32 @!p0 $0x1C03  }
0xdf: {  	[timem:s3], [sflag:s2] =	dma.local @!p0 [hbm:s0], s1  }
0xe0: {  	s0 =	simm.s32 @!p0 $0x3  }
0xe1: {  	_ =	swait.ge @!p0 [sflag:s0], s1  }
0xe2: {  	s1 =	ssub.s32 @!p0 $0x0, s1;
	[sflag:s0] =	ssyncset.done @!p0 $0x0  }
0xe3: {  	[sflag:s0] =	ssyncadd.s32 @!p0 s1  }
0xe4: {  	[bflag:$0x3] =	sbarrier.arrive $0xFFFF  }
0xe5: {  	_ =	shalt  }

// kernel: kernel.25.cloned.1.call-start
scs
__scs_entry_jumppad:
0x0: {  	(pc) =	sbr.rel $0x88, $3  }
0x1: {  	(tag) =	ssettag $0x0;
	lr =	simm.s32 $0x1  }
0x2: {  	[smem:$0x3F76] =	sst lr;
	_ =	strace $0xD0000000  }
0x3: {  	_ = 	snop  }
0x4: {  	_ = 	snop  }
0x5: {  	_ = 	snop  }
0x6: {  	_ = 	snop  }
0x7: {  	_ = 	snop  }
__scs_overlays_trampoline_lowered:
0x8: {  	[smem:$0x3F85] =	sst s0  }
0x9: {  	[smem:$0x3F86] =	sst s1  }
0xa: {  	[smem:$0x3F87] =	sst s2  }
0xb: {  	[smem:$0x3F88] =	sst s3  }
0xc: {  	[smem:$0x3F89] =	sst s4  }
0xd: {  	[smem:$0x3F8A] =	sst s5  }
0xe: {  	[smem:$0x3F8B] =	sst s6  }
0xf: {  	[smem:$0x3F8C] =	sst s7  }
0x10: {  	[smem:$0x3F8D] =	sst s8  }
0x11: {  	[smem:$0x3F8E] =	sst s9;
	s0 =	simm.s32 @!p0 $0x0  }
0x12: {  	s1 =	sld [smem:$0x3F74];
	s0 =	simm.s32 @p0 $0x1  }
0x13: {  	[smem:$0x3F8F] =	sst s0;
	s0 =	simm.s32 @!p1 $0x0  }
0x14: {  	s2 =	sld [smem:$0x3F73];
	s0 =	simm.s32 @p1 $0x1  }
0x15: {  	[smem:$0x3F90] =	sst s0;
	s0 =	simm.s32 @!p2 $0x0  }
0x16: {  	s3 =	sld [smem:$0x3FDB];
	s0 =	simm.s32 @p2 $0x1  }
0x17: {  	s4 =	simm.s32 $0x1BF5;
	[smem:$0x3F92] =	sst s0  }
0x18: {  	s0 =	sld [smem:$0x3F75];
	_ =	swait.ge [sflag:s4], $0x0  }
0x19: {  	s7 =	sld [smem:$0x3F76]  }
0x1a: {  	s8 =	sadd.s32 $0xFFFFE003, lr  }
0x1b: {  	s9 =	sadd.s32 $0xFFFFFEF7, lr;
	s5 =	simm.s32 $0xFFFFFFFF;
	p2 =	slt.u32 s8, $0xFFFFF086  }
0x1c: {  	p1 =	slt.u32 s9, $0xF7A;
	s5 =	simm.s32 @!p2 $0x0  }
0x1d: {  	s5 =	simm.s32 @p1 $0x1;
	p0 =	seq.s32 s7, s2  }
0x1e: {  	s7 =	smul.u32 @!p0 $0xF7A, s2;
	p2 =	seq.s32 @!p0 s5, $0x0  }
0x1f: {  	s9 =	smul.u32 $0xF7A, s1;
	s8 =	simm.s32 @!p0 $0x1BF5;
	p2 =	por !p2, p0  }
0x20: {  	[sflag:s8] =	ssyncset.s32 @!p0 $0xFFFFF086;
	s6 =	sadd.s32 @!p0 s3, s7;
	s7 =	simm.s32 @!p0 $0x108  }
0x21: {  	s3 =	sadd.s32 s3, s9;
	s6 =	sadd.s32 @!p0 $0x88, s6;
	s7 =	simm.s32 @p2 $0x1082  }
0x22: {  	[simem:s7], [sflag:s8] =	dma.local @!p0 [hbm:s6], $0xF7A  }
0x23: {  	s9 =	sor.u32 $0xD0000000, s2;
	s6 =	simm.s32 $0x108;
	_ =	swait.ge @!p0 [sflag:s8], $0x0  }
0x24: {  	s3 =	sadd.s32 $0x88, s3;
	s6 =	simm.s32 @!p1 $0x1082;
	[sflag:s4] =	ssyncset.s32 $0xFFFFF086  }
0x25: {  	[simem:s6], [sflag:s4] =	dma.local [hbm:s3], $0xF7A  }
0x26: {  	[smem:$0x3F76] =	sst s1;
	(tag) =	ssettag s2;
	_ =	strace s9  }
0x27: {  	s1 =	sld [smem:$0x3F86]  }
0x28: {  	s2 =	sld [smem:$0x3F87]  }
0x29: {  	s4 =	sld [smem:$0x3F89]  }
0x2a: {  	p0 =	seq.s32 s5, $0x0;
	s5 =	sld [smem:$0x3F8A]  }
0x2b: {  	s6 =	sld [smem:$0x3F8B]  }
0x2c: {  	s7 =	sld [smem:$0x3F8C]  }
0x2d: {  	s3 =	simm.s32 $0x108;
	s8 =	sld [smem:$0x3F8D]  }
0x2e: {  	s3 =	simm.s32 @!p0 $0x1082;
	s9 =	sld [smem:$0x3F8E]  }
0x2f: {  	lr =	sadd.s32 s0, s3;
	s0 =	sld [smem:$0x3F85]  }
0x30: {  	s3 =	sld [smem:$0x3F88]  }
0x31: {  	[smem:$0x3F91] =	sst s10  }
0x32: {  	s10 =	sld [smem:$0x3F8F];
	_ =	sdelay $0x3  }
0x33: {  	p0 =	seq.s32 s10, $0x1;
	s10 =	sld [smem:$0x3F91];
	_ =	sdelay $0x3  }
0x34: {  	[smem:$0x3F91] =	sst s10  }
0x35: {  	s10 =	sld [smem:$0x3F90];
	_ =	sdelay $0x3  }
0x36: {  	p1 =	seq.s32 s10, $0x1;
	s10 =	sld [smem:$0x3F91];
	_ =	sdelay $0x3  }
0x37: {  	[smem:$0x3F91] =	sst s10  }
0x38: {  	s10 =	sld [smem:$0x3F92]  }
0x39: {  	_ = 	snop;
	(pc) =	sbr.ind lr, $3  }
0x3a: {  	_ = 	snop  }
0x3b: {  	_ = 	snop  }
0x3c: {  	p2 =	seq.s32 s10, $0x1;
	s10 =	sld [smem:$0x3F91]  }
0x3d: {  	_ =	shalt  }
0x3e: {  	_ =	shalt  }
0x3f: {  	_ =	shalt  }
0x40: {  	_ =	shalt  }
0x41: {  	_ =	shalt  }
0x42: {  	_ =	shalt  }
0x43: {  	_ =	shalt  }
0x44: {  	_ =	shalt  }
0x45: {  	_ =	shalt  }
0x46: {  	_ =	shalt  }
0x47: {  	_ =	shalt  }
0x48: {  	_ =	shalt  }
0x49: {  	_ =	shalt  }
0x4a: {  	_ =	shalt  }
0x4b: {  	_ =	shalt  }
0x4c: {  	_ =	shalt  }
0x4d: {  	_ =	shalt  }
0x4e: {  	_ =	shalt  }
0x4f: {  	_ =	shalt  }
0x50: {  	_ =	shalt  }
0x51: {  	_ =	shalt  }
0x52: {  	_ =	shalt  }
0x53: {  	_ =	shalt  }
0x54: {  	_ =	shalt  }
0x55: {  	_ =	shalt  }
0x56: {  	_ =	shalt  }
0x57: {  	_ =	shalt  }
0x58: {  	_ =	shalt  }
0x59: {  	_ =	shalt  }
0x5a: {  	_ =	shalt  }
0x5b: {  	_ =	shalt  }
0x5c: {  	_ =	shalt  }
0x5d: {  	_ =	shalt  }
0x5e: {  	_ =	shalt  }
0x5f: {  	_ =	shalt  }
0x60: {  	_ =	shalt  }
0x61: {  	_ =	shalt  }
0x62: {  	_ =	shalt  }
0x63: {  	_ =	shalt  }
0x64: {  	_ =	shalt  }
0x65: {  	_ =	shalt  }
0x66: {  	_ =	shalt  }
0x67: {  	_ =	shalt  }
0x68: {  	_ =	shalt  }
0x69: {  	_ =	shalt  }
0x6a: {  	_ =	shalt  }
0x6b: {  	_ =	shalt  }
0x6c: {  	_ =	shalt  }
0x6d: {  	_ =	shalt  }
0x6e: {  	_ =	shalt  }
0x6f: {  	_ =	shalt  }
0x70: {  	_ =	shalt  }
0x71: {  	_ =	shalt  }
0x72: {  	_ =	shalt  }
0x73: {  	_ =	shalt  }
0x74: {  	_ =	shalt  }
0x75: {  	_ =	shalt  }
0x76: {  	_ =	shalt  }
0x77: {  	_ =	shalt  }
0x78: {  	_ =	shalt  }
0x79: {  	_ =	shalt  }
0x7a: {  	_ =	shalt  }
0x7b: {  	_ =	shalt  }
0x7c: {  	_ =	shalt  }
0x7d: {  	_ =	shalt  }
0x7e: {  	_ =	shalt  }
0x7f: {  	_ =	shalt  }
0x80: {  	_ =	shalt  }
0x81: {  	_ =	shalt  }
0x82: {  	_ =	shalt  }
0x83: {  	_ =	shalt  }
0x84: {  	_ =	shalt  }
0x85: {  	_ =	shalt  }
0x86: {  	_ =	shalt  }
0x87: {  	_ =	shalt  }
.Lfunc_end0:
.L_simem_size_0:
called_computation.4_lowered:
.L_overlay_start_0:
0x88: {  	s2 =	sld [smem:$0x3FD9]  }
0x89: {  	s3 =	sld [smem:$0x3FFE];
	_ =	sdelay $0x1  }
0x8a: {  	s1 =	srdreg.scid  }
0x8b: {  	s0 =	sand.u32 $0x1, s1  }
0x8c: {  	s17 =	sshll.u32 s0, $0xA;
	s2 =	sadd.s32 s3, s2  }
0x8d: {  	s2 =	sadd.s32 s2, s17  }
0x8e: {  	[smem:$0x3F9D] =	sst s2  }
0x8f: {  	_ = 	snop  }
0x90: {  	s2 =	sld [smem:$0x3FD0];
	(tm) =	ssettm $0x1  }
0x91: {  	s18 =	sld [smem:$0x3FFB];
	_ =	sdelay $0x3  }
0x92: {  	_ =	strace s18  }
0x93: {  	s3 =	sld [smem:$0x3FFC];
	_ =	sdelay $0x3  }
0x94: {  	_ =	strace s3  }
0x95: {  	s3 =	sld [smem:$0x3FFD];
	_ =	sdelay $0x3  }
0x96: {  	_ =	strace s3  }
0x97: {  	_ =	strace $0x8FFFFFFF  }
0x98: {  	s19 =	sld [smem:$0x3FDB];
	_ =	sdelay $0x1  }
0x99: {  	s4 =	simm.s32 $_scs_section_size  }
0x9a: {  	s5 =	simm.s32 $_size__tile_overlayer_lowered;
	s6 =	simm.s32 $_tile_overlayer_lowered  }
0x9b: {  	s22 =	simm.s32 $0x1BFF;
	s21 =	sshll.u32 s6, $0x1;
	s3 =	sadd.s32 s4, s19  }
0x9c: {  	s7 =	simm.s32 $0x0;
	s20 =	sshll.u32 s5, $0x1;
	s5 =	sadd.s32 s21, s3  }
0x9d: {  	[timem:s7], [sflag:s22] =	dma.local [hbm:s5], s20  }
0x9e: {  	_ =	swait.ge [sflag:s22], s20  }
0x9f: {  	s4 =	ssub.s32 $0x0, s20;
	[sflag:s22] =	ssyncset.done $0x0  }
0xa0: {  	[sflag:s22] =	ssyncadd.s32 s4;
	_ =	sdelay $0x1  }
0xa1: {  	s23 =	simm.s32 $0x1B8B  }
0xa2: {  	_ =	swait.ge [sflag:s23], $0x1  }
0xa3: {  	[sflag:s23] =	ssyncset.done $0x0  }
0xa4: {  	s25 =	simm.s32 $0x1B8E;
	s24 =	sld [smem:$0x3FFE];
	[sflag:s23] =	ssyncadd.s32 $0xFFFFFFFF  }
0xa5: {  	s26 =	simm.s32 $execute0_lowered;
	[smem:$0x3FD2] =	sst s25  }
0xa6: {  	s5 =	sshll.u32 s26, $0x1;
	_ =	strace $0x80000052;
	[dreg:$0x1] =	wrdreg $0xFFFFFFFF  }
0xa7: {  	s28 =	simm.s32 $_size_execute0_lowered;
	s3 =	sadd.s32 s3, s5;
	[dreg:$0x0] =	wrdreg $0x0  }
0xa8: {  	s5 =	sshll.u32 s28, $0x1;
	[dreg:$0x2] =	wrdreg s3  }
0xa9: {  	[dreg:$0x3] =	wrdreg s5  }
0xaa: {  	[dreg:$0x4] =	wrdreg $0xC0  }
0xab: {  	_ =	task [dreg:s7], $0x5FFFF  }
0xac: {  	[dreg:$0x1] =	wrdreg $0xFFFFFFFF  }
0xad: {  	[dreg:$0x0] =	wrdreg $0x60  }
0xae: {  	[dreg:$0x2] =	wrdreg s24  }
0xaf: {  	[dreg:$0x3] =	wrdreg s2  }
0xb0: {  	[dreg:$0x4] =	wrdreg $0xA8000  }
0xb1: {  	[dreg:$0x5] =	wrdreg $0x9  }
0xb2: {  	_ =	task.clear_ibuf [dreg:s7], $0x6FFFF;
	_ =	strace $0x90000052  }
0xb3: {  	s29 =	simm.s32 $0x9;
	_ =	strace $0x80000054  }
0xb4: {  	_ =	swait.ge [sflag:s29], $0x1  }
0xb5: {  	[sflag:s29] =	ssyncadd.s32 $0xFFFFFFFF  }
0xb6: {  	_ =	strace $0x90000054  }
0xb7: {  	_ =	sfence  }
0xb8: {  	s30 =	sld [smem:$0x0];
	_ =	sdelay $0x2  }
0xb9: {  	s31 =	sshll.u32 s1, $0xD;
	s1 =	sshrl.u32 s1, $0x2  }
0xba: {  	s3 =	sand.u32 $0x4000, s31;
	s1 =	sadd.s32 s1, s30  }
0xbb: {  	s0 =	sor.u32 s3, s0;
	s1 =	sshll.u32 s1, $0x11  }
0xbc: {  	s0 =	sor.u32 s1, s0  }
0xbd: {  	s0 =	sadd.s32 $0x8F2B, s0  }
0xbe: {  	[sflag:s0] =	ssyncadd.remote.s32 $0x1  }
0xbf: {  	_ =	sfence.sel $0xFFFF  }
0xc0: {  	[dreg:$0x0] =	wrdreg $0xFFFFFFFF;
	(pc) =	sbr.abs _section_cstart, $3  }
0xc1: {  	[dreg:$0x1] =	wrdreg $0xFFFFFFFF  }
0xc2: {  	_ =	task.clear_ibuf [dreg:s7], $0x2FFFF;
	_ =	strace $0x9FFFFFFF  }
0xc3: {  	(tm) =	ssettm $0x7FFFFFFF  }
tec
execute0_lowered:
.L_overlay_start_1:
0x0: {  	(tag) =	ssettag $0x1  }
0x1: {  	s6 =	rddreg [dreg:$0x0]  }
0x2: {  	s12 =	rddreg [dreg:$0x1]  }
0x3: {  	s1 =	rddreg [dreg:$0x2]  }
0x4: {  	s2 =	srdreg.scid;
	s0 =	rddreg [dreg:$0x3];
	s3 =	simm.s32 $0x0  }
0x5: {  	s17 =	simm.s32 $0x2;
	s18 =	simm.s32 $0x3;
	s19 =	simm.s32 $0x1400  }
0x6: {  	s20 =	simm.s32 $0x80;
	s21 =	simm.s32 $0x6800;
	s22 =	simm.s32 $0x1  }
0x7: {  	s23 =	simm.s32 $0x1380;
	s24 =	simm.s32 $0x2700;
	s5 =	sand.u32 $0x1, s2  }
0x8: {  	s25 =	simm.s32 $0x2780;
	s2 =	stileid.u32;
	s7 =	smul.u32 $0x140000, s5  }
0x9: {  	[smem:$0x7FF] =	sst s3;
	s4 =	sadd.s32 $0x12E00, s6;
	s8 =	smul.u32 $0x14000, s2  }
0xa: {  	s13 =	sadd.s32 $0x8E00, s6;
	s29 =	smul.u32 $0x50000, s2;
	s9 =	sshll.u32 s5, $0x4  }
0xb: {  	_ =	strace $0x80000053;
	s10 =	ssub.s32 $0x2, s5;
	s9 =	sor.u32 s2, s9  }
0xc: {  	s31 =	sshrl.u32 s10, $0x1;
	s7 =	sadd.s32 s8, s7;
	s30 =	sshrl.u32 s29, $0x2  }
0xd: {  	s9 =	smul.u32 $0x2800, s9;
	s15 =	ssub.s32 s10, s31;
	s7 =	sshrl.u32 s7, $0x3  }
0xe: {  	s5 =	sadd.s32 s30, s1;
	s15 =	smax.u32 s15, $0x1;
	s14 =	sadd.s32 s7, s6  }
0xf: {  	s6 =	sadd.s32 $0x4000, s5;
	s7 =	sadd.s32 $0x8000, s5;
	s11 =	sshrl.u32 s9, $0x3  }
0x10: {  	s8 =	sadd.s32 $0xC000, s5;
	s9 =	sadd.s32 $0x10000, s5;
	s10 =	sadd.s32 s12, s11  }
0x11: {  	s16 =	sadd.s32 $0x280, s11;
	s11 =	sadd.s32 s13, s11;
	s14 =	sadd.s32 $0xB2E00, s14  }
0x12: {  	v0 =	vimm.f32 $0.0e+00;
	s12 =	sadd.s32 s12, s16;
	s13 =	sadd.s32 s13, s16;
	s16 =	simm.s32 $0x2800  }
.LBB2_1:
0x13: {  	s26 =	simm.s32 $0x0;
	s28 =	simm.s32 $0x200  }
.LBB2_2:
0x14: {  	p0 =	sne.s32 s28, $0xFE00;
	[tilespmem:s26+$0x2870] =	vst v0  }
0x15: {  	[tilespmem:s26+$0x2800] =	vst v0  }
0x16: {  	[tilespmem:s26+$0x2810] =	vst v0  }
.Ltmp0:
0x17: {  	[tilespmem:s26+$0x2820] =	vst v0;
	(pc) =	sbr.rel @p0 .LBB2_2-.Ltmp0, $4  }
0x18: {  	[tilespmem:s26+$0x2830] =	vst v0  }
0x19: {  	[tilespmem:s26+$0x2840] =	vst v0  }
0x1a: {  	[tilespmem:s26+$0x2850] =	vst v0  }
0x1b: {  	[tilespmem:s26+$0x2860] =	vst v0;
	s26 =	sshra.s32 s28, $0x2;
	s28 =	sadd.s32 $0x200, s28  }
0x1c: {  	[tilespmem:s26+$0x2870] =	vst v0  }
0x1d: {  	[tilespmem:s26+$0x2800] =	vst v0  }
0x1e: {  	[tilespmem:s26+$0x2810] =	vst v0  }
0x1f: {  	[tilespmem:s26+$0x2820] =	vst v0  }
0x20: {  	[tilespmem:s26+$0x2830] =	vst v0  }
0x21: {  	[tilespmem:s26+$0x2840] =	vst v0  }
0x22: {  	[tilespmem:s26+$0x2850] =	vst v0  }
0x23: {  	[tilespmem:s26+$0x2860] =	vst v0  }
0x24: {  	[spmem:s5] =	stream.linear.scatter [tilespmem:s16], [sflag:$0x2], $0x4000, $0x38;
	[tilespmem:$0x1E800] =	vst v63  }
0x25: {  	_ = 	snop  }
0x26: {  	[spmem:s6] =	stream.linear.scatter [tilespmem:s16], [sflag:$0x2], $0x4000, $0x38;
	[tilespmem:$0x1E800] =	vst v63  }
0x27: {  	_ = 	snop  }
0x28: {  	[spmem:s7] =	stream.linear.scatter [tilespmem:s16], [sflag:$0x2], $0x4000, $0x38;
	[tilespmem:$0x1E800] =	vst v63  }
0x29: {  	_ = 	snop  }
0x2a: {  	[spmem:s8] =	stream.linear.scatter [tilespmem:s16], [sflag:$0x2], $0x4000, $0x38;
	[tilespmem:$0x1E800] =	vst v63  }
0x2b: {  	_ = 	snop  }
0x2c: {  	[spmem:s9] =	stream.linear.scatter [tilespmem:s16], [sflag:$0x2], $0x4000, $0x38;
	[tilespmem:$0x1E800] =	vst v63  }
0x2d: {  	_ =	swait.ge [sflag:s17], $0x4000  }
0x2e: {  	[sflag:s17] =	ssyncset.done $0x0  }
0x2f: {  	[sflag:s17] =	ssyncadd.s32 $0xFFFFC000  }
0x30: {  	_ =	swait.ge [sflag:s17], $0x4000  }
0x31: {  	[sflag:s17] =	ssyncset.done $0x0  }
0x32: {  	[sflag:s17] =	ssyncadd.s32 $0xFFFFC000  }
0x33: {  	_ =	swait.ge [sflag:s17], $0x4000  }
0x34: {  	[sflag:s17] =	ssyncset.done $0x0  }
0x35: {  	[sflag:s17] =	ssyncadd.s32 $0xFFFFC000  }
0x36: {  	_ =	swait.ge [sflag:s17], $0x4000  }
0x37: {  	[sflag:s17] =	ssyncset.done $0x0  }
0x38: {  	[sflag:s17] =	ssyncadd.s32 $0xFFFFC000  }
0x39: {  	_ =	swait.ge [sflag:s17], $0x4000  }
0x3a: {  	[sflag:s17] =	ssyncset.done $0x0  }
0x3b: {  	[sflag:s17] =	ssyncadd.s32 $0xFFFFC000  }
0x3c: {  	s30 =	simm.s32 $0x0;
	[bflag:$0x0] =	sbarrier.arrive $0xFFFF  }
0x3d: {  	[tilespmem:s30], [sflag:$0x3] =	stream.linear.gather [hbm4b:s10+s30], $0x1400, $0x38;
	[tilespmem:$0x1E800] =	vst v63  }
0x3e: {  	_ =	swait.ge [sflag:s18], $0x1400  }
0x3f: {  	[sflag:s18] =	ssyncset.done $0x0  }
0x40: {  	[sflag:s18] =	ssyncadd.s32 $0xFFFFEC00  }
0x41: {  	[tilespmem:s19], [sflag:$0x3] =	stream.linear.gather [hbm4b:s11+s30], $0x1400, $0x38;
	[tilespmem:$0x1E800] =	vst v63  }
0x42: {  	_ =	swait.ge [sflag:s18], $0x1400  }
0x43: {  	[sflag:s18] =	ssyncset.done $0x0  }
0x44: {  	[sflag:s18] =	ssyncadd.s32 $0xFFFFEC00  }
0x45: {  	[tilespmem:s16], [sflag:$0x1] =	stream.indirect.gather [hbm4b:s4+s20], $0x80, s30, s20, $0xb8;
	[tilespmem:$0x1E800] =	vst v63  }
0x46: {  	s31 =	simm.s32 $0x80  }
0x47: {  	[tilespmem:s21], [sflag:$0x2] =	stream.indirect.gather [hbm4b:s4+s20], $0x80, s31, s20, $0xb8;
	[tilespmem:$0x1E800] =	vst v63  }
0x48: {  	_ =	swait.ge [sflag:s22], $0x4000  }
0x49: {  	[sflag:s22] =	ssyncset.done $0x0  }
0x4a: {  	s29 =	simm.s32 $0x1400;
	[sflag:s22] =	ssyncadd.s32 $0xFFFFC000  }
0x4b: {  	[spmem:s1] =	stream.indirect.scatter.add.f32 [tilespmem:s16], [sflag:$0x3], $0x80, s29, s20, $0xb8;
	[tilespmem:$0x1E800] =	vst v63  }
0x4c: {  	_ =	swait.ge [sflag:s18], $0x4000  }
0x4d: {  	[sflag:s18] =	ssyncset.done $0x0  }
0x4e: {  	s30 =	simm.s32 $0x100;
	[sflag:s18] =	ssyncadd.s32 $0xFFFFC000  }
0x4f: {  	[tilespmem:s16], [sflag:$0x1] =	stream.indirect.gather [hbm4b:s4+s20], $0x80, s30, s20, $0xb8;
	[tilespmem:$0x1E800] =	vst v63  }
0x50: {  	_ =	swait.ge [sflag:s17], $0x4000  }
0x51: {  	[sflag:s17] =	ssyncset.done $0x0  }
0x52: {  	s31 =	simm.s32 $0x1480;
	[sflag:s17] =	ssyncadd.s32 $0xFFFFC000  }
0x53: {  	[spmem:s1] =	stream.indirect.scatter.add.f32 [tilespmem:s21], [sflag:$0x3], $0x80, s31, s20, $0xb8;
	[tilespmem:$0x1E800] =	vst v63  }
0x54: {  	_ =	swait.ge [sflag:s18], $0x4000  }
0x55: {  	s28 =	simm.s32 $0x800;
	s26 =	simm.s32 $0x100;
	[sflag:s18] =	ssyncset.done $0x0  }
.LBB2_4:
0x56: {  	s29 =	sadd.s32 $0x80, s26  }
0x57: {  	[sflag:s18] =	ssyncadd.s32 $0xFFFFC000;
	s30 =	smov.u32 s28;
	s31 =	sadd.s32 $0x400, s28  }
0x58: {  	[tilespmem:s21], [sflag:$0x2] =	stream.indirect.gather [hbm4b:s4+s20], $0x80, s29, s20, $0xb8;
	[tilespmem:$0x1E800] =	vst v63  }
0x59: {  	p0 =	sne.s32 s28, $0x4800;
	_ =	swait.ge [sflag:s22], $0x4000  }
0x5a: {  	[sflag:s22] =	ssyncset.done $0x0  }
0x5b: {  	s28 =	sadd.s32 $0x1400, s26;
	[sflag:s22] =	ssyncadd.s32 $0xFFFFC000  }
0x5c: {  	[spmem:s1] =	stream.indirect.scatter.add.f32 [tilespmem:s16], [sflag:$0x3], $0x80, s28, s20, $0xb8;
	[tilespmem:$0x1E800] =	vst v63  }
0x5d: {  	_ =	swait.ge [sflag:s18], $0x4000  }
0x5e: {  	[sflag:s18] =	ssyncset.done $0x0  }
0x5f: {  	s28 =	sadd.s32 $0x100, s26;
	[sflag:s18] =	ssyncadd.s32 $0xFFFFC000  }
0x60: {  	[tilespmem:s16], [sflag:$0x1] =	stream.indirect.gather [hbm4b:s4+s20], $0x80, s28, s20, $0xb8;
	[tilespmem:$0x1E800] =	vst v63  }
0x61: {  	_ =	swait.ge [sflag:s17], $0x4000  }
.Ltmp1:
0x62: {  	[sflag:s17] =	ssyncset.done $0x0;
	(pc) =	sbr.rel @p0 .LBB2_4-.Ltmp1, $4  }
0x63: {  	s26 =	sadd.s32 $0x1480, s26;
	[sflag:s17] =	ssyncadd.s32 $0xFFFFC000  }
0x64: {  	[spmem:s1] =	stream.indirect.scatter.add.f32 [tilespmem:s21], [sflag:$0x3], $0x80, s26, s20, $0xb8;
	[tilespmem:$0x1E800] =	vst v63  }
0x65: {  	_ =	swait.ge [sflag:s18], $0x4000  }
0x66: {  	s28 =	smov.u32 s31;
	s26 =	sshra.s32 s30, $0x2;
	[sflag:s18] =	ssyncset.done $0x0  }
0x67: {  	s28 =	sadd.s32 $0x80, s26;
	[sflag:s18] =	ssyncadd.s32 $0xFFFFC000  }
0x68: {  	[tilespmem:s21], [sflag:$0x2] =	stream.indirect.gather [hbm4b:s4+s20], $0x80, s28, s20, $0xb8;
	[tilespmem:$0x1E800] =	vst v63  }
0x69: {  	_ =	swait.ge [sflag:s22], $0x4000  }
0x6a: {  	[sflag:s22] =	ssyncset.done $0x0  }
0x6b: {  	s28 =	sadd.s32 $0x1400, s26;
	[sflag:s22] =	ssyncadd.s32 $0xFFFFC000  }
0x6c: {  	[spmem:s1] =	stream.indirect.scatter.add.f32 [tilespmem:s16], [sflag:$0x3], $0x80, s28, s20, $0xb8;
	[tilespmem:$0x1E800] =	vst v63  }
0x6d: {  	_ =	swait.ge [sflag:s18], $0x4000  }
0x6e: {  	[sflag:s18] =	ssyncset.done $0x0  }
0x6f: {  	s28 =	sadd.s32 $0x100, s26;
	[sflag:s18] =	ssyncadd.s32 $0xFFFFC000  }
0x70: {  	[tilespmem:s16], [sflag:$0x1] =	stream.indirect.gather [hbm4b:s4+s20], $0x80, s28, s20, $0xb8;
	[tilespmem:$0x1E800] =	vst v63  }
0x71: {  	_ =	swait.ge [sflag:s17], $0x4000  }
0x72: {  	[sflag:s17] =	ssyncset.done $0x0  }
0x73: {  	s29 =	sadd.s32 $0x1480, s26;
	[sflag:s17] =	ssyncadd.s32 $0xFFFFC000  }
0x74: {  	[spmem:s1] =	stream.indirect.scatter.add.f32 [tilespmem:s21], [sflag:$0x3], $0x80, s29, s20, $0xb8;
	[tilespmem:$0x1E800] =	vst v63  }
0x75: {  	_ =	swait.ge [sflag:s18], $0x4000  }
0x76: {  	[sflag:s18] =	ssyncset.done $0x0  }
0x77: {  	[sflag:s18] =	ssyncadd.s32 $0xFFFFC000  }
0x78: {  	[tilespmem:s21], [sflag:$0x2] =	stream.indirect.gather [hbm4b:s4+s20], $0x80, s23, s20, $0xb8;
	[tilespmem:$0x1E800] =	vst v63  }
0x79: {  	_ =	swait.ge [sflag:s22], $0x4000  }
0x7a: {  	[sflag:s22] =	ssyncset.done $0x0  }
0x7b: {  	[sflag:s22] =	ssyncadd.s32 $0xFFFFC000  }
0x7c: {  	[spmem:s1] =	stream.indirect.scatter.add.f32 [tilespmem:s16], [sflag:$0x3], $0x80, s24, s20, $0xb8;
	[tilespmem:$0x1E800] =	vst v63  }
0x7d: {  	_ =	swait.ge [sflag:s18], $0x4000  }
0x7e: {  	[sflag:s18] =	ssyncset.done $0x0  }
0x7f: {  	[sflag:s18] =	ssyncadd.s32 $0xFFFFC000  }
0x80: {  	_ =	swait.ge [sflag:s17], $0x4000  }
0x81: {  	[sflag:s17] =	ssyncset.done $0x0  }
0x82: {  	[sflag:s17] =	ssyncadd.s32 $0xFFFFC000  }
0x83: {  	[spmem:s1] =	stream.indirect.scatter.add.f32 [tilespmem:s21], [sflag:$0x3], $0x80, s25, s20, $0xb8;
	[tilespmem:$0x1E800] =	vst v63  }
0x84: {  	_ =	swait.ge [sflag:s18], $0x4000  }
0x85: {  	[sflag:s18] =	ssyncset.done $0x0  }
0x86: {  	s30 =	simm.s32 $0x0;
	[sflag:s18] =	ssyncadd.s32 $0xFFFFC000  }
0x87: {  	[tilespmem:s30], [sflag:$0x3] =	stream.linear.gather [hbm4b:s12+s30], $0x1400, $0x38;
	[tilespmem:$0x1E800] =	vst v63  }
0x88: {  	_ =	swait.ge [sflag:s18], $0x1400  }
0x89: {  	[sflag:s18] =	ssyncset.done $0x0  }
0x8a: {  	[sflag:s18] =	ssyncadd.s32 $0xFFFFEC00  }
0x8b: {  	[tilespmem:s19], [sflag:$0x3] =	stream.linear.gather [hbm4b:s13+s30], $0x1400, $0x38;
	[tilespmem:$0x1E800] =	vst v63  }
0x8c: {  	_ =	swait.ge [sflag:s18], $0x1400  }
0x8d: {  	[sflag:s18] =	ssyncset.done $0x0  }
0x8e: {  	[sflag:s18] =	ssyncadd.s32 $0xFFFFEC00  }
0x8f: {  	[tilespmem:s16], [sflag:$0x1] =	stream.indirect.gather [hbm4b:s4+s20], $0x80, s30, s20, $0xb8;
	[tilespmem:$0x1E800] =	vst v63  }
0x90: {  	s31 =	simm.s32 $0x80  }
0x91: {  	[tilespmem:s21], [sflag:$0x2] =	stream.indirect.gather [hbm4b:s4+s20], $0x80, s31, s20, $0xb8;
	[tilespmem:$0x1E800] =	vst v63  }
0x92: {  	_ =	swait.ge [sflag:s22], $0x4000  }
0x93: {  	[sflag:s22] =	ssyncset.done $0x0  }
0x94: {  	s29 =	simm.s32 $0x1400;
	[sflag:s22] =	ssyncadd.s32 $0xFFFFC000  }
0x95: {  	[spmem:s1] =	stream.indirect.scatter.add.f32 [tilespmem:s16], [sflag:$0x3], $0x80, s29, s20, $0xb8;
	[tilespmem:$0x1E800] =	vst v63  }
0x96: {  	_ =	swait.ge [sflag:s18], $0x4000  }
0x97: {  	[sflag:s18] =	ssyncset.done $0x0  }
0x98: {  	s30 =	simm.s32 $0x100;
	[sflag:s18] =	ssyncadd.s32 $0xFFFFC000  }
0x99: {  	[tilespmem:s16], [sflag:$0x1] =	stream.indirect.gather [hbm4b:s4+s20], $0x80, s30, s20, $0xb8;
	[tilespmem:$0x1E800] =	vst v63  }
0x9a: {  	_ =	swait.ge [sflag:s17], $0x4000  }
0x9b: {  	[sflag:s17] =	ssyncset.done $0x0  }
0x9c: {  	s31 =	simm.s32 $0x1480;
	[sflag:s17] =	ssyncadd.s32 $0xFFFFC000  }
0x9d: {  	[spmem:s1] =	stream.indirect.scatter.add.f32 [tilespmem:s21], [sflag:$0x3], $0x80, s31, s20, $0xb8;
	[tilespmem:$0x1E800] =	vst v63  }
0x9e: {  	_ =	swait.ge [sflag:s18], $0x4000  }
0x9f: {  	s26 =	simm.s32 $0x100;
	s28 =	simm.s32 $0x800;
	[sflag:s18] =	ssyncset.done $0x0  }
.LBB2_6:
0xa0: {  	s29 =	sadd.s32 $0x80, s26  }
0xa1: {  	[sflag:s18] =	ssyncadd.s32 $0xFFFFC000;
	s30 =	smov.u32 s28;
	s31 =	sadd.s32 $0x400, s28  }
0xa2: {  	[tilespmem:s21], [sflag:$0x2] =	stream.indirect.gather [hbm4b:s4+s20], $0x80, s29, s20, $0xb8;
	[tilespmem:$0x1E800] =	vst v63  }
0xa3: {  	p0 =	sne.s32 s28, $0x4800;
	_ =	swait.ge [sflag:s22], $0x4000  }
0xa4: {  	[sflag:s22] =	ssyncset.done $0x0  }
0xa5: {  	s28 =	sadd.s32 $0x1400, s26;
	[sflag:s22] =	ssyncadd.s32 $0xFFFFC000  }
0xa6: {  	[spmem:s1] =	stream.indirect.scatter.add.f32 [tilespmem:s16], [sflag:$0x3], $0x80, s28, s20, $0xb8;
	[tilespmem:$0x1E800] =	vst v63  }
0xa7: {  	_ =	swait.ge [sflag:s18], $0x4000  }
0xa8: {  	[sflag:s18] =	ssyncset.done $0x0  }
0xa9: {  	s28 =	sadd.s32 $0x100, s26;
	[sflag:s18] =	ssyncadd.s32 $0xFFFFC000  }
0xaa: {  	[tilespmem:s16], [sflag:$0x1] =	stream.indirect.gather [hbm4b:s4+s20], $0x80, s28, s20, $0xb8;
	[tilespmem:$0x1E800] =	vst v63  }
0xab: {  	_ =	swait.ge [sflag:s17], $0x4000  }
.Ltmp2:
0xac: {  	[sflag:s17] =	ssyncset.done $0x0;
	(pc) =	sbr.rel @p0 .LBB2_6-.Ltmp2, $4  }
0xad: {  	s26 =	sadd.s32 $0x1480, s26;
	[sflag:s17] =	ssyncadd.s32 $0xFFFFC000  }
0xae: {  	[spmem:s1] =	stream.indirect.scatter.add.f32 [tilespmem:s21], [sflag:$0x3], $0x80, s26, s20, $0xb8;
	[tilespmem:$0x1E800] =	vst v63  }
0xaf: {  	_ =	swait.ge [sflag:s18], $0x4000  }
0xb0: {  	s28 =	smov.u32 s31;
	s26 =	sshra.s32 s30, $0x2;
	[sflag:s18] =	ssyncset.done $0x0  }
0xb1: {  	s28 =	sadd.s32 $0x80, s26;
	[sflag:s18] =	ssyncadd.s32 $0xFFFFC000  }
0xb2: {  	[tilespmem:s21], [sflag:$0x2] =	stream.indirect.gather [hbm4b:s4+s20], $0x80, s28, s20, $0xb8;
	[tilespmem:$0x1E800] =	vst v63  }
0xb3: {  	_ =	swait.ge [sflag:s22], $0x4000  }
0xb4: {  	[sflag:s22] =	ssyncset.done $0x0  }
0xb5: {  	s30 =	sadd.s32 $0x1400, s26;
	[sflag:s22] =	ssyncadd.s32 $0xFFFFC000  }
0xb6: {  	[spmem:s1] =	stream.indirect.scatter.add.f32 [tilespmem:s16], [sflag:$0x3], $0x80, s30, s20, $0xb8;
	[tilespmem:$0x1E800] =	vst v63  }
0xb7: {  	_ =	swait.ge [sflag:s18], $0x4000  }
0xb8: {  	[sflag:s18] =	ssyncset.done $0x0  }
0xb9: {  	s31 =	sadd.s32 $0x100, s26;
	[sflag:s18] =	ssyncadd.s32 $0xFFFFC000  }
0xba: {  	[tilespmem:s16], [sflag:$0x1] =	stream.indirect.gather [hbm4b:s4+s20], $0x80, s31, s20, $0xb8;
	[tilespmem:$0x1E800] =	vst v63  }
0xbb: {  	_ =	swait.ge [sflag:s17], $0x4000  }
0xbc: {  	[sflag:s17] =	ssyncset.done $0x0  }
0xbd: {  	s29 =	sadd.s32 $0x1480, s26;
	[sflag:s17] =	ssyncadd.s32 $0xFFFFC000  }
0xbe: {  	[spmem:s1] =	stream.indirect.scatter.add.f32 [tilespmem:s21], [sflag:$0x3], $0x80, s29, s20, $0xb8;
	[tilespmem:$0x1E800] =	vst v63  }
0xbf: {  	_ =	swait.ge [sflag:s18], $0x4000  }
0xc0: {  	[sflag:s18] =	ssyncset.done $0x0  }
0xc1: {  	[sflag:s18] =	ssyncadd.s32 $0xFFFFC000  }
0xc2: {  	[tilespmem:s21], [sflag:$0x2] =	stream.indirect.gather [hbm4b:s4+s20], $0x80, s23, s20, $0xb8;
	[tilespmem:$0x1E800] =	vst v63  }
0xc3: {  	_ =	swait.ge [sflag:s22], $0x4000  }
0xc4: {  	[sflag:s22] =	ssyncset.done $0x0  }
0xc5: {  	[sflag:s22] =	ssyncadd.s32 $0xFFFFC000  }
0xc6: {  	[spmem:s1] =	stream.indirect.scatter.add.f32 [tilespmem:s16], [sflag:$0x3], $0x80, s24, s20, $0xb8;
	[tilespmem:$0x1E800] =	vst v63  }
0xc7: {  	_ =	swait.ge [sflag:s18], $0x4000  }
0xc8: {  	[sflag:s18] =	ssyncset.done $0x0  }
0xc9: {  	[sflag:s18] =	ssyncadd.s32 $0xFFFFC000  }
0xca: {  	_ =	swait.ge [sflag:s17], $0x4000  }
0xcb: {  	[sflag:s17] =	ssyncset.done $0x0  }
0xcc: {  	[sflag:s17] =	ssyncadd.s32 $0xFFFFC000  }
0xcd: {  	[spmem:s1] =	stream.indirect.scatter.add.f32 [tilespmem:s21], [sflag:$0x3], $0x80, s25, s20, $0xb8;
	[tilespmem:$0x1E800] =	vst v63  }
0xce: {  	_ =	swait.ge [sflag:s18], $0x4000  }
0xcf: {  	s3 =	sadd.s32 $0x1, s3;
	s30 =	sshll.u32 s2, $0x6;
	[sflag:s18] =	ssyncset.done $0x0  }
0xd0: {  	p0 =	sne.s32 s3, s15;
	s26 =	sor.u32 $0x1C03, s30;
	[sflag:s18] =	ssyncadd.s32 $0xFFFFC000  }
.Ltmp3:
0xd1: {  	s31 =	sshrl.u32 s5, $0x3;
	[bflag:$0x0] =	sbarrier.arrive $0xFFFF;
	(pc) =	sbr.rel @p0 .LBB2_1-.Ltmp3, $4  }
0xd2: {  	[hbm:s14], [sflag:s26] =	dma.local [spmem:s31], $0x2800  }
0xd3: {  	_ =	swait.ge [sflag:s18], $0x2800  }
0xd4: {  	[sflag:s18] =	ssyncset.done $0x0  }
0xd5: {  	[sflag:s18] =	ssyncadd.s32 $0xFFFFD800  }
0xd6: {  	_ =	sfence.sel $0x180000  }
0xd7: {  	[bflag:$0x0] =	sbarrier.arrive $0xFFFF  }
0xd8: {  	p0 =	sne.s32 s2, $0x0;
	_ =	strace $0x90000053  }
0xd9: {  	s0 =	sadd.s32 @!p0 $0x100000, s0;
	[bflag:$0x2] =	sbarrier.arrive $0xFFFF  }
0xda: {  	[sflag:s0] =	ssyncadd.tile.s32 @!p0 $0x1;
	_ =	shalt  }
.Lfunc_end2:
_tile_overlayer_lowered:
.L_overlay_start_2:
0xdb: {  	(tag) =	ssettag $0x2  }
0xdc: {  	s0 =	rddreg [dreg:$0x0];
	s2 =	stileid.u32  }
0xdd: {  	s1 =	rddreg [dreg:$0x1];
	p0 =	sne.s32 s2, $0x0  }
0xde: {  	s3 =	rddreg [dreg:$0x2];
	[bflag:$0x3] =	sbarrier.arrive $0xFFFF;
	s2 =	simm.s32 @!p0 $0x1C03  }
0xdf: {  	[timem:s3], [sflag:s2] =	dma.local @!p0 [hbm:s0], s1  }
0xe0: {  	s0 =	simm.s32 @!p0 $0x3  }
0xe1: {  	_ =	swait.ge @!p0 [sflag:s0], s1  }
0xe2: {  	s1 =	ssub.s32 @!p0 $0x0, s1;
	[sflag:s0] =	ssyncset.done @!p0 $0x0  }
0xe3: {  	[sflag:s0] =	ssyncadd.s32 @!p0 s1  }
0xe4: {  	[bflag:$0x3] =	sbarrier.arrive $0xFFFF  }
0xe5: {  	_ =	shalt  }

</sc_bundles>
